<compile_context>
chip_gen: v7x
topology: tpu7x:2x2x1
jax: 0.10.2.dev20260603
libtpu: 0.0.44.dev20260713+nightly
codegen_flags: <defaults>
</compile_context>

<pallas_src>
import functools

import jax
import jax.numpy as jnp
from jax import lax
from jax.experimental import pallas as pl
from jax.experimental.pallas import tpu as pltpu
from jax.experimental.pallas import tpu_sc as plsc

BATCH = 16384
SEQ_LEN = 200
EMBED_DIM = 64

_info = plsc.get_sparse_core_info()
_NC = _info.num_cores
_NS = _info.num_subcores
_NW = _NC * _NS
_NBLK = 128
_BLOCKS_PW = BATCH // (_NW * _NBLK)
_L = 16
_SG = 2
_NU = SEQ_LEN // _SG

_mesh = plsc.VectorSubcoreMesh(core_axis_name="c", subcore_axis_name="s")


@functools.partial(
    pl.kernel,
    mesh=_mesh,
    out_type=jax.ShapeDtypeStruct(
        (SEQ_LEN, EMBED_DIM // 8, BATCH // _NBLK, 8, _NBLK), jnp.float32),
    scratch_types=[
        pltpu.VMEM((_NBLK, SEQ_LEN), jnp.int32),
        pltpu.VMEM((SEQ_LEN * _NBLK,), jnp.int32),
        pltpu.VMEM((_SG * _NBLK, EMBED_DIM), jnp.float32),
        pltpu.VMEM((_SG * _NBLK, EMBED_DIM), jnp.float32),
        pltpu.VMEM((_SG, EMBED_DIM // 8, 1, 8, _NBLK + 1), jnp.float32),
        pltpu.VMEM((_SG, EMBED_DIM // 8, 1, 8, _NBLK + 1), jnp.float32),
        pltpu.SemaphoreType.DMA,
        pltpu.SemaphoreType.DMA,
        pltpu.SemaphoreType.DMA,
        pltpu.SemaphoreType.DMA,
        pltpu.SemaphoreType.DMA,
    ],
    compiler_params=pltpu.CompilerParams(
        use_tc_tiling_on_sc=False, needs_layout_passes=False),
)
def _gather_kernel(ids_hbm, table_hbm, y_hbm, idsblk, sidx, rows0, rows1,
                   slab0, slab1, s_ids, s_gat0, s_gat1, s_out0, s_out1):
    wid = lax.axis_index("s") * _NC + lax.axis_index("c")

    rows = (rows0, rows1)
    slab = (slab0, slab1)
    s_gat = (s_gat0, s_gat1)
    s_out = (s_out0, s_out1)

    lane = jax.lax.iota(jnp.int32, _L)
    row_idx = [lane + (_L * j) for j in range(_NBLK // _L)]
    si_vec = [jnp.full((_L,), si, jnp.int32) for si in range(_SG)]
    zero16 = jnp.full((_L,), 0, jnp.int32)
    et_idx = [(lane // 8) + 2 * g for g in range(EMBED_DIM // _L)]
    ei_idx = lane % 8

    def ids_src(k):
        return ids_hbm.at[pl.ds((wid * _BLOCKS_PW + k) * _NBLK, _NBLK), :]

    def block(k, carry):
        b0 = (wid * _BLOCKS_PW + k) * _NBLK

        pltpu.make_async_copy(ids_src(k), idsblk, s_ids).wait()

        @plsc.parallel_loop(0, SEQ_LEN, unroll=4)
        def tr_ids(s):
            col = jnp.full((_L,), 0, jnp.int32) + s
            for j in range(_NBLK // _L):
                sidx[pl.ds(s * _NBLK + _L * j, _L)] = plsc.load_gather(
                    idsblk, [row_idx[j], col])

        @pl.when(k < _BLOCKS_PW - 1)
        def _prefetch_next_ids():
            pltpu.async_copy(ids_src(k + 1), idsblk, s_ids)

        def gat_start(u, p):
            pltpu.async_copy(
                table_hbm.at[sidx.at[pl.ds(_SG * _NBLK * u, _SG * _NBLK)]],
                rows[p], s_gat[p])

        def gat_wait(u, p):
            pltpu.make_async_copy(
                table_hbm.at[sidx.at[pl.ds(_SG * _NBLK * u, _SG * _NBLK)]],
                rows[p], s_gat[p]).wait()

        bt = wid * _BLOCKS_PW + k
        def y_at(u):
            return y_hbm.at[pl.ds(_SG * u, _SG), :, pl.ds(bt, 1), :, :]

        def transpose(p):
            @plsc.parallel_loop(0, _NBLK, unroll=8)
            def tr_b(b):
                for si in range(_SG):
                    sib = jnp.full((_L,), 0, jnp.int32) + b
                    for g in range(EMBED_DIM // _L):
                        v = rows[p][si * _NBLK + b, pl.ds(_L * g, _L)]
                        plsc.store_scatter(
                            slab[p],
                            [si_vec[si], et_idx[g], zero16, ei_idx, sib], v)

        def half(u, p, *, first=False, last=False):
            gat_wait(u, p)
            if not last:
                gat_start(u + 1, 1 - p)
            if not first:
                pltpu.make_async_copy(
                    slab[p].at[:, :, :, :, pl.ds(0, _NBLK)], y_at(u - 2),
                    s_out[p]).wait()
            transpose(p)
            pltpu.async_copy(
                slab[p].at[:, :, :, :, pl.ds(0, _NBLK)], y_at(u), s_out[p])

        def upair(g, c):
            half(2 * g, 0)
            half(2 * g + 1, 1)
            return c

        gat_start(0, 0)
        half(0, 0, first=True)
        half(1, 1, first=True)
        lax.fori_loop(1, _NU // 2 - 1, upair, 0)
        half(_NU - 2, 0)
        half(_NU - 1, 1, last=True)
        pltpu.make_async_copy(
            slab[0].at[:, :, :, :, pl.ds(0, _NBLK)], y_at(_NU - 2), s_out[0]).wait()
        pltpu.make_async_copy(
            slab[1].at[:, :, :, :, pl.ds(0, _NBLK)], y_at(_NU - 1), s_out[1]).wait()
        return carry

    pltpu.async_copy(ids_src(0), idsblk, s_ids)
    lax.fori_loop(0, _BLOCKS_PW, block, 0)


def kernel(intent_ids, table):
    y = _gather_kernel(intent_ids.astype(jnp.int32), table)
    return jnp.transpose(y, (2, 4, 0, 1, 3)).reshape(BATCH, SEQ_LEN, EMBED_DIM)

# --- scband reference (transcript-rebuilt; emitter-appended) ---
"""Pipeline reference for scband-intent-encoder-8572754722885 (READ-ONLY COPY).

The authoritative reference and input builder live on the scoring server;
editing this copy changes nothing except your own understanding.
"""

import jax, jax.numpy as jnp
import numpy as np

NUM_INTENTS = 100000
EMBED_DIM = 64
BATCH = 16384
SEQ_LEN = 200

def setup_inputs(seed: int = 0) -> dict:
    key = jax.random.key(seed)
    k1, k2 = jax.random.split(key)
    intent_ids = jax.random.randint(k1, (BATCH, SEQ_LEN), 0, NUM_INTENTS, dtype=jnp.int64 if jax.config.jax_enable_x64 else jnp.int32)
    table = jax.random.normal(k2, (NUM_INTENTS, EMBED_DIM), dtype=jnp.float32)
    return {"intent_ids": intent_ids, "table": table}

def reference(intent_ids, table):
    # nn.Embedding forward: row gather from embedding table
    return jnp.take(table, intent_ids, axis=0)

if __name__ == "__main__":
    import jax
    _d = setup_inputs()
    print(jax.jit(kernel)(*tuple(_d.values())))

</pallas_src>

<mosaic_0001>
#map = affine_map<(d0, d1) -> (0, 0)>
#map1 = affine_map<(d0, d1) -> (0, 0, 0, 0, 0)>
module attributes {stable_mosaic.version = 14 : i64} {
  func.func @_gather_kernel(%arg0: i32, %arg1: i32, %arg2: memref<16384x200xi32, #tpu.memory_space<hbm>>, %arg3: memref<100000x64xf32, #tpu.memory_space<hbm>>, %arg4: memref<200x8x128x8x128xf32, #tpu.memory_space<hbm>>, %arg5: memref<128x200xi32, #tpu.memory_space<vmem>>, %arg6: memref<25600xi32, #tpu.memory_space<vmem>>, %arg7: memref<256x64xf32, #tpu.memory_space<vmem>>, %arg8: memref<256x64xf32, #tpu.memory_space<vmem>>, %arg9: memref<2x8x1x8x129xf32, #tpu.memory_space<vmem>>, %arg10: memref<2x8x1x8x129xf32, #tpu.memory_space<vmem>>, %arg11: memref<!tpu.dma_semaphore, #tpu.memory_space<semaphore_mem>>, %arg12: memref<!tpu.dma_semaphore, #tpu.memory_space<semaphore_mem>>, %arg13: memref<!tpu.dma_semaphore, #tpu.memory_space<semaphore_mem>>, %arg14: memref<!tpu.dma_semaphore, #tpu.memory_space<semaphore_mem>>, %arg15: memref<!tpu.dma_semaphore, #tpu.memory_space<semaphore_mem>>) attributes {dimension_semantics = [#tpu.dimension_semantics<core_parallel>, #tpu.dimension_semantics<subcore_parallel>], iteration_bounds = array<i64: 2, 16>, scalar_prefetch = 0 : i64, scratch_operands = 11 : i64, tpu.core_type = #tpu.core_type<sc_vector_subcore>, window_params = [{transform_indices = #map}, {transform_indices = #map}, {transform_indices = #map1}]} {
    %mul3A = arith.constant 2 : i32
    %mul3A_0 = arith.muli %arg1, %mul3A : i32
    %add3A = arith.addi %mul3A_0, %arg0 : i32
    %iota3A = tpu.iota {dimensions = array<i32: 0>} : vector<16xi32>
    %add3A_1 = arith.constant 0 : i32
    %add3A_2 = vector.broadcast %add3A_1 : i32 to vector<16xi32>
    %add3A_3 = arith.addi %iota3A, %add3A_2 : vector<16xi32>
    %add3A_4 = arith.constant 16 : i32
    %add3A_5 = vector.broadcast %add3A_4 : i32 to vector<16xi32>
    %add3A_6 = arith.addi %iota3A, %add3A_5 : vector<16xi32>
    %add3A_7 = arith.constant 32 : i32
    %add3A_8 = vector.broadcast %add3A_7 : i32 to vector<16xi32>
    %add3A_9 = arith.addi %iota3A, %add3A_8 : vector<16xi32>
    %add3A_10 = arith.constant 48 : i32
    %add3A_11 = vector.broadcast %add3A_10 : i32 to vector<16xi32>
    %add3A_12 = arith.addi %iota3A, %add3A_11 : vector<16xi32>
    %add3A_13 = arith.constant 64 : i32
    %add3A_14 = vector.broadcast %add3A_13 : i32 to vector<16xi32>
    %add3A_15 = arith.addi %iota3A, %add3A_14 : vector<16xi32>
    %add3A_16 = arith.constant 80 : i32
    %add3A_17 = vector.broadcast %add3A_16 : i32 to vector<16xi32>
    %add3A_18 = arith.addi %iota3A, %add3A_17 : vector<16xi32>
    %add3A_19 = arith.constant 96 : i32
    %add3A_20 = vector.broadcast %add3A_19 : i32 to vector<16xi32>
    %add3A_21 = arith.addi %iota3A, %add3A_20 : vector<16xi32>
    %add3A_22 = arith.constant 112 : i32
    %add3A_23 = vector.broadcast %add3A_22 : i32 to vector<16xi32>
    %add3A_24 = arith.addi %iota3A, %add3A_23 : vector<16xi32>
    %broadcast_in_dim3A = arith.constant 0 : i32
    %broadcast_in_dim3A_25 = vector.broadcast %broadcast_in_dim3A : i32 to vector<16xi32>
    %broadcast_in_dim3A_26 = arith.constant 1 : i32
    %broadcast_in_dim3A_27 = vector.broadcast %broadcast_in_dim3A_26 : i32 to vector<16xi32>
    %broadcast_in_dim3A_28 = arith.constant 0 : i32
    %broadcast_in_dim3A_29 = vector.broadcast %broadcast_in_dim3A_28 : i32 to vector<16xi32>
    %jit3A = arith.constant 8 : i32
    %div3A = vector.broadcast %jit3A : i32 to vector<16xi32>
    %div3A_30 = arith.divsi %iota3A, %div3A : vector<16xi32>
    %sign3A = arith.constant 0 : i32
    %sign3A_31 = vector.broadcast %sign3A : i32 to vector<16xi32>
    %sign3A_32 = arith.cmpi sgt, %iota3A, %sign3A_31 : vector<16xi32>
    %sign3A_33 = arith.extui %sign3A_32 : vector<16xi1> to vector<16xi32>
    %sign3A_34 = arith.constant 0 : i32
    %sign3A_35 = vector.broadcast %sign3A_34 : i32 to vector<16xi32>
    %sign3A_36 = arith.cmpi slt, %iota3A, %sign3A_35 : vector<16xi32>
    %sign3A_37 = arith.extui %sign3A_36 : vector<16xi1> to vector<16xi32>
    %sign3A_38 = arith.subi %sign3A_33, %sign3A_37 : vector<16xi32>
    %sign3A_39 = arith.constant 0 : i32
    %sign3A_40 = arith.cmpi sgt, %jit3A, %sign3A_39 : i32
    %sign3A_41 = arith.extui %sign3A_40 : i1 to i32
    %sign3A_42 = arith.constant 0 : i32
    %sign3A_43 = arith.cmpi slt, %jit3A, %sign3A_42 : i32
    %sign3A_44 = arith.extui %sign3A_43 : i1 to i32
    %sign3A_45 = arith.subi %sign3A_41, %sign3A_44 : i32
    %ne3A = vector.broadcast %sign3A_45 : i32 to vector<16xi32>
    %ne3A_46 = arith.cmpi ne, %sign3A_38, %ne3A : vector<16xi32>
    %rem3A = vector.broadcast %jit3A : i32 to vector<16xi32>
    %rem3A_47 = arith.remsi %iota3A, %rem3A : vector<16xi32>
    %ne3A_48 = arith.constant 0 : i32
    %ne3A_49 = vector.broadcast %ne3A_48 : i32 to vector<16xi32>
    %ne3A_50 = arith.cmpi ne, %rem3A_47, %ne3A_49 : vector<16xi32>
    %and3A = arith.andi %ne3A_46, %ne3A_50 : vector<16xi1>
    %sub3A = arith.constant 1 : i32
    %sub3A_51 = vector.broadcast %sub3A : i32 to vector<16xi32>
    %sub3A_52 = arith.subi %div3A_30, %sub3A_51 : vector<16xi32>
    %select_n3A = arith.select %and3A, %sub3A_52, %div3A_30 : vector<16xi1>, vector<16xi32>
    %add3A_53 = arith.constant 0 : i32
    %add3A_54 = vector.broadcast %add3A_53 : i32 to vector<16xi32>
    %add3A_55 = arith.addi %select_n3A, %add3A_54 : vector<16xi32>
    %jit3A_56 = arith.constant 8 : i32
    %div3A_57 = vector.broadcast %jit3A_56 : i32 to vector<16xi32>
    %div3A_58 = arith.divsi %iota3A, %div3A_57 : vector<16xi32>
    %sign3A_59 = arith.constant 0 : i32
    %sign3A_60 = vector.broadcast %sign3A_59 : i32 to vector<16xi32>
    %sign3A_61 = arith.cmpi sgt, %iota3A, %sign3A_60 : vector<16xi32>
    %sign3A_62 = arith.extui %sign3A_61 : vector<16xi1> to vector<16xi32>
    %sign3A_63 = arith.constant 0 : i32
    %sign3A_64 = vector.broadcast %sign3A_63 : i32 to vector<16xi32>
    %sign3A_65 = arith.cmpi slt, %iota3A, %sign3A_64 : vector<16xi32>
    %sign3A_66 = arith.extui %sign3A_65 : vector<16xi1> to vector<16xi32>
    %sign3A_67 = arith.subi %sign3A_62, %sign3A_66 : vector<16xi32>
    %sign3A_68 = arith.constant 0 : i32
    %sign3A_69 = arith.cmpi sgt, %jit3A_56, %sign3A_68 : i32
    %sign3A_70 = arith.extui %sign3A_69 : i1 to i32
    %sign3A_71 = arith.constant 0 : i32
    %sign3A_72 = arith.cmpi slt, %jit3A_56, %sign3A_71 : i32
    %sign3A_73 = arith.extui %sign3A_72 : i1 to i32
    %sign3A_74 = arith.subi %sign3A_70, %sign3A_73 : i32
    %ne3A_75 = vector.broadcast %sign3A_74 : i32 to vector<16xi32>
    %ne3A_76 = arith.cmpi ne, %sign3A_67, %ne3A_75 : vector<16xi32>
    %rem3A_77 = vector.broadcast %jit3A_56 : i32 to vector<16xi32>
    %rem3A_78 = arith.remsi %iota3A, %rem3A_77 : vector<16xi32>
    %ne3A_79 = arith.constant 0 : i32
    %ne3A_80 = vector.broadcast %ne3A_79 : i32 to vector<16xi32>
    %ne3A_81 = arith.cmpi ne, %rem3A_78, %ne3A_80 : vector<16xi32>
    %and3A_82 = arith.andi %ne3A_76, %ne3A_81 : vector<16xi1>
    %sub3A_83 = arith.constant 1 : i32
    %sub3A_84 = vector.broadcast %sub3A_83 : i32 to vector<16xi32>
    %sub3A_85 = arith.subi %div3A_58, %sub3A_84 : vector<16xi32>
    %select_n3A_86 = arith.select %and3A_82, %sub3A_85, %div3A_58 : vector<16xi1>, vector<16xi32>
    %add3A_87 = arith.constant 2 : i32
    %add3A_88 = vector.broadcast %add3A_87 : i32 to vector<16xi32>
    %add3A_89 = arith.addi %select_n3A_86, %add3A_88 : vector<16xi32>
    %jit3A_90 = arith.constant 8 : i32
    %div3A_91 = vector.broadcast %jit3A_90 : i32 to vector<16xi32>
    %div3A_92 = arith.divsi %iota3A, %div3A_91 : vector<16xi32>
    %sign3A_93 = arith.constant 0 : i32
    %sign3A_94 = vector.broadcast %sign3A_93 : i32 to vector<16xi32>
    %sign3A_95 = arith.cmpi sgt, %iota3A, %sign3A_94 : vector<16xi32>
    %sign3A_96 = arith.extui %sign3A_95 : vector<16xi1> to vector<16xi32>
    %sign3A_97 = arith.constant 0 : i32
    %sign3A_98 = vector.broadcast %sign3A_97 : i32 to vector<16xi32>
    %sign3A_99 = arith.cmpi slt, %iota3A, %sign3A_98 : vector<16xi32>
    %sign3A_100 = arith.extui %sign3A_99 : vector<16xi1> to vector<16xi32>
    %sign3A_101 = arith.subi %sign3A_96, %sign3A_100 : vector<16xi32>
    %sign3A_102 = arith.constant 0 : i32
    %sign3A_103 = arith.cmpi sgt, %jit3A_90, %sign3A_102 : i32
    %sign3A_104 = arith.extui %sign3A_103 : i1 to i32
    %sign3A_105 = arith.constant 0 : i32
    %sign3A_106 = arith.cmpi slt, %jit3A_90, %sign3A_105 : i32
    %sign3A_107 = arith.extui %sign3A_106 : i1 to i32
    %sign3A_108 = arith.subi %sign3A_104, %sign3A_107 : i32
    %ne3A_109 = vector.broadcast %sign3A_108 : i32 to vector<16xi32>
    %ne3A_110 = arith.cmpi ne, %sign3A_101, %ne3A_109 : vector<16xi32>
    %rem3A_111 = vector.broadcast %jit3A_90 : i32 to vector<16xi32>
    %rem3A_112 = arith.remsi %iota3A, %rem3A_111 : vector<16xi32>
    %ne3A_113 = arith.constant 0 : i32
    %ne3A_114 = vector.broadcast %ne3A_113 : i32 to vector<16xi32>
    %ne3A_115 = arith.cmpi ne, %rem3A_112, %ne3A_114 : vector<16xi32>
    %and3A_116 = arith.andi %ne3A_110, %ne3A_115 : vector<16xi1>
    %sub3A_117 = arith.constant 1 : i32
    %sub3A_118 = vector.broadcast %sub3A_117 : i32 to vector<16xi32>
    %sub3A_119 = arith.subi %div3A_92, %sub3A_118 : vector<16xi32>
    %select_n3A_120 = arith.select %and3A_116, %sub3A_119, %div3A_92 : vector<16xi1>, vector<16xi32>
    %add3A_121 = arith.constant 4 : i32
    %add3A_122 = vector.broadcast %add3A_121 : i32 to vector<16xi32>
    %add3A_123 = arith.addi %select_n3A_120, %add3A_122 : vector<16xi32>
    %jit3A_124 = arith.constant 8 : i32
    %div3A_125 = vector.broadcast %jit3A_124 : i32 to vector<16xi32>
    %div3A_126 = arith.divsi %iota3A, %div3A_125 : vector<16xi32>
    %sign3A_127 = arith.constant 0 : i32
    %sign3A_128 = vector.broadcast %sign3A_127 : i32 to vector<16xi32>
    %sign3A_129 = arith.cmpi sgt, %iota3A, %sign3A_128 : vector<16xi32>
    %sign3A_130 = arith.extui %sign3A_129 : vector<16xi1> to vector<16xi32>
    %sign3A_131 = arith.constant 0 : i32
    %sign3A_132 = vector.broadcast %sign3A_131 : i32 to vector<16xi32>
    %sign3A_133 = arith.cmpi slt, %iota3A, %sign3A_132 : vector<16xi32>
    %sign3A_134 = arith.extui %sign3A_133 : vector<16xi1> to vector<16xi32>
    %sign3A_135 = arith.subi %sign3A_130, %sign3A_134 : vector<16xi32>
    %sign3A_136 = arith.constant 0 : i32
    %sign3A_137 = arith.cmpi sgt, %jit3A_124, %sign3A_136 : i32
    %sign3A_138 = arith.extui %sign3A_137 : i1 to i32
    %sign3A_139 = arith.constant 0 : i32
    %sign3A_140 = arith.cmpi slt, %jit3A_124, %sign3A_139 : i32
    %sign3A_141 = arith.extui %sign3A_140 : i1 to i32
    %sign3A_142 = arith.subi %sign3A_138, %sign3A_141 : i32
    %ne3A_143 = vector.broadcast %sign3A_142 : i32 to vector<16xi32>
    %ne3A_144 = arith.cmpi ne, %sign3A_135, %ne3A_143 : vector<16xi32>
    %rem3A_145 = vector.broadcast %jit3A_124 : i32 to vector<16xi32>
    %rem3A_146 = arith.remsi %iota3A, %rem3A_145 : vector<16xi32>
    %ne3A_147 = arith.constant 0 : i32
    %ne3A_148 = vector.broadcast %ne3A_147 : i32 to vector<16xi32>
    %ne3A_149 = arith.cmpi ne, %rem3A_146, %ne3A_148 : vector<16xi32>
    %and3A_150 = arith.andi %ne3A_144, %ne3A_149 : vector<16xi1>
    %sub3A_151 = arith.constant 1 : i32
    %sub3A_152 = vector.broadcast %sub3A_151 : i32 to vector<16xi32>
    %sub3A_153 = arith.subi %div3A_126, %sub3A_152 : vector<16xi32>
    %select_n3A_154 = arith.select %and3A_150, %sub3A_153, %div3A_126 : vector<16xi1>, vector<16xi32>
    %add3A_155 = arith.constant 6 : i32
    %add3A_156 = vector.broadcast %add3A_155 : i32 to vector<16xi32>
    %add3A_157 = arith.addi %select_n3A_154, %add3A_156 : vector<16xi32>
    %jit3A_158 = arith.constant 8 : i32
    %eq3A = arith.constant 0 : i32
    %eq3A_159 = arith.cmpi eq, %jit3A_158, %eq3A : i32
    %jit3A_160 = arith.constant 1 : i32
    %select_n3A_161 = arith.select %eq3A_159, %jit3A_160, %jit3A_158 : i32
    %rem3A_162 = vector.broadcast %select_n3A_161 : i32 to vector<16xi32>
    %rem3A_163 = arith.remsi %iota3A, %rem3A_162 : vector<16xi32>
    %ne3A_164 = arith.constant 0 : i32
    %ne3A_165 = vector.broadcast %ne3A_164 : i32 to vector<16xi32>
    %ne3A_166 = arith.cmpi ne, %rem3A_163, %ne3A_165 : vector<16xi32>
    %lt3A = arith.constant 0 : i32
    %lt3A_167 = vector.broadcast %lt3A : i32 to vector<16xi32>
    %lt3A_168 = arith.cmpi slt, %rem3A_163, %lt3A_167 : vector<16xi32>
    %lt3A_169 = arith.constant 0 : i32
    %lt3A_170 = arith.cmpi slt, %select_n3A_161, %lt3A_169 : i32
    %ne3A_171 = vector.broadcast %lt3A_170 : i1 to vector<16xi1>
    %ne3A_172 = vector.broadcast %ne3A_171 : vector<16xi1> to vector<16xi1>
    %ne3A_173 = arith.xori %lt3A_168, %ne3A_172 : vector<16xi1>
    %and3A_174 = arith.andi %ne3A_173, %ne3A_166 : vector<16xi1>
    %add3A_175 = vector.broadcast %select_n3A_161 : i32 to vector<16xi32>
    %add3A_176 = arith.addi %rem3A_163, %add3A_175 : vector<16xi32>
    %select_n3A_177 = arith.select %and3A_174, %add3A_176, %rem3A_163 : vector<16xi1>, vector<16xi32>
    %mul3A_178 = arith.constant 4 : i32
    %mul3A_179 = arith.muli %add3A, %mul3A_178 : i32
    %add3A_180 = arith.constant 0 : i32
    %add3A_181 = arith.addi %mul3A_179, %add3A_180 : i32
    %mul3A_182 = arith.constant 128 : i32
    %mul3A_183 = arith.muli %add3A_181, %mul3A_182 : i32
    %dma_start3A = arith.constant 0 : i32
    %dma_start3A_184 = tpu.memref_slice %arg2[%mul3A_183, %dma_start3A] : memref<16384x200xi32, #tpu.memory_space<hbm>> -> memref<128x200xi32, #tpu.memory_space<hbm>>
    %dma_start3A_185 = arith.constant 0 : i32
    %dma_start3A_186 = tpu.memref_slice %arg2[%mul3A_183, %dma_start3A_185] : memref<16384x200xi32, #tpu.memory_space<hbm>> -> memref<128x200xi32, #tpu.memory_space<hbm>>
    tpu.enqueue_dma source(%dma_start3A_186 : memref<128x200xi32, #tpu.memory_space<hbm>>) target(%arg5 : memref<128x200xi32, #tpu.memory_space<vmem>>) target_semaphore(%arg11 : memref<!tpu.dma_semaphore, #tpu.memory_space<semaphore_mem>>)
    %scan3A = arith.constant 0 : i32
    %scan3A_187 = arith.constant 0 : i32
    %scan3A_188 = arith.constant 4 : i32
    %scan3A_189 = arith.addi %scan3A_187, %scan3A_188 : i32
    %scan3A_190 = arith.constant 1 : i32
    scf.for %scan3A_192 = %scan3A_187 to %scan3A_189 step %scan3A_190  : i32 {
      %mul3A_193 = arith.constant 4 : i32
      %mul3A_194 = arith.muli %add3A, %mul3A_193 : i32
      %add3A_195 = arith.addi %mul3A_194, %scan3A_192 : i32
      %mul3A_196 = arith.constant 128 : i32
      %mul3A_197 = arith.muli %add3A_195, %mul3A_196 : i32
      %mul3A_198 = arith.constant 4 : i32
      %mul3A_199 = arith.muli %add3A, %mul3A_198 : i32
      %add3A_200 = arith.addi %mul3A_199, %scan3A_192 : i32
      %mul3A_201 = arith.constant 128 : i32
      %mul3A_202 = arith.muli %add3A_200, %mul3A_201 : i32
      %dma_wait3A = arith.constant 0 : i32
      %dma_wait3A_203 = tpu.memref_slice %arg2[%mul3A_202, %dma_wait3A] : memref<16384x200xi32, #tpu.memory_space<hbm>> -> memref<128x200xi32, #tpu.memory_space<hbm>>
      %dma_wait3A_204 = arith.constant 0 : i32
      %dma_wait3A_205 = tpu.memref_slice %arg2[%mul3A_202, %dma_wait3A_204] : memref<16384x200xi32, #tpu.memory_space<hbm>> -> memref<128x200xi32, #tpu.memory_space<hbm>>
      tpu.wait_dma2 semaphore(%arg11 : memref<!tpu.dma_semaphore, #tpu.memory_space<semaphore_mem>>) src(%dma_wait3A_205 : memref<128x200xi32, #tpu.memory_space<hbm>>) dst(%arg5 : memref<128x200xi32, #tpu.memory_space<vmem>>)
      %parallel_loop3A = arith.constant 0 : i32
      %parallel_loop3A_206 = arith.constant 200 : i32
      %parallel_loop3A_207 = arith.constant 1 : i32
      scf.for %parallel_loop3A_448 = %parallel_loop3A to %parallel_loop3A_206 step %parallel_loop3A_207  : i32 {
        %parallel_loop3A_449 = arith.constant 0 : i32
        %parallel_loop3A_450 = vector.broadcast %parallel_loop3A_449 : i32 to vector<16xi32>
        %parallel_loop3A_451 = vector.broadcast %parallel_loop3A_448 : i32 to vector<16xi32>
        %parallel_loop3A_452 = arith.addi %parallel_loop3A_450, %parallel_loop3A_451 : vector<16xi32>
        %parallel_loop3A_453 = tpu.vector_load_idx %arg5[%add3A_3, %parallel_loop3A_452] : memref<128x200xi32, #tpu.memory_space<vmem>>[vector<16xi32>, vector<16xi32>], vector<16xi32>,
        %parallel_loop3A_454 = arith.constant 128 : i32
        %parallel_loop3A_455 = arith.muli %parallel_loop3A_448, %parallel_loop3A_454 : i32
        %parallel_loop3A_456 = arith.constant 0 : i32
        %parallel_loop3A_457 = arith.addi %parallel_loop3A_455, %parallel_loop3A_456 : i32
        %parallel_loop3A_458 = arith.index_cast %parallel_loop3A_457 : i32 to index
        %parallel_loop3A_459 = tpu.vector_load %arg6[%parallel_loop3A_458] {strides = array<i32>} : memref<25600xi32, #tpu.memory_space<vmem>>, vector<16xi32>,
        tpu.vector_store %arg6[%parallel_loop3A_458], %parallel_loop3A_453 {strides = array<i32>} : memref<25600xi32, #tpu.memory_space<vmem>>, vector<16xi32>,
        %parallel_loop3A_460 = tpu.vector_load_idx %arg5[%add3A_6, %parallel_loop3A_452] : memref<128x200xi32, #tpu.memory_space<vmem>>[vector<16xi32>, vector<16xi32>], vector<16xi32>,
        %parallel_loop3A_461 = arith.constant 128 : i32
        %parallel_loop3A_462 = arith.muli %parallel_loop3A_448, %parallel_loop3A_461 : i32
        %parallel_loop3A_463 = arith.constant 16 : i32
        %parallel_loop3A_464 = arith.addi %parallel_loop3A_462, %parallel_loop3A_463 : i32
        %parallel_loop3A_465 = arith.index_cast %parallel_loop3A_464 : i32 to index
        %parallel_loop3A_466 = tpu.vector_load %arg6[%parallel_loop3A_465] {strides = array<i32>} : memref<25600xi32, #tpu.memory_space<vmem>>, vector<16xi32>,
        tpu.vector_store %arg6[%parallel_loop3A_465], %parallel_loop3A_460 {strides = array<i32>} : memref<25600xi32, #tpu.memory_space<vmem>>, vector<16xi32>,
        %parallel_loop3A_467 = tpu.vector_load_idx %arg5[%add3A_9, %parallel_loop3A_452] : memref<128x200xi32, #tpu.memory_space<vmem>>[vector<16xi32>, vector<16xi32>], vector<16xi32>,
        %parallel_loop3A_468 = arith.constant 128 : i32
        %parallel_loop3A_469 = arith.muli %parallel_loop3A_448, %parallel_loop3A_468 : i32
        %parallel_loop3A_470 = arith.constant 32 : i32
        %parallel_loop3A_471 = arith.addi %parallel_loop3A_469, %parallel_loop3A_470 : i32
        %parallel_loop3A_472 = arith.index_cast %parallel_loop3A_471 : i32 to index
        %parallel_loop3A_473 = tpu.vector_load %arg6[%parallel_loop3A_472] {strides = array<i32>} : memref<25600xi32, #tpu.memory_space<vmem>>, vector<16xi32>,
        tpu.vector_store %arg6[%parallel_loop3A_472], %parallel_loop3A_467 {strides = array<i32>} : memref<25600xi32, #tpu.memory_space<vmem>>, vector<16xi32>,
        %parallel_loop3A_474 = tpu.vector_load_idx %arg5[%add3A_12, %parallel_loop3A_452] : memref<128x200xi32, #tpu.memory_space<vmem>>[vector<16xi32>, vector<16xi32>], vector<16xi32>,
        %parallel_loop3A_475 = arith.constant 128 : i32
        %parallel_loop3A_476 = arith.muli %parallel_loop3A_448, %parallel_loop3A_475 : i32
        %parallel_loop3A_477 = arith.constant 48 : i32
        %parallel_loop3A_478 = arith.addi %parallel_loop3A_476, %parallel_loop3A_477 : i32
        %parallel_loop3A_479 = arith.index_cast %parallel_loop3A_478 : i32 to index
        %parallel_loop3A_480 = tpu.vector_load %arg6[%parallel_loop3A_479] {strides = array<i32>} : memref<25600xi32, #tpu.memory_space<vmem>>, vector<16xi32>,
        tpu.vector_store %arg6[%parallel_loop3A_479], %parallel_loop3A_474 {strides = array<i32>} : memref<25600xi32, #tpu.memory_space<vmem>>, vector<16xi32>,
        %parallel_loop3A_481 = tpu.vector_load_idx %arg5[%add3A_15, %parallel_loop3A_452] : memref<128x200xi32, #tpu.memory_space<vmem>>[vector<16xi32>, vector<16xi32>], vector<16xi32>,
        %parallel_loop3A_482 = arith.constant 128 : i32
        %parallel_loop3A_483 = arith.muli %parallel_loop3A_448, %parallel_loop3A_482 : i32
        %parallel_loop3A_484 = arith.constant 64 : i32
        %parallel_loop3A_485 = arith.addi %parallel_loop3A_483, %parallel_loop3A_484 : i32
        %parallel_loop3A_486 = arith.index_cast %parallel_loop3A_485 : i32 to index
        %parallel_loop3A_487 = tpu.vector_load %arg6[%parallel_loop3A_486] {strides = array<i32>} : memref<25600xi32, #tpu.memory_space<vmem>>, vector<16xi32>,
        tpu.vector_store %arg6[%parallel_loop3A_486], %parallel_loop3A_481 {strides = array<i32>} : memref<25600xi32, #tpu.memory_space<vmem>>, vector<16xi32>,
        %parallel_loop3A_488 = tpu.vector_load_idx %arg5[%add3A_18, %parallel_loop3A_452] : memref<128x200xi32, #tpu.memory_space<vmem>>[vector<16xi32>, vector<16xi32>], vector<16xi32>,
        %parallel_loop3A_489 = arith.constant 128 : i32
        %parallel_loop3A_490 = arith.muli %parallel_loop3A_448, %parallel_loop3A_489 : i32
        %parallel_loop3A_491 = arith.constant 80 : i32
        %parallel_loop3A_492 = arith.addi %parallel_loop3A_490, %parallel_loop3A_491 : i32
        %parallel_loop3A_493 = arith.index_cast %parallel_loop3A_492 : i32 to index
        %parallel_loop3A_494 = tpu.vector_load %arg6[%parallel_loop3A_493] {strides = array<i32>} : memref<25600xi32, #tpu.memory_space<vmem>>, vector<16xi32>,
        tpu.vector_store %arg6[%parallel_loop3A_493], %parallel_loop3A_488 {strides = array<i32>} : memref<25600xi32, #tpu.memory_space<vmem>>, vector<16xi32>,
        %parallel_loop3A_495 = tpu.vector_load_idx %arg5[%add3A_21, %parallel_loop3A_452] : memref<128x200xi32, #tpu.memory_space<vmem>>[vector<16xi32>, vector<16xi32>], vector<16xi32>,
        %parallel_loop3A_496 = arith.constant 128 : i32
        %parallel_loop3A_497 = arith.muli %parallel_loop3A_448, %parallel_loop3A_496 : i32
        %parallel_loop3A_498 = arith.constant 96 : i32
        %parallel_loop3A_499 = arith.addi %parallel_loop3A_497, %parallel_loop3A_498 : i32
        %parallel_loop3A_500 = arith.index_cast %parallel_loop3A_499 : i32 to index
        %parallel_loop3A_501 = tpu.vector_load %arg6[%parallel_loop3A_500] {strides = array<i32>} : memref<25600xi32, #tpu.memory_space<vmem>>, vector<16xi32>,
        tpu.vector_store %arg6[%parallel_loop3A_500], %parallel_loop3A_495 {strides = array<i32>} : memref<25600xi32, #tpu.memory_space<vmem>>, vector<16xi32>,
        %parallel_loop3A_502 = tpu.vector_load_idx %arg5[%add3A_24, %parallel_loop3A_452] : memref<128x200xi32, #tpu.memory_space<vmem>>[vector<16xi32>, vector<16xi32>], vector<16xi32>,
        %parallel_loop3A_503 = arith.constant 128 : i32
        %parallel_loop3A_504 = arith.muli %parallel_loop3A_448, %parallel_loop3A_503 : i32
        %parallel_loop3A_505 = arith.constant 112 : i32
        %parallel_loop3A_506 = arith.addi %parallel_loop3A_504, %parallel_loop3A_505 : i32
        %parallel_loop3A_507 = arith.index_cast %parallel_loop3A_506 : i32 to index
        %parallel_loop3A_508 = tpu.vector_load %arg6[%parallel_loop3A_507] {strides = array<i32>} : memref<25600xi32, #tpu.memory_space<vmem>>, vector<16xi32>,
        tpu.vector_store %arg6[%parallel_loop3A_507], %parallel_loop3A_502 {strides = array<i32>} : memref<25600xi32, #tpu.memory_space<vmem>>, vector<16xi32>,
      } {sc.loop_unroll_factor = 4 : i64, sc.parallel_access}
      %lt3A_208 = arith.constant 3 : i32
      %lt3A_209 = arith.cmpi slt, %scan3A_192, %lt3A_208 : i32
      %convert_element_type3A = arith.extui %lt3A_209 : i1 to i32
      %cond3A = arith.constant 0 : i32
      %cond3A_210 = arith.cmpi ne, %convert_element_type3A, %cond3A : i32
      scf.if %cond3A_210 {
        %add3A_448 = arith.constant 1 : i32
        %add3A_449 = arith.addi %scan3A_192, %add3A_448 : i32
        %mul3A_450 = arith.constant 4 : i32
        %mul3A_451 = arith.muli %add3A, %mul3A_450 : i32
        %add3A_452 = arith.addi %mul3A_451, %add3A_449 : i32
        %mul3A_453 = arith.constant 128 : i32
        %mul3A_454 = arith.muli %add3A_452, %mul3A_453 : i32
        %dma_start3A_455 = arith.constant 0 : i32
        %dma_start3A_456 = tpu.memref_slice %arg2[%mul3A_454, %dma_start3A_455] : memref<16384x200xi32, #tpu.memory_space<hbm>> -> memref<128x200xi32, #tpu.memory_space<hbm>>
        %dma_start3A_457 = arith.constant 0 : i32
        %dma_start3A_458 = tpu.memref_slice %arg2[%mul3A_454, %dma_start3A_457] : memref<16384x200xi32, #tpu.memory_space<hbm>> -> memref<128x200xi32, #tpu.memory_space<hbm>>
        tpu.enqueue_dma source(%dma_start3A_458 : memref<128x200xi32, #tpu.memory_space<hbm>>) target(%arg5 : memref<128x200xi32, #tpu.memory_space<vmem>>) target_semaphore(%arg11 : memref<!tpu.dma_semaphore, #tpu.memory_space<semaphore_mem>>)
      } else {
      }
      %mul3A_211 = arith.constant 4 : i32
      %mul3A_212 = arith.muli %add3A, %mul3A_211 : i32
      %add3A_213 = arith.addi %mul3A_212, %scan3A_192 : i32
      %dma_start3A_214 = arith.constant 0 : i32
      %dma_start3A_215 = tpu.memref_slice %arg6[%dma_start3A_214] : memref<25600xi32, #tpu.memory_space<vmem>> -> memref<256xi32, #tpu.memory_space<vmem>>
      %dma_start3A_216 = arith.constant 0 : i32
      %dma_start3A_217 = arith.constant 0 : i32
      %dma_start3A_218 = tpu.memref_slice %arg3[%dma_start3A_216, %dma_start3A_217] : memref<100000x64xf32, #tpu.memory_space<hbm>> -> memref<100000x64xf32, #tpu.memory_space<hbm>>
      tpu.enqueue_indirect_dma source(%dma_start3A_218 : memref<100000x64xf32, #tpu.memory_space<hbm>>) target(%arg7 : memref<256x64xf32, #tpu.memory_space<vmem>>) offsets(%dma_start3A_215 : memref<256xi32, #tpu.memory_space<vmem>>) semaphore(%arg12 : memref<!tpu.dma_semaphore, #tpu.memory_space<semaphore_mem>>)
      %dma_wait3A_219 = arith.constant 0 : i32
      %dma_wait3A_220 = tpu.memref_slice %arg6[%dma_wait3A_219] : memref<25600xi32, #tpu.memory_space<vmem>> -> memref<256xi32, #tpu.memory_space<vmem>>
      %dma_wait3A_221 = arith.constant 0 : i32
      %dma_wait3A_222 = arith.constant 0 : i32
      %dma_wait3A_223 = tpu.memref_slice %arg3[%dma_wait3A_221, %dma_wait3A_222] : memref<100000x64xf32, #tpu.memory_space<hbm>> -> memref<100000x64xf32, #tpu.memory_space<hbm>>
      tpu.wait_indirect_dma semaphore(%arg12 : memref<!tpu.dma_semaphore, #tpu.memory_space<semaphore_mem>>) src(%dma_wait3A_223 : memref<100000x64xf32, #tpu.memory_space<hbm>>) dst(%arg7 : memref<256x64xf32, #tpu.memory_space<vmem>>)
      %dma_start3A_224 = arith.constant 256 : i32
      %dma_start3A_225 = tpu.memref_slice %arg6[%dma_start3A_224] : memref<25600xi32, #tpu.memory_space<vmem>> -> memref<256xi32, #tpu.memory_space<vmem>>
      %dma_start3A_226 = arith.constant 0 : i32
      %dma_start3A_227 = arith.constant 0 : i32
      %dma_start3A_228 = tpu.memref_slice %arg3[%dma_start3A_226, %dma_start3A_227] : memref<100000x64xf32, #tpu.memory_space<hbm>> -> memref<100000x64xf32, #tpu.memory_space<hbm>>
      tpu.enqueue_indirect_dma source(%dma_start3A_228 : memref<100000x64xf32, #tpu.memory_space<hbm>>) target(%arg8 : memref<256x64xf32, #tpu.memory_space<vmem>>) offsets(%dma_start3A_225 : memref<256xi32, #tpu.memory_space<vmem>>) semaphore(%arg13 : memref<!tpu.dma_semaphore, #tpu.memory_space<semaphore_mem>>)
      %parallel_loop3A_229 = arith.constant 0 : i32
      %parallel_loop3A_230 = arith.constant 128 : i32
      %parallel_loop3A_231 = arith.constant 1 : i32
      scf.for %parallel_loop3A_448 = %parallel_loop3A_229 to %parallel_loop3A_230 step %parallel_loop3A_231  : i32 {
        %parallel_loop3A_449 = arith.constant 0 : i32
        %parallel_loop3A_450 = vector.broadcast %parallel_loop3A_449 : i32 to vector<16xi32>
        %parallel_loop3A_451 = vector.broadcast %parallel_loop3A_448 : i32 to vector<16xi32>
        %parallel_loop3A_452 = arith.addi %parallel_loop3A_450, %parallel_loop3A_451 : vector<16xi32>
        %parallel_loop3A_453 = arith.constant 0 : i32
        %parallel_loop3A_454 = arith.addi %parallel_loop3A_453, %parallel_loop3A_448 : i32
        %parallel_loop3A_455 = arith.index_cast %parallel_loop3A_454 : i32 to index
        %parallel_loop3A_456 = arith.constant 0 : index
        %parallel_loop3A_457 = tpu.vector_load %arg7[%parallel_loop3A_455, %parallel_loop3A_456] {strides = array<i32>} : memref<256x64xf32, #tpu.memory_space<vmem>>, vector<16xf32>,
        tpu.vector_store_idx %arg9[%broadcast_in_dim3A_25, %add3A_55, %broadcast_in_dim3A_29, %select_n3A_177, %parallel_loop3A_452], %parallel_loop3A_457 : memref<2x8x1x8x129xf32, #tpu.memory_space<vmem>>[vector<16xi32>, vector<16xi32>, vector<16xi32>, vector<16xi32>, vector<16xi32>], vector<16xf32>,
        %parallel_loop3A_458 = arith.constant 0 : i32
        %parallel_loop3A_459 = arith.addi %parallel_loop3A_458, %parallel_loop3A_448 : i32
        %parallel_loop3A_460 = arith.index_cast %parallel_loop3A_459 : i32 to index
        %parallel_loop3A_461 = arith.constant 16 : index
        %parallel_loop3A_462 = tpu.vector_load %arg7[%parallel_loop3A_460, %parallel_loop3A_461] {strides = array<i32>} : memref<256x64xf32, #tpu.memory_space<vmem>>, vector<16xf32>,
        tpu.vector_store_idx %arg9[%broadcast_in_dim3A_25, %add3A_89, %broadcast_in_dim3A_29, %select_n3A_177, %parallel_loop3A_452], %parallel_loop3A_462 : memref<2x8x1x8x129xf32, #tpu.memory_space<vmem>>[vector<16xi32>, vector<16xi32>, vector<16xi32>, vector<16xi32>, vector<16xi32>], vector<16xf32>,
        %parallel_loop3A_463 = arith.constant 0 : i32
        %parallel_loop3A_464 = arith.addi %parallel_loop3A_463, %parallel_loop3A_448 : i32
        %parallel_loop3A_465 = arith.index_cast %parallel_loop3A_464 : i32 to index
        %parallel_loop3A_466 = arith.constant 32 : index
        %parallel_loop3A_467 = tpu.vector_load %arg7[%parallel_loop3A_465, %parallel_loop3A_466] {strides = array<i32>} : memref<256x64xf32, #tpu.memory_space<vmem>>, vector<16xf32>,
        tpu.vector_store_idx %arg9[%broadcast_in_dim3A_25, %add3A_123, %broadcast_in_dim3A_29, %select_n3A_177, %parallel_loop3A_452], %parallel_loop3A_467 : memref<2x8x1x8x129xf32, #tpu.memory_space<vmem>>[vector<16xi32>, vector<16xi32>, vector<16xi32>, vector<16xi32>, vector<16xi32>], vector<16xf32>,
        %parallel_loop3A_468 = arith.constant 0 : i32
        %parallel_loop3A_469 = arith.addi %parallel_loop3A_468, %parallel_loop3A_448 : i32
        %parallel_loop3A_470 = arith.index_cast %parallel_loop3A_469 : i32 to index
        %parallel_loop3A_471 = arith.constant 48 : index
        %parallel_loop3A_472 = tpu.vector_load %arg7[%parallel_loop3A_470, %parallel_loop3A_471] {strides = array<i32>} : memref<256x64xf32, #tpu.memory_space<vmem>>, vector<16xf32>,
        tpu.vector_store_idx %arg9[%broadcast_in_dim3A_25, %add3A_157, %broadcast_in_dim3A_29, %select_n3A_177, %parallel_loop3A_452], %parallel_loop3A_472 : memref<2x8x1x8x129xf32, #tpu.memory_space<vmem>>[vector<16xi32>, vector<16xi32>, vector<16xi32>, vector<16xi32>, vector<16xi32>], vector<16xf32>,
        %parallel_loop3A_473 = arith.constant 0 : i32
        %parallel_loop3A_474 = vector.broadcast %parallel_loop3A_473 : i32 to vector<16xi32>
        %parallel_loop3A_475 = vector.broadcast %parallel_loop3A_448 : i32 to vector<16xi32>
        %parallel_loop3A_476 = arith.addi %parallel_loop3A_474, %parallel_loop3A_475 : vector<16xi32>
        %parallel_loop3A_477 = arith.constant 128 : i32
        %parallel_loop3A_478 = arith.addi %parallel_loop3A_477, %parallel_loop3A_448 : i32
        %parallel_loop3A_479 = arith.index_cast %parallel_loop3A_478 : i32 to index
        %parallel_loop3A_480 = arith.constant 0 : index
        %parallel_loop3A_481 = tpu.vector_load %arg7[%parallel_loop3A_479, %parallel_loop3A_480] {strides = array<i32>} : memref<256x64xf32, #tpu.memory_space<vmem>>, vector<16xf32>,
        tpu.vector_store_idx %arg9[%broadcast_in_dim3A_27, %add3A_55, %broadcast_in_dim3A_29, %select_n3A_177, %parallel_loop3A_476], %parallel_loop3A_481 : memref<2x8x1x8x129xf32, #tpu.memory_space<vmem>>[vector<16xi32>, vector<16xi32>, vector<16xi32>, vector<16xi32>, vector<16xi32>], vector<16xf32>,
        %parallel_loop3A_482 = arith.constant 128 : i32
        %parallel_loop3A_483 = arith.addi %parallel_loop3A_482, %parallel_loop3A_448 : i32
        %parallel_loop3A_484 = arith.index_cast %parallel_loop3A_483 : i32 to index
        %parallel_loop3A_485 = arith.constant 16 : index
        %parallel_loop3A_486 = tpu.vector_load %arg7[%parallel_loop3A_484, %parallel_loop3A_485] {strides = array<i32>} : memref<256x64xf32, #tpu.memory_space<vmem>>, vector<16xf32>,
        tpu.vector_store_idx %arg9[%broadcast_in_dim3A_27, %add3A_89, %broadcast_in_dim3A_29, %select_n3A_177, %parallel_loop3A_476], %parallel_loop3A_486 : memref<2x8x1x8x129xf32, #tpu.memory_space<vmem>>[vector<16xi32>, vector<16xi32>, vector<16xi32>, vector<16xi32>, vector<16xi32>], vector<16xf32>,
        %parallel_loop3A_487 = arith.constant 128 : i32
        %parallel_loop3A_488 = arith.addi %parallel_loop3A_487, %parallel_loop3A_448 : i32
        %parallel_loop3A_489 = arith.index_cast %parallel_loop3A_488 : i32 to index
        %parallel_loop3A_490 = arith.constant 32 : index
        %parallel_loop3A_491 = tpu.vector_load %arg7[%parallel_loop3A_489, %parallel_loop3A_490] {strides = array<i32>} : memref<256x64xf32, #tpu.memory_space<vmem>>, vector<16xf32>,
        tpu.vector_store_idx %arg9[%broadcast_in_dim3A_27, %add3A_123, %broadcast_in_dim3A_29, %select_n3A_177, %parallel_loop3A_476], %parallel_loop3A_491 : memref<2x8x1x8x129xf32, #tpu.memory_space<vmem>>[vector<16xi32>, vector<16xi32>, vector<16xi32>, vector<16xi32>, vector<16xi32>], vector<16xf32>,
        %parallel_loop3A_492 = arith.constant 128 : i32
        %parallel_loop3A_493 = arith.addi %parallel_loop3A_492, %parallel_loop3A_448 : i32
        %parallel_loop3A_494 = arith.index_cast %parallel_loop3A_493 : i32 to index
        %parallel_loop3A_495 = arith.constant 48 : index
        %parallel_loop3A_496 = tpu.vector_load %arg7[%parallel_loop3A_494, %parallel_loop3A_495] {strides = array<i32>} : memref<256x64xf32, #tpu.memory_space<vmem>>, vector<16xf32>,
        tpu.vector_store_idx %arg9[%broadcast_in_dim3A_27, %add3A_157, %broadcast_in_dim3A_29, %select_n3A_177, %parallel_loop3A_476], %parallel_loop3A_496 : memref<2x8x1x8x129xf32, #tpu.memory_space<vmem>>[vector<16xi32>, vector<16xi32>, vector<16xi32>, vector<16xi32>, vector<16xi32>], vector<16xf32>,
      } {sc.loop_unroll_factor = 8 : i64, sc.parallel_access}
      %dma_start3A_232 = arith.constant 0 : i32
      %dma_start3A_233 = arith.constant 0 : i32
      %dma_start3A_234 = arith.constant 0 : i32
      %dma_start3A_235 = arith.constant 0 : i32
      %dma_start3A_236 = arith.constant 0 : i32
      %dma_start3A_237 = tpu.memref_slice %arg9[%dma_start3A_232, %dma_start3A_233, %dma_start3A_234, %dma_start3A_235, %dma_start3A_236] : memref<2x8x1x8x129xf32, #tpu.memory_space<vmem>> -> memref<2x8x1x8x128xf32, #tpu.memory_space<vmem>>
      %dma_start3A_238 = arith.constant 0 : i32
      %dma_start3A_239 = arith.constant 0 : i32
      %dma_start3A_240 = arith.constant 0 : i32
      %dma_start3A_241 = arith.constant 0 : i32
      %dma_start3A_242 = tpu.memref_slice %arg4[%dma_start3A_238, %dma_start3A_239, %add3A_213, %dma_start3A_240, %dma_start3A_241] : memref<200x8x128x8x128xf32, #tpu.memory_space<hbm>> -> memref<2x8x1x8x128xf32, #tpu.memory_space<hbm>>
      %dma_start3A_243 = arith.constant 0 : i32
      %dma_start3A_244 = arith.constant 0 : i32
      %dma_start3A_245 = arith.constant 0 : i32
      %dma_start3A_246 = arith.constant 0 : i32
      %dma_start3A_247 = tpu.memref_slice %arg4[%dma_start3A_243, %dma_start3A_244, %add3A_213, %dma_start3A_245, %dma_start3A_246] : memref<200x8x128x8x128xf32, #tpu.memory_space<hbm>> -> memref<2x8x1x8x128xf32, #tpu.memory_space<hbm>>
      %dma_start3A_248 = arith.constant 0 : i32
      %dma_start3A_249 = arith.constant 0 : i32
      %dma_start3A_250 = arith.constant 0 : i32
      %dma_start3A_251 = arith.constant 0 : i32
      %dma_start3A_252 = arith.constant 0 : i32
      %dma_start3A_253 = tpu.memref_slice %arg9[%dma_start3A_248, %dma_start3A_249, %dma_start3A_250, %dma_start3A_251, %dma_start3A_252] : memref<2x8x1x8x129xf32, #tpu.memory_space<vmem>> -> memref<2x8x1x8x128xf32, #tpu.memory_space<vmem>>
      tpu.enqueue_dma source(%dma_start3A_253 : memref<2x8x1x8x128xf32, #tpu.memory_space<vmem>>) target(%dma_start3A_247 : memref<2x8x1x8x128xf32, #tpu.memory_space<hbm>>) target_semaphore(%arg14 : memref<!tpu.dma_semaphore, #tpu.memory_space<semaphore_mem>>)
      %dma_wait3A_254 = arith.constant 256 : i32
      %dma_wait3A_255 = tpu.memref_slice %arg6[%dma_wait3A_254] : memref<25600xi32, #tpu.memory_space<vmem>> -> memref<256xi32, #tpu.memory_space<vmem>>
      %dma_wait3A_256 = arith.constant 0 : i32
      %dma_wait3A_257 = arith.constant 0 : i32
      %dma_wait3A_258 = tpu.memref_slice %arg3[%dma_wait3A_256, %dma_wait3A_257] : memref<100000x64xf32, #tpu.memory_space<hbm>> -> memref<100000x64xf32, #tpu.memory_space<hbm>>
      tpu.wait_indirect_dma semaphore(%arg13 : memref<!tpu.dma_semaphore, #tpu.memory_space<semaphore_mem>>) src(%dma_wait3A_258 : memref<100000x64xf32, #tpu.memory_space<hbm>>) dst(%arg8 : memref<256x64xf32, #tpu.memory_space<vmem>>)
      %dma_start3A_259 = arith.constant 512 : i32
      %dma_start3A_260 = tpu.memref_slice %arg6[%dma_start3A_259] : memref<25600xi32, #tpu.memory_space<vmem>> -> memref<256xi32, #tpu.memory_space<vmem>>
      %dma_start3A_261 = arith.constant 0 : i32
      %dma_start3A_262 = arith.constant 0 : i32
      %dma_start3A_263 = tpu.memref_slice %arg3[%dma_start3A_261, %dma_start3A_262] : memref<100000x64xf32, #tpu.memory_space<hbm>> -> memref<100000x64xf32, #tpu.memory_space<hbm>>
      tpu.enqueue_indirect_dma source(%dma_start3A_263 : memref<100000x64xf32, #tpu.memory_space<hbm>>) target(%arg7 : memref<256x64xf32, #tpu.memory_space<vmem>>) offsets(%dma_start3A_260 : memref<256xi32, #tpu.memory_space<vmem>>) semaphore(%arg12 : memref<!tpu.dma_semaphore, #tpu.memory_space<semaphore_mem>>)
      %parallel_loop3A_264 = arith.constant 0 : i32
      %parallel_loop3A_265 = arith.constant 128 : i32
      %parallel_loop3A_266 = arith.constant 1 : i32
      scf.for %parallel_loop3A_448 = %parallel_loop3A_264 to %parallel_loop3A_265 step %parallel_loop3A_266  : i32 {
        %parallel_loop3A_449 = arith.constant 0 : i32
        %parallel_loop3A_450 = vector.broadcast %parallel_loop3A_449 : i32 to vector<16xi32>
        %parallel_loop3A_451 = vector.broadcast %parallel_loop3A_448 : i32 to vector<16xi32>
        %parallel_loop3A_452 = arith.addi %parallel_loop3A_450, %parallel_loop3A_451 : vector<16xi32>
        %parallel_loop3A_453 = arith.constant 0 : i32
        %parallel_loop3A_454 = arith.addi %parallel_loop3A_453, %parallel_loop3A_448 : i32
        %parallel_loop3A_455 = arith.index_cast %parallel_loop3A_454 : i32 to index
        %parallel_loop3A_456 = arith.constant 0 : index
        %parallel_loop3A_457 = tpu.vector_load %arg8[%parallel_loop3A_455, %parallel_loop3A_456] {strides = array<i32>} : memref<256x64xf32, #tpu.memory_space<vmem>>, vector<16xf32>,
        tpu.vector_store_idx %arg10[%broadcast_in_dim3A_25, %add3A_55, %broadcast_in_dim3A_29, %select_n3A_177, %parallel_loop3A_452], %parallel_loop3A_457 : memref<2x8x1x8x129xf32, #tpu.memory_space<vmem>>[vector<16xi32>, vector<16xi32>, vector<16xi32>, vector<16xi32>, vector<16xi32>], vector<16xf32>,
        %parallel_loop3A_458 = arith.constant 0 : i32
        %parallel_loop3A_459 = arith.addi %parallel_loop3A_458, %parallel_loop3A_448 : i32
        %parallel_loop3A_460 = arith.index_cast %parallel_loop3A_459 : i32 to index
        %parallel_loop3A_461 = arith.constant 16 : index
        %parallel_loop3A_462 = tpu.vector_load %arg8[%parallel_loop3A_460, %parallel_loop3A_461] {strides = array<i32>} : memref<256x64xf32, #tpu.memory_space<vmem>>, vector<16xf32>,
        tpu.vector_store_idx %arg10[%broadcast_in_dim3A_25, %add3A_89, %broadcast_in_dim3A_29, %select_n3A_177, %parallel_loop3A_452], %parallel_loop3A_462 : memref<2x8x1x8x129xf32, #tpu.memory_space<vmem>>[vector<16xi32>, vector<16xi32>, vector<16xi32>, vector<16xi32>, vector<16xi32>], vector<16xf32>,
        %parallel_loop3A_463 = arith.constant 0 : i32
        %parallel_loop3A_464 = arith.addi %parallel_loop3A_463, %parallel_loop3A_448 : i32
        %parallel_loop3A_465 = arith.index_cast %parallel_loop3A_464 : i32 to index
        %parallel_loop3A_466 = arith.constant 32 : index
        %parallel_loop3A_467 = tpu.vector_load %arg8[%parallel_loop3A_465, %parallel_loop3A_466] {strides = array<i32>} : memref<256x64xf32, #tpu.memory_space<vmem>>, vector<16xf32>,
        tpu.vector_store_idx %arg10[%broadcast_in_dim3A_25, %add3A_123, %broadcast_in_dim3A_29, %select_n3A_177, %parallel_loop3A_452], %parallel_loop3A_467 : memref<2x8x1x8x129xf32, #tpu.memory_space<vmem>>[vector<16xi32>, vector<16xi32>, vector<16xi32>, vector<16xi32>, vector<16xi32>], vector<16xf32>,
        %parallel_loop3A_468 = arith.constant 0 : i32
        %parallel_loop3A_469 = arith.addi %parallel_loop3A_468, %parallel_loop3A_448 : i32
        %parallel_loop3A_470 = arith.index_cast %parallel_loop3A_469 : i32 to index
        %parallel_loop3A_471 = arith.constant 48 : index
        %parallel_loop3A_472 = tpu.vector_load %arg8[%parallel_loop3A_470, %parallel_loop3A_471] {strides = array<i32>} : memref<256x64xf32, #tpu.memory_space<vmem>>, vector<16xf32>,
        tpu.vector_store_idx %arg10[%broadcast_in_dim3A_25, %add3A_157, %broadcast_in_dim3A_29, %select_n3A_177, %parallel_loop3A_452], %parallel_loop3A_472 : memref<2x8x1x8x129xf32, #tpu.memory_space<vmem>>[vector<16xi32>, vector<16xi32>, vector<16xi32>, vector<16xi32>, vector<16xi32>], vector<16xf32>,
        %parallel_loop3A_473 = arith.constant 0 : i32
        %parallel_loop3A_474 = vector.broadcast %parallel_loop3A_473 : i32 to vector<16xi32>
        %parallel_loop3A_475 = vector.broadcast %parallel_loop3A_448 : i32 to vector<16xi32>
        %parallel_loop3A_476 = arith.addi %parallel_loop3A_474, %parallel_loop3A_475 : vector<16xi32>
        %parallel_loop3A_477 = arith.constant 128 : i32
        %parallel_loop3A_478 = arith.addi %parallel_loop3A_477, %parallel_loop3A_448 : i32
        %parallel_loop3A_479 = arith.index_cast %parallel_loop3A_478 : i32 to index
        %parallel_loop3A_480 = arith.constant 0 : index
        %parallel_loop3A_481 = tpu.vector_load %arg8[%parallel_loop3A_479, %parallel_loop3A_480] {strides = array<i32>} : memref<256x64xf32, #tpu.memory_space<vmem>>, vector<16xf32>,
        tpu.vector_store_idx %arg10[%broadcast_in_dim3A_27, %add3A_55, %broadcast_in_dim3A_29, %select_n3A_177, %parallel_loop3A_476], %parallel_loop3A_481 : memref<2x8x1x8x129xf32, #tpu.memory_space<vmem>>[vector<16xi32>, vector<16xi32>, vector<16xi32>, vector<16xi32>, vector<16xi32>], vector<16xf32>,
        %parallel_loop3A_482 = arith.constant 128 : i32
        %parallel_loop3A_483 = arith.addi %parallel_loop3A_482, %parallel_loop3A_448 : i32
        %parallel_loop3A_484 = arith.index_cast %parallel_loop3A_483 : i32 to index
        %parallel_loop3A_485 = arith.constant 16 : index
        %parallel_loop3A_486 = tpu.vector_load %arg8[%parallel_loop3A_484, %parallel_loop3A_485] {strides = array<i32>} : memref<256x64xf32, #tpu.memory_space<vmem>>, vector<16xf32>,
        tpu.vector_store_idx %arg10[%broadcast_in_dim3A_27, %add3A_89, %broadcast_in_dim3A_29, %select_n3A_177, %parallel_loop3A_476], %parallel_loop3A_486 : memref<2x8x1x8x129xf32, #tpu.memory_space<vmem>>[vector<16xi32>, vector<16xi32>, vector<16xi32>, vector<16xi32>, vector<16xi32>], vector<16xf32>,
        %parallel_loop3A_487 = arith.constant 128 : i32
        %parallel_loop3A_488 = arith.addi %parallel_loop3A_487, %parallel_loop3A_448 : i32
        %parallel_loop3A_489 = arith.index_cast %parallel_loop3A_488 : i32 to index
        %parallel_loop3A_490 = arith.constant 32 : index
        %parallel_loop3A_491 = tpu.vector_load %arg8[%parallel_loop3A_489, %parallel_loop3A_490] {strides = array<i32>} : memref<256x64xf32, #tpu.memory_space<vmem>>, vector<16xf32>,
        tpu.vector_store_idx %arg10[%broadcast_in_dim3A_27, %add3A_123, %broadcast_in_dim3A_29, %select_n3A_177, %parallel_loop3A_476], %parallel_loop3A_491 : memref<2x8x1x8x129xf32, #tpu.memory_space<vmem>>[vector<16xi32>, vector<16xi32>, vector<16xi32>, vector<16xi32>, vector<16xi32>], vector<16xf32>,
        %parallel_loop3A_492 = arith.constant 128 : i32
        %parallel_loop3A_493 = arith.addi %parallel_loop3A_492, %parallel_loop3A_448 : i32
        %parallel_loop3A_494 = arith.index_cast %parallel_loop3A_493 : i32 to index
        %parallel_loop3A_495 = arith.constant 48 : index
        %parallel_loop3A_496 = tpu.vector_load %arg8[%parallel_loop3A_494, %parallel_loop3A_495] {strides = array<i32>} : memref<256x64xf32, #tpu.memory_space<vmem>>, vector<16xf32>,
        tpu.vector_store_idx %arg10[%broadcast_in_dim3A_27, %add3A_157, %broadcast_in_dim3A_29, %select_n3A_177, %parallel_loop3A_476], %parallel_loop3A_496 : memref<2x8x1x8x129xf32, #tpu.memory_space<vmem>>[vector<16xi32>, vector<16xi32>, vector<16xi32>, vector<16xi32>, vector<16xi32>], vector<16xf32>,
      } {sc.loop_unroll_factor = 8 : i64, sc.parallel_access}
      %dma_start3A_267 = arith.constant 0 : i32
      %dma_start3A_268 = arith.constant 0 : i32
      %dma_start3A_269 = arith.constant 0 : i32
      %dma_start3A_270 = arith.constant 0 : i32
      %dma_start3A_271 = arith.constant 0 : i32
      %dma_start3A_272 = tpu.memref_slice %arg10[%dma_start3A_267, %dma_start3A_268, %dma_start3A_269, %dma_start3A_270, %dma_start3A_271] : memref<2x8x1x8x129xf32, #tpu.memory_space<vmem>> -> memref<2x8x1x8x128xf32, #tpu.memory_space<vmem>>
      %dma_start3A_273 = arith.constant 2 : i32
      %dma_start3A_274 = arith.constant 0 : i32
      %dma_start3A_275 = arith.constant 0 : i32
      %dma_start3A_276 = arith.constant 0 : i32
      %dma_start3A_277 = tpu.memref_slice %arg4[%dma_start3A_273, %dma_start3A_274, %add3A_213, %dma_start3A_275, %dma_start3A_276] : memref<200x8x128x8x128xf32, #tpu.memory_space<hbm>> -> memref<2x8x1x8x128xf32, #tpu.memory_space<hbm>>
      %dma_start3A_278 = arith.constant 2 : i32
      %dma_start3A_279 = arith.constant 0 : i32
      %dma_start3A_280 = arith.constant 0 : i32
      %dma_start3A_281 = arith.constant 0 : i32
      %dma_start3A_282 = tpu.memref_slice %arg4[%dma_start3A_278, %dma_start3A_279, %add3A_213, %dma_start3A_280, %dma_start3A_281] : memref<200x8x128x8x128xf32, #tpu.memory_space<hbm>> -> memref<2x8x1x8x128xf32, #tpu.memory_space<hbm>>
      %dma_start3A_283 = arith.constant 0 : i32
      %dma_start3A_284 = arith.constant 0 : i32
      %dma_start3A_285 = arith.constant 0 : i32
      %dma_start3A_286 = arith.constant 0 : i32
      %dma_start3A_287 = arith.constant 0 : i32
      %dma_start3A_288 = tpu.memref_slice %arg10[%dma_start3A_283, %dma_start3A_284, %dma_start3A_285, %dma_start3A_286, %dma_start3A_287] : memref<2x8x1x8x129xf32, #tpu.memory_space<vmem>> -> memref<2x8x1x8x128xf32, #tpu.memory_space<vmem>>
      tpu.enqueue_dma source(%dma_start3A_288 : memref<2x8x1x8x128xf32, #tpu.memory_space<vmem>>) target(%dma_start3A_282 : memref<2x8x1x8x128xf32, #tpu.memory_space<hbm>>) target_semaphore(%arg15 : memref<!tpu.dma_semaphore, #tpu.memory_space<semaphore_mem>>)
      %scan3A_289 = arith.constant 0 : i32
      %scan3A_290 = arith.constant 1 : i32
      %scan3A_291 = arith.constant 48 : i32
      %scan3A_292 = arith.addi %scan3A_290, %scan3A_291 : i32
      %scan3A_293 = arith.constant 1 : i32
      scf.for %scan3A_448 = %scan3A_290 to %scan3A_292 step %scan3A_293  : i32 {
        %mul3A_449 = arith.constant 2 : i32
        %mul3A_450 = arith.muli %mul3A_449, %scan3A_448 : i32
        %mul3A_451 = arith.constant 256 : i32
        %mul3A_452 = arith.muli %mul3A_451, %mul3A_450 : i32
        %dma_wait3A_453 = tpu.memref_slice %arg6[%mul3A_452] : memref<25600xi32, #tpu.memory_space<vmem>> -> memref<256xi32, #tpu.memory_space<vmem>>
        %dma_wait3A_454 = arith.constant 0 : i32
        %dma_wait3A_455 = arith.constant 0 : i32
        %dma_wait3A_456 = tpu.memref_slice %arg3[%dma_wait3A_454, %dma_wait3A_455] : memref<100000x64xf32, #tpu.memory_space<hbm>> -> memref<100000x64xf32, #tpu.memory_space<hbm>>
        tpu.wait_indirect_dma semaphore(%arg12 : memref<!tpu.dma_semaphore, #tpu.memory_space<semaphore_mem>>) src(%dma_wait3A_456 : memref<100000x64xf32, #tpu.memory_space<hbm>>) dst(%arg7 : memref<256x64xf32, #tpu.memory_space<vmem>>)
        %add3A_457 = arith.constant 1 : i32
        %add3A_458 = arith.addi %mul3A_450, %add3A_457 : i32
        %mul3A_459 = arith.constant 256 : i32
        %mul3A_460 = arith.muli %mul3A_459, %add3A_458 : i32
        %dma_start3A_461 = tpu.memref_slice %arg6[%mul3A_460] : memref<25600xi32, #tpu.memory_space<vmem>> -> memref<256xi32, #tpu.memory_space<vmem>>
        %dma_start3A_462 = arith.constant 0 : i32
        %dma_start3A_463 = arith.constant 0 : i32
        %dma_start3A_464 = tpu.memref_slice %arg3[%dma_start3A_462, %dma_start3A_463] : memref<100000x64xf32, #tpu.memory_space<hbm>> -> memref<100000x64xf32, #tpu.memory_space<hbm>>
        tpu.enqueue_indirect_dma source(%dma_start3A_464 : memref<100000x64xf32, #tpu.memory_space<hbm>>) target(%arg8 : memref<256x64xf32, #tpu.memory_space<vmem>>) offsets(%dma_start3A_461 : memref<256xi32, #tpu.memory_space<vmem>>) semaphore(%arg13 : memref<!tpu.dma_semaphore, #tpu.memory_space<semaphore_mem>>)
        %sub3A_465 = arith.constant 2 : i32
        %sub3A_466 = arith.subi %mul3A_450, %sub3A_465 : i32
        %mul3A_467 = arith.constant 2 : i32
        %mul3A_468 = arith.muli %mul3A_467, %sub3A_466 : i32
        %dma_wait3A_469 = arith.constant 0 : i32
        %dma_wait3A_470 = arith.constant 0 : i32
        %dma_wait3A_471 = arith.constant 0 : i32
        %dma_wait3A_472 = arith.constant 0 : i32
        %dma_wait3A_473 = arith.constant 0 : i32
        %dma_wait3A_474 = tpu.memref_slice %arg9[%dma_wait3A_469, %dma_wait3A_470, %dma_wait3A_471, %dma_wait3A_472, %dma_wait3A_473] : memref<2x8x1x8x129xf32, #tpu.memory_space<vmem>> -> memref<2x8x1x8x128xf32, #tpu.memory_space<vmem>>
        %dma_wait3A_475 = arith.constant 0 : i32
        %dma_wait3A_476 = arith.constant 0 : i32
        %dma_wait3A_477 = arith.constant 0 : i32
        %dma_wait3A_478 = tpu.memref_slice %arg4[%mul3A_468, %dma_wait3A_475, %add3A_213, %dma_wait3A_476, %dma_wait3A_477] : memref<200x8x128x8x128xf32, #tpu.memory_space<hbm>> -> memref<2x8x1x8x128xf32, #tpu.memory_space<hbm>>
        %dma_wait3A_479 = arith.constant 0 : i32
        %dma_wait3A_480 = arith.constant 0 : i32
        %dma_wait3A_481 = arith.constant 0 : i32
        %dma_wait3A_482 = tpu.memref_slice %arg4[%mul3A_468, %dma_wait3A_479, %add3A_213, %dma_wait3A_480, %dma_wait3A_481] : memref<200x8x128x8x128xf32, #tpu.memory_space<hbm>> -> memref<2x8x1x8x128xf32, #tpu.memory_space<hbm>>
        %dma_wait3A_483 = arith.constant 0 : i32
        %dma_wait3A_484 = arith.constant 0 : i32
        %dma_wait3A_485 = arith.constant 0 : i32
        %dma_wait3A_486 = arith.constant 0 : i32
        %dma_wait3A_487 = arith.constant 0 : i32
        %dma_wait3A_488 = tpu.memref_slice %arg9[%dma_wait3A_483, %dma_wait3A_484, %dma_wait3A_485, %dma_wait3A_486, %dma_wait3A_487] : memref<2x8x1x8x129xf32, #tpu.memory_space<vmem>> -> memref<2x8x1x8x128xf32, #tpu.memory_space<vmem>>
        tpu.wait_dma2 semaphore(%arg14 : memref<!tpu.dma_semaphore, #tpu.memory_space<semaphore_mem>>) src(%dma_wait3A_488 : memref<2x8x1x8x128xf32, #tpu.memory_space<vmem>>) dst(%dma_wait3A_482 : memref<2x8x1x8x128xf32, #tpu.memory_space<hbm>>)
        %parallel_loop3A_489 = arith.constant 0 : i32
        %parallel_loop3A_490 = arith.constant 128 : i32
        %parallel_loop3A_491 = arith.constant 1 : i32
        scf.for %parallel_loop3A_581 = %parallel_loop3A_489 to %parallel_loop3A_490 step %parallel_loop3A_491  : i32 {
          %parallel_loop3A_582 = arith.constant 0 : i32
          %parallel_loop3A_583 = vector.broadcast %parallel_loop3A_582 : i32 to vector<16xi32>
          %parallel_loop3A_584 = vector.broadcast %parallel_loop3A_581 : i32 to vector<16xi32>
          %parallel_loop3A_585 = arith.addi %parallel_loop3A_583, %parallel_loop3A_584 : vector<16xi32>
          %parallel_loop3A_586 = arith.constant 0 : i32
          %parallel_loop3A_587 = arith.addi %parallel_loop3A_586, %parallel_loop3A_581 : i32
          %parallel_loop3A_588 = arith.index_cast %parallel_loop3A_587 : i32 to index
          %parallel_loop3A_589 = arith.constant 0 : index
          %parallel_loop3A_590 = tpu.vector_load %arg7[%parallel_loop3A_588, %parallel_loop3A_589] {strides = array<i32>} : memref<256x64xf32, #tpu.memory_space<vmem>>, vector<16xf32>,
          tpu.vector_store_idx %arg9[%broadcast_in_dim3A_25, %add3A_55, %broadcast_in_dim3A_29, %select_n3A_177, %parallel_loop3A_585], %parallel_loop3A_590 : memref<2x8x1x8x129xf32, #tpu.memory_space<vmem>>[vector<16xi32>, vector<16xi32>, vector<16xi32>, vector<16xi32>, vector<16xi32>], vector<16xf32>,
          %parallel_loop3A_591 = arith.constant 0 : i32
          %parallel_loop3A_592 = arith.addi %parallel_loop3A_591, %parallel_loop3A_581 : i32
          %parallel_loop3A_593 = arith.index_cast %parallel_loop3A_592 : i32 to index
          %parallel_loop3A_594 = arith.constant 16 : index
          %parallel_loop3A_595 = tpu.vector_load %arg7[%parallel_loop3A_593, %parallel_loop3A_594] {strides = array<i32>} : memref<256x64xf32, #tpu.memory_space<vmem>>, vector<16xf32>,
          tpu.vector_store_idx %arg9[%broadcast_in_dim3A_25, %add3A_89, %broadcast_in_dim3A_29, %select_n3A_177, %parallel_loop3A_585], %parallel_loop3A_595 : memref<2x8x1x8x129xf32, #tpu.memory_space<vmem>>[vector<16xi32>, vector<16xi32>, vector<16xi32>, vector<16xi32>, vector<16xi32>], vector<16xf32>,
          %parallel_loop3A_596 = arith.constant 0 : i32
          %parallel_loop3A_597 = arith.addi %parallel_loop3A_596, %parallel_loop3A_581 : i32
          %parallel_loop3A_598 = arith.index_cast %parallel_loop3A_597 : i32 to index
          %parallel_loop3A_599 = arith.constant 32 : index
          %parallel_loop3A_600 = tpu.vector_load %arg7[%parallel_loop3A_598, %parallel_loop3A_599] {strides = array<i32>} : memref<256x64xf32, #tpu.memory_space<vmem>>, vector<16xf32>,
          tpu.vector_store_idx %arg9[%broadcast_in_dim3A_25, %add3A_123, %broadcast_in_dim3A_29, %select_n3A_177, %parallel_loop3A_585], %parallel_loop3A_600 : memref<2x8x1x8x129xf32, #tpu.memory_space<vmem>>[vector<16xi32>, vector<16xi32>, vector<16xi32>, vector<16xi32>, vector<16xi32>], vector<16xf32>,
          %parallel_loop3A_601 = arith.constant 0 : i32
          %parallel_loop3A_602 = arith.addi %parallel_loop3A_601, %parallel_loop3A_581 : i32
          %parallel_loop3A_603 = arith.index_cast %parallel_loop3A_602 : i32 to index
          %parallel_loop3A_604 = arith.constant 48 : index
          %parallel_loop3A_605 = tpu.vector_load %arg7[%parallel_loop3A_603, %parallel_loop3A_604] {strides = array<i32>} : memref<256x64xf32, #tpu.memory_space<vmem>>, vector<16xf32>,
          tpu.vector_store_idx %arg9[%broadcast_in_dim3A_25, %add3A_157, %broadcast_in_dim3A_29, %select_n3A_177, %parallel_loop3A_585], %parallel_loop3A_605 : memref<2x8x1x8x129xf32, #tpu.memory_space<vmem>>[vector<16xi32>, vector<16xi32>, vector<16xi32>, vector<16xi32>, vector<16xi32>], vector<16xf32>,
          %parallel_loop3A_606 = arith.constant 0 : i32
          %parallel_loop3A_607 = vector.broadcast %parallel_loop3A_606 : i32 to vector<16xi32>
          %parallel_loop3A_608 = vector.broadcast %parallel_loop3A_581 : i32 to vector<16xi32>
          %parallel_loop3A_609 = arith.addi %parallel_loop3A_607, %parallel_loop3A_608 : vector<16xi32>
          %parallel_loop3A_610 = arith.constant 128 : i32
          %parallel_loop3A_611 = arith.addi %parallel_loop3A_610, %parallel_loop3A_581 : i32
          %parallel_loop3A_612 = arith.index_cast %parallel_loop3A_611 : i32 to index
          %parallel_loop3A_613 = arith.constant 0 : index
          %parallel_loop3A_614 = tpu.vector_load %arg7[%parallel_loop3A_612, %parallel_loop3A_613] {strides = array<i32>} : memref<256x64xf32, #tpu.memory_space<vmem>>, vector<16xf32>,
          tpu.vector_store_idx %arg9[%broadcast_in_dim3A_27, %add3A_55, %broadcast_in_dim3A_29, %select_n3A_177, %parallel_loop3A_609], %parallel_loop3A_614 : memref<2x8x1x8x129xf32, #tpu.memory_space<vmem>>[vector<16xi32>, vector<16xi32>, vector<16xi32>, vector<16xi32>, vector<16xi32>], vector<16xf32>,
          %parallel_loop3A_615 = arith.constant 128 : i32
          %parallel_loop3A_616 = arith.addi %parallel_loop3A_615, %parallel_loop3A_581 : i32
          %parallel_loop3A_617 = arith.index_cast %parallel_loop3A_616 : i32 to index
          %parallel_loop3A_618 = arith.constant 16 : index
          %parallel_loop3A_619 = tpu.vector_load %arg7[%parallel_loop3A_617, %parallel_loop3A_618] {strides = array<i32>} : memref<256x64xf32, #tpu.memory_space<vmem>>, vector<16xf32>,
          tpu.vector_store_idx %arg9[%broadcast_in_dim3A_27, %add3A_89, %broadcast_in_dim3A_29, %select_n3A_177, %parallel_loop3A_609], %parallel_loop3A_619 : memref<2x8x1x8x129xf32, #tpu.memory_space<vmem>>[vector<16xi32>, vector<16xi32>, vector<16xi32>, vector<16xi32>, vector<16xi32>], vector<16xf32>,
          %parallel_loop3A_620 = arith.constant 128 : i32
          %parallel_loop3A_621 = arith.addi %parallel_loop3A_620, %parallel_loop3A_581 : i32
          %parallel_loop3A_622 = arith.index_cast %parallel_loop3A_621 : i32 to index
          %parallel_loop3A_623 = arith.constant 32 : index
          %parallel_loop3A_624 = tpu.vector_load %arg7[%parallel_loop3A_622, %parallel_loop3A_623] {strides = array<i32>} : memref<256x64xf32, #tpu.memory_space<vmem>>, vector<16xf32>,
          tpu.vector_store_idx %arg9[%broadcast_in_dim3A_27, %add3A_123, %broadcast_in_dim3A_29, %select_n3A_177, %parallel_loop3A_609], %parallel_loop3A_624 : memref<2x8x1x8x129xf32, #tpu.memory_space<vmem>>[vector<16xi32>, vector<16xi32>, vector<16xi32>, vector<16xi32>, vector<16xi32>], vector<16xf32>,
          %parallel_loop3A_625 = arith.constant 128 : i32
          %parallel_loop3A_626 = arith.addi %parallel_loop3A_625, %parallel_loop3A_581 : i32
          %parallel_loop3A_627 = arith.index_cast %parallel_loop3A_626 : i32 to index
          %parallel_loop3A_628 = arith.constant 48 : index
          %parallel_loop3A_629 = tpu.vector_load %arg7[%parallel_loop3A_627, %parallel_loop3A_628] {strides = array<i32>} : memref<256x64xf32, #tpu.memory_space<vmem>>, vector<16xf32>,
          tpu.vector_store_idx %arg9[%broadcast_in_dim3A_27, %add3A_157, %broadcast_in_dim3A_29, %select_n3A_177, %parallel_loop3A_609], %parallel_loop3A_629 : memref<2x8x1x8x129xf32, #tpu.memory_space<vmem>>[vector<16xi32>, vector<16xi32>, vector<16xi32>, vector<16xi32>, vector<16xi32>], vector<16xf32>,
        } {sc.loop_unroll_factor = 8 : i64, sc.parallel_access}
        %mul3A_492 = arith.constant 2 : i32
        %mul3A_493 = arith.muli %mul3A_492, %mul3A_450 : i32
        %dma_start3A_494 = arith.constant 0 : i32
        %dma_start3A_495 = arith.constant 0 : i32
        %dma_start3A_496 = arith.constant 0 : i32
        %dma_start3A_497 = arith.constant 0 : i32
        %dma_start3A_498 = arith.constant 0 : i32
        %dma_start3A_499 = tpu.memref_slice %arg9[%dma_start3A_494, %dma_start3A_495, %dma_start3A_496, %dma_start3A_497, %dma_start3A_498] : memref<2x8x1x8x129xf32, #tpu.memory_space<vmem>> -> memref<2x8x1x8x128xf32, #tpu.memory_space<vmem>>
        %dma_start3A_500 = arith.constant 0 : i32
        %dma_start3A_501 = arith.constant 0 : i32
        %dma_start3A_502 = arith.constant 0 : i32
        %dma_start3A_503 = tpu.memref_slice %arg4[%mul3A_493, %dma_start3A_500, %add3A_213, %dma_start3A_501, %dma_start3A_502] : memref<200x8x128x8x128xf32, #tpu.memory_space<hbm>> -> memref<2x8x1x8x128xf32, #tpu.memory_space<hbm>>
        %dma_start3A_504 = arith.constant 0 : i32
        %dma_start3A_505 = arith.constant 0 : i32
        %dma_start3A_506 = arith.constant 0 : i32
        %dma_start3A_507 = tpu.memref_slice %arg4[%mul3A_493, %dma_start3A_504, %add3A_213, %dma_start3A_505, %dma_start3A_506] : memref<200x8x128x8x128xf32, #tpu.memory_space<hbm>> -> memref<2x8x1x8x128xf32, #tpu.memory_space<hbm>>
        %dma_start3A_508 = arith.constant 0 : i32
        %dma_start3A_509 = arith.constant 0 : i32
        %dma_start3A_510 = arith.constant 0 : i32
        %dma_start3A_511 = arith.constant 0 : i32
        %dma_start3A_512 = arith.constant 0 : i32
        %dma_start3A_513 = tpu.memref_slice %arg9[%dma_start3A_508, %dma_start3A_509, %dma_start3A_510, %dma_start3A_511, %dma_start3A_512] : memref<2x8x1x8x129xf32, #tpu.memory_space<vmem>> -> memref<2x8x1x8x128xf32, #tpu.memory_space<vmem>>
        tpu.enqueue_dma source(%dma_start3A_513 : memref<2x8x1x8x128xf32, #tpu.memory_space<vmem>>) target(%dma_start3A_507 : memref<2x8x1x8x128xf32, #tpu.memory_space<hbm>>) target_semaphore(%arg14 : memref<!tpu.dma_semaphore, #tpu.memory_space<semaphore_mem>>)
        %mul3A_514 = arith.constant 2 : i32
        %mul3A_515 = arith.muli %mul3A_514, %scan3A_448 : i32
        %add3A_516 = arith.constant 1 : i32
        %add3A_517 = arith.addi %mul3A_515, %add3A_516 : i32
        %mul3A_518 = arith.constant 256 : i32
        %mul3A_519 = arith.muli %mul3A_518, %add3A_517 : i32
        %dma_wait3A_520 = tpu.memref_slice %arg6[%mul3A_519] : memref<25600xi32, #tpu.memory_space<vmem>> -> memref<256xi32, #tpu.memory_space<vmem>>
        %dma_wait3A_521 = arith.constant 0 : i32
        %dma_wait3A_522 = arith.constant 0 : i32
        %dma_wait3A_523 = tpu.memref_slice %arg3[%dma_wait3A_521, %dma_wait3A_522] : memref<100000x64xf32, #tpu.memory_space<hbm>> -> memref<100000x64xf32, #tpu.memory_space<hbm>>
        tpu.wait_indirect_dma semaphore(%arg13 : memref<!tpu.dma_semaphore, #tpu.memory_space<semaphore_mem>>) src(%dma_wait3A_523 : memref<100000x64xf32, #tpu.memory_space<hbm>>) dst(%arg8 : memref<256x64xf32, #tpu.memory_space<vmem>>)
        %add3A_524 = arith.constant 1 : i32
        %add3A_525 = arith.addi %add3A_517, %add3A_524 : i32
        %mul3A_526 = arith.constant 256 : i32
        %mul3A_527 = arith.muli %mul3A_526, %add3A_525 : i32
        %dma_start3A_528 = tpu.memref_slice %arg6[%mul3A_527] : memref<25600xi32, #tpu.memory_space<vmem>> -> memref<256xi32, #tpu.memory_space<vmem>>
        %dma_start3A_529 = arith.constant 0 : i32
        %dma_start3A_530 = arith.constant 0 : i32
        %dma_start3A_531 = tpu.memref_slice %arg3[%dma_start3A_529, %dma_start3A_530] : memref<100000x64xf32, #tpu.memory_space<hbm>> -> memref<100000x64xf32, #tpu.memory_space<hbm>>
        tpu.enqueue_indirect_dma source(%dma_start3A_531 : memref<100000x64xf32, #tpu.memory_space<hbm>>) target(%arg7 : memref<256x64xf32, #tpu.memory_space<vmem>>) offsets(%dma_start3A_528 : memref<256xi32, #tpu.memory_space<vmem>>) semaphore(%arg12 : memref<!tpu.dma_semaphore, #tpu.memory_space<semaphore_mem>>)
        %sub3A_532 = arith.constant 2 : i32
        %sub3A_533 = arith.subi %add3A_517, %sub3A_532 : i32
        %mul3A_534 = arith.constant 2 : i32
        %mul3A_535 = arith.muli %mul3A_534, %sub3A_533 : i32
        %dma_wait3A_536 = arith.constant 0 : i32
        %dma_wait3A_537 = arith.constant 0 : i32
        %dma_wait3A_538 = arith.constant 0 : i32
        %dma_wait3A_539 = arith.constant 0 : i32
        %dma_wait3A_540 = arith.constant 0 : i32
        %dma_wait3A_541 = tpu.memref_slice %arg10[%dma_wait3A_536, %dma_wait3A_537, %dma_wait3A_538, %dma_wait3A_539, %dma_wait3A_540] : memref<2x8x1x8x129xf32, #tpu.memory_space<vmem>> -> memref<2x8x1x8x128xf32, #tpu.memory_space<vmem>>
        %dma_wait3A_542 = arith.constant 0 : i32
        %dma_wait3A_543 = arith.constant 0 : i32
        %dma_wait3A_544 = arith.constant 0 : i32
        %dma_wait3A_545 = tpu.memref_slice %arg4[%mul3A_535, %dma_wait3A_542, %add3A_213, %dma_wait3A_543, %dma_wait3A_544] : memref<200x8x128x8x128xf32, #tpu.memory_space<hbm>> -> memref<2x8x1x8x128xf32, #tpu.memory_space<hbm>>
        %dma_wait3A_546 = arith.constant 0 : i32
        %dma_wait3A_547 = arith.constant 0 : i32
        %dma_wait3A_548 = arith.constant 0 : i32
        %dma_wait3A_549 = tpu.memref_slice %arg4[%mul3A_535, %dma_wait3A_546, %add3A_213, %dma_wait3A_547, %dma_wait3A_548] : memref<200x8x128x8x128xf32, #tpu.memory_space<hbm>> -> memref<2x8x1x8x128xf32, #tpu.memory_space<hbm>>
        %dma_wait3A_550 = arith.constant 0 : i32
        %dma_wait3A_551 = arith.constant 0 : i32
        %dma_wait3A_552 = arith.constant 0 : i32
        %dma_wait3A_553 = arith.constant 0 : i32
        %dma_wait3A_554 = arith.constant 0 : i32
        %dma_wait3A_555 = tpu.memref_slice %arg10[%dma_wait3A_550, %dma_wait3A_551, %dma_wait3A_552, %dma_wait3A_553, %dma_wait3A_554] : memref<2x8x1x8x129xf32, #tpu.memory_space<vmem>> -> memref<2x8x1x8x128xf32, #tpu.memory_space<vmem>>
        tpu.wait_dma2 semaphore(%arg15 : memref<!tpu.dma_semaphore, #tpu.memory_space<semaphore_mem>>) src(%dma_wait3A_555 : memref<2x8x1x8x128xf32, #tpu.memory_space<vmem>>) dst(%dma_wait3A_549 : memref<2x8x1x8x128xf32, #tpu.memory_space<hbm>>)
        %parallel_loop3A_556 = arith.constant 0 : i32
        %parallel_loop3A_557 = arith.constant 128 : i32
        %parallel_loop3A_558 = arith.constant 1 : i32
        scf.for %parallel_loop3A_581 = %parallel_loop3A_556 to %parallel_loop3A_557 step %parallel_loop3A_558  : i32 {
          %parallel_loop3A_582 = arith.constant 0 : i32
          %parallel_loop3A_583 = vector.broadcast %parallel_loop3A_582 : i32 to vector<16xi32>
          %parallel_loop3A_584 = vector.broadcast %parallel_loop3A_581 : i32 to vector<16xi32>
          %parallel_loop3A_585 = arith.addi %parallel_loop3A_583, %parallel_loop3A_584 : vector<16xi32>
          %parallel_loop3A_586 = arith.constant 0 : i32
          %parallel_loop3A_587 = arith.addi %parallel_loop3A_586, %parallel_loop3A_581 : i32
          %parallel_loop3A_588 = arith.index_cast %parallel_loop3A_587 : i32 to index
          %parallel_loop3A_589 = arith.constant 0 : index
          %parallel_loop3A_590 = tpu.vector_load %arg8[%parallel_loop3A_588, %parallel_loop3A_589] {strides = array<i32>} : memref<256x64xf32, #tpu.memory_space<vmem>>, vector<16xf32>,
          tpu.vector_store_idx %arg10[%broadcast_in_dim3A_25, %add3A_55, %broadcast_in_dim3A_29, %select_n3A_177, %parallel_loop3A_585], %parallel_loop3A_590 : memref<2x8x1x8x129xf32, #tpu.memory_space<vmem>>[vector<16xi32>, vector<16xi32>, vector<16xi32>, vector<16xi32>, vector<16xi32>], vector<16xf32>,
          %parallel_loop3A_591 = arith.constant 0 : i32
          %parallel_loop3A_592 = arith.addi %parallel_loop3A_591, %parallel_loop3A_581 : i32
          %parallel_loop3A_593 = arith.index_cast %parallel_loop3A_592 : i32 to index
          %parallel_loop3A_594 = arith.constant 16 : index
          %parallel_loop3A_595 = tpu.vector_load %arg8[%parallel_loop3A_593, %parallel_loop3A_594] {strides = array<i32>} : memref<256x64xf32, #tpu.memory_space<vmem>>, vector<16xf32>,
          tpu.vector_store_idx %arg10[%broadcast_in_dim3A_25, %add3A_89, %broadcast_in_dim3A_29, %select_n3A_177, %parallel_loop3A_585], %parallel_loop3A_595 : memref<2x8x1x8x129xf32, #tpu.memory_space<vmem>>[vector<16xi32>, vector<16xi32>, vector<16xi32>, vector<16xi32>, vector<16xi32>], vector<16xf32>,
          %parallel_loop3A_596 = arith.constant 0 : i32
          %parallel_loop3A_597 = arith.addi %parallel_loop3A_596, %parallel_loop3A_581 : i32
          %parallel_loop3A_598 = arith.index_cast %parallel_loop3A_597 : i32 to index
          %parallel_loop3A_599 = arith.constant 32 : index
          %parallel_loop3A_600 = tpu.vector_load %arg8[%parallel_loop3A_598, %parallel_loop3A_599] {strides = array<i32>} : memref<256x64xf32, #tpu.memory_space<vmem>>, vector<16xf32>,
          tpu.vector_store_idx %arg10[%broadcast_in_dim3A_25, %add3A_123, %broadcast_in_dim3A_29, %select_n3A_177, %parallel_loop3A_585], %parallel_loop3A_600 : memref<2x8x1x8x129xf32, #tpu.memory_space<vmem>>[vector<16xi32>, vector<16xi32>, vector<16xi32>, vector<16xi32>, vector<16xi32>], vector<16xf32>,
          %parallel_loop3A_601 = arith.constant 0 : i32
          %parallel_loop3A_602 = arith.addi %parallel_loop3A_601, %parallel_loop3A_581 : i32
          %parallel_loop3A_603 = arith.index_cast %parallel_loop3A_602 : i32 to index
          %parallel_loop3A_604 = arith.constant 48 : index
          %parallel_loop3A_605 = tpu.vector_load %arg8[%parallel_loop3A_603, %parallel_loop3A_604] {strides = array<i32>} : memref<256x64xf32, #tpu.memory_space<vmem>>, vector<16xf32>,
          tpu.vector_store_idx %arg10[%broadcast_in_dim3A_25, %add3A_157, %broadcast_in_dim3A_29, %select_n3A_177, %parallel_loop3A_585], %parallel_loop3A_605 : memref<2x8x1x8x129xf32, #tpu.memory_space<vmem>>[vector<16xi32>, vector<16xi32>, vector<16xi32>, vector<16xi32>, vector<16xi32>], vector<16xf32>,
          %parallel_loop3A_606 = arith.constant 0 : i32
          %parallel_loop3A_607 = vector.broadcast %parallel_loop3A_606 : i32 to vector<16xi32>
          %parallel_loop3A_608 = vector.broadcast %parallel_loop3A_581 : i32 to vector<16xi32>
          %parallel_loop3A_609 = arith.addi %parallel_loop3A_607, %parallel_loop3A_608 : vector<16xi32>
          %parallel_loop3A_610 = arith.constant 128 : i32
          %parallel_loop3A_611 = arith.addi %parallel_loop3A_610, %parallel_loop3A_581 : i32
          %parallel_loop3A_612 = arith.index_cast %parallel_loop3A_611 : i32 to index
          %parallel_loop3A_613 = arith.constant 0 : index
          %parallel_loop3A_614 = tpu.vector_load %arg8[%parallel_loop3A_612, %parallel_loop3A_613] {strides = array<i32>} : memref<256x64xf32, #tpu.memory_space<vmem>>, vector<16xf32>,
          tpu.vector_store_idx %arg10[%broadcast_in_dim3A_27, %add3A_55, %broadcast_in_dim3A_29, %select_n3A_177, %parallel_loop3A_609], %parallel_loop3A_614 : memref<2x8x1x8x129xf32, #tpu.memory_space<vmem>>[vector<16xi32>, vector<16xi32>, vector<16xi32>, vector<16xi32>, vector<16xi32>], vector<16xf32>,
          %parallel_loop3A_615 = arith.constant 128 : i32
          %parallel_loop3A_616 = arith.addi %parallel_loop3A_615, %parallel_loop3A_581 : i32
          %parallel_loop3A_617 = arith.index_cast %parallel_loop3A_616 : i32 to index
          %parallel_loop3A_618 = arith.constant 16 : index
          %parallel_loop3A_619 = tpu.vector_load %arg8[%parallel_loop3A_617, %parallel_loop3A_618] {strides = array<i32>} : memref<256x64xf32, #tpu.memory_space<vmem>>, vector<16xf32>,
          tpu.vector_store_idx %arg10[%broadcast_in_dim3A_27, %add3A_89, %broadcast_in_dim3A_29, %select_n3A_177, %parallel_loop3A_609], %parallel_loop3A_619 : memref<2x8x1x8x129xf32, #tpu.memory_space<vmem>>[vector<16xi32>, vector<16xi32>, vector<16xi32>, vector<16xi32>, vector<16xi32>], vector<16xf32>,
          %parallel_loop3A_620 = arith.constant 128 : i32
          %parallel_loop3A_621 = arith.addi %parallel_loop3A_620, %parallel_loop3A_581 : i32
          %parallel_loop3A_622 = arith.index_cast %parallel_loop3A_621 : i32 to index
          %parallel_loop3A_623 = arith.constant 32 : index
          %parallel_loop3A_624 = tpu.vector_load %arg8[%parallel_loop3A_622, %parallel_loop3A_623] {strides = array<i32>} : memref<256x64xf32, #tpu.memory_space<vmem>>, vector<16xf32>,
          tpu.vector_store_idx %arg10[%broadcast_in_dim3A_27, %add3A_123, %broadcast_in_dim3A_29, %select_n3A_177, %parallel_loop3A_609], %parallel_loop3A_624 : memref<2x8x1x8x129xf32, #tpu.memory_space<vmem>>[vector<16xi32>, vector<16xi32>, vector<16xi32>, vector<16xi32>, vector<16xi32>], vector<16xf32>,
          %parallel_loop3A_625 = arith.constant 128 : i32
          %parallel_loop3A_626 = arith.addi %parallel_loop3A_625, %parallel_loop3A_581 : i32
          %parallel_loop3A_627 = arith.index_cast %parallel_loop3A_626 : i32 to index
          %parallel_loop3A_628 = arith.constant 48 : index
          %parallel_loop3A_629 = tpu.vector_load %arg8[%parallel_loop3A_627, %parallel_loop3A_628] {strides = array<i32>} : memref<256x64xf32, #tpu.memory_space<vmem>>, vector<16xf32>,
          tpu.vector_store_idx %arg10[%broadcast_in_dim3A_27, %add3A_157, %broadcast_in_dim3A_29, %select_n3A_177, %parallel_loop3A_609], %parallel_loop3A_629 : memref<2x8x1x8x129xf32, #tpu.memory_space<vmem>>[vector<16xi32>, vector<16xi32>, vector<16xi32>, vector<16xi32>, vector<16xi32>], vector<16xf32>,
        } {sc.loop_unroll_factor = 8 : i64, sc.parallel_access}
        %mul3A_559 = arith.constant 2 : i32
        %mul3A_560 = arith.muli %mul3A_559, %add3A_517 : i32
        %dma_start3A_561 = arith.constant 0 : i32
        %dma_start3A_562 = arith.constant 0 : i32
        %dma_start3A_563 = arith.constant 0 : i32
        %dma_start3A_564 = arith.constant 0 : i32
        %dma_start3A_565 = arith.constant 0 : i32
        %dma_start3A_566 = tpu.memref_slice %arg10[%dma_start3A_561, %dma_start3A_562, %dma_start3A_563, %dma_start3A_564, %dma_start3A_565] : memref<2x8x1x8x129xf32, #tpu.memory_space<vmem>> -> memref<2x8x1x8x128xf32, #tpu.memory_space<vmem>>
        %dma_start3A_567 = arith.constant 0 : i32
        %dma_start3A_568 = arith.constant 0 : i32
        %dma_start3A_569 = arith.constant 0 : i32
        %dma_start3A_570 = tpu.memref_slice %arg4[%mul3A_560, %dma_start3A_567, %add3A_213, %dma_start3A_568, %dma_start3A_569] : memref<200x8x128x8x128xf32, #tpu.memory_space<hbm>> -> memref<2x8x1x8x128xf32, #tpu.memory_space<hbm>>
        %dma_start3A_571 = arith.constant 0 : i32
        %dma_start3A_572 = arith.constant 0 : i32
        %dma_start3A_573 = arith.constant 0 : i32
        %dma_start3A_574 = tpu.memref_slice %arg4[%mul3A_560, %dma_start3A_571, %add3A_213, %dma_start3A_572, %dma_start3A_573] : memref<200x8x128x8x128xf32, #tpu.memory_space<hbm>> -> memref<2x8x1x8x128xf32, #tpu.memory_space<hbm>>
        %dma_start3A_575 = arith.constant 0 : i32
        %dma_start3A_576 = arith.constant 0 : i32
        %dma_start3A_577 = arith.constant 0 : i32
        %dma_start3A_578 = arith.constant 0 : i32
        %dma_start3A_579 = arith.constant 0 : i32
        %dma_start3A_580 = tpu.memref_slice %arg10[%dma_start3A_575, %dma_start3A_576, %dma_start3A_577, %dma_start3A_578, %dma_start3A_579] : memref<2x8x1x8x129xf32, #tpu.memory_space<vmem>> -> memref<2x8x1x8x128xf32, #tpu.memory_space<vmem>>
        tpu.enqueue_dma source(%dma_start3A_580 : memref<2x8x1x8x128xf32, #tpu.memory_space<vmem>>) target(%dma_start3A_574 : memref<2x8x1x8x128xf32, #tpu.memory_space<hbm>>) target_semaphore(%arg15 : memref<!tpu.dma_semaphore, #tpu.memory_space<semaphore_mem>>)
      }
      %scan3A_294 = arith.constant 48 : i32
      %dma_wait3A_295 = arith.constant 25088 : i32
      %dma_wait3A_296 = tpu.memref_slice %arg6[%dma_wait3A_295] : memref<25600xi32, #tpu.memory_space<vmem>> -> memref<256xi32, #tpu.memory_space<vmem>>
      %dma_wait3A_297 = arith.constant 0 : i32
      %dma_wait3A_298 = arith.constant 0 : i32
      %dma_wait3A_299 = tpu.memref_slice %arg3[%dma_wait3A_297, %dma_wait3A_298] : memref<100000x64xf32, #tpu.memory_space<hbm>> -> memref<100000x64xf32, #tpu.memory_space<hbm>>
      tpu.wait_indirect_dma semaphore(%arg12 : memref<!tpu.dma_semaphore, #tpu.memory_space<semaphore_mem>>) src(%dma_wait3A_299 : memref<100000x64xf32, #tpu.memory_space<hbm>>) dst(%arg7 : memref<256x64xf32, #tpu.memory_space<vmem>>)
      %dma_start3A_300 = arith.constant 25344 : i32
      %dma_start3A_301 = tpu.memref_slice %arg6[%dma_start3A_300] : memref<25600xi32, #tpu.memory_space<vmem>> -> memref<256xi32, #tpu.memory_space<vmem>>
      %dma_start3A_302 = arith.constant 0 : i32
      %dma_start3A_303 = arith.constant 0 : i32
      %dma_start3A_304 = tpu.memref_slice %arg3[%dma_start3A_302, %dma_start3A_303] : memref<100000x64xf32, #tpu.memory_space<hbm>> -> memref<100000x64xf32, #tpu.memory_space<hbm>>
      tpu.enqueue_indirect_dma source(%dma_start3A_304 : memref<100000x64xf32, #tpu.memory_space<hbm>>) target(%arg8 : memref<256x64xf32, #tpu.memory_space<vmem>>) offsets(%dma_start3A_301 : memref<256xi32, #tpu.memory_space<vmem>>) semaphore(%arg13 : memref<!tpu.dma_semaphore, #tpu.memory_space<semaphore_mem>>)
      %dma_wait3A_305 = arith.constant 0 : i32
      %dma_wait3A_306 = arith.constant 0 : i32
      %dma_wait3A_307 = arith.constant 0 : i32
      %dma_wait3A_308 = arith.constant 0 : i32
      %dma_wait3A_309 = arith.constant 0 : i32
      %dma_wait3A_310 = tpu.memref_slice %arg9[%dma_wait3A_305, %dma_wait3A_306, %dma_wait3A_307, %dma_wait3A_308, %dma_wait3A_309] : memref<2x8x1x8x129xf32, #tpu.memory_space<vmem>> -> memref<2x8x1x8x128xf32, #tpu.memory_space<vmem>>
      %dma_wait3A_311 = arith.constant 192 : i32
      %dma_wait3A_312 = arith.constant 0 : i32
      %dma_wait3A_313 = arith.constant 0 : i32
      %dma_wait3A_314 = arith.constant 0 : i32
      %dma_wait3A_315 = tpu.memref_slice %arg4[%dma_wait3A_311, %dma_wait3A_312, %add3A_213, %dma_wait3A_313, %dma_wait3A_314] : memref<200x8x128x8x128xf32, #tpu.memory_space<hbm>> -> memref<2x8x1x8x128xf32, #tpu.memory_space<hbm>>
      %dma_wait3A_316 = arith.constant 192 : i32
      %dma_wait3A_317 = arith.constant 0 : i32
      %dma_wait3A_318 = arith.constant 0 : i32
      %dma_wait3A_319 = arith.constant 0 : i32
      %dma_wait3A_320 = tpu.memref_slice %arg4[%dma_wait3A_316, %dma_wait3A_317, %add3A_213, %dma_wait3A_318, %dma_wait3A_319] : memref<200x8x128x8x128xf32, #tpu.memory_space<hbm>> -> memref<2x8x1x8x128xf32, #tpu.memory_space<hbm>>
      %dma_wait3A_321 = arith.constant 0 : i32
      %dma_wait3A_322 = arith.constant 0 : i32
      %dma_wait3A_323 = arith.constant 0 : i32
      %dma_wait3A_324 = arith.constant 0 : i32
      %dma_wait3A_325 = arith.constant 0 : i32
      %dma_wait3A_326 = tpu.memref_slice %arg9[%dma_wait3A_321, %dma_wait3A_322, %dma_wait3A_323, %dma_wait3A_324, %dma_wait3A_325] : memref<2x8x1x8x129xf32, #tpu.memory_space<vmem>> -> memref<2x8x1x8x128xf32, #tpu.memory_space<vmem>>
      tpu.wait_dma2 semaphore(%arg14 : memref<!tpu.dma_semaphore, #tpu.memory_space<semaphore_mem>>) src(%dma_wait3A_326 : memref<2x8x1x8x128xf32, #tpu.memory_space<vmem>>) dst(%dma_wait3A_320 : memref<2x8x1x8x128xf32, #tpu.memory_space<hbm>>)
      %parallel_loop3A_327 = arith.constant 0 : i32
      %parallel_loop3A_328 = arith.constant 128 : i32
      %parallel_loop3A_329 = arith.constant 1 : i32
      scf.for %parallel_loop3A_448 = %parallel_loop3A_327 to %parallel_loop3A_328 step %parallel_loop3A_329  : i32 {
        %parallel_loop3A_449 = arith.constant 0 : i32
        %parallel_loop3A_450 = vector.broadcast %parallel_loop3A_449 : i32 to vector<16xi32>
        %parallel_loop3A_451 = vector.broadcast %parallel_loop3A_448 : i32 to vector<16xi32>
        %parallel_loop3A_452 = arith.addi %parallel_loop3A_450, %parallel_loop3A_451 : vector<16xi32>
        %parallel_loop3A_453 = arith.constant 0 : i32
        %parallel_loop3A_454 = arith.addi %parallel_loop3A_453, %parallel_loop3A_448 : i32
        %parallel_loop3A_455 = arith.index_cast %parallel_loop3A_454 : i32 to index
        %parallel_loop3A_456 = arith.constant 0 : index
        %parallel_loop3A_457 = tpu.vector_load %arg7[%parallel_loop3A_455, %parallel_loop3A_456] {strides = array<i32>} : memref<256x64xf32, #tpu.memory_space<vmem>>, vector<16xf32>,
        tpu.vector_store_idx %arg9[%broadcast_in_dim3A_25, %add3A_55, %broadcast_in_dim3A_29, %select_n3A_177, %parallel_loop3A_452], %parallel_loop3A_457 : memref<2x8x1x8x129xf32, #tpu.memory_space<vmem>>[vector<16xi32>, vector<16xi32>, vector<16xi32>, vector<16xi32>, vector<16xi32>], vector<16xf32>,
        %parallel_loop3A_458 = arith.constant 0 : i32
        %parallel_loop3A_459 = arith.addi %parallel_loop3A_458, %parallel_loop3A_448 : i32
        %parallel_loop3A_460 = arith.index_cast %parallel_loop3A_459 : i32 to index
        %parallel_loop3A_461 = arith.constant 16 : index
        %parallel_loop3A_462 = tpu.vector_load %arg7[%parallel_loop3A_460, %parallel_loop3A_461] {strides = array<i32>} : memref<256x64xf32, #tpu.memory_space<vmem>>, vector<16xf32>,
        tpu.vector_store_idx %arg9[%broadcast_in_dim3A_25, %add3A_89, %broadcast_in_dim3A_29, %select_n3A_177, %parallel_loop3A_452], %parallel_loop3A_462 : memref<2x8x1x8x129xf32, #tpu.memory_space<vmem>>[vector<16xi32>, vector<16xi32>, vector<16xi32>, vector<16xi32>, vector<16xi32>], vector<16xf32>,
        %parallel_loop3A_463 = arith.constant 0 : i32
        %parallel_loop3A_464 = arith.addi %parallel_loop3A_463, %parallel_loop3A_448 : i32
        %parallel_loop3A_465 = arith.index_cast %parallel_loop3A_464 : i32 to index
        %parallel_loop3A_466 = arith.constant 32 : index
        %parallel_loop3A_467 = tpu.vector_load %arg7[%parallel_loop3A_465, %parallel_loop3A_466] {strides = array<i32>} : memref<256x64xf32, #tpu.memory_space<vmem>>, vector<16xf32>,
        tpu.vector_store_idx %arg9[%broadcast_in_dim3A_25, %add3A_123, %broadcast_in_dim3A_29, %select_n3A_177, %parallel_loop3A_452], %parallel_loop3A_467 : memref<2x8x1x8x129xf32, #tpu.memory_space<vmem>>[vector<16xi32>, vector<16xi32>, vector<16xi32>, vector<16xi32>, vector<16xi32>], vector<16xf32>,
        %parallel_loop3A_468 = arith.constant 0 : i32
        %parallel_loop3A_469 = arith.addi %parallel_loop3A_468, %parallel_loop3A_448 : i32
        %parallel_loop3A_470 = arith.index_cast %parallel_loop3A_469 : i32 to index
        %parallel_loop3A_471 = arith.constant 48 : index
        %parallel_loop3A_472 = tpu.vector_load %arg7[%parallel_loop3A_470, %parallel_loop3A_471] {strides = array<i32>} : memref<256x64xf32, #tpu.memory_space<vmem>>, vector<16xf32>,
        tpu.vector_store_idx %arg9[%broadcast_in_dim3A_25, %add3A_157, %broadcast_in_dim3A_29, %select_n3A_177, %parallel_loop3A_452], %parallel_loop3A_472 : memref<2x8x1x8x129xf32, #tpu.memory_space<vmem>>[vector<16xi32>, vector<16xi32>, vector<16xi32>, vector<16xi32>, vector<16xi32>], vector<16xf32>,
        %parallel_loop3A_473 = arith.constant 0 : i32
        %parallel_loop3A_474 = vector.broadcast %parallel_loop3A_473 : i32 to vector<16xi32>
        %parallel_loop3A_475 = vector.broadcast %parallel_loop3A_448 : i32 to vector<16xi32>
        %parallel_loop3A_476 = arith.addi %parallel_loop3A_474, %parallel_loop3A_475 : vector<16xi32>
        %parallel_loop3A_477 = arith.constant 128 : i32
        %parallel_loop3A_478 = arith.addi %parallel_loop3A_477, %parallel_loop3A_448 : i32
        %parallel_loop3A_479 = arith.index_cast %parallel_loop3A_478 : i32 to index
        %parallel_loop3A_480 = arith.constant 0 : index
        %parallel_loop3A_481 = tpu.vector_load %arg7[%parallel_loop3A_479, %parallel_loop3A_480] {strides = array<i32>} : memref<256x64xf32, #tpu.memory_space<vmem>>, vector<16xf32>,
        tpu.vector_store_idx %arg9[%broadcast_in_dim3A_27, %add3A_55, %broadcast_in_dim3A_29, %select_n3A_177, %parallel_loop3A_476], %parallel_loop3A_481 : memref<2x8x1x8x129xf32, #tpu.memory_space<vmem>>[vector<16xi32>, vector<16xi32>, vector<16xi32>, vector<16xi32>, vector<16xi32>], vector<16xf32>,
        %parallel_loop3A_482 = arith.constant 128 : i32
        %parallel_loop3A_483 = arith.addi %parallel_loop3A_482, %parallel_loop3A_448 : i32
        %parallel_loop3A_484 = arith.index_cast %parallel_loop3A_483 : i32 to index
        %parallel_loop3A_485 = arith.constant 16 : index
        %parallel_loop3A_486 = tpu.vector_load %arg7[%parallel_loop3A_484, %parallel_loop3A_485] {strides = array<i32>} : memref<256x64xf32, #tpu.memory_space<vmem>>, vector<16xf32>,
        tpu.vector_store_idx %arg9[%broadcast_in_dim3A_27, %add3A_89, %broadcast_in_dim3A_29, %select_n3A_177, %parallel_loop3A_476], %parallel_loop3A_486 : memref<2x8x1x8x129xf32, #tpu.memory_space<vmem>>[vector<16xi32>, vector<16xi32>, vector<16xi32>, vector<16xi32>, vector<16xi32>], vector<16xf32>,
        %parallel_loop3A_487 = arith.constant 128 : i32
        %parallel_loop3A_488 = arith.addi %parallel_loop3A_487, %parallel_loop3A_448 : i32
        %parallel_loop3A_489 = arith.index_cast %parallel_loop3A_488 : i32 to index
        %parallel_loop3A_490 = arith.constant 32 : index
        %parallel_loop3A_491 = tpu.vector_load %arg7[%parallel_loop3A_489, %parallel_loop3A_490] {strides = array<i32>} : memref<256x64xf32, #tpu.memory_space<vmem>>, vector<16xf32>,
        tpu.vector_store_idx %arg9[%broadcast_in_dim3A_27, %add3A_123, %broadcast_in_dim3A_29, %select_n3A_177, %parallel_loop3A_476], %parallel_loop3A_491 : memref<2x8x1x8x129xf32, #tpu.memory_space<vmem>>[vector<16xi32>, vector<16xi32>, vector<16xi32>, vector<16xi32>, vector<16xi32>], vector<16xf32>,
        %parallel_loop3A_492 = arith.constant 128 : i32
        %parallel_loop3A_493 = arith.addi %parallel_loop3A_492, %parallel_loop3A_448 : i32
        %parallel_loop3A_494 = arith.index_cast %parallel_loop3A_493 : i32 to index
        %parallel_loop3A_495 = arith.constant 48 : index
        %parallel_loop3A_496 = tpu.vector_load %arg7[%parallel_loop3A_494, %parallel_loop3A_495] {strides = array<i32>} : memref<256x64xf32, #tpu.memory_space<vmem>>, vector<16xf32>,
        tpu.vector_store_idx %arg9[%broadcast_in_dim3A_27, %add3A_157, %broadcast_in_dim3A_29, %select_n3A_177, %parallel_loop3A_476], %parallel_loop3A_496 : memref<2x8x1x8x129xf32, #tpu.memory_space<vmem>>[vector<16xi32>, vector<16xi32>, vector<16xi32>, vector<16xi32>, vector<16xi32>], vector<16xf32>,
      } {sc.loop_unroll_factor = 8 : i64, sc.parallel_access}
      %dma_start3A_330 = arith.constant 0 : i32
      %dma_start3A_331 = arith.constant 0 : i32
      %dma_start3A_332 = arith.constant 0 : i32
      %dma_start3A_333 = arith.constant 0 : i32
      %dma_start3A_334 = arith.constant 0 : i32
      %dma_start3A_335 = tpu.memref_slice %arg9[%dma_start3A_330, %dma_start3A_331, %dma_start3A_332, %dma_start3A_333, %dma_start3A_334] : memref<2x8x1x8x129xf32, #tpu.memory_space<vmem>> -> memref<2x8x1x8x128xf32, #tpu.memory_space<vmem>>
      %dma_start3A_336 = arith.constant 196 : i32
      %dma_start3A_337 = arith.constant 0 : i32
      %dma_start3A_338 = arith.constant 0 : i32
      %dma_start3A_339 = arith.constant 0 : i32
      %dma_start3A_340 = tpu.memref_slice %arg4[%dma_start3A_336, %dma_start3A_337, %add3A_213, %dma_start3A_338, %dma_start3A_339] : memref<200x8x128x8x128xf32, #tpu.memory_space<hbm>> -> memref<2x8x1x8x128xf32, #tpu.memory_space<hbm>>
      %dma_start3A_341 = arith.constant 196 : i32
      %dma_start3A_342 = arith.constant 0 : i32
      %dma_start3A_343 = arith.constant 0 : i32
      %dma_start3A_344 = arith.constant 0 : i32
      %dma_start3A_345 = tpu.memref_slice %arg4[%dma_start3A_341, %dma_start3A_342, %add3A_213, %dma_start3A_343, %dma_start3A_344] : memref<200x8x128x8x128xf32, #tpu.memory_space<hbm>> -> memref<2x8x1x8x128xf32, #tpu.memory_space<hbm>>
      %dma_start3A_346 = arith.constant 0 : i32
      %dma_start3A_347 = arith.constant 0 : i32
      %dma_start3A_348 = arith.constant 0 : i32
      %dma_start3A_349 = arith.constant 0 : i32
      %dma_start3A_350 = arith.constant 0 : i32
      %dma_start3A_351 = tpu.memref_slice %arg9[%dma_start3A_346, %dma_start3A_347, %dma_start3A_348, %dma_start3A_349, %dma_start3A_350] : memref<2x8x1x8x129xf32, #tpu.memory_space<vmem>> -> memref<2x8x1x8x128xf32, #tpu.memory_space<vmem>>
      tpu.enqueue_dma source(%dma_start3A_351 : memref<2x8x1x8x128xf32, #tpu.memory_space<vmem>>) target(%dma_start3A_345 : memref<2x8x1x8x128xf32, #tpu.memory_space<hbm>>) target_semaphore(%arg14 : memref<!tpu.dma_semaphore, #tpu.memory_space<semaphore_mem>>)
      %dma_wait3A_352 = arith.constant 25344 : i32
      %dma_wait3A_353 = tpu.memref_slice %arg6[%dma_wait3A_352] : memref<25600xi32, #tpu.memory_space<vmem>> -> memref<256xi32, #tpu.memory_space<vmem>>
      %dma_wait3A_354 = arith.constant 0 : i32
      %dma_wait3A_355 = arith.constant 0 : i32
      %dma_wait3A_356 = tpu.memref_slice %arg3[%dma_wait3A_354, %dma_wait3A_355] : memref<100000x64xf32, #tpu.memory_space<hbm>> -> memref<100000x64xf32, #tpu.memory_space<hbm>>
      tpu.wait_indirect_dma semaphore(%arg13 : memref<!tpu.dma_semaphore, #tpu.memory_space<semaphore_mem>>) src(%dma_wait3A_356 : memref<100000x64xf32, #tpu.memory_space<hbm>>) dst(%arg8 : memref<256x64xf32, #tpu.memory_space<vmem>>)
      %dma_wait3A_357 = arith.constant 0 : i32
      %dma_wait3A_358 = arith.constant 0 : i32
      %dma_wait3A_359 = arith.constant 0 : i32
      %dma_wait3A_360 = arith.constant 0 : i32
      %dma_wait3A_361 = arith.constant 0 : i32
      %dma_wait3A_362 = tpu.memref_slice %arg10[%dma_wait3A_357, %dma_wait3A_358, %dma_wait3A_359, %dma_wait3A_360, %dma_wait3A_361] : memref<2x8x1x8x129xf32, #tpu.memory_space<vmem>> -> memref<2x8x1x8x128xf32, #tpu.memory_space<vmem>>
      %dma_wait3A_363 = arith.constant 194 : i32
      %dma_wait3A_364 = arith.constant 0 : i32
      %dma_wait3A_365 = arith.constant 0 : i32
      %dma_wait3A_366 = arith.constant 0 : i32
      %dma_wait3A_367 = tpu.memref_slice %arg4[%dma_wait3A_363, %dma_wait3A_364, %add3A_213, %dma_wait3A_365, %dma_wait3A_366] : memref<200x8x128x8x128xf32, #tpu.memory_space<hbm>> -> memref<2x8x1x8x128xf32, #tpu.memory_space<hbm>>
      %dma_wait3A_368 = arith.constant 194 : i32
      %dma_wait3A_369 = arith.constant 0 : i32
      %dma_wait3A_370 = arith.constant 0 : i32
      %dma_wait3A_371 = arith.constant 0 : i32
      %dma_wait3A_372 = tpu.memref_slice %arg4[%dma_wait3A_368, %dma_wait3A_369, %add3A_213, %dma_wait3A_370, %dma_wait3A_371] : memref<200x8x128x8x128xf32, #tpu.memory_space<hbm>> -> memref<2x8x1x8x128xf32, #tpu.memory_space<hbm>>
      %dma_wait3A_373 = arith.constant 0 : i32
      %dma_wait3A_374 = arith.constant 0 : i32
      %dma_wait3A_375 = arith.constant 0 : i32
      %dma_wait3A_376 = arith.constant 0 : i32
      %dma_wait3A_377 = arith.constant 0 : i32
      %dma_wait3A_378 = tpu.memref_slice %arg10[%dma_wait3A_373, %dma_wait3A_374, %dma_wait3A_375, %dma_wait3A_376, %dma_wait3A_377] : memref<2x8x1x8x129xf32, #tpu.memory_space<vmem>> -> memref<2x8x1x8x128xf32, #tpu.memory_space<vmem>>
      tpu.wait_dma2 semaphore(%arg15 : memref<!tpu.dma_semaphore, #tpu.memory_space<semaphore_mem>>) src(%dma_wait3A_378 : memref<2x8x1x8x128xf32, #tpu.memory_space<vmem>>) dst(%dma_wait3A_372 : memref<2x8x1x8x128xf32, #tpu.memory_space<hbm>>)
      %parallel_loop3A_379 = arith.constant 0 : i32
      %parallel_loop3A_380 = arith.constant 128 : i32
      %parallel_loop3A_381 = arith.constant 1 : i32
      scf.for %parallel_loop3A_448 = %parallel_loop3A_379 to %parallel_loop3A_380 step %parallel_loop3A_381  : i32 {
        %parallel_loop3A_449 = arith.constant 0 : i32
        %parallel_loop3A_450 = vector.broadcast %parallel_loop3A_449 : i32 to vector<16xi32>
        %parallel_loop3A_451 = vector.broadcast %parallel_loop3A_448 : i32 to vector<16xi32>
        %parallel_loop3A_452 = arith.addi %parallel_loop3A_450, %parallel_loop3A_451 : vector<16xi32>
        %parallel_loop3A_453 = arith.constant 0 : i32
        %parallel_loop3A_454 = arith.addi %parallel_loop3A_453, %parallel_loop3A_448 : i32
        %parallel_loop3A_455 = arith.index_cast %parallel_loop3A_454 : i32 to index
        %parallel_loop3A_456 = arith.constant 0 : index
        %parallel_loop3A_457 = tpu.vector_load %arg8[%parallel_loop3A_455, %parallel_loop3A_456] {strides = array<i32>} : memref<256x64xf32, #tpu.memory_space<vmem>>, vector<16xf32>,
        tpu.vector_store_idx %arg10[%broadcast_in_dim3A_25, %add3A_55, %broadcast_in_dim3A_29, %select_n3A_177, %parallel_loop3A_452], %parallel_loop3A_457 : memref<2x8x1x8x129xf32, #tpu.memory_space<vmem>>[vector<16xi32>, vector<16xi32>, vector<16xi32>, vector<16xi32>, vector<16xi32>], vector<16xf32>,
        %parallel_loop3A_458 = arith.constant 0 : i32
        %parallel_loop3A_459 = arith.addi %parallel_loop3A_458, %parallel_loop3A_448 : i32
        %parallel_loop3A_460 = arith.index_cast %parallel_loop3A_459 : i32 to index
        %parallel_loop3A_461 = arith.constant 16 : index
        %parallel_loop3A_462 = tpu.vector_load %arg8[%parallel_loop3A_460, %parallel_loop3A_461] {strides = array<i32>} : memref<256x64xf32, #tpu.memory_space<vmem>>, vector<16xf32>,
        tpu.vector_store_idx %arg10[%broadcast_in_dim3A_25, %add3A_89, %broadcast_in_dim3A_29, %select_n3A_177, %parallel_loop3A_452], %parallel_loop3A_462 : memref<2x8x1x8x129xf32, #tpu.memory_space<vmem>>[vector<16xi32>, vector<16xi32>, vector<16xi32>, vector<16xi32>, vector<16xi32>], vector<16xf32>,
        %parallel_loop3A_463 = arith.constant 0 : i32
        %parallel_loop3A_464 = arith.addi %parallel_loop3A_463, %parallel_loop3A_448 : i32
        %parallel_loop3A_465 = arith.index_cast %parallel_loop3A_464 : i32 to index
        %parallel_loop3A_466 = arith.constant 32 : index
        %parallel_loop3A_467 = tpu.vector_load %arg8[%parallel_loop3A_465, %parallel_loop3A_466] {strides = array<i32>} : memref<256x64xf32, #tpu.memory_space<vmem>>, vector<16xf32>,
        tpu.vector_store_idx %arg10[%broadcast_in_dim3A_25, %add3A_123, %broadcast_in_dim3A_29, %select_n3A_177, %parallel_loop3A_452], %parallel_loop3A_467 : memref<2x8x1x8x129xf32, #tpu.memory_space<vmem>>[vector<16xi32>, vector<16xi32>, vector<16xi32>, vector<16xi32>, vector<16xi32>], vector<16xf32>,
        %parallel_loop3A_468 = arith.constant 0 : i32
        %parallel_loop3A_469 = arith.addi %parallel_loop3A_468, %parallel_loop3A_448 : i32
        %parallel_loop3A_470 = arith.index_cast %parallel_loop3A_469 : i32 to index
        %parallel_loop3A_471 = arith.constant 48 : index
        %parallel_loop3A_472 = tpu.vector_load %arg8[%parallel_loop3A_470, %parallel_loop3A_471] {strides = array<i32>} : memref<256x64xf32, #tpu.memory_space<vmem>>, vector<16xf32>,
        tpu.vector_store_idx %arg10[%broadcast_in_dim3A_25, %add3A_157, %broadcast_in_dim3A_29, %select_n3A_177, %parallel_loop3A_452], %parallel_loop3A_472 : memref<2x8x1x8x129xf32, #tpu.memory_space<vmem>>[vector<16xi32>, vector<16xi32>, vector<16xi32>, vector<16xi32>, vector<16xi32>], vector<16xf32>,
        %parallel_loop3A_473 = arith.constant 0 : i32
        %parallel_loop3A_474 = vector.broadcast %parallel_loop3A_473 : i32 to vector<16xi32>
        %parallel_loop3A_475 = vector.broadcast %parallel_loop3A_448 : i32 to vector<16xi32>
        %parallel_loop3A_476 = arith.addi %parallel_loop3A_474, %parallel_loop3A_475 : vector<16xi32>
        %parallel_loop3A_477 = arith.constant 128 : i32
        %parallel_loop3A_478 = arith.addi %parallel_loop3A_477, %parallel_loop3A_448 : i32
        %parallel_loop3A_479 = arith.index_cast %parallel_loop3A_478 : i32 to index
        %parallel_loop3A_480 = arith.constant 0 : index
        %parallel_loop3A_481 = tpu.vector_load %arg8[%parallel_loop3A_479, %parallel_loop3A_480] {strides = array<i32>} : memref<256x64xf32, #tpu.memory_space<vmem>>, vector<16xf32>,
        tpu.vector_store_idx %arg10[%broadcast_in_dim3A_27, %add3A_55, %broadcast_in_dim3A_29, %select_n3A_177, %parallel_loop3A_476], %parallel_loop3A_481 : memref<2x8x1x8x129xf32, #tpu.memory_space<vmem>>[vector<16xi32>, vector<16xi32>, vector<16xi32>, vector<16xi32>, vector<16xi32>], vector<16xf32>,
        %parallel_loop3A_482 = arith.constant 128 : i32
        %parallel_loop3A_483 = arith.addi %parallel_loop3A_482, %parallel_loop3A_448 : i32
        %parallel_loop3A_484 = arith.index_cast %parallel_loop3A_483 : i32 to index
        %parallel_loop3A_485 = arith.constant 16 : index
        %parallel_loop3A_486 = tpu.vector_load %arg8[%parallel_loop3A_484, %parallel_loop3A_485] {strides = array<i32>} : memref<256x64xf32, #tpu.memory_space<vmem>>, vector<16xf32>,
        tpu.vector_store_idx %arg10[%broadcast_in_dim3A_27, %add3A_89, %broadcast_in_dim3A_29, %select_n3A_177, %parallel_loop3A_476], %parallel_loop3A_486 : memref<2x8x1x8x129xf32, #tpu.memory_space<vmem>>[vector<16xi32>, vector<16xi32>, vector<16xi32>, vector<16xi32>, vector<16xi32>], vector<16xf32>,
        %parallel_loop3A_487 = arith.constant 128 : i32
        %parallel_loop3A_488 = arith.addi %parallel_loop3A_487, %parallel_loop3A_448 : i32
        %parallel_loop3A_489 = arith.index_cast %parallel_loop3A_488 : i32 to index
        %parallel_loop3A_490 = arith.constant 32 : index
        %parallel_loop3A_491 = tpu.vector_load %arg8[%parallel_loop3A_489, %parallel_loop3A_490] {strides = array<i32>} : memref<256x64xf32, #tpu.memory_space<vmem>>, vector<16xf32>,
        tpu.vector_store_idx %arg10[%broadcast_in_dim3A_27, %add3A_123, %broadcast_in_dim3A_29, %select_n3A_177, %parallel_loop3A_476], %parallel_loop3A_491 : memref<2x8x1x8x129xf32, #tpu.memory_space<vmem>>[vector<16xi32>, vector<16xi32>, vector<16xi32>, vector<16xi32>, vector<16xi32>], vector<16xf32>,
        %parallel_loop3A_492 = arith.constant 128 : i32
        %parallel_loop3A_493 = arith.addi %parallel_loop3A_492, %parallel_loop3A_448 : i32
        %parallel_loop3A_494 = arith.index_cast %parallel_loop3A_493 : i32 to index
        %parallel_loop3A_495 = arith.constant 48 : index
        %parallel_loop3A_496 = tpu.vector_load %arg8[%parallel_loop3A_494, %parallel_loop3A_495] {strides = array<i32>} : memref<256x64xf32, #tpu.memory_space<vmem>>, vector<16xf32>,
        tpu.vector_store_idx %arg10[%broadcast_in_dim3A_27, %add3A_157, %broadcast_in_dim3A_29, %select_n3A_177, %parallel_loop3A_476], %parallel_loop3A_496 : memref<2x8x1x8x129xf32, #tpu.memory_space<vmem>>[vector<16xi32>, vector<16xi32>, vector<16xi32>, vector<16xi32>, vector<16xi32>], vector<16xf32>,
      } {sc.loop_unroll_factor = 8 : i64, sc.parallel_access}
      %dma_start3A_382 = arith.constant 0 : i32
      %dma_start3A_383 = arith.constant 0 : i32
      %dma_start3A_384 = arith.constant 0 : i32
      %dma_start3A_385 = arith.constant 0 : i32
      %dma_start3A_386 = arith.constant 0 : i32
      %dma_start3A_387 = tpu.memref_slice %arg10[%dma_start3A_382, %dma_start3A_383, %dma_start3A_384, %dma_start3A_385, %dma_start3A_386] : memref<2x8x1x8x129xf32, #tpu.memory_space<vmem>> -> memref<2x8x1x8x128xf32, #tpu.memory_space<vmem>>
      %dma_start3A_388 = arith.constant 198 : i32
      %dma_start3A_389 = arith.constant 0 : i32
      %dma_start3A_390 = arith.constant 0 : i32
      %dma_start3A_391 = arith.constant 0 : i32
      %dma_start3A_392 = tpu.memref_slice %arg4[%dma_start3A_388, %dma_start3A_389, %add3A_213, %dma_start3A_390, %dma_start3A_391] : memref<200x8x128x8x128xf32, #tpu.memory_space<hbm>> -> memref<2x8x1x8x128xf32, #tpu.memory_space<hbm>>
      %dma_start3A_393 = arith.constant 198 : i32
      %dma_start3A_394 = arith.constant 0 : i32
      %dma_start3A_395 = arith.constant 0 : i32
      %dma_start3A_396 = arith.constant 0 : i32
      %dma_start3A_397 = tpu.memref_slice %arg4[%dma_start3A_393, %dma_start3A_394, %add3A_213, %dma_start3A_395, %dma_start3A_396] : memref<200x8x128x8x128xf32, #tpu.memory_space<hbm>> -> memref<2x8x1x8x128xf32, #tpu.memory_space<hbm>>
      %dma_start3A_398 = arith.constant 0 : i32
      %dma_start3A_399 = arith.constant 0 : i32
      %dma_start3A_400 = arith.constant 0 : i32
      %dma_start3A_401 = arith.constant 0 : i32
      %dma_start3A_402 = arith.constant 0 : i32
      %dma_start3A_403 = tpu.memref_slice %arg10[%dma_start3A_398, %dma_start3A_399, %dma_start3A_400, %dma_start3A_401, %dma_start3A_402] : memref<2x8x1x8x129xf32, #tpu.memory_space<vmem>> -> memref<2x8x1x8x128xf32, #tpu.memory_space<vmem>>
      tpu.enqueue_dma source(%dma_start3A_403 : memref<2x8x1x8x128xf32, #tpu.memory_space<vmem>>) target(%dma_start3A_397 : memref<2x8x1x8x128xf32, #tpu.memory_space<hbm>>) target_semaphore(%arg15 : memref<!tpu.dma_semaphore, #tpu.memory_space<semaphore_mem>>)
      %dma_wait3A_404 = arith.constant 0 : i32
      %dma_wait3A_405 = arith.constant 0 : i32
      %dma_wait3A_406 = arith.constant 0 : i32
      %dma_wait3A_407 = arith.constant 0 : i32
      %dma_wait3A_408 = arith.constant 0 : i32
      %dma_wait3A_409 = tpu.memref_slice %arg9[%dma_wait3A_404, %dma_wait3A_405, %dma_wait3A_406, %dma_wait3A_407, %dma_wait3A_408] : memref<2x8x1x8x129xf32, #tpu.memory_space<vmem>> -> memref<2x8x1x8x128xf32, #tpu.memory_space<vmem>>
      %dma_wait3A_410 = arith.constant 196 : i32
      %dma_wait3A_411 = arith.constant 0 : i32
      %dma_wait3A_412 = arith.constant 0 : i32
      %dma_wait3A_413 = arith.constant 0 : i32
      %dma_wait3A_414 = tpu.memref_slice %arg4[%dma_wait3A_410, %dma_wait3A_411, %add3A_213, %dma_wait3A_412, %dma_wait3A_413] : memref<200x8x128x8x128xf32, #tpu.memory_space<hbm>> -> memref<2x8x1x8x128xf32, #tpu.memory_space<hbm>>
      %dma_wait3A_415 = arith.constant 196 : i32
      %dma_wait3A_416 = arith.constant 0 : i32
      %dma_wait3A_417 = arith.constant 0 : i32
      %dma_wait3A_418 = arith.constant 0 : i32
      %dma_wait3A_419 = tpu.memref_slice %arg4[%dma_wait3A_415, %dma_wait3A_416, %add3A_213, %dma_wait3A_417, %dma_wait3A_418] : memref<200x8x128x8x128xf32, #tpu.memory_space<hbm>> -> memref<2x8x1x8x128xf32, #tpu.memory_space<hbm>>
      %dma_wait3A_420 = arith.constant 0 : i32
      %dma_wait3A_421 = arith.constant 0 : i32
      %dma_wait3A_422 = arith.constant 0 : i32
      %dma_wait3A_423 = arith.constant 0 : i32
      %dma_wait3A_424 = arith.constant 0 : i32
      %dma_wait3A_425 = tpu.memref_slice %arg9[%dma_wait3A_420, %dma_wait3A_421, %dma_wait3A_422, %dma_wait3A_423, %dma_wait3A_424] : memref<2x8x1x8x129xf32, #tpu.memory_space<vmem>> -> memref<2x8x1x8x128xf32, #tpu.memory_space<vmem>>
      tpu.wait_dma2 semaphore(%arg14 : memref<!tpu.dma_semaphore, #tpu.memory_space<semaphore_mem>>) src(%dma_wait3A_425 : memref<2x8x1x8x128xf32, #tpu.memory_space<vmem>>) dst(%dma_wait3A_419 : memref<2x8x1x8x128xf32, #tpu.memory_space<hbm>>)
      %dma_wait3A_426 = arith.constant 0 : i32
      %dma_wait3A_427 = arith.constant 0 : i32
      %dma_wait3A_428 = arith.constant 0 : i32
      %dma_wait3A_429 = arith.constant 0 : i32
      %dma_wait3A_430 = arith.constant 0 : i32
      %dma_wait3A_431 = tpu.memref_slice %arg10[%dma_wait3A_426, %dma_wait3A_427, %dma_wait3A_428, %dma_wait3A_429, %dma_wait3A_430] : memref<2x8x1x8x129xf32, #tpu.memory_space<vmem>> -> memref<2x8x1x8x128xf32, #tpu.memory_space<vmem>>
      %dma_wait3A_432 = arith.constant 198 : i32
      %dma_wait3A_433 = arith.constant 0 : i32
      %dma_wait3A_434 = arith.constant 0 : i32
      %dma_wait3A_435 = arith.constant 0 : i32
      %dma_wait3A_436 = tpu.memref_slice %arg4[%dma_wait3A_432, %dma_wait3A_433, %add3A_213, %dma_wait3A_434, %dma_wait3A_435] : memref<200x8x128x8x128xf32, #tpu.memory_space<hbm>> -> memref<2x8x1x8x128xf32, #tpu.memory_space<hbm>>
      %dma_wait3A_437 = arith.constant 198 : i32
      %dma_wait3A_438 = arith.constant 0 : i32
      %dma_wait3A_439 = arith.constant 0 : i32
      %dma_wait3A_440 = arith.constant 0 : i32
      %dma_wait3A_441 = tpu.memref_slice %arg4[%dma_wait3A_437, %dma_wait3A_438, %add3A_213, %dma_wait3A_439, %dma_wait3A_440] : memref<200x8x128x8x128xf32, #tpu.memory_space<hbm>> -> memref<2x8x1x8x128xf32, #tpu.memory_space<hbm>>
      %dma_wait3A_442 = arith.constant 0 : i32
      %dma_wait3A_443 = arith.constant 0 : i32
      %dma_wait3A_444 = arith.constant 0 : i32
      %dma_wait3A_445 = arith.constant 0 : i32
      %dma_wait3A_446 = arith.constant 0 : i32
      %dma_wait3A_447 = tpu.memref_slice %arg10[%dma_wait3A_442, %dma_wait3A_443, %dma_wait3A_444, %dma_wait3A_445, %dma_wait3A_446] : memref<2x8x1x8x129xf32, #tpu.memory_space<vmem>> -> memref<2x8x1x8x128xf32, #tpu.memory_space<vmem>>
      tpu.wait_dma2 semaphore(%arg15 : memref<!tpu.dma_semaphore, #tpu.memory_space<semaphore_mem>>) src(%dma_wait3A_447 : memref<2x8x1x8x128xf32, #tpu.memory_space<vmem>>) dst(%dma_wait3A_441 : memref<2x8x1x8x128xf32, #tpu.memory_space<hbm>>)
    }
    %scan3A_191 = arith.constant 4 : i32
    return
  }
}

</mosaic_0001>

<sc_bundles>
// kernel: kernel.3.cloned.1.call-start
scs
__scs_entry_jumppad:
0x0: {  	(pc) =	sbr.rel $0x88, $3  }
0x1: {  	(tag) =	ssettag $0x0;
	lr =	simm.s32 $0x1  }
0x2: {  	[smem:$0x3F9F] =	sst lr;
	_ =	strace $0xD0000000  }
0x3: {  	_ = 	snop  }
0x4: {  	_ = 	snop  }
0x5: {  	_ = 	snop  }
0x6: {  	_ = 	snop  }
0x7: {  	_ = 	snop  }
__scs_overlays_trampoline_lowered:
0x8: {  	[smem:$0x3FAE] =	sst s0  }
0x9: {  	[smem:$0x3FAF] =	sst s1  }
0xa: {  	[smem:$0x3FB0] =	sst s2  }
0xb: {  	[smem:$0x3FB1] =	sst s3  }
0xc: {  	[smem:$0x3FB2] =	sst s4  }
0xd: {  	[smem:$0x3FB3] =	sst s5  }
0xe: {  	[smem:$0x3FB4] =	sst s6  }
0xf: {  	[smem:$0x3FB5] =	sst s7  }
0x10: {  	[smem:$0x3FB6] =	sst s8  }
0x11: {  	[smem:$0x3FB7] =	sst s9;
	s0 =	simm.s32 @!p0 $0x0  }
0x12: {  	s1 =	sld [smem:$0x3F9D];
	s0 =	simm.s32 @p0 $0x1  }
0x13: {  	[smem:$0x3FB8] =	sst s0;
	s0 =	simm.s32 @!p1 $0x0  }
0x14: {  	s2 =	sld [smem:$0x3F9C];
	s0 =	simm.s32 @p1 $0x1  }
0x15: {  	[smem:$0x3FB9] =	sst s0;
	s0 =	simm.s32 @!p2 $0x0  }
0x16: {  	s3 =	sld [smem:$0x3FDB];
	s0 =	simm.s32 @p2 $0x1  }
0x17: {  	s4 =	simm.s32 $0x1BF5;
	[smem:$0x3FBB] =	sst s0  }
0x18: {  	s0 =	sld [smem:$0x3F9E];
	_ =	swait.ge [sflag:s4], $0x0  }
0x19: {  	s7 =	sld [smem:$0x3F9F]  }
0x1a: {  	s8 =	sadd.s32 $0xFFFFE003, lr  }
0x1b: {  	s9 =	sadd.s32 $0xFFFFFEF7, lr;
	s5 =	simm.s32 $0xFFFFFFFF;
	p2 =	slt.u32 s8, $0xFFFFF086  }
0x1c: {  	p1 =	slt.u32 s9, $0xF7A;
	s5 =	simm.s32 @!p2 $0x0  }
0x1d: {  	s5 =	simm.s32 @p1 $0x1;
	p0 =	seq.s32 s7, s2  }
0x1e: {  	s7 =	smul.u32 @!p0 $0xF7A, s2;
	p2 =	seq.s32 @!p0 s5, $0x0  }
0x1f: {  	s9 =	smul.u32 $0xF7A, s1;
	s8 =	simm.s32 @!p0 $0x1BF5;
	p2 =	por !p2, p0  }
0x20: {  	[sflag:s8] =	ssyncset.s32 @!p0 $0xFFFFF086;
	s6 =	sadd.s32 @!p0 s3, s7;
	s7 =	simm.s32 @!p0 $0x108  }
0x21: {  	s3 =	sadd.s32 s3, s9;
	s6 =	sadd.s32 @!p0 $0x88, s6;
	s7 =	simm.s32 @p2 $0x1082  }
0x22: {  	[simem:s7], [sflag:s8] =	dma.local @!p0 [hbm:s6], $0xF7A  }
0x23: {  	s9 =	sor.u32 $0xD0000000, s2;
	s6 =	simm.s32 $0x108;
	_ =	swait.ge @!p0 [sflag:s8], $0x0  }
0x24: {  	s3 =	sadd.s32 $0x88, s3;
	s6 =	simm.s32 @!p1 $0x1082;
	[sflag:s4] =	ssyncset.s32 $0xFFFFF086  }
0x25: {  	[simem:s6], [sflag:s4] =	dma.local [hbm:s3], $0xF7A  }
0x26: {  	[smem:$0x3F9F] =	sst s1;
	(tag) =	ssettag s2;
	_ =	strace s9  }
0x27: {  	s1 =	sld [smem:$0x3FAF]  }
0x28: {  	s2 =	sld [smem:$0x3FB0]  }
0x29: {  	s4 =	sld [smem:$0x3FB2]  }
0x2a: {  	p0 =	seq.s32 s5, $0x0;
	s5 =	sld [smem:$0x3FB3]  }
0x2b: {  	s6 =	sld [smem:$0x3FB4]  }
0x2c: {  	s7 =	sld [smem:$0x3FB5]  }
0x2d: {  	s3 =	simm.s32 $0x108;
	s8 =	sld [smem:$0x3FB6]  }
0x2e: {  	s3 =	simm.s32 @!p0 $0x1082;
	s9 =	sld [smem:$0x3FB7]  }
0x2f: {  	lr =	sadd.s32 s0, s3;
	s0 =	sld [smem:$0x3FAE]  }
0x30: {  	s3 =	sld [smem:$0x3FB1]  }
0x31: {  	[smem:$0x3FBA] =	sst s10  }
0x32: {  	s10 =	sld [smem:$0x3FB8];
	_ =	sdelay $0x3  }
0x33: {  	p0 =	seq.s32 s10, $0x1;
	s10 =	sld [smem:$0x3FBA];
	_ =	sdelay $0x3  }
0x34: {  	[smem:$0x3FBA] =	sst s10  }
0x35: {  	s10 =	sld [smem:$0x3FB9];
	_ =	sdelay $0x3  }
0x36: {  	p1 =	seq.s32 s10, $0x1;
	s10 =	sld [smem:$0x3FBA];
	_ =	sdelay $0x3  }
0x37: {  	[smem:$0x3FBA] =	sst s10  }
0x38: {  	s10 =	sld [smem:$0x3FBB]  }
0x39: {  	_ = 	snop;
	(pc) =	sbr.ind lr, $3  }
0x3a: {  	_ = 	snop  }
0x3b: {  	_ = 	snop  }
0x3c: {  	p2 =	seq.s32 s10, $0x1;
	s10 =	sld [smem:$0x3FBA]  }
0x3d: {  	_ =	shalt  }
0x3e: {  	_ =	shalt  }
0x3f: {  	_ =	shalt  }
0x40: {  	_ =	shalt  }
0x41: {  	_ =	shalt  }
0x42: {  	_ =	shalt  }
0x43: {  	_ =	shalt  }
0x44: {  	_ =	shalt  }
0x45: {  	_ =	shalt  }
0x46: {  	_ =	shalt  }
0x47: {  	_ =	shalt  }
0x48: {  	_ =	shalt  }
0x49: {  	_ =	shalt  }
0x4a: {  	_ =	shalt  }
0x4b: {  	_ =	shalt  }
0x4c: {  	_ =	shalt  }
0x4d: {  	_ =	shalt  }
0x4e: {  	_ =	shalt  }
0x4f: {  	_ =	shalt  }
0x50: {  	_ =	shalt  }
0x51: {  	_ =	shalt  }
0x52: {  	_ =	shalt  }
0x53: {  	_ =	shalt  }
0x54: {  	_ =	shalt  }
0x55: {  	_ =	shalt  }
0x56: {  	_ =	shalt  }
0x57: {  	_ =	shalt  }
0x58: {  	_ =	shalt  }
0x59: {  	_ =	shalt  }
0x5a: {  	_ =	shalt  }
0x5b: {  	_ =	shalt  }
0x5c: {  	_ =	shalt  }
0x5d: {  	_ =	shalt  }
0x5e: {  	_ =	shalt  }
0x5f: {  	_ =	shalt  }
0x60: {  	_ =	shalt  }
0x61: {  	_ =	shalt  }
0x62: {  	_ =	shalt  }
0x63: {  	_ =	shalt  }
0x64: {  	_ =	shalt  }
0x65: {  	_ =	shalt  }
0x66: {  	_ =	shalt  }
0x67: {  	_ =	shalt  }
0x68: {  	_ =	shalt  }
0x69: {  	_ =	shalt  }
0x6a: {  	_ =	shalt  }
0x6b: {  	_ =	shalt  }
0x6c: {  	_ =	shalt  }
0x6d: {  	_ =	shalt  }
0x6e: {  	_ =	shalt  }
0x6f: {  	_ =	shalt  }
0x70: {  	_ =	shalt  }
0x71: {  	_ =	shalt  }
0x72: {  	_ =	shalt  }
0x73: {  	_ =	shalt  }
0x74: {  	_ =	shalt  }
0x75: {  	_ =	shalt  }
0x76: {  	_ =	shalt  }
0x77: {  	_ =	shalt  }
0x78: {  	_ =	shalt  }
0x79: {  	_ =	shalt  }
0x7a: {  	_ =	shalt  }
0x7b: {  	_ =	shalt  }
0x7c: {  	_ =	shalt  }
0x7d: {  	_ =	shalt  }
0x7e: {  	_ =	shalt  }
0x7f: {  	_ =	shalt  }
0x80: {  	_ =	shalt  }
0x81: {  	_ =	shalt  }
0x82: {  	_ =	shalt  }
0x83: {  	_ =	shalt  }
0x84: {  	_ =	shalt  }
0x85: {  	_ =	shalt  }
0x86: {  	_ =	shalt  }
0x87: {  	_ =	shalt  }
.Lfunc_end0:
.L_simem_size_0:
called_computation_lowered:
.L_overlay_start_0:
0x88: {  	s2 =	sld [smem:$0x3FD9]  }
0x89: {  	s3 =	sld [smem:$0x3FFE];
	_ =	sdelay $0x1  }
0x8a: {  	s1 =	srdreg.scid  }
0x8b: {  	s0 =	sand.u32 $0x1, s1  }
0x8c: {  	s17 =	sshll.u32 s0, $0xA;
	s2 =	sadd.s32 s3, s2  }
0x8d: {  	s2 =	sadd.s32 s2, s17  }
0x8e: {  	[smem:$0x3FC6] =	sst s2  }
0x8f: {  	_ = 	snop  }
0x90: {  	s2 =	sld [smem:$0x3FD0];
	(tm) =	ssettm $0x1  }
0x91: {  	s18 =	sld [smem:$0x3FFB];
	_ =	sdelay $0x3  }
0x92: {  	_ =	strace s18  }
0x93: {  	s3 =	sld [smem:$0x3FFC];
	_ =	sdelay $0x3  }
0x94: {  	_ =	strace s3  }
0x95: {  	s3 =	sld [smem:$0x3FFD];
	_ =	sdelay $0x3  }
0x96: {  	_ =	strace s3  }
0x97: {  	_ =	strace $0x8FFFFFFF  }
0x98: {  	s19 =	sld [smem:$0x3FDB];
	_ =	sdelay $0x1  }
0x99: {  	s4 =	simm.s32 $_scs_section_size  }
0x9a: {  	s5 =	simm.s32 $_size__tile_overlayer_lowered;
	s6 =	simm.s32 $_tile_overlayer_lowered  }
0x9b: {  	s22 =	simm.s32 $0x1BFF;
	s21 =	sshll.u32 s6, $0x1;
	s3 =	sadd.s32 s4, s19  }
0x9c: {  	s7 =	simm.s32 $0x0;
	s20 =	sshll.u32 s5, $0x1;
	s5 =	sadd.s32 s21, s3  }
0x9d: {  	[timem:s7], [sflag:s22] =	dma.local [hbm:s5], s20  }
0x9e: {  	_ =	swait.ge [sflag:s22], s20  }
0x9f: {  	s4 =	ssub.s32 $0x0, s20;
	[sflag:s22] =	ssyncset.done $0x0  }
0xa0: {  	[sflag:s22] =	ssyncadd.s32 s4;
	_ =	sdelay $0x1  }
0xa1: {  	s23 =	simm.s32 $0x1B8B  }
0xa2: {  	_ =	swait.ge [sflag:s23], $0x1  }
0xa3: {  	[sflag:s23] =	ssyncset.done $0x0  }
0xa4: {  	s25 =	simm.s32 $0x1B8E;
	s24 =	sld [smem:$0x3FFE];
	[sflag:s23] =	ssyncadd.s32 $0xFFFFFFFF  }
0xa5: {  	s26 =	simm.s32 $execute0_lowered;
	[smem:$0x3FD2] =	sst s25  }
0xa6: {  	s5 =	sshll.u32 s26, $0x1;
	_ =	strace $0x80000046;
	[dreg:$0x1] =	wrdreg $0xFFFFFFFF  }
0xa7: {  	s28 =	simm.s32 $_size_execute0_lowered;
	s3 =	sadd.s32 s3, s5;
	[dreg:$0x0] =	wrdreg $0x0  }
0xa8: {  	s5 =	sshll.u32 s28, $0x1;
	[dreg:$0x2] =	wrdreg s3  }
0xa9: {  	[dreg:$0x3] =	wrdreg s5  }
0xaa: {  	[dreg:$0x4] =	wrdreg $0xC0  }
0xab: {  	_ =	task [dreg:s7], $0x5FFFF  }
0xac: {  	[dreg:$0x1] =	wrdreg $0xFFFFFFFF  }
0xad: {  	[dreg:$0x0] =	wrdreg $0x60  }
0xae: {  	[dreg:$0x2] =	wrdreg s24  }
0xaf: {  	[dreg:$0x3] =	wrdreg s2  }
0xb0: {  	[dreg:$0x4] =	wrdreg $0x9  }
0xb1: {  	_ =	task.clear_ibuf [dreg:s7], $0x5FFFF;
	_ =	strace $0x90000046  }
0xb2: {  	s29 =	simm.s32 $0x9;
	_ =	strace $0x80000048  }
0xb3: {  	_ =	swait.ge [sflag:s29], $0x1  }
0xb4: {  	[sflag:s29] =	ssyncadd.s32 $0xFFFFFFFF  }
0xb5: {  	_ =	strace $0x90000048  }
0xb6: {  	_ =	sfence  }
0xb7: {  	s30 =	sld [smem:$0x0];
	_ =	sdelay $0x2  }
0xb8: {  	s31 =	sshll.u32 s1, $0xD;
	s1 =	sshrl.u32 s1, $0x2  }
0xb9: {  	s3 =	sand.u32 $0x4000, s31;
	s1 =	sadd.s32 s1, s30  }
0xba: {  	s0 =	sor.u32 s3, s0;
	s1 =	sshll.u32 s1, $0x11  }
0xbb: {  	s0 =	sor.u32 s1, s0  }
0xbc: {  	s0 =	sadd.s32 $0x8F2B, s0  }
0xbd: {  	[sflag:s0] =	ssyncadd.remote.s32 $0x1  }
0xbe: {  	_ =	sfence.sel $0xFFFF  }
0xbf: {  	[dreg:$0x0] =	wrdreg $0xFFFFFFFF;
	(pc) =	sbr.abs _section_cstart, $3  }
0xc0: {  	[dreg:$0x1] =	wrdreg $0xFFFFFFFF  }
0xc1: {  	_ =	task.clear_ibuf [dreg:s7], $0x2FFFF;
	_ =	strace $0x9FFFFFFF  }
0xc2: {  	(tm) =	ssettm $0x7FFFFFFF  }
0xc3: {  	_ =	shalt  }
tec
execute0_lowered:
.L_overlay_start_1:
0x0: {  	(tag) =	ssettag $0x1  }
0x1: {  	v0 =	vlaneseq.u32  }
0x2: {  	v1 =	vmul.u32 $0x88, v0;
	_ =	sdelay $0x1  }
0x3: {  	v23 =	vadd.s32 $0x880, v1  }
0x4: {  	v24 =	vadd.s32 $0x1100, v1;
	[tilespmem:$0x1FC90] =	vst v23  }
0x5: {  	v25 =	vadd.s32 $0x1980, v1;
	[tilespmem:$0x1FCA0] =	vst v24  }
0x6: {  	v26 =	vadd.s32 $0x2200, v1;
	[tilespmem:$0x1FCB0] =	vst v25  }
0x7: {  	v35 =	vadd.s32 $0x2A80, v1;
	[tilespmem:$0x1FCC0] =	vst v26  }
0x8: {  	v37 =	vadd.s32 $0x3B80, v1;
	[tilespmem:$0x1FCD0] =	vst v35  }
0x9: {  	v38 =	vor.u32 $0x1, v1;
	[tilespmem:$0x1FCE0] =	vst v37  }
0xa: {  	v39 =	vadd.s32 $0x881, v1;
	[tilespmem:$0x1FCF0] =	vst v38  }
0xb: {  	v40 =	vadd.s32 $0x1101, v1;
	[tilespmem:$0x1FD00] =	vst v39  }
0xc: {  	v41 =	vadd.s32 $0x1981, v1;
	[tilespmem:$0x1FD10] =	vst v40  }
0xd: {  	v42 =	vadd.s32 $0x2201, v1;
	[tilespmem:$0x1FD20] =	vst v41  }
0xe: {  	v43 =	vadd.s32 $0x2A81, v1;
	[tilespmem:$0x1FD30] =	vst v42  }
0xf: {  	v44 =	vadd.s32 $0x3301, v1;
	[tilespmem:$0x1FD40] =	vst v43  }
0x10: {  	v45 =	vor.u32 $0x2, v1;
	[tilespmem:$0x1FD50] =	vst v44  }
0x11: {  	v47 =	vadd.s32 $0x882, v1;
	[tilespmem:$0x1FD60] =	vst v45  }
0x12: {  	v48 =	vadd.s32 $0x1102, v1;
	[tilespmem:$0x1FD70] =	vst v47  }
0x13: {  	v49 =	vadd.s32 $0x1982, v1;
	[tilespmem:$0x1FD80] =	vst v48  }
0x14: {  	v51 =	vadd.s32 $0x2202, v1;
	[tilespmem:$0x1FD90] =	vst v49  }
0x15: {  	v52 =	vadd.s32 $0x2A82, v1;
	[tilespmem:$0x1FDA0] =	vst v51  }
0x16: {  	v53 =	vadd.s32 $0x3302, v1;
	[tilespmem:$0x1FDB0] =	vst v52  }
0x17: {  	s0 =	rddreg [dreg:$0x0];
	s3 =	simm.s32 $0x0;
	v54 =	vadd.s32 $0x3B82, v1;
	[tilespmem:$0x1FDC0] =	vst v53  }
0x18: {  	[smem:$0x7FF] =	sst s3;
	v55 =	vor.u32 $0x3, v1;
	[tilespmem:$0x1FDD0] =	vst v54  }
0x19: {  	s1 =	rddreg [dreg:$0x1];
	v56 =	vadd.s32 $0x883, v1;
	_ =	strace $0x80000047;
	[tilespmem:$0x1FDE0] =	vst v55  }
0x1a: {  	v57 =	vadd.s32 $0x1103, v1;
	[tilespmem:$0x1FDF0] =	vst v56  }
0x1b: {  	v58 =	vadd.s32 $0x1983, v1;
	[tilespmem:$0x1FE00] =	vst v57  }
0x1c: {  	v59 =	vadd.s32 $0x2203, v1;
	[tilespmem:$0x1FE10] =	vst v58  }
0x1d: {  	v60 =	vadd.s32 $0x2A83, v1;
	[tilespmem:$0x1FE20] =	vst v59  }
0x1e: {  	v61 =	vadd.s32 $0x3303, v1;
	[tilespmem:$0x1FE30] =	vst v60  }
0x1f: {  	v62 =	vadd.s32 $0x3B83, v1;
	[tilespmem:$0x1FE40] =	vst v61  }
0x20: {  	v28 =	vmul.u32 $0xC8, v0;
	v63 =	vadd.s32 $0x2A84, v1;
	[tilespmem:$0x1FE50] =	vst v62  }
0x21: {  	[tilespmem:$0x1FE60] =	vst v63  }
0x22: {  	v29 =	vadd.s32 $0xC80, v28;
	[tilespmem:$0x1FE70] =	vst v28  }
0x23: {  	v30 =	vadd.s32 $0x1900, v28;
	[tilespmem:$0x1FE80] =	vst v29  }
0x24: {  	v31 =	vadd.s32 $0x2580, v28;
	[tilespmem:$0x1FE90] =	vst v30  }
0x25: {  	v32 =	vadd.s32 $0x3200, v28;
	[tilespmem:$0x1FEA0] =	vst v31  }
0x26: {  	v33 =	vadd.s32 $0x3E80, v28;
	[tilespmem:$0x1FEB0] =	vst v32  }
0x27: {  	v34 =	vadd.s32 $0x4B00, v28;
	[tilespmem:$0x1FEC0] =	vst v33  }
0x28: {  	v36 =	vadd.s32 $0x5780, v28;
	[tilespmem:$0x1FED0] =	vst v34  }
0x29: {  	v38 =	vor.u32 $0x4, v1;
	[tilespmem:$0x1FEE0] =	vst v36  }
0x2a: {  	v37 =	vadd.s32 $0x884, v1;
	[tilespmem:$0x1FEF0] =	vst v38  }
0x2b: {  	v44 =	vadd.s32 $0x1104, v1;
	[tilespmem:$0x1FF00] =	vst v37  }
0x2c: {  	v35 =	vadd.s32 $0x1984, v1;
	[tilespmem:$0x1FF10] =	vst v44  }
0x2d: {  	v52 =	vadd.s32 $0x2204, v1;
	[tilespmem:$0x1FF20] =	vst v35  }
0x2e: {  	v43 =	vadd.s32 $0x3304, v1;
	[tilespmem:$0x1FF30] =	vst v52  }
0x2f: {  	v42 =	vadd.s32 $0x1105, v1;
	[tilespmem:$0x1FF40] =	vst v43  }
0x30: {  	s2 =	srdreg.scid;
	s4 =	stileid.u32;
	v49 =	vadd.s32 $0x2205, v1;
	[tilespmem:$0x1FF70] =	vst v42  }
0x31: {  	s10 =	simm.s32 $0x1;
	s11 =	simm.s32 $0x100;
	s12 =	simm.s32 $0x6400;
	v40 =	vadd.s32 $0x3B85, v1;
	[tilespmem:$0x1FF80] =	vst v49  }
0x32: {  	s13 =	simm.s32 $0xC800;
	s14 =	simm.s32 $0x2;
	s15 =	simm.s32 $0x6500;
	v48 =	vor.u32 $0x6, v1;
	[tilespmem:$0x1FFA0] =	vst v40  }
0x33: {  	s16 =	simm.s32 $0x10800;
	s17 =	simm.s32 $0x14800;
	s18 =	simm.s32 $0x3;
	v50 =	vadd.s32 $0x3300, v1;
	[tilespmem:$0x1FFB0] =	vst v48  }
0x34: {  	s19 =	simm.s32 $0x6600;
	s2 =	sand.u32 $0x1, s2;
	s4 =	sshll.u32 s4, $0x1;
	v46 =	vadd.s32 $0x3B81, v1;
	[tilespmem:$0x1FFE0] =	vst v50  }
0x35: {  	s20 =	simm.s32 $0x18C00;
	s6 =	ssub.s32 $0x2, s2;
	s2 =	sor.u32 s2, s4;
	v58 =	vadd.s32 $0x3B84, v1;
	[tilespmem:$0x1FFF0] =	vst v46  }
0x36: {  	s21 =	simm.s32 $0x4;
	s22 =	simm.s32 $0x5;
	s8 =	smul.u32 $0x3200, s2;
	v59 =	vor.u32 $0x5, v1;
	[tilespmem:$0x1FF50] =	vst v58  }
0x37: {  	s23 =	simm.s32 $0xC700;
	s4 =	sadd.s32 $0x400, s0;
	s7 =	sshrl.u32 s6, $0x1;
	v56 =	vadd.s32 $0x3305, v1;
	[tilespmem:$0x1FF60] =	vst v59  }
0x38: {  	v22 =	vimm.s32 $0x0;
	vm0 =	vcmask $0x300;
	s5 =	sadd.s32 $0x64400, s0;
	s30 =	ssub.s32 s6, s7;
	s31 =	sadd.s32 s4, s8;
	v55 =	vadd.s32 $0x886, v1;
	[tilespmem:$0x1FF90] =	vst v56  }
0x39: {  	v9 =	vsel vm0, $0x3, v22;
	s6 =	sshll.u32 s2, $0x2;
	s0 =	smax.u32 s30, $0x1;
	v63 =	vadd.s32 $0x1106, v1;
	[dreg:$0x3] =	wrdreg s31;
	[tilespmem:$0x1FFC0] =	vst v55  }
0x3a: {  	v54 =	vadd.s32 $0x1985, v1;
	s2 =	simm.s32 $0x0;
	s8 =	sor.u32 $0x1, s6;
	v57 =	vadd.s32 $0x885, v1;
	v60 =	vadd.s32 $0x2A85, v1;
	[dreg:$0x4] =	wrdreg s0;
	v39 =	vmovc v1;
	[tilespmem:$0x1FFD0] =	vst v63  }
.LBB2_1:
0x3b: {  	[dreg:$0x5] =	wrdreg s2  }
0x3c: {  	s0 =	rddreg [dreg:$0x3];
	s25 =	simm.s32 $0x0  }
0x3d: {  	[tilespmem:s3], [sflag:$0x1] =	stream.linear.gather [hbm4b:s0+s3], $0x6400, $0x38;
	[tilespmem:$0x1D000] =	vst v63  }
.LBB2_2:
0x3e: {  	s0 =	simm.s32 $0x3  }
0x3f: {  	s2 =	simm.s32 $0x1;
	v0 =	vmov s0  }
0x40: {  	v1 =	vmov s2;
	s2 =	simm.s32 $0x2;
	v6 =	vand.u32 $0xFF, v0  }
0x41: {  	v8 =	vand.u32 $0xFD, v1;
	v0 =	vmov s2;
	v1 =	vadd.s32 v28, v6  }
0x42: {  	s7 =	simm.s32 $0x0;
	v2 =	vadd.s32 v28, v8;
	v10 =	vand.u32 $0xFE, v0  }
0x43: {  	_ =	swait.ge [sflag:s10], $0x6400;
	v0 =	vmov s7;
	v3 =	vadd.s32 v28, v10  }
0x44: {  	[sflag:s10] =	ssyncset.done $0x0;
	v4 =	vand.u32 $0xFC, v0  }
0x45: {  	[sflag:s10] =	ssyncadd.s32 $0xFFFF9C00;
	v0 =	vadd.s32 v28, v4  }
0x46: {  	v1 =	vld.idx.msk [tilespmem:v1+s3+$0x0], $0xffff  }
0x47: {  	v5 =	vadd.s32 v29, v6;
	v2 =	vld.idx.msk [tilespmem:v2+s3+$0x0], $0xffff  }
0x48: {  	v7 =	vadd.s32 v29, v8;
	v3 =	vld.idx.msk [tilespmem:v3+s3+$0x0], $0xffff  }
0x49: {  	v11 =	vadd.s32 v29, v10  }
0x4a: {  	s28 =	simm.s32 $0x6500;
	v0 =	vld.idx.msk [tilespmem:v0+s3+$0x0], $0xffff  }
0x4b: {  	v12 =	vadd.s32 v29, v4;
	[tilespmem:s28+$0x80] =	vst v1  }
0x4c: {  	[tilespmem:s28+$0xFFFFFF80] =	vst v2;
	v1 =	vld.idx.msk [tilespmem:v5+s3+$0x0], $0xffff  }
0x4d: {  	v2 =	vld.idx.msk [tilespmem:v7+s3+$0x0], $0xffff;
	[tilespmem:s28+$0x0] =	vst v3;
	v3 =	vadd.s32 v30, v6  }
0x4e: {  	v7 =	vadd.s32 v30, v8;
	v5 =	vld.idx.msk [tilespmem:v11+s3+$0x0], $0xffff  }
0x4f: {  	[tilespmem:s28+$0xFFFFFF00] =	vst v0;
	v0 =	vadd.s32 v30, v10  }
0x50: {  	v11 =	vld.idx.msk [tilespmem:v12+s3+$0x0], $0xffff  }
0x51: {  	v12 =	vadd.s32 v30, v4;
	[tilespmem:s28+$0x90] =	vst v1  }
0x52: {  	[tilespmem:s28+$0xFFFFFF90] =	vst v2;
	v2 =	vld.idx.msk [tilespmem:v3+s3+$0x0], $0xffff  }
0x53: {  	s9 =	simm.s32 $0x4;
	v3 =	vld.idx.msk [tilespmem:v7+s3+$0x0], $0xffff;
	[tilespmem:s28+$0x10] =	vst v5;
	v5 =	vadd.s32 v31, v6  }
0x54: {  	v13 =	vadd.s32 v31, v8;
	v1 =	vmov s9;
	v7 =	vld.idx.msk [tilespmem:v0+s3+$0x0], $0xffff  }
0x55: {  	s24 =	simm.s32 $0x5;
	v0 =	vand.u32 $0xFC, v1;
	[tilespmem:s28+$0xFFFFFF10] =	vst v11;
	v11 =	vadd.s32 v31, v10  }
0x56: {  	v1 =	vmov s24;
	v14 =	vadd.s32 v28, v0;
	v12 =	vld.idx.msk [tilespmem:v12+s3+$0x0], $0xffff  }
0x57: {  	v15 =	vadd.s32 v31, v4;
	v1 =	vand.u32 $0xFD, v1;
	[tilespmem:s28+$0xA0] =	vst v2  }
0x58: {  	v2 =	vadd.s32 v28, v1;
	[tilespmem:s28+$0xFFFFFFA0] =	vst v3;
	v3 =	vld.idx.msk [tilespmem:v5+s3+$0x0], $0xffff  }
0x59: {  	s26 =	simm.s32 $0x7;
	v13 =	vld.idx.msk [tilespmem:v13+s3+$0x0], $0xffff;
	[tilespmem:s28+$0x20] =	vst v7;
	v7 =	vadd.s32 v32, v6  }
0x5a: {  	v16 =	vadd.s32 v32, v8;
	v5 =	vmov s26;
	v11 =	vld.idx.msk [tilespmem:v11+s3+$0x0], $0xffff  }
0x5b: {  	s30 =	simm.s32 $0x6;
	v14 =	vld.idx.msk [tilespmem:v14+s3+$0x0], $0xffff;
	[tilespmem:s28+$0xFFFFFF20] =	vst v12;
	v12 =	vadd.s32 v32, v10;
	v5 =	vand.u32 $0xFF, v5  }
0x5c: {  	v17 =	vmov s30;
	v15 =	vld.idx.msk [tilespmem:v15+s3+$0x0], $0xffff;
	v18 =	vadd.s32 v28, v5  }
0x5d: {  	v19 =	vld.idx.msk [tilespmem:v2+s3+$0x0], $0xffff;
	v2 =	vand.u32 $0xFE, v17;
	v17 =	vadd.s32 v32, v4;
	[tilespmem:s28+$0xB0] =	vst v3  }
0x5e: {  	s0 =	simm.s32 $0x8;
	[tilespmem:s28+$0xFFFFFFB0] =	vst v13;
	v13 =	vadd.s32 v28, v2;
	v7 =	vld.idx.msk [tilespmem:v7+s3+$0x0], $0xffff  }
0x5f: {  	v3 =	vmov s0;
	v16 =	vld.idx.msk [tilespmem:v16+s3+$0x0], $0xffff;
	[tilespmem:s28+$0x30] =	vst v11;
	v11 =	vadd.s32 v33, v6  }
0x60: {  	v20 =	vadd.s32 v33, v8;
	v3 =	vand.u32 $0xFC, v3;
	v12 =	vld.idx.msk [tilespmem:v12+s3+$0x0], $0xffff  }
0x61: {  	[tilespmem:s28+$0xFFFFFF30] =	vst v15;
	v15 =	vld.idx.msk [tilespmem:v18+s3+$0x0], $0xffff;
	v21 =	vadd.s32 v28, v3  }
0x62: {  	v18 =	vadd.s32 v33, v10;
	v17 =	vld.idx.msk [tilespmem:v17+s3+$0x0], $0xffff  }
0x63: {  	v22 =	vadd.s32 v29, v5;
	v13 =	vld.idx.msk [tilespmem:v13+s3+$0x0], $0xffff;
	[tilespmem:s28+$0xC0] =	vst v7  }
0x64: {  	v23 =	vadd.s32 v29, v1;
	s26 =	simm.s32 $0x6700;
	[tilespmem:s28+$0xFFFFFFC0] =	vst v16;
	v11 =	vld.idx.msk [tilespmem:v11+s3+$0x0], $0xffff  }
0x65: {  	[tilespmem:s26+$0xFFFFFF80] =	vst v19;
	v20 =	vld.idx.msk [tilespmem:v20+s3+$0x0], $0xffff  }
0x66: {  	v19 =	vadd.s32 v33, v4;
	[tilespmem:s28+$0x40] =	vst v12;
	v7 =	vld.idx.msk [tilespmem:v21+s3+$0x0], $0xffff  }
0x67: {  	v16 =	vadd.s32 v29, v2;
	[tilespmem:s26+$0x80] =	vst v15;
	v12 =	vld.idx.msk [tilespmem:v18+s3+$0x0], $0xffff  }
0x68: {  	v21 =	vadd.s32 v29, v0;
	v15 =	vld.idx.msk [tilespmem:v22+s3+$0x0], $0xffff  }
0x69: {  	[tilespmem:s26+$0xFFFFFF00] =	vst v14;
	v18 =	vadd.s32 v34, v6;
	v22 =	vld.idx.msk [tilespmem:v23+s3+$0x0], $0xffff  }
0x6a: {  	v14 =	vadd.s32 v30, v1;
	[tilespmem:s28+$0xFFFFFF40] =	vst v17  }
0x6b: {  	[tilespmem:s26+$0x0] =	vst v13;
	v13 =	vadd.s32 v34, v8;
	v17 =	vld.idx.msk [tilespmem:v19+s3+$0x0], $0xffff  }
0x6c: {  	v23 =	vadd.s32 v30, v5;
	v16 =	vld.idx.msk [tilespmem:v16+s3+$0x0], $0xffff;
	[tilespmem:s28+$0xD0] =	vst v11  }
0x6d: {  	v24 =	vadd.s32 v30, v2;
	v21 =	vld.idx.msk [tilespmem:v21+s3+$0x0], $0xffff;
	[tilespmem:s28+$0xFFFFFFD0] =	vst v20  }
0x6e: {  	v19 =	vadd.s32 v30, v0;
	v18 =	vld.idx.msk [tilespmem:v18+s3+$0x0], $0xffff;
	[tilespmem:s26+$0xFFFFFF90] =	vst v22  }
0x6f: {  	v6 =	vadd.s32 v36, v6;
	[tilespmem:s26+$0x90] =	vst v15;
	v20 =	vld.idx.msk [tilespmem:v14+s3+$0x0], $0xffff  }
0x70: {  	v15 =	vadd.s32 v34, v10;
	[tilespmem:s28+$0x50] =	vst v12;
	v11 =	vld.idx.msk [tilespmem:v13+s3+$0x0], $0xffff  }
0x71: {  	v13 =	vld.idx.msk [tilespmem:v23+s3+$0x0], $0xffff;
	[tilespmem:s26+$0x10] =	vst v16;
	v16 =	vadd.s32 v34, v4  }
0x72: {  	s31 =	simm.s32 $0x9;
	v23 =	vadd.s32 v31, v5;
	v22 =	vld.idx.msk [tilespmem:v24+s3+$0x0], $0xffff;
	[tilespmem:s26+$0xFFFFFF10] =	vst v21  }
0x73: {  	v14 =	vmov s31;
	[tilespmem:s28+$0xE0] =	vst v18;
	v18 =	vadd.s32 v31, v1;
	v62 =	vld.idx.msk [tilespmem:v19+s3+$0x0], $0xffff  }
0x74: {  	v25 =	vadd.s32 v31, v2;
	[tilespmem:s28+$0xFFFFFF50] =	vst v17;
	v21 =	vld.idx.msk [tilespmem:v6+s3+$0x0], $0xffff;
	v6 =	vand.u32 $0xFD, v14  }
0x75: {  	v14 =	vld.idx.msk [tilespmem:v15+s3+$0x0], $0xffff;
	[tilespmem:s26+$0xFFFFFFA0] =	vst v20;
	v26 =	vadd.s32 v28, v6  }
0x76: {  	v20 =	vadd.s32 v31, v0;
	[tilespmem:s26+$0xA0] =	vst v13;
	v12 =	vld.idx.msk [tilespmem:v16+s3+$0x0], $0xffff  }
0x77: {  	v19 =	vadd.s32 v36, v8;
	v15 =	vld.idx.msk [tilespmem:v23+s3+$0x0], $0xffff  }
0x78: {  	v17 =	vadd.s32 v36, v10;
	[tilespmem:s26+$0x20] =	vst v22;
	v13 =	vld.idx.msk [tilespmem:v18+s3+$0x0], $0xffff  }
0x79: {  	v16 =	vadd.s32 v32, v5;
	v10 =	vld.idx.msk [tilespmem:v25+s3+$0x0], $0xffff;
	[tilespmem:s26+$0xFFFFFF20] =	vst v62  }
0x7a: {  	s29 =	simm.s32 $0xC;
	s2 =	simm.s32 $0xB;
	v18 =	vadd.s32 v32, v1;
	[tilespmem:s28+$0xF0] =	vst v21;
	v8 =	vld.idx.msk [tilespmem:v26+s3+$0x0], $0xffff  }
.LBB2_3:
0x7b: {  	p0 =	slt.u32 s29, $0xC4;
	v21 =	vmov s2;
	v20 =	vld.idx.msk [tilespmem:v20+s3+$0x0], $0xffff;
	v22 =	vadd.s32 v32, v2;
	[tilespmem:s28+$0xFFFFFFE0] =	vst v11  }
0x7c: {  	s2 =	sadd.s32 $0x2, s0;
	s0 =	smov.u32 s29;
	v11 =	vand.u32 $0xFF, v21;
	v21 =	vadd.s32 v36, v4;
	v19 =	vld.idx.msk [tilespmem:v19+s3+$0x0], $0xffff;
	[tilespmem:s28+$0x60] =	vst v14;
	v4 =	vmovc v0;
	v0 =	vmov v3  }
0x7d: {  	v3 =	vmov s2;
	v14 =	vadd.s32 v28, v11;
	[tilespmem:s26+$0xB0] =	vst v15;
	v15 =	vld.idx.msk [tilespmem:v17+s3+$0x0], $0xffff  }
0x7e: {  	v23 =	vand.u32 $0xFE, v3;
	v17 =	vadd.s32 v32, v4;
	[tilespmem:s26+$0xFFFFFFB0] =	vst v13;
	v13 =	vld.idx.msk [tilespmem:v16+s3+$0x0], $0xffff  }
0x7f: {  	v16 =	vadd.s32 v28, v23;
	v18 =	vld.idx.msk [tilespmem:v18+s3+$0x0], $0xffff;
	[tilespmem:s26+$0x30] =	vst v10  }
0x80: {  	v10 =	vld.idx.msk [tilespmem:v22+s3+$0x0], $0xffff;
	v22 =	vadd.s32 v33, v5;
	[tilespmem:s28+$0xFFFFFF60] =	vst v12  }
0x81: {  	v3 =	vmov s29;
	v12 =	vadd.s32 v33, v1;
	[tilespmem:s26+$0xFFFFFF30] =	vst v20;
	v20 =	vld.idx.msk [tilespmem:v21+s3+$0x0], $0xffff  }
0x82: {  	v3 =	vand.u32 $0xFC, v3;
	v21 =	vadd.s32 v33, v2;
	v14 =	vld.idx.msk [tilespmem:v14+s3+$0x0], $0xffff;
	[tilespmem:s28+$0xFFFFFFF0] =	vst v19  }
0x83: {  	v19 =	vadd.s32 v28, v3;
	v17 =	vld.idx.msk [tilespmem:v17+s3+$0x0], $0xffff;
	[tilespmem:s28+$0x70] =	vst v15  }
0x84: {  	v15 =	vld.idx.msk [tilespmem:v16+s3+$0x0], $0xffff;
	v16 =	vadd.s32 v29, v11;
	[tilespmem:s26+$0xC0] =	vst v13  }
0x85: {  	v13 =	vadd.s32 v29, v6;
	[tilespmem:s26+$0xFFFFFFC0] =	vst v18;
	v18 =	vld.idx.msk [tilespmem:v22+s3+$0x0], $0xffff  }
0x86: {  	v22 =	vadd.s32 v29, v23;
	v12 =	vld.idx.msk [tilespmem:v12+s3+$0x0], $0xffff;
	[tilespmem:s26+$0x40] =	vst v10  }
0x87: {  	v10 =	vld.idx.msk [tilespmem:v21+s3+$0x0], $0xffff;
	v21 =	vadd.s32 v34, v5;
	[tilespmem:s28+$0xFFFFFF70] =	vst v20;
	s28 =	smov.u32 s26;
	s26 =	sadd.s32 $0x200, s26  }
0x88: {  	v20 =	vadd.s32 v29, v0;
	v19 =	vld.idx.msk [tilespmem:v19+s3+$0x0], $0xffff;
	[tilespmem:s26+$0x80] =	vst v14  }
0x89: {  	v14 =	vadd.s32 v33, v4;
	[tilespmem:s26+$0xFFFFFF80] =	vst v8;
	v8 =	vld.idx.msk [tilespmem:v16+s3+$0x0], $0xffff  }
0x8a: {  	v13 =	vld.idx.msk [tilespmem:v13+s3+$0x0], $0xffff;
	[tilespmem:s26+$0x0] =	vst v15;
	v15 =	vadd.s32 v34, v1  }
0x8b: {  	v16 =	vld.idx.msk [tilespmem:v22+s3+$0x0], $0xffff;
	v22 =	vadd.s32 v30, v11;
	[tilespmem:s28+$0xD0] =	vst v18  }
0x8c: {  	v18 =	vadd.s32 v30, v6;
	[tilespmem:s26+$0xFFFFFF00] =	vst v7;
	v21 =	vld.idx.msk [tilespmem:v21+s3+$0x0], $0xffff  }
0x8d: {  	v24 =	vadd.s32 v30, v23;
	v20 =	vld.idx.msk [tilespmem:v20+s3+$0x0], $0xffff;
	[tilespmem:s28+$0xFFFFFF40] =	vst v17  }
0x8e: {  	v7 =	vmov v19;
	v14 =	vld.idx.msk [tilespmem:v14+s3+$0x0], $0xffff;
	[tilespmem:s28+$0xFFFFFFD0] =	vst v12;
	v12 =	vadd.s32 v36, v5;
	v5 =	vmov v11  }
0x8f: {  	v17 =	vadd.s32 v30, v0;
	[tilespmem:s26+$0x90] =	vst v8;
	v11 =	vld.idx.msk [tilespmem:v15+s3+$0x0], $0xffff  }
0x90: {  	[tilespmem:s26+$0xFFFFFF90] =	vst v13;
	v8 =	vld.idx.msk [tilespmem:v22+s3+$0x0], $0xffff;
	v13 =	vadd.s32 v34, v2  }
0x91: {  	v15 =	vld.idx.msk [tilespmem:v18+s3+$0x0], $0xffff;
	[tilespmem:s26+$0x10] =	vst v16;
	v16 =	vadd.s32 v34, v4  }
0x92: {  	s2 =	sadd.s32 $0x1, s29;
	v19 =	vadd.s32 v31, v5;
	v18 =	vld.idx.msk [tilespmem:v24+s3+$0x0], $0xffff;
	[tilespmem:s28+$0xE0] =	vst v21  }
0x93: {  	v22 =	vadd.s32 v31, v6;
	v21 =	vmov s2;
	[tilespmem:s26+$0xFFFFFF10] =	vst v20;
	v24 =	vld.idx.msk [tilespmem:v12+s3+$0x0], $0xffff  }
0x94: {  	v26 =	vadd.s32 v31, v23;
	v21 =	vand.u32 $0xFD, v21;
	v25 =	vld.idx.msk [tilespmem:v17+s3+$0x0], $0xffff;
	[tilespmem:s28+$0x50] =	vst v10  }
0x95: {  	v27 =	vadd.s32 v28, v21;
	[tilespmem:s28+$0xFFFFFF50] =	vst v14;
	v14 =	vld.idx.msk [tilespmem:v13+s3+$0x0], $0xffff  }
.Ltmp0:
0x96: {  	v20 =	vadd.s32 v31, v0;
	[tilespmem:s26+$0xA0] =	vst v8;
	v12 =	vld.idx.msk [tilespmem:v16+s3+$0x0], $0xffff;
	(pc) =	sbr.rel @p0 .LBB2_3-.Ltmp0, $4  }
0x97: {  	[tilespmem:s26+$0xFFFFFFA0] =	vst v15;
	v15 =	vld.idx.msk [tilespmem:v19+s3+$0x0], $0xffff;
	v19 =	vadd.s32 v36, v1;
	v1 =	vmov v6;
	v6 =	vmov v21  }
0x98: {  	v17 =	vadd.s32 v36, v2;
	v2 =	vmov v23;
	v13 =	vld.idx.msk [tilespmem:v22+s3+$0x0], $0xffff;
	[tilespmem:s26+$0x20] =	vst v18  }
0x99: {  	v16 =	vadd.s32 v32, v5;
	v10 =	vld.idx.msk [tilespmem:v26+s3+$0x0], $0xffff;
	[tilespmem:s28+$0xF0] =	vst v24  }
0x9a: {  	s29 =	sadd.s32 $0x4, s29;
	s2 =	sadd.s32 $0x3, s0;
	v18 =	vadd.s32 v32, v1;
	v8 =	vld.idx.msk [tilespmem:v27+s3+$0x0], $0xffff;
	[tilespmem:s26+$0xFFFFFF20] =	vst v25  }
0x9b: {  	_ =	sdelay $0x2  }
0x9c: {  	v21 =	vmov s2;
	[tilespmem:s28+$0xFFFFFFE0] =	vst v11  }
0x9d: {  	v11 =	vld.idx.msk [tilespmem:v20+s3+$0x0], $0xffff;
	v20 =	vadd.s32 v32, v2;
	s0 =	sadd.s32 $0x2, s0;
	[tilespmem:s28+$0x60] =	vst v14;
	v21 =	vand.u32 $0xFF, v21  }
0x9e: {  	[tilespmem:s28+$0xFFFFFF60] =	vst v12;
	v14 =	vld.idx.msk [tilespmem:v19+s3+$0x0], $0xffff;
	v19 =	vmov s0;
	v22 =	vadd.s32 v28, v21  }
0x9f: {  	[tilespmem:s26+$0xB0] =	vst v15;
	v15 =	vld.idx.msk [tilespmem:v17+s3+$0x0], $0xffff;
	v17 =	vand.u32 $0xFE, v19  }
0xa0: {  	[tilespmem:s26+$0xFFFFFFB0] =	vst v13;
	v13 =	vld.idx.msk [tilespmem:v16+s3+$0x0], $0xffff;
	v16 =	vadd.s32 v28, v17  }
0xa1: {  	[tilespmem:s26+$0x30] =	vst v10;
	v10 =	vld.idx.msk [tilespmem:v18+s3+$0x0], $0xffff  }
0xa2: {  	v4 =	vadd.s32 v36, v4;
	v12 =	vld.idx.msk [tilespmem:v20+s3+$0x0], $0xffff;
	[tilespmem:s26+$0xFFFFFF30] =	vst v11  }
0xa3: {  	v11 =	vadd.s32 v33, v5;
	[tilespmem:s28+$0xFFFFFFF0] =	vst v14;
	v18 =	vld.idx.msk [tilespmem:v22+s3+$0x0], $0xffff  }
0xa4: {  	[tilespmem:s28+$0x70] =	vst v15;
	v14 =	vadd.s32 v29, v21  }
0xa5: {  	[tilespmem:s26+$0xC0] =	vst v13;
	v13 =	vadd.s32 v29, v6;
	v15 =	vld.idx.msk [tilespmem:v16+s3+$0x0], $0xffff  }
0xa6: {  	[tilespmem:s26+$0xFFFFFFC0] =	vst v10;
	v10 =	vadd.s32 v29, v17  }
0xa7: {  	s24 =	sadd.s32 $0x200, s26;
	v4 =	vld.idx.msk [tilespmem:v4+s3+$0x0], $0xffff;
	[tilespmem:s26+$0x40] =	vst v12;
	v12 =	vadd.s32 v29, v3  }
0xa8: {  	v16 =	vadd.s32 v32, v0;
	v11 =	vld.idx.msk [tilespmem:v11+s3+$0x0], $0xffff;
	[tilespmem:s24+$0x80] =	vst v18  }
0xa9: {  	[tilespmem:s24+$0xFFFFFF80] =	vst v8;
	v18 =	vadd.s32 v33, v1;
	v8 =	vld.idx.msk [tilespmem:v14+s3+$0x0], $0xffff  }
0xaa: {  	v13 =	vld.idx.msk [tilespmem:v13+s3+$0x0], $0xffff;
	[tilespmem:s24+$0x0] =	vst v15;
	v14 =	vadd.s32 v30, v21  }
0xab: {  	[tilespmem:s24+$0xFFFFFF00] =	vst v7;
	v7 =	vadd.s32 v30, v6;
	v10 =	vld.idx.msk [tilespmem:v10+s3+$0x0], $0xffff  }
0xac: {  	[tilespmem:s28+$0xFFFFFF70] =	vst v4;
	v4 =	vld.idx.msk [tilespmem:v12+s3+$0x0], $0xffff;
	v12 =	vadd.s32 v30, v17  }
0xad: {  	v15 =	vld.idx.msk [tilespmem:v16+s3+$0x0], $0xffff;
	[tilespmem:s26+$0xD0] =	vst v11;
	v11 =	vadd.s32 v30, v3  }
0xae: {  	v16 =	vld.idx.msk [tilespmem:v18+s3+$0x0], $0xffff;
	v18 =	vadd.s32 v34, v5;
	[tilespmem:s24+$0x90] =	vst v8  }
0xaf: {  	[tilespmem:s24+$0xFFFFFF90] =	vst v13;
	v8 =	vadd.s32 v33, v2;
	v13 =	vld.idx.msk [tilespmem:v14+s3+$0x0], $0xffff  }
0xb0: {  	v7 =	vld.idx.msk [tilespmem:v7+s3+$0x0], $0xffff;
	[tilespmem:s24+$0x10] =	vst v10;
	v10 =	vadd.s32 v31, v21  }
0xb1: {  	v12 =	vld.idx.msk [tilespmem:v12+s3+$0x0], $0xffff;
	[tilespmem:s24+$0xFFFFFF10] =	vst v4;
	v4 =	vadd.s32 v31, v6  }
0xb2: {  	[tilespmem:s26+$0xFFFFFF40] =	vst v15;
	v14 =	vadd.s32 v31, v17;
	v11 =	vld.idx.msk [tilespmem:v11+s3+$0x0], $0xffff  }
0xb3: {  	v15 =	vld.idx.msk [tilespmem:v18+s3+$0x0], $0xffff;
	[tilespmem:s26+$0xFFFFFFD0] =	vst v16;
	v16 =	vadd.s32 v31, v3  }
0xb4: {  	v18 =	vadd.s32 v33, v0;
	v8 =	vld.idx.msk [tilespmem:v8+s3+$0x0], $0xffff;
	[tilespmem:s24+$0xA0] =	vst v13  }
0xb5: {  	v5 =	vadd.s32 v36, v5;
	[tilespmem:s24+$0xFFFFFFA0] =	vst v7;
	v7 =	vld.idx.msk [tilespmem:v10+s3+$0x0], $0xffff  }
0xb6: {  	v4 =	vld.idx.msk [tilespmem:v4+s3+$0x0], $0xffff;
	[tilespmem:s24+$0x20] =	vst v12;
	v10 =	vadd.s32 v32, v21  }
0xb7: {  	v12 =	vld.idx.msk [tilespmem:v14+s3+$0x0], $0xffff;
	[tilespmem:s24+$0xFFFFFF20] =	vst v11;
	v11 =	vadd.s32 v32, v6  }
0xb8: {  	v14 =	vadd.s32 v32, v17;
	[tilespmem:s26+$0xE0] =	vst v15;
	v13 =	vld.idx.msk [tilespmem:v16+s3+$0x0], $0xffff  }
0xb9: {  	v15 =	vld.idx.msk [tilespmem:v18+s3+$0x0], $0xffff;
	[tilespmem:s26+$0x50] =	vst v8;
	v8 =	vadd.s32 v32, v3  }
0xba: {  	v16 =	vadd.s32 v34, v1;
	v5 =	vld.idx.msk [tilespmem:v5+s3+$0x0], $0xffff;
	[tilespmem:s24+$0xB0] =	vst v7  }
0xbb: {  	v7 =	vadd.s32 v34, v2;
	[tilespmem:s24+$0xFFFFFFB0] =	vst v4;
	v4 =	vld.idx.msk [tilespmem:v10+s3+$0x0], $0xffff  }
0xbc: {  	v10 =	vld.idx.msk [tilespmem:v11+s3+$0x0], $0xffff;
	[tilespmem:s24+$0x30] =	vst v12;
	v11 =	vadd.s32 v33, v21  }
0xbd: {  	v12 =	vld.idx.msk [tilespmem:v14+s3+$0x0], $0xffff;
	[tilespmem:s24+$0xFFFFFF30] =	vst v13;
	v13 =	vadd.s32 v33, v6  }
0xbe: {  	[tilespmem:s26+$0xFFFFFF50] =	vst v15;
	v14 =	vadd.s32 v33, v17;
	v8 =	vld.idx.msk [tilespmem:v8+s3+$0x0], $0xffff  }
0xbf: {  	v15 =	vld.idx.msk [tilespmem:v16+s3+$0x0], $0xffff;
	[tilespmem:s26+$0xF0] =	vst v5;
	v5 =	vadd.s32 v33, v3  }
0xc0: {  	v16 =	vadd.s32 v34, v0;
	v7 =	vld.idx.msk [tilespmem:v7+s3+$0x0], $0xffff;
	[tilespmem:s24+$0xC0] =	vst v4  }
0xc1: {  	v1 =	vadd.s32 v36, v1;
	[tilespmem:s24+$0xFFFFFFC0] =	vst v10;
	v4 =	vld.idx.msk [tilespmem:v11+s3+$0x0], $0xffff  }
0xc2: {  	v10 =	vld.idx.msk [tilespmem:v13+s3+$0x0], $0xffff;
	[tilespmem:s24+$0x40] =	vst v12;
	v11 =	vadd.s32 v34, v21  }
0xc3: {  	v13 =	vadd.s32 v34, v6;
	v12 =	vld.idx.msk [tilespmem:v14+s3+$0x0], $0xffff;
	[tilespmem:s24+$0xFFFFFF40] =	vst v8  }
0xc4: {  	[tilespmem:s26+$0xFFFFFFE0] =	vst v15;
	v8 =	vadd.s32 v34, v17;
	v5 =	vld.idx.msk [tilespmem:v5+s3+$0x0], $0xffff  }
0xc5: {  	v14 =	vld.idx.msk [tilespmem:v16+s3+$0x0], $0xffff;
	[tilespmem:s26+$0x60] =	vst v7;
	v7 =	vadd.s32 v34, v3  }
0xc6: {  	v2 =	vadd.s32 v36, v2;
	v1 =	vld.idx.msk [tilespmem:v1+s3+$0x0], $0xffff;
	[tilespmem:s24+$0xD0] =	vst v4  }
0xc7: {  	v0 =	vadd.s32 v36, v0;
	[tilespmem:s24+$0xFFFFFFD0] =	vst v10;
	v4 =	vld.idx.msk [tilespmem:v11+s3+$0x0], $0xffff  }
0xc8: {  	v10 =	vadd.s32 v36, v21;
	v11 =	vld.idx.msk [tilespmem:v13+s3+$0x0], $0xffff;
	[tilespmem:s24+$0x50] =	vst v12  }
0xc9: {  	v6 =	vadd.s32 v36, v6;
	[tilespmem:s24+$0xFFFFFF50] =	vst v5;
	v5 =	vld.idx.msk [tilespmem:v8+s3+$0x0], $0xffff  }
0xca: {  	[tilespmem:s26+$0xFFFFFF60] =	vst v14;
	v8 =	vadd.s32 v36, v17;
	v7 =	vld.idx.msk [tilespmem:v7+s3+$0x0], $0xffff  }
0xcb: {  	v2 =	vld.idx.msk [tilespmem:v2+s3+$0x0], $0xffff;
	[tilespmem:s26+$0xFFFFFFF0] =	vst v1;
	v1 =	vadd.s32 v36, v3  }
0xcc: {  	v0 =	vld.idx.msk [tilespmem:v0+s3+$0x0], $0xffff;
	[tilespmem:s24+$0xE0] =	vst v4  }
0xcd: {  	[tilespmem:s24+$0xFFFFFFE0] =	vst v11;
	v3 =	vld.idx.msk [tilespmem:v10+s3+$0x0], $0xffff  }
0xce: {  	v4 =	vld.idx.msk [tilespmem:v6+s3+$0x0], $0xffff;
	[tilespmem:s24+$0x60] =	vst v5  }
0xcf: {  	v5 =	vld.idx.msk [tilespmem:v8+s3+$0x0], $0xffff;
	[tilespmem:s24+$0xFFFFFF60] =	vst v7  }
0xd0: {  	[tilespmem:s26+$0x70] =	vst v2;
	v1 =	vld.idx.msk [tilespmem:v1+s3+$0x0], $0xffff  }
0xd1: {  	p0 =	seq.s32 s25, $0x3;
	[tilespmem:s26+$0xFFFFFF70] =	vst v0  }
0xd2: {  	s2 =	sadd.s32 @!p0 s25, s8;
	[tilespmem:s24+$0xF0] =	vst v3  }
0xd3: {  	s2 =	smul.u32 @!p0 $0xC80, s2;
	[tilespmem:s24+$0xFFFFFFF0] =	vst v4  }
0xd4: {  	[tilespmem:s24+$0x70] =	vst v5  }
0xd5: {  	s0 =	sadd.s32 @!p0 s4, s2;
	s2 =	simm.s32 @!p0 $0x0;
	s26 =	simm.s32 $0x0;
	[tilespmem:s24+$0xFFFFFF70] =	vst v1  }
0xd6: {  	[tilespmem:s2], [sflag:$0x1] =	stream.linear.gather @!p0 [hbm4b:s0+s2], $0x6400, $0x38;
	[tilespmem:$0x1D000] =	vst v63  }
0xd7: {  	v0 =	vmov s26  }
0xd8: {  	v0 =	vshrl.u32 v0, $0x3;
	[tilespmem:s13], [sflag:$0x2] =	stream.indirect.gather [hbm4b:s5+s11], $0x40, s12, s11, $0xb8;
	[tilespmem:$0x1D000] =	vst v63  }
0xd9: {  	s30 =	simm.s32 $0x1;
	v0 =	vshll.u32 v0, v9;
	_ =	swait.ge [sflag:s14], $0x4000  }
0xda: {  	v10 =	vbroadcast v0, $0x0;
	v1 =	vmov s30;
	v0 =	vld [tilespmem:$0x1FCF0]  }
0xdb: {  	s30 =	simm.s32 $0x7;
	v1 =	vshrl.u32 v1, $0x3  }
0xdc: {  	s31 =	simm.s32 $0x2;
	v6 =	vmov s30;
	v1 =	vshll.u32 v1, v9  }
0xdd: {  	s9 =	simm.s32 $0x3;
	v22 =	vor.u32 $0x7, v39;
	s26 =	simm.s32 $0x6;
	v6 =	vshrl.u32 v6, $0x3;
	v62 =	vbroadcast v1, $0x0;
	[sflag:s14] =	ssyncset.done $0x0  }
0xde: {  	s7 =	simm.s32 $0x4;
	v2 =	vmov s31;
	v7 =	vmov s26;
	s26 =	simm.s32 $0xE800;
	v6 =	vshll.u32 v6, v9;
	[sflag:s14] =	ssyncadd.s32 $0xFFFFC000  }
0xdf: {  	v2 =	vshrl.u32 v2, $0x3;
	v6 =	vbroadcast v6, $0x0;
	[tilespmem:s16], [sflag:$0x3] =	stream.indirect.gather [hbm4b:s5+s11], $0x40, s15, s11, $0xb8;
	v17 =	vadd.s32 v0, v62;
	v0 =	vld [tilespmem:$0x1FD60]  }
0xe0: {  	v3 =	vmov s9;
	v4 =	vmov s7;
	v1 =	vshll.u32 v2, v9;
	v2 =	vld [tilespmem:s26+$0xFFFFE1C0]  }
0xe1: {  	v3 =	vshrl.u32 v3, $0x3;
	v4 =	vshrl.u32 v4, $0x3;
	v8 =	vadd.s32 v22, v6;
	v13 =	vld [tilespmem:s26+$0xFFFFE000]  }
0xe2: {  	v15 =	vadd.s32 v39, v10;
	v45 =	vbroadcast v1, $0x0;
	v1 =	vshll.u32 v3, v9;
	v3 =	vld [tilespmem:s26+$0xFFFFE040]  }
0xe3: {  	v11 =	vbroadcast v1, $0x0;
	v1 =	vshll.u32 v4, v9;
	v4 =	vshrl.u32 v7, $0x3;
	v7 =	vld [tilespmem:s26+$0xFFFFE080]  }
0xe4: {  	v18 =	vadd.s32 v0, v45;
	v0 =	vld [tilespmem:$0x1FDE0];
	_ =	sdelay $0x1  }
0xe5: {  	s24 =	simm.s32 $0x5;
	[tilespmem:v8+s17+$0x0] =	vst.idx.msk $0xffff, v2  }
0xe6: {  	v5 =	vmov s24;
	[tilespmem:v15+s17+$0x0] =	vst.idx.msk $0xffff, v13  }
0xe7: {  	v5 =	vshrl.u32 v5, $0x3;
	[tilespmem:v17+s17+$0x0] =	vst.idx.msk $0xffff, v3  }
0xe8: {  	v12 =	vbroadcast v1, $0x0;
	v1 =	vshll.u32 v5, v9;
	v5 =	vld [tilespmem:s26+$0xFFFFE0C0];
	v19 =	vadd.s32 v0, v11;
	[tilespmem:v18+s17+$0x0] =	vst.idx.msk $0xffff, v7  }
0xe9: {  	v0 =	vld [tilespmem:$0x1FD00];
	_ =	sdelay $0x2  }
0xea: {  	v20 =	vld [tilespmem:s26+$0xFFFFE100]  }
0xeb: {  	v51 =	vadd.s32 $0x887, v39;
	v21 =	vadd.s32 v38, v12;
	v3 =	vld [tilespmem:s26+$0xFFFFE140];
	[tilespmem:v19+s17+$0x0] =	vst.idx.msk $0xffff, v5  }
0xec: {  	v4 =	vshll.u32 v4, v9;
	v14 =	vbroadcast v1, $0x0;
	v17 =	vadd.s32 v0, v62;
	v0 =	vld [tilespmem:$0x1FD70]  }
0xed: {  	v13 =	vbroadcast v4, $0x0;
	v2 =	vadd.s32 v51, v6;
	v1 =	vld [tilespmem:s26+$0xFFFFE1D0]  }
0xee: {  	v4 =	vadd.s32 v59, v14;
	v15 =	vld [tilespmem:s26+$0xFFFFE050]  }
0xef: {  	v8 =	vadd.s32 v48, v13;
	v7 =	vld [tilespmem:s26+$0xFFFFE180]  }
0xf0: {  	v5 =	vld [tilespmem:s26+$0xFFFFE090];
	[tilespmem:v21+s17+$0x0] =	vst.idx.msk $0xffff, v20  }
0xf1: {  	v18 =	vadd.s32 v0, v45;
	v0 =	vld [tilespmem:$0x1FDF0]  }
0xf2: {  	[tilespmem:v2+s17+$0x0] =	vst.idx.msk $0xffff, v1  }
0xf3: {  	[tilespmem:v4+s17+$0x0] =	vst.idx.msk $0xffff, v3  }
0xf4: {  	[tilespmem:v8+s17+$0x0] =	vst.idx.msk $0xffff, v7  }
0xf5: {  	[tilespmem:v17+s17+$0x0] =	vst.idx.msk $0xffff, v15  }
0xf6: {  	v19 =	vld [tilespmem:s26+$0xFFFFE0D0];
	v20 =	vadd.s32 v0, v11;
	[tilespmem:v18+s17+$0x0] =	vst.idx.msk $0xffff, v5  }
0xf7: {  	v0 =	vld [tilespmem:$0x1FC90];
	_ =	sdelay $0x1  }
0xf8: {  	v41 =	vadd.s32 $0x1107, v39  }
0xf9: {  	v2 =	vadd.s32 v41, v6;
	v1 =	vld [tilespmem:s26+$0xFFFFE1E0]  }
0xfa: {  	v3 =	vld [tilespmem:s26+$0xFFFFE110];
	v4 =	vadd.s32 v37, v12;
	[tilespmem:v20+s17+$0x0] =	vst.idx.msk $0xffff, v19  }
0xfb: {  	v18 =	vadd.s32 v0, v10;
	v0 =	vld [tilespmem:$0x1FD10];
	_ =	sdelay $0x2  }
0xfc: {  	v17 =	vld [tilespmem:s26+$0xFFFFE010];
	[tilespmem:v2+s17+$0x0] =	vst.idx.msk $0xffff, v1  }
0xfd: {  	v8 =	vadd.s32 v57, v14;
	v7 =	vld [tilespmem:s26+$0xFFFFE150];
	[tilespmem:v4+s17+$0x0] =	vst.idx.msk $0xffff, v3  }
0xfe: {  	v20 =	vadd.s32 v0, v62;
	v0 =	vld [tilespmem:$0x1FD80]  }
0xff: {  	v15 =	vadd.s32 v55, v13;
	v5 =	vld [tilespmem:s26+$0xFFFFE190]  }
0x100: {  	v19 =	vld [tilespmem:s26+$0xFFFFE060]  }
0x101: {  	v16 =	vadd.s32 $0x1987, v39;
	v3 =	vld [tilespmem:s26+$0xFFFFE0A0]  }
0x102: {  	v2 =	vadd.s32 v16, v6;
	v1 =	vld [tilespmem:s26+$0xFFFFE1F0];
	[tilespmem:v8+s17+$0x0] =	vst.idx.msk $0xffff, v7  }
0x103: {  	v4 =	vadd.s32 v0, v45;
	v0 =	vld [tilespmem:$0x1FE00]  }
0x104: {  	[tilespmem:v15+s17+$0x0] =	vst.idx.msk $0xffff, v5  }
0x105: {  	[tilespmem:v18+s17+$0x0] =	vst.idx.msk $0xffff, v17  }
0x106: {  	[tilespmem:v20+s17+$0x0] =	vst.idx.msk $0xffff, v19  }
0x107: {  	[tilespmem:v2+s17+$0x0] =	vst.idx.msk $0xffff, v1  }
0x108: {  	v7 =	vld [tilespmem:s26+$0xFFFFE0E0];
	v8 =	vadd.s32 v0, v11;
	[tilespmem:v4+s17+$0x0] =	vst.idx.msk $0xffff, v3  }
0x109: {  	v0 =	vld [tilespmem:$0x1FCA0];
	_ =	sdelay $0x3  }
0x10a: {  	v5 =	vld [tilespmem:s26+$0xFFFFE120];
	v15 =	vadd.s32 v44, v12;
	[tilespmem:v8+s17+$0x0] =	vst.idx.msk $0xffff, v7  }
0x10b: {  	v21 =	vadd.s32 v0, v10;
	v0 =	vld [tilespmem:$0x1FD20];
	_ =	sdelay $0x2  }
0x10c: {  	v17 =	vld [tilespmem:s26+$0xFFFFE160]  }
0x10d: {  	v18 =	vadd.s32 v42, v14;
	v19 =	vld [tilespmem:s26+$0xFFFFE1A0];
	[tilespmem:v15+s17+$0x0] =	vst.idx.msk $0xffff, v5  }
0x10e: {  	v8 =	vadd.s32 v0, v62;
	v0 =	vld [tilespmem:$0x1FD90]  }
0x10f: {  	v20 =	vadd.s32 v63, v13;
	v1 =	vmov v16;
	v16 =	vadd.s32 $0x2207, v39;
	v2 =	vld [tilespmem:s26+$0x1C0]  }
0x110: {  	v3 =	vadd.s32 v16, v6;
	v4 =	vld [tilespmem:s26+$0xFFFFE020]  }
0x111: {  	v7 =	vld [tilespmem:s26+$0xFFFFE070]  }
0x112: {  	v5 =	vld [tilespmem:s26+$0xFFFFE0B0];
	[tilespmem:v18+s17+$0x0] =	vst.idx.msk $0xffff, v17  }
0x113: {  	v15 =	vadd.s32 v0, v45;
	v0 =	vld [tilespmem:$0x1FE10]  }
0x114: {  	[tilespmem:v20+s17+$0x0] =	vst.idx.msk $0xffff, v19  }
0x115: {  	[tilespmem:v3+s17+$0x0] =	vst.idx.msk $0xffff, v2  }
0x116: {  	[tilespmem:v21+s17+$0x0] =	vst.idx.msk $0xffff, v4  }
0x117: {  	[tilespmem:v8+s17+$0x0] =	vst.idx.msk $0xffff, v7  }
0x118: {  	v17 =	vld [tilespmem:s26+$0xFFFFE0F0];
	v18 =	vadd.s32 v0, v11;
	[tilespmem:v15+s17+$0x0] =	vst.idx.msk $0xffff, v5  }
0x119: {  	v0 =	vld [tilespmem:$0x1FCB0];
	_ =	sdelay $0x2  }
0x11a: {  	v19 =	vld [tilespmem:s26+$0xFFFFE130]  }
0x11b: {  	v20 =	vadd.s32 v35, v12;
	v3 =	vmov v16;
	v16 =	vadd.s32 $0x2A87, v39;
	v4 =	vld [tilespmem:s26+$0x1D0];
	[tilespmem:v18+s17+$0x0] =	vst.idx.msk $0xffff, v17  }
0x11c: {  	v21 =	vadd.s32 v16, v6;
	v23 =	vadd.s32 v0, v10;
	v0 =	vld [tilespmem:$0x1FD30]  }
0x11d: {  	v7 =	vld [tilespmem:s26+$0xFFFFE170];
	v8 =	vadd.s32 v54, v14;
	_ =	sdelay $0x2  }
0x11e: {  	[tilespmem:v20+s17+$0x0] =	vst.idx.msk $0xffff, v19  }
0x11f: {  	v18 =	vadd.s32 v0, v62;
	v0 =	vld [tilespmem:$0x1FDA0];
	[tilespmem:v21+s17+$0x0] =	vst.idx.msk $0xffff, v4  }
0x120: {  	v25 =	vadd.s32 $0x1986, v39;
	v5 =	vld [tilespmem:s26+$0xFFFFE1B0];
	[tilespmem:v8+s17+$0x0] =	vst.idx.msk $0xffff, v7  }
0x121: {  	v15 =	vadd.s32 v25, v13;
	v61 =	vld [tilespmem:$0x1FE20]  }
0x122: {  	v2 =	vmov v22;
	v22 =	vld [tilespmem:s26+$0xFFFFE030]  }
0x123: {  	v17 =	vld [tilespmem:s26+$0x40]  }
0x124: {  	v27 =	vadd.s32 $0x3307, v39;
	v19 =	vld [tilespmem:s26+$0x80];
	v20 =	vadd.s32 v0, v45  }
0x125: {  	v8 =	vadd.s32 v27, v6;
	v7 =	vld [tilespmem:s26+$0x1E0]  }
0x126: {  	v21 =	vld [tilespmem:s26+$0xC0];
	[tilespmem:v15+s17+$0x0] =	vst.idx.msk $0xffff, v5;
	v24 =	vadd.s32 v61, v11  }
0x127: {  	[tilespmem:v23+s17+$0x0] =	vst.idx.msk $0xffff, v22  }
0x128: {  	[tilespmem:v18+s17+$0x0] =	vst.idx.msk $0xffff, v17  }
0x129: {  	[tilespmem:v20+s17+$0x0] =	vst.idx.msk $0xffff, v19  }
0x12a: {  	v4 =	vmov v16;
	v16 =	vld [tilespmem:$0x1FCC0];
	[tilespmem:v8+s17+$0x0] =	vst.idx.msk $0xffff, v7  }
0x12b: {  	v33 =	vadd.s32 $0x3B87, v39;
	v15 =	vld [tilespmem:s26+$0x100];
	v22 =	vadd.s32 v52, v12;
	[tilespmem:v24+s17+$0x0] =	vst.idx.msk $0xffff, v21  }
0x12c: {  	v21 =	vadd.s32 v33, v6;
	v6 =	vld [tilespmem:$0x1FD40];
	_ =	sdelay $0x3  }
0x12d: {  	v26 =	vadd.s32 $0x2206, v39;
	v17 =	vld [tilespmem:s26+$0x140];
	[tilespmem:v22+s17+$0x0] =	vst.idx.msk $0xffff, v15  }
0x12e: {  	v18 =	vadd.s32 v49, v14;
	v20 =	vadd.s32 v26, v13;
	v8 =	vmovc v26;
	v26 =	vadd.s32 v6, v62;
	v6 =	vld [tilespmem:$0x1FDB0]  }
0x12f: {  	v19 =	vld [tilespmem:s26+$0x180]  }
0x130: {  	v5 =	vmov v25;
	v23 =	vld [tilespmem:s26+$0x0];
	v25 =	vadd.s32 v16, v10  }
0x131: {  	v7 =	vld [tilespmem:s26+$0x1F0]  }
0x132: {  	v24 =	vld [tilespmem:s26+$0x50]  }
0x133: {  	v15 =	vld [tilespmem:s26+$0x90];
	[tilespmem:v18+s17+$0x0] =	vst.idx.msk $0xffff, v17;
	v22 =	vadd.s32 v6, v45  }
0x134: {  	v36 =	vld [tilespmem:$0x1FE30];
	[tilespmem:v20+s17+$0x0] =	vst.idx.msk $0xffff, v19  }
0x135: {  	[tilespmem:v25+s17+$0x0] =	vst.idx.msk $0xffff, v23  }
0x136: {  	v0 =	vld [tilespmem:$0x1FE60];
	[tilespmem:v21+s17+$0x0] =	vst.idx.msk $0xffff, v7  }
0x137: {  	[tilespmem:v26+s17+$0x0] =	vst.idx.msk $0xffff, v24  }
0x138: {  	v16 =	vld [tilespmem:$0x1FCD0];
	[tilespmem:v22+s17+$0x0] =	vst.idx.msk $0xffff, v15  }
0x139: {  	v15 =	vld [tilespmem:$0x1FD50];
	_ =	sdelay $0x2  }
0x13a: {  	v17 =	vld [tilespmem:s26+$0xD0]  }
0x13b: {  	v19 =	vld [tilespmem:s26+$0x110];
	v18 =	vadd.s32 v36, v11  }
0x13c: {  	v6 =	vmov v27;
	v27 =	vadd.s32 v15, v62;
	v15 =	vld [tilespmem:s26+$0xA0]  }
0x13d: {  	v23 =	vld [tilespmem:s26+$0x150]  }
0x13e: {  	v7 =	vld [tilespmem:s26+$0x190]  }
0x13f: {  	v24 =	vld [tilespmem:s26+$0x10]  }
0x140: {  	v30 =	vld [tilespmem:s26+$0x60];
	[tilespmem:v18+s17+$0x0] =	vst.idx.msk $0xffff, v17  }
0x141: {  	[tilespmem:$0x1FC70] =	vst v15;
	v15 =	vld [tilespmem:$0x1FDC0];
	_ =	sdelay $0x3  }
0x142: {  	v20 =	vadd.s32 v0, v12  }
0x143: {  	v28 =	vadd.s32 v15, v45;
	v15 =	vld [tilespmem:s26+$0xE0]  }
0x144: {  	v25 =	vadd.s32 v60, v14;
	v0 =	vadd.s32 $0x2A86, v39  }
0x145: {  	v21 =	vadd.s32 v0, v13  }
0x146: {  	v26 =	vadd.s32 v16, v10  }
0x147: {  	[tilespmem:v20+s17+$0x0] =	vst.idx.msk $0xffff, v19  }
0x148: {  	[tilespmem:$0x1FC80] =	vst v15  }
0x149: {  	v34 =	vld [tilespmem:$0x1FE40];
	[tilespmem:v25+s17+$0x0] =	vst.idx.msk $0xffff, v23  }
0x14a: {  	[tilespmem:v21+s17+$0x0] =	vst.idx.msk $0xffff, v7  }
0x14b: {  	[tilespmem:v26+s17+$0x0] =	vst.idx.msk $0xffff, v24  }
0x14c: {  	[tilespmem:v27+s17+$0x0] =	vst.idx.msk $0xffff, v30  }
0x14d: {  	v7 =	vmov v0;
	v0 =	vld [tilespmem:$0x1FC70];
	_ =	sdelay $0x4  }
0x14e: {  	v19 =	vadd.s32 v43, v12;
	v20 =	vld [tilespmem:s26+$0x120];
	[tilespmem:v28+s17+$0x0] =	vst.idx.msk $0xffff, v0  }
0x14f: {  	v29 =	vadd.s32 v34, v11;
	v0 =	vld [tilespmem:$0x1FC80];
	_ =	sdelay $0x3  }
0x150: {  	s7 =	simm.s32 $0xA;
	[tilespmem:v19+s17+$0x0] =	vst.idx.msk $0xffff, v20  }
0x151: {  	s31 =	simm.s32 $0x8;
	v16 =	vmov s7;
	v23 =	vld [tilespmem:s26+$0x160];
	[tilespmem:v29+s17+$0x0] =	vst.idx.msk $0xffff, v0  }
0x152: {  	v47 =	vadd.s32 $0x3B86, v39;
	s24 =	simm.s32 $0xC;
	v17 =	vmov s31;
	v20 =	vshrl.u32 v16, $0x3;
	v16 =	vld [tilespmem:$0x1FDD0]  }
0x153: {  	v53 =	vadd.s32 $0x3306, v39;
	s9 =	simm.s32 $0xB;
	s30 =	simm.s32 $0xD;
	v22 =	vmov s24;
	s31 =	simm.s32 $0xE;
	v31 =	vshrl.u32 v17, $0x3;
	v26 =	vld [tilespmem:s26+$0x1A0]  }
0x154: {  	s2 =	simm.s32 $0x9;
	v17 =	vmov s30;
	v18 =	vmov s31;
	v15 =	vmov s9;
	v28 =	vld [tilespmem:s26+$0x20]  }
0x155: {  	v21 =	vmov s2;
	v25 =	vadd.s32 v56, v14;
	v19 =	vshrl.u32 v15, $0x3;
	v15 =	vld [tilespmem:s26+$0xB0]  }
0x156: {  	v27 =	vadd.s32 v53, v13;
	v30 =	vadd.s32 v50, v10;
	v24 =	vshll.u32 v31, v9;
	v29 =	vld [tilespmem:s26+$0x70]  }
0x157: {  	s29 =	simm.s32 $0x10;
	s28 =	sor.u32 s6, s25;
	s0 =	simm.s32 $0xF;
	v31 =	vadd.s32 v46, v62;
	v62 =	vmovc v46;
	v46 =	vmovc v33;
	v21 =	vshrl.u32 v21, $0x3;
	v16 =	vadd.s32 v16, v45;
	v45 =	vld [tilespmem:$0x1FE50]  }
.LBB2_5:
0x158: {  	v0 =	vld [tilespmem:$0x1FCE0]  }
0x159: {  	v33 =	vld [tilespmem:s26+$0xF0]  }
0x15a: {  	v12 =	vadd.s32 v58, v12;
	[tilespmem:v25+s17+$0x0] =	vst.idx.msk $0xffff, v23;
	v25 =	vld [tilespmem:s26+$0x130]  }
0x15b: {  	[tilespmem:v27+s17+$0x0] =	vst.idx.msk $0xffff, v26;
	v26 =	vld [tilespmem:s26+$0x170]  }
0x15c: {  	v11 =	vadd.s32 v45, v11;
	v27 =	vld [tilespmem:s26+$0x1B0]  }
0x15d: {  	v32 =	vmov s0;
	v14 =	vadd.s32 v40, v14;
	[tilespmem:v30+s17+$0x0] =	vst.idx.msk $0xffff, v28;
	v10 =	vadd.s32 v0, v10;
	v0 =	vld [tilespmem:$0x1FD60]  }
0x15e: {  	v13 =	vadd.s32 v47, v13;
	v23 =	vshrl.u32 v17, $0x3;
	v17 =	vshrl.u32 v32, $0x3;
	[tilespmem:v16+s17+$0x0] =	vst.idx.msk $0xffff, v15;
	v28 =	vld [tilespmem:s26+$0x30]  }
0x15f: {  	v24 =	vbroadcast v24, $0x0;
	v16 =	vshll.u32 v20, v9;
	v17 =	vshll.u32 v17, v9;
	s26 =	sadd.s32 $0x200, s26;
	[tilespmem:v12+s17+$0x0] =	vst.idx.msk $0xffff, v25;
	v12 =	vld [tilespmem:$0x1FCF0]  }
0x160: {  	v16 =	vbroadcast v16, $0x0;
	v17 =	vbroadcast v17, $0x0;
	v20 =	vld [tilespmem:s26+$0xFFFFE1C0]  }
0x161: {  	v21 =	vshll.u32 v21, v9;
	[tilespmem:v31+s17+$0x0] =	vst.idx.msk $0xffff, v29;
	v30 =	vadd.s32 v39, v24;
	v29 =	vld [tilespmem:s26+$0xFFFFE000]  }
0x162: {  	v15 =	vbroadcast v21, $0x0;
	v21 =	vadd.s32 v2, v17;
	[tilespmem:v14+s17+$0x0] =	vst.idx.msk $0xffff, v26;
	v26 =	vadd.s32 v0, v16;
	v0 =	vld [tilespmem:$0x1FDE0]  }
0x163: {  	[tilespmem:v11+s17+$0x0] =	vst.idx.msk $0xffff, v33;
	v11 =	vshll.u32 v19, v9;
	v19 =	vld [tilespmem:s26+$0xFFFFE040]  }
0x164: {  	v22 =	vshrl.u32 v22, $0x3;
	v14 =	vshll.u32 v23, v9;
	[tilespmem:v13+s17+$0x0] =	vst.idx.msk $0xffff, v27;
	v23 =	vld [tilespmem:s26+$0xFFFFE0C0];
	v25 =	vadd.s32 v12, v15  }
0x165: {  	v18 =	vshrl.u32 v18, $0x3;
	v11 =	vbroadcast v11, $0x0;
	[tilespmem:v10+s17+$0x0] =	vst.idx.msk $0xffff, v28;
	v12 =	vshll.u32 v22, v9;
	v22 =	vld [tilespmem:s26+$0xFFFFE080]  }
0x166: {  	v13 =	vshll.u32 v18, v9;
	v18 =	vld [tilespmem:s26+$0xFFFFE100];
	[tilespmem:v30+s17+$0x0] =	vst.idx.msk $0xffff, v29  }
0x167: {  	v29 =	vld [tilespmem:$0x1FD00];
	[tilespmem:v21+s17+$0x0] =	vst.idx.msk $0xffff, v20;
	v12 =	vbroadcast v12, $0x0;
	v27 =	vadd.s32 v0, v11  }
0x168: {  	v14 =	vbroadcast v14, $0x0;
	v21 =	vadd.s32 v51, v17;
	v20 =	vld [tilespmem:s26+$0xFFFFE1D0]  }
0x169: {  	v10 =	vmov v24;
	v24 =	vadd.s32 v38, v12;
	[tilespmem:v25+s17+$0x0] =	vst.idx.msk $0xffff, v19;
	v19 =	vld [tilespmem:s26+$0xFFFFE140]  }
0x16a: {  	v25 =	vadd.s32 v59, v14;
	[tilespmem:v26+s17+$0x0] =	vst.idx.msk $0xffff, v22;
	v22 =	vld [tilespmem:s26+$0xFFFFE180]  }
0x16b: {  	v13 =	vbroadcast v13, $0x0;
	v28 =	vld [tilespmem:s26+$0xFFFFE050]  }
0x16c: {  	[tilespmem:v27+s17+$0x0] =	vst.idx.msk $0xffff, v23;
	v27 =	vld [tilespmem:$0x1FD70]  }
0x16d: {  	v26 =	vadd.s32 v48, v13;
	[tilespmem:v21+s17+$0x0] =	vst.idx.msk $0xffff, v20;
	v23 =	vld [tilespmem:s26+$0xFFFFE090]  }
0x16e: {  	v29 =	vadd.s32 v29, v15;
	[tilespmem:v24+s17+$0x0] =	vst.idx.msk $0xffff, v18;
	v24 =	vld [tilespmem:$0x1FDF0]  }
0x16f: {  	v20 =	vadd.s32 v41, v17;
	[tilespmem:v25+s17+$0x0] =	vst.idx.msk $0xffff, v19;
	v19 =	vld [tilespmem:s26+$0xFFFFE1E0]  }
0x170: {  	v21 =	vld [tilespmem:s26+$0xFFFFE110];
	v25 =	vadd.s32 v37, v12  }
0x171: {  	v18 =	vld [tilespmem:s26+$0xFFFFE0D0];
	v27 =	vadd.s32 v27, v16  }
0x172: {  	[tilespmem:v26+s17+$0x0] =	vst.idx.msk $0xffff, v22;
	v22 =	vld [tilespmem:s26+$0xFFFFE150]  }
0x173: {  	v26 =	vadd.s32 v57, v14;
	[tilespmem:v29+s17+$0x0] =	vst.idx.msk $0xffff, v28;
	v29 =	vld [tilespmem:$0x1FC90]  }
0x174: {  	v28 =	vld [tilespmem:s26+$0xFFFFE010];
	[tilespmem:v20+s17+$0x0] =	vst.idx.msk $0xffff, v19  }
0x175: {  	v24 =	vadd.s32 v24, v11;
	[tilespmem:v25+s17+$0x0] =	vst.idx.msk $0xffff, v21;
	v25 =	vld [tilespmem:$0x1FD80]  }
0x176: {  	[tilespmem:v27+s17+$0x0] =	vst.idx.msk $0xffff, v23;
	v23 =	vld [tilespmem:s26+$0xFFFFE190]  }
0x177: {  	v27 =	vadd.s32 v55, v13;
	v19 =	vld [tilespmem:s26+$0xFFFFE1F0]  }
0x178: {  	v29 =	vadd.s32 v29, v10;
	[tilespmem:v26+s17+$0x0] =	vst.idx.msk $0xffff, v22;
	v26 =	vld [tilespmem:$0x1FE00]  }
0x179: {  	v20 =	vadd.s32 v1, v17;
	v21 =	vld [tilespmem:s26+$0xFFFFE0A0]  }
0x17a: {  	[tilespmem:v24+s17+$0x0] =	vst.idx.msk $0xffff, v18;
	v24 =	vld [tilespmem:$0x1FD10]  }
0x17b: {  	v18 =	vld [tilespmem:s26+$0xFFFFE060];
	v25 =	vadd.s32 v25, v16  }
0x17c: {  	v22 =	vld [tilespmem:s26+$0xFFFFE0E0];
	[tilespmem:v27+s17+$0x0] =	vst.idx.msk $0xffff, v23  }
0x17d: {  	[tilespmem:v29+s17+$0x0] =	vst.idx.msk $0xffff, v28;
	v23 =	vld [tilespmem:s26+$0xFFFFE120];
	v27 =	vadd.s32 v44, v12  }
0x17e: {  	v29 =	vadd.s32 v63, v13;
	[tilespmem:v20+s17+$0x0] =	vst.idx.msk $0xffff, v19;
	v28 =	vld [tilespmem:s26+$0xFFFFE1A0]  }
0x17f: {  	v19 =	vld [tilespmem:s26+$0x1C0];
	v24 =	vadd.s32 v24, v15  }
0x180: {  	v26 =	vadd.s32 v26, v11;
	[tilespmem:v25+s17+$0x0] =	vst.idx.msk $0xffff, v21;
	v21 =	vld [tilespmem:s26+$0xFFFFE020]  }
0x181: {  	v20 =	vadd.s32 v3, v17;
	v25 =	vld [tilespmem:$0x1FCA0]  }
0x182: {  	[tilespmem:v27+s17+$0x0] =	vst.idx.msk $0xffff, v23;
	v27 =	vld [tilespmem:$0x1FD90]  }
0x183: {  	[tilespmem:v29+s17+$0x0] =	vst.idx.msk $0xffff, v28;
	v28 =	vld [tilespmem:s26+$0xFFFFE130];
	v29 =	vadd.s32 v35, v12  }
0x184: {  	[tilespmem:v24+s17+$0x0] =	vst.idx.msk $0xffff, v18;
	v18 =	vld [tilespmem:s26+$0xFFFFE160];
	v24 =	vadd.s32 v42, v14  }
0x185: {  	[tilespmem:v26+s17+$0x0] =	vst.idx.msk $0xffff, v22;
	v26 =	vld [tilespmem:$0x1FD20]  }
0x186: {  	v23 =	vld [tilespmem:s26+$0xFFFFE0B0];
	[tilespmem:v20+s17+$0x0] =	vst.idx.msk $0xffff, v19  }
0x187: {  	v19 =	vld [tilespmem:s26+$0x1D0];
	v27 =	vadd.s32 v27, v16  }
0x188: {  	v20 =	vadd.s32 v4, v17;
	[tilespmem:v29+s17+$0x0] =	vst.idx.msk $0xffff, v28;
	v29 =	vld [tilespmem:$0x1FDA0]  }
0x189: {  	v25 =	vadd.s32 v25, v10;
	[tilespmem:v24+s17+$0x0] =	vst.idx.msk $0xffff, v18;
	v24 =	vld [tilespmem:$0x1FE10]  }
0x18a: {  	v22 =	vld [tilespmem:s26+$0xFFFFE070];
	v26 =	vadd.s32 v26, v15;
	_ =	sdelay $0x1  }
0x18b: {  	v0 =	vld [tilespmem:$0x1FCC0];
	[tilespmem:v27+s17+$0x0] =	vst.idx.msk $0xffff, v23  }
0x18c: {  	[tilespmem:v20+s17+$0x0] =	vst.idx.msk $0xffff, v19;
	v28 =	vld [tilespmem:s26+$0x80];
	v29 =	vadd.s32 v29, v16  }
0x18d: {  	v18 =	vld [tilespmem:s26+$0xFFFFE0F0];
	[tilespmem:v25+s17+$0x0] =	vst.idx.msk $0xffff, v21;
	v24 =	vadd.s32 v24, v11  }
0x18e: {  	v21 =	vld [tilespmem:s26+$0xFFFFE170];
	[tilespmem:v26+s17+$0x0] =	vst.idx.msk $0xffff, v22;
	v22 =	vadd.s32 v54, v14  }
0x18f: {  	v19 =	vld [tilespmem:s26+$0x1E0]  }
0x190: {  	v23 =	vld [tilespmem:s26+$0xFFFFE1B0]  }
0x191: {  	v20 =	vadd.s32 v6, v17;
	v27 =	vld [tilespmem:$0x1FCB0];
	[tilespmem:v29+s17+$0x0] =	vst.idx.msk $0xffff, v28  }
0x192: {  	v25 =	vadd.s32 v5, v13;
	v29 =	vadd.s32 v0, v10;
	v0 =	vld [tilespmem:$0x1FD40];
	[tilespmem:v24+s17+$0x0] =	vst.idx.msk $0xffff, v18  }
0x193: {  	[tilespmem:v22+s17+$0x0] =	vst.idx.msk $0xffff, v21;
	v22 =	vadd.s32 v61, v11;
	v21 =	vld [tilespmem:s26+$0xC0]  }
0x194: {  	v38 =	vld [tilespmem:$0x1FEF0]  }
0x195: {  	v24 =	vld [tilespmem:$0x1FD30]  }
0x196: {  	v26 =	vld [tilespmem:s26+$0xFFFFE030];
	[tilespmem:v20+s17+$0x0] =	vst.idx.msk $0xffff, v19;
	v27 =	vadd.s32 v27, v10  }
0x197: {  	[tilespmem:v25+s17+$0x0] =	vst.idx.msk $0xffff, v23;
	v23 =	vld [tilespmem:s26+$0x100]  }
0x198: {  	v25 =	vadd.s32 v52, v12;
	[tilespmem:v22+s17+$0x0] =	vst.idx.msk $0xffff, v21;
	v21 =	vadd.s32 v0, v15;
	v0 =	vld [tilespmem:$0x1FDB0]  }
0x199: {  	v19 =	vld [tilespmem:s26+$0x1F0]  }
0x19a: {  	v18 =	vld [tilespmem:s26+$0x40];
	v24 =	vadd.s32 v24, v15  }
0x19b: {  	[tilespmem:v27+s17+$0x0] =	vst.idx.msk $0xffff, v26;
	v26 =	vld [tilespmem:s26+$0x180]  }
0x19c: {  	v28 =	vld [tilespmem:s26+$0x0]  }
0x19d: {  	v27 =	vadd.s32 v8, v13;
	[tilespmem:v25+s17+$0x0] =	vst.idx.msk $0xffff, v23;
	v23 =	vadd.s32 v0, v16;
	v0 =	vld [tilespmem:$0x1FE60]  }
0x19e: {  	v17 =	vadd.s32 v46, v17;
	v25 =	vld [tilespmem:s26+$0x110]  }
0x19f: {  	[tilespmem:v24+s17+$0x0] =	vst.idx.msk $0xffff, v18;
	v18 =	vld [tilespmem:s26+$0x140];
	v24 =	vadd.s32 v49, v14  }
0x1a0: {  	v22 =	vld [tilespmem:s26+$0x90]  }
0x1a1: {  	v20 =	vld [tilespmem:s26+$0x50]  }
0x1a2: {  	[tilespmem:v27+s17+$0x0] =	vst.idx.msk $0xffff, v26;
	v26 =	vadd.s32 v0, v12;
	v0 =	vld [tilespmem:$0x1FCD0]  }
0x1a3: {  	[tilespmem:v17+s17+$0x0] =	vst.idx.msk $0xffff, v19;
	v17 =	vld [tilespmem:s26+$0x190]  }
0x1a4: {  	[tilespmem:v24+s17+$0x0] =	vst.idx.msk $0xffff, v18;
	v18 =	vld [tilespmem:s26+$0xD0];
	v24 =	vadd.s32 v36, v11  }
0x1a5: {  	v19 =	vadd.s32 v7, v13;
	[tilespmem:v29+s17+$0x0] =	vst.idx.msk $0xffff, v28;
	v27 =	vld [tilespmem:s26+$0x150]  }
0x1a6: {  	[tilespmem:v21+s17+$0x0] =	vst.idx.msk $0xffff, v20;
	v20 =	vld [tilespmem:s26+$0x10]  }
0x1a7: {  	v21 =	vadd.s32 v0, v10;
	v0 =	vld [tilespmem:$0x1FD50]  }
0x1a8: {  	v28 =	vadd.s32 v60, v14;
	[tilespmem:v23+s17+$0x0] =	vst.idx.msk $0xffff, v22;
	v29 =	vld [tilespmem:s26+$0x60]  }
0x1a9: {  	[tilespmem:v24+s17+$0x0] =	vst.idx.msk $0xffff, v18;
	v24 =	vld [tilespmem:s26+$0xA0]  }
0x1aa: {  	[tilespmem:v19+s17+$0x0] =	vst.idx.msk $0xffff, v17;
	v32 =	vld [tilespmem:s26+$0xE0]  }
0x1ab: {  	v33 =	vadd.s32 v34, v11;
	[tilespmem:v26+s17+$0x0] =	vst.idx.msk $0xffff, v25;
	v26 =	vld [tilespmem:s26+$0x1A0]  }
0x1ac: {  	v30 =	vadd.s32 v0, v15;
	v0 =	vld [tilespmem:$0x1FDC0]  }
0x1ad: {  	s2 =	sadd.s32 $0x2, s29;
	[tilespmem:v28+s17+$0x0] =	vst.idx.msk $0xffff, v27;
	v35 =	vld [tilespmem:s26+$0x120]  }
0x1ae: {  	v37 =	vmov s2;
	v36 =	vadd.s32 v43, v12;
	v23 =	vld [tilespmem:s26+$0x160]  }
0x1af: {  	s7 =	sadd.s32 $0x1, s29;
	s9 =	sadd.s32 $0x3, s29;
	[tilespmem:v21+s17+$0x0] =	vst.idx.msk $0xffff, v20;
	v20 =	vshrl.u32 v37, $0x3;
	v37 =	vld [tilespmem:$0x1FF00]  }
0x1b0: {  	v61 =	vmov s9;
	v19 =	vmov s7;
	[tilespmem:v33+s17+$0x0] =	vst.idx.msk $0xffff, v32;
	v32 =	vld [tilespmem:$0x1FDD0]  }
0x1b1: {  	v21 =	vshrl.u32 v19, $0x3;
	v19 =	vshrl.u32 v61, $0x3;
	v61 =	vld [tilespmem:$0x1FE20];
	v31 =	vadd.s32 v0, v16  }
0x1b2: {  	p0 =	slt.u32 s29, $0x78;
	v28 =	vld [tilespmem:s26+$0x20]  }
.Ltmp1:
0x1b3: {  	s30 =	sadd.s32 $0x5, s29;
	[tilespmem:v36+s17+$0x0] =	vst.idx.msk $0xffff, v35;
	v35 =	vld [tilespmem:$0x1FF20];
	(pc) =	sbr.rel @p0 .LBB2_5-.Ltmp1, $4  }
0x1b4: {  	s24 =	sadd.s32 $0x4, s29;
	v17 =	vmov s30;
	v18 =	vmov s29;
	v36 =	vld [tilespmem:$0x1FE30];
	[tilespmem:v30+s17+$0x0] =	vst.idx.msk $0xffff, v29  }
0x1b5: {  	s31 =	sadd.s32 $0x6, s29;
	v22 =	vmov s24;
	v34 =	vshrl.u32 v18, $0x3;
	v25 =	vadd.s32 v56, v14;
	v29 =	vld [tilespmem:s26+$0x70]  }
0x1b6: {  	v27 =	vadd.s32 v53, v13;
	v18 =	vmov s31;
	[tilespmem:v31+s17+$0x0] =	vst.idx.msk $0xffff, v24;
	v24 =	vshll.u32 v34, v9;
	v34 =	vld [tilespmem:$0x1FE40]  }
0x1b7: {  	s0 =	sadd.s32 $0x7, s29;
	s29 =	sadd.s32 $0x8, s29;
	v30 =	vadd.s32 v50, v10;
	v16 =	vadd.s32 v32, v16;
	v31 =	vadd.s32 v62, v15;
	v15 =	vld [tilespmem:s26+$0xB0]  }
0x1b8: {  	_ =	sdelay $0x3  }
0x1b9: {  	[tilespmem:v25+s17+$0x0] =	vst.idx.msk $0xffff, v23  }
0x1ba: {  	v25 =	vld [tilespmem:s26+$0xF0];
	[tilespmem:v27+s17+$0x0] =	vst.idx.msk $0xffff, v26  }
0x1bb: {  	v32 =	vadd.s32 v45, v11;
	v33 =	vld [tilespmem:s26+$0x130];
	[tilespmem:v30+s17+$0x0] =	vst.idx.msk $0xffff, v28  }
0x1bc: {  	v12 =	vadd.s32 v58, v12;
	v26 =	vld [tilespmem:s26+$0x170];
	[tilespmem:v31+s17+$0x0] =	vst.idx.msk $0xffff, v29  }
0x1bd: {  	v14 =	vadd.s32 v40, v14;
	v27 =	vld [tilespmem:s26+$0x1B0];
	[tilespmem:v16+s17+$0x0] =	vst.idx.msk $0xffff, v15  }
0x1be: {  	v28 =	vadd.s32 v47, v13;
	v29 =	vld [tilespmem:$0x1FCE0];
	_ =	sdelay $0x1  }
0x1bf: {  	[tilespmem:v32+s17+$0x0] =	vst.idx.msk $0xffff, v25  }
0x1c0: {  	[tilespmem:v12+s17+$0x0] =	vst.idx.msk $0xffff, v33  }
0x1c1: {  	v15 =	vld [tilespmem:s26+$0x30];
	[tilespmem:v14+s17+$0x0] =	vst.idx.msk $0xffff, v26  }
0x1c2: {  	v14 =	vld [tilespmem:$0x1FCF0];
	[tilespmem:v28+s17+$0x0] =	vst.idx.msk $0xffff, v27;
	v16 =	vadd.s32 v29, v10  }
0x1c3: {  	v0 =	vld [tilespmem:$0x1FD60]  }
0x1c4: {  	v23 =	vmov s0  }
0x1c5: {  	v11 =	vshrl.u32 v23, $0x3;
	v31 =	vshll.u32 v20, v9  }
0x1c6: {  	v11 =	vshll.u32 v11, v9;
	v12 =	vbroadcast v31, $0x0  }
0x1c7: {  	v11 =	vbroadcast v11, $0x0;
	[tilespmem:v16+s17+$0x0] =	vst.idx.msk $0xffff, v15  }
0x1c8: {  	v30 =	vbroadcast v24, $0x0;
	v24 =	vshll.u32 v21, v9;
	s31 =	sadd.s32 $0x200, s26;
	v32 =	vadd.s32 v0, v12;
	v0 =	vld [tilespmem:$0x1FDE0]  }
0x1c9: {  	v20 =	vld [tilespmem:s31+$0xFFFFE1C0];
	v21 =	vadd.s32 v2, v11;
	v10 =	vbroadcast v24, $0x0  }
0x1ca: {  	v22 =	vshrl.u32 v22, $0x3;
	v23 =	vld [tilespmem:s31+$0xFFFFE000];
	v33 =	vshll.u32 v19, v9;
	v24 =	vadd.s32 v39, v30  }
0x1cb: {  	v19 =	vld [tilespmem:s31+$0xFFFFE040];
	v31 =	vshll.u32 v22, v9;
	v13 =	vbroadcast v33, $0x0;
	v25 =	vadd.s32 v14, v10  }
0x1cc: {  	v17 =	vshrl.u32 v17, $0x3;
	v22 =	vld [tilespmem:s31+$0xFFFFE080];
	v14 =	vbroadcast v31, $0x0  }
0x1cd: {  	v18 =	vshrl.u32 v18, $0x3;
	v17 =	vshll.u32 v17, v9;
	v27 =	vld [tilespmem:s31+$0xFFFFE0C0];
	v28 =	vadd.s32 v0, v13  }
0x1ce: {  	v33 =	vshll.u32 v18, v9;
	v18 =	vld [tilespmem:s31+$0xFFFFE100];
	[tilespmem:v21+s17+$0x0] =	vst.idx.msk $0xffff, v20;
	v20 =	vadd.s32 v38, v14  }
0x1cf: {  	v16 =	vbroadcast v17, $0x0;
	[tilespmem:v24+s17+$0x0] =	vst.idx.msk $0xffff, v23;
	v21 =	vadd.s32 v51, v11;
	v17 =	vld [tilespmem:s31+$0xFFFFE1D0]  }
0x1d0: {  	[tilespmem:v25+s17+$0x0] =	vst.idx.msk $0xffff, v19  }
0x1d1: {  	[tilespmem:v32+s17+$0x0] =	vst.idx.msk $0xffff, v22  }
0x1d2: {  	[tilespmem:v28+s17+$0x0] =	vst.idx.msk $0xffff, v27  }
0x1d3: {  	v26 =	vld [tilespmem:$0x1FD00];
	[tilespmem:v20+s17+$0x0] =	vst.idx.msk $0xffff, v18  }
0x1d4: {  	v20 =	vld [tilespmem:$0x1FD70];
	[tilespmem:v21+s17+$0x0] =	vst.idx.msk $0xffff, v17  }
0x1d5: {  	v15 =	vbroadcast v33, $0x0;
	v21 =	vld [tilespmem:$0x1FDF0]  }
0x1d6: {  	v19 =	vld [tilespmem:s31+$0xFFFFE140];
	v31 =	vadd.s32 v59, v16  }
0x1d7: {  	v33 =	vadd.s32 v48, v15;
	v32 =	vld [tilespmem:s31+$0xFFFFE180]  }
0x1d8: {  	v25 =	vld [tilespmem:s31+$0xFFFFE050];
	v26 =	vadd.s32 v26, v10  }
0x1d9: {  	v18 =	vld [tilespmem:s31+$0xFFFFE090];
	v20 =	vadd.s32 v20, v12  }
0x1da: {  	v28 =	vld [tilespmem:s31+$0xFFFFE0D0];
	v21 =	vadd.s32 v21, v13  }
0x1db: {  	[tilespmem:v31+s17+$0x0] =	vst.idx.msk $0xffff, v19;
	v19 =	vld [tilespmem:s31+$0xFFFFE1E0];
	v31 =	vadd.s32 v41, v11  }
0x1dc: {  	v22 =	vld [tilespmem:s31+$0xFFFFE110];
	[tilespmem:v33+s17+$0x0] =	vst.idx.msk $0xffff, v32;
	v32 =	vadd.s32 v37, v14  }
0x1dd: {  	v33 =	vadd.s32 v57, v16;
	[tilespmem:v26+s17+$0x0] =	vst.idx.msk $0xffff, v25;
	v25 =	vld [tilespmem:s31+$0xFFFFE150]  }
0x1de: {  	[tilespmem:v20+s17+$0x0] =	vst.idx.msk $0xffff, v18;
	v18 =	vld [tilespmem:s31+$0xFFFFE190];
	v20 =	vadd.s32 v55, v15  }
0x1df: {  	[tilespmem:v21+s17+$0x0] =	vst.idx.msk $0xffff, v28  }
0x1e0: {  	v21 =	vld [tilespmem:$0x1FC90];
	[tilespmem:v31+s17+$0x0] =	vst.idx.msk $0xffff, v19  }
0x1e1: {  	v23 =	vld [tilespmem:$0x1FD10];
	[tilespmem:v32+s17+$0x0] =	vst.idx.msk $0xffff, v22  }
0x1e2: {  	[tilespmem:v33+s17+$0x0] =	vst.idx.msk $0xffff, v25  }
0x1e3: {  	v26 =	vld [tilespmem:$0x1FD80];
	[tilespmem:v20+s17+$0x0] =	vst.idx.msk $0xffff, v18  }
0x1e4: {  	v20 =	vld [tilespmem:$0x1FE00]  }
0x1e5: {  	v28 =	vld [tilespmem:s31+$0xFFFFE010];
	v21 =	vadd.s32 v21, v30  }
0x1e6: {  	v31 =	vld [tilespmem:s31+$0xFFFFE060];
	v23 =	vadd.s32 v23, v10  }
0x1e7: {  	v22 =	vld [tilespmem:s31+$0xFFFFE1F0];
	v32 =	vadd.s32 v1, v11  }
0x1e8: {  	v33 =	vld [tilespmem:s31+$0xFFFFE0A0];
	v26 =	vadd.s32 v26, v12  }
0x1e9: {  	v18 =	vld [tilespmem:s31+$0xFFFFE0E0];
	v20 =	vadd.s32 v20, v13  }
0x1ea: {  	v17 =	vld [tilespmem:s31+$0xFFFFE120];
	[tilespmem:v21+s17+$0x0] =	vst.idx.msk $0xffff, v28;
	v28 =	vadd.s32 v44, v14  }
0x1eb: {  	v19 =	vld [tilespmem:s31+$0xFFFFE160];
	[tilespmem:v23+s17+$0x0] =	vst.idx.msk $0xffff, v31;
	v31 =	vadd.s32 v42, v16  }
0x1ec: {  	[tilespmem:v32+s17+$0x0] =	vst.idx.msk $0xffff, v22;
	v22 =	vld [tilespmem:s31+$0xFFFFE1A0];
	v32 =	vadd.s32 v63, v15  }
0x1ed: {  	[tilespmem:v26+s17+$0x0] =	vst.idx.msk $0xffff, v33  }
0x1ee: {  	[tilespmem:v20+s17+$0x0] =	vst.idx.msk $0xffff, v18  }
0x1ef: {  	v20 =	vld [tilespmem:$0x1FCA0];
	[tilespmem:v28+s17+$0x0] =	vst.idx.msk $0xffff, v17  }
0x1f0: {  	v21 =	vld [tilespmem:$0x1FD20];
	[tilespmem:v31+s17+$0x0] =	vst.idx.msk $0xffff, v19  }
0x1f1: {  	v23 =	vld [tilespmem:$0x1FD90];
	[tilespmem:v32+s17+$0x0] =	vst.idx.msk $0xffff, v22  }
0x1f2: {  	v24 =	vld [tilespmem:$0x1FE10]  }
0x1f3: {  	v25 =	vld [tilespmem:s31+$0x1C0];
	v33 =	vadd.s32 v3, v11  }
0x1f4: {  	v18 =	vld [tilespmem:s31+$0xFFFFE020];
	v20 =	vadd.s32 v20, v30  }
0x1f5: {  	v28 =	vld [tilespmem:s31+$0xFFFFE070];
	v21 =	vadd.s32 v21, v10  }
0x1f6: {  	v31 =	vld [tilespmem:s31+$0xFFFFE0B0];
	v23 =	vadd.s32 v23, v12  }
0x1f7: {  	v32 =	vld [tilespmem:s31+$0xFFFFE0F0];
	v24 =	vadd.s32 v24, v13  }
0x1f8: {  	[tilespmem:v33+s17+$0x0] =	vst.idx.msk $0xffff, v25;
	v25 =	vld [tilespmem:s31+$0xFFFFE130];
	v33 =	vadd.s32 v35, v14  }
0x1f9: {  	[tilespmem:v20+s17+$0x0] =	vst.idx.msk $0xffff, v18;
	v18 =	vld [tilespmem:s31+$0x1D0];
	v20 =	vadd.s32 v4, v11  }
0x1fa: {  	[tilespmem:v21+s17+$0x0] =	vst.idx.msk $0xffff, v28  }
0x1fb: {  	[tilespmem:v23+s17+$0x0] =	vst.idx.msk $0xffff, v31  }
0x1fc: {  	v17 =	vld [tilespmem:s31+$0xFFFFE170];
	v28 =	vadd.s32 v54, v16;
	[tilespmem:v24+s17+$0x0] =	vst.idx.msk $0xffff, v32  }
0x1fd: {  	v24 =	vld [tilespmem:$0x1FCB0];
	[tilespmem:v33+s17+$0x0] =	vst.idx.msk $0xffff, v25  }
0x1fe: {  	v26 =	vld [tilespmem:$0x1FD30];
	[tilespmem:v20+s17+$0x0] =	vst.idx.msk $0xffff, v18  }
0x1ff: {  	v20 =	vld [tilespmem:$0x1FDA0]  }
0x200: {  	v19 =	vld [tilespmem:s31+$0xFFFFE1B0];
	v31 =	vadd.s32 v5, v15  }
0x201: {  	[tilespmem:v28+s17+$0x0] =	vst.idx.msk $0xffff, v17;
	v17 =	vld [tilespmem:s31+$0x1E0];
	v28 =	vadd.s32 v6, v11  }
0x202: {  	v32 =	vld [tilespmem:s31+$0xFFFFE030];
	v24 =	vadd.s32 v24, v30  }
0x203: {  	v33 =	vld [tilespmem:s31+$0x40];
	v26 =	vadd.s32 v26, v10  }
0x204: {  	v18 =	vld [tilespmem:s31+$0x80];
	v20 =	vadd.s32 v20, v12  }
0x205: {  	[tilespmem:v31+s17+$0x0] =	vst.idx.msk $0xffff, v19  }
0x206: {  	[tilespmem:v28+s17+$0x0] =	vst.idx.msk $0xffff, v17  }
0x207: {  	[tilespmem:v24+s17+$0x0] =	vst.idx.msk $0xffff, v32  }
0x208: {  	v19 =	vld [tilespmem:s31+$0xC0];
	v31 =	vadd.s32 v61, v13;
	[tilespmem:v26+s17+$0x0] =	vst.idx.msk $0xffff, v33  }
0x209: {  	v22 =	vld [tilespmem:s31+$0x100];
	[tilespmem:v20+s17+$0x0] =	vst.idx.msk $0xffff, v18  }
0x20a: {  	v32 =	vadd.s32 v52, v14;
	v21 =	vld [tilespmem:$0x1FCC0]  }
0x20b: {  	v25 =	vld [tilespmem:s31+$0x140];
	v33 =	vadd.s32 v49, v16  }
0x20c: {  	v28 =	vld [tilespmem:s31+$0x0]  }
0x20d: {  	v18 =	vld [tilespmem:s31+$0x180];
	[tilespmem:v31+s17+$0x0] =	vst.idx.msk $0xffff, v19  }
0x20e: {  	v20 =	vadd.s32 v8, v15;
	v31 =	vld [tilespmem:s31+$0x1F0];
	[tilespmem:$0x1FC60] =	vst v46  }
0x20f: {  	[tilespmem:v32+s17+$0x0] =	vst.idx.msk $0xffff, v22;
	v21 =	vadd.s32 v21, v30  }
0x210: {  	v23 =	vld [tilespmem:$0x1FD40];
	[tilespmem:v33+s17+$0x0] =	vst.idx.msk $0xffff, v25  }
0x211: {  	v25 =	vld [tilespmem:$0x1FDB0];
	_ =	sdelay $0x1  }
0x212: {  	[tilespmem:v20+s17+$0x0] =	vst.idx.msk $0xffff, v18  }
0x213: {  	v11 =	vadd.s32 v46, v11;
	v32 =	vld [tilespmem:s31+$0x50];
	[tilespmem:v21+s17+$0x0] =	vst.idx.msk $0xffff, v28  }
0x214: {  	v23 =	vadd.s32 v23, v10;
	v0 =	vld [tilespmem:$0x1FE60]  }
0x215: {  	v33 =	vld [tilespmem:s31+$0x90];
	v25 =	vadd.s32 v25, v12  }
0x216: {  	v46 =	vadd.s32 v36, v13;
	v18 =	vld [tilespmem:s31+$0xD0];
	_ =	sdelay $0x1  }
0x217: {  	[tilespmem:v11+s17+$0x0] =	vst.idx.msk $0xffff, v31  }
0x218: {  	v17 =	vld [tilespmem:s31+$0x110];
	[tilespmem:v23+s17+$0x0] =	vst.idx.msk $0xffff, v32;
	v21 =	vadd.s32 v0, v14  }
0x219: {  	[tilespmem:v25+s17+$0x0] =	vst.idx.msk $0xffff, v33  }
0x21a: {  	v25 =	vld [tilespmem:$0x1FCD0];
	[tilespmem:v46+s17+$0x0] =	vst.idx.msk $0xffff, v18  }
0x21b: {  	v20 =	vld [tilespmem:$0x1FD50]  }
0x21c: {  	v28 =	vadd.s32 v60, v16;
	v11 =	vld [tilespmem:s31+$0x150]  }
0x21d: {  	v31 =	vld [tilespmem:s31+$0x190];
	[tilespmem:v21+s17+$0x0] =	vst.idx.msk $0xffff, v17  }
0x21e: {  	v32 =	vadd.s32 v7, v15;
	v21 =	vld [tilespmem:$0x1FDC0]  }
0x21f: {  	v33 =	vld [tilespmem:s31+$0x10];
	v25 =	vadd.s32 v25, v30  }
0x220: {  	v46 =	vld [tilespmem:s31+$0x60];
	v20 =	vadd.s32 v20, v10  }
0x221: {  	v19 =	vadd.s32 v34, v13;
	[tilespmem:v28+s17+$0x0] =	vst.idx.msk $0xffff, v11;
	v11 =	vld [tilespmem:s31+$0xE0]  }
0x222: {  	v22 =	vld [tilespmem:s31+$0x120];
	v28 =	vadd.s32 v43, v14  }
0x223: {  	v17 =	vld [tilespmem:s31+$0xA0];
	[tilespmem:v32+s17+$0x0] =	vst.idx.msk $0xffff, v31;
	v21 =	vadd.s32 v21, v12  }
0x224: {  	[tilespmem:v25+s17+$0x0] =	vst.idx.msk $0xffff, v33  }
0x225: {  	v32 =	vadd.s32 v56, v16;
	v31 =	vld [tilespmem:s31+$0x160];
	[tilespmem:v20+s17+$0x0] =	vst.idx.msk $0xffff, v46  }
0x226: {  	v33 =	vld [tilespmem:s31+$0x1A0];
	v46 =	vadd.s32 v53, v15;
	[tilespmem:v19+s17+$0x0] =	vst.idx.msk $0xffff, v11  }
0x227: {  	v27 =	vadd.s32 v50, v30;
	v26 =	vld [tilespmem:s31+$0x20];
	[tilespmem:v28+s17+$0x0] =	vst.idx.msk $0xffff, v22  }
0x228: {  	v10 =	vadd.s32 v62, v10;
	v11 =	vld [tilespmem:s31+$0x70];
	[tilespmem:v21+s17+$0x0] =	vst.idx.msk $0xffff, v17  }
0x229: {  	v22 =	vld [tilespmem:$0x1FDD0]  }
0x22a: {  	v13 =	vadd.s32 v45, v13;
	[tilespmem:v32+s17+$0x0] =	vst.idx.msk $0xffff, v31;
	v31 =	vld [tilespmem:s31+$0xF0]  }
0x22b: {  	v14 =	vadd.s32 v58, v14;
	[tilespmem:v46+s17+$0x0] =	vst.idx.msk $0xffff, v33;
	v32 =	vld [tilespmem:s31+$0x130]  }
0x22c: {  	v16 =	vadd.s32 v40, v16;
	[tilespmem:v27+s17+$0x0] =	vst.idx.msk $0xffff, v26;
	v33 =	vld [tilespmem:s31+$0x170]  }
0x22d: {  	[tilespmem:v10+s17+$0x0] =	vst.idx.msk $0xffff, v11;
	v11 =	vadd.s32 v47, v15;
	v10 =	vld [tilespmem:s31+$0x1B0]  }
0x22e: {  	v46 =	vadd.s32 v29, v30;
	v45 =	vld [tilespmem:s31+$0x30]  }
0x22f: {  	v28 =	vld [tilespmem:s31+$0xB0];
	v12 =	vadd.s32 v22, v12;
	[tilespmem:v13+s17+$0x0] =	vst.idx.msk $0xffff, v31  }
0x230: {  	[tilespmem:v14+s17+$0x0] =	vst.idx.msk $0xffff, v32  }
0x231: {  	[tilespmem:v16+s17+$0x0] =	vst.idx.msk $0xffff, v33  }
0x232: {  	[tilespmem:v11+s17+$0x0] =	vst.idx.msk $0xffff, v10  }
0x233: {  	s26 =	sshll.u32 s28, $0x7;
	[tilespmem:v46+s17+$0x0] =	vst.idx.msk $0xffff, v45  }
0x234: {  	s2 =	simm.s32 $0x14800;
	s9 =	sadd.s32 s1, s26;
	[tilespmem:v12+s17+$0x0] =	vst.idx.msk $0xffff, v28  }
0x235: {  	[hbm4b:s9+s3] =	stream.linear.scatter [tilespmem:s2], [sflag:$0x4], $0x80, $0x38;
	[tilespmem:$0x1D000] =	vst v63  }
0x236: {  	s7 =	simm.s32 $0x14888;
	s2 =	sadd.s32 $0x10, s9  }
0x237: {  	[hbm4b:s2+s3] =	stream.linear.scatter [tilespmem:s7], [sflag:$0x4], $0x80, $0x38;
	[tilespmem:$0x1D000] =	vst v63  }
0x238: {  	s24 =	simm.s32 $0x14910;
	s0 =	simm.s32 $0x440;
	s31 =	sadd.s32 $0x20, s9  }
0x239: {  	[hbm4b:s31+s3] =	stream.linear.scatter [tilespmem:s24], [sflag:$0x4], $0x80, $0x38;
	[tilespmem:$0x1D000] =	vst v63  }
0x23a: {  	s30 =	simm.s32 $0x2200;
	s2 =	simm.s32 $0x14998;
	s7 =	sadd.s32 $0x30, s9  }
0x23b: {  	[hbm4b:s7+s3] =	stream.linear.scatter [tilespmem:s2], [sflag:$0x4], $0x80, $0x38;
	[tilespmem:$0x1D000] =	vst v63  }
0x23c: {  	s29 =	sadd.s32 $0x4000, s9;
	s24 =	simm.s32 $0x14A20;
	s31 =	sadd.s32 $0x40, s9  }
0x23d: {  	[hbm4b:s31+s3] =	stream.linear.scatter [tilespmem:s24], [sflag:$0x4], $0x80, $0x38;
	[tilespmem:$0x1D000] =	vst v63  }
0x23e: {  	s2 =	simm.s32 $0x14AA8;
	s7 =	sadd.s32 $0x50, s9;
	s24 =	simm.s32 $0x14B30  }
0x23f: {  	[hbm4b:s7+s3] =	stream.linear.scatter [tilespmem:s2], [sflag:$0x4], $0x80, $0x38;
	[tilespmem:$0x1D000] =	vst v63  }
0x240: {  	s31 =	sadd.s32 $0x60, s9;
	s2 =	simm.s32 $0x14BB8;
	s7 =	sadd.s32 $0x70, s9  }
0x241: {  	v46 =	vmov v62;
	v62 =	vmov v50;
	[hbm4b:s31+s3] =	stream.linear.scatter [tilespmem:s24], [sflag:$0x4], $0x80, $0x38;
	[tilespmem:$0x1D000] =	vst v63  }
.LBB2_7:
0x242: {  	[hbm4b:s7+s3] =	stream.linear.scatter [tilespmem:s2], [sflag:$0x4], $0x80, $0x38;
	[tilespmem:$0x1D000] =	vst v63  }
0x243: {  	s2 =	smov.u32 s0;
	s0 =	smov.u32 s30  }
0x244: {  	s9 =	sadd.s32 $0x1100, s30;
	s0 =	sshra.s32 s0, $0x2;
	s7 =	sadd.s32 $0x14800, s2  }
0x245: {  	[hbm4b:s29+s3] =	stream.linear.scatter [tilespmem:s7], [sflag:$0x4], $0x80, $0x38;
	[tilespmem:$0x1D000] =	vst v63  }
0x246: {  	p0 =	sne.s32 s30, $0xFF00;
	s30 =	sadd.s32 $0x10, s29;
	s7 =	sadd.s32 $0x14888, s2  }
0x247: {  	[hbm4b:s30+s3] =	stream.linear.scatter [tilespmem:s7], [sflag:$0x4], $0x80, $0x38;
	[tilespmem:$0x1D000] =	vst v63  }
0x248: {  	s7 =	sadd.s32 $0x14910, s2;
	s30 =	sadd.s32 $0x20, s29  }
0x249: {  	[hbm4b:s30+s3] =	stream.linear.scatter [tilespmem:s7], [sflag:$0x4], $0x80, $0x38;
	[tilespmem:$0x1D000] =	vst v63  }
0x24a: {  	s7 =	sadd.s32 $0x14998, s2;
	s30 =	sadd.s32 $0x30, s29  }
0x24b: {  	[hbm4b:s30+s3] =	stream.linear.scatter [tilespmem:s7], [sflag:$0x4], $0x80, $0x38;
	[tilespmem:$0x1D000] =	vst v63  }
0x24c: {  	s7 =	sadd.s32 $0x14A20, s2;
	s30 =	sadd.s32 $0x40, s29  }
0x24d: {  	[hbm4b:s30+s3] =	stream.linear.scatter [tilespmem:s7], [sflag:$0x4], $0x80, $0x38;
	[tilespmem:$0x1D000] =	vst v63  }
.Ltmp2:
0x24e: {  	s7 =	sadd.s32 $0x14AA8, s2;
	s30 =	sadd.s32 $0x50, s29;
	(pc) =	sbr.rel @p0 .LBB2_7-.Ltmp2, $4  }
0x24f: {  	[hbm4b:s30+s3] =	stream.linear.scatter [tilespmem:s7], [sflag:$0x4], $0x80, $0x38;
	[tilespmem:$0x1D000] =	vst v63  }
0x250: {  	s7 =	sadd.s32 $0x14B30, s2;
	s30 =	sadd.s32 $0x60, s29;
	s2 =	sadd.s32 $0x14BB8, s2  }
0x251: {  	[hbm4b:s30+s3] =	stream.linear.scatter [tilespmem:s7], [sflag:$0x4], $0x80, $0x38;
	[tilespmem:$0x1D000] =	vst v63  }
0x252: {  	s7 =	sadd.s32 $0x70, s29;
	s29 =	sadd.s32 $0x4000, s29;
	s30 =	smov.u32 s9  }
0x253: {  	[hbm4b:s7+s3] =	stream.linear.scatter [tilespmem:s2], [sflag:$0x4], $0x80, $0x38;
	[tilespmem:$0x1D000] =	vst v63  }
0x254: {  	s31 =	sadd.s32 $0x14800, s0  }
0x255: {  	[hbm4b:s29+s3] =	stream.linear.scatter [tilespmem:s31], [sflag:$0x4], $0x80, $0x38;
	[tilespmem:$0x1D000] =	vst v63  }
0x256: {  	s7 =	sadd.s32 $0x14888, s0;
	s9 =	sadd.s32 $0x10, s29  }
0x257: {  	[hbm4b:s9+s3] =	stream.linear.scatter [tilespmem:s7], [sflag:$0x4], $0x80, $0x38;
	[tilespmem:$0x1D000] =	vst v63  }
0x258: {  	s24 =	sadd.s32 $0x14910, s0;
	s31 =	sadd.s32 $0x20, s29  }
0x259: {  	[hbm4b:s31+s3] =	stream.linear.scatter [tilespmem:s24], [sflag:$0x4], $0x80, $0x38;
	[tilespmem:$0x1D000] =	vst v63  }
0x25a: {  	s7 =	sadd.s32 $0x14998, s0;
	s9 =	sadd.s32 $0x30, s29  }
0x25b: {  	[hbm4b:s9+s3] =	stream.linear.scatter [tilespmem:s7], [sflag:$0x4], $0x80, $0x38;
	[tilespmem:$0x1D000] =	vst v63  }
0x25c: {  	s24 =	sadd.s32 $0x14A20, s0;
	s31 =	sadd.s32 $0x40, s29  }
0x25d: {  	[hbm4b:s31+s3] =	stream.linear.scatter [tilespmem:s24], [sflag:$0x4], $0x80, $0x38;
	[tilespmem:$0x1D000] =	vst v63  }
0x25e: {  	s7 =	sadd.s32 $0x14AA8, s0;
	s9 =	sadd.s32 $0x50, s29  }
0x25f: {  	[hbm4b:s9+s3] =	stream.linear.scatter [tilespmem:s7], [sflag:$0x4], $0x80, $0x38;
	[tilespmem:$0x1D000] =	vst v63  }
0x260: {  	s24 =	sadd.s32 $0x14B30, s0;
	s31 =	sadd.s32 $0x60, s29  }
0x261: {  	[hbm4b:s31+s3] =	stream.linear.scatter [tilespmem:s24], [sflag:$0x4], $0x80, $0x38;
	[tilespmem:$0x1D000] =	vst v63  }
0x262: {  	s2 =	sadd.s32 $0x14BB8, s0;
	s7 =	sadd.s32 $0x70, s29;
	s24 =	simm.s32 $0x1  }
0x263: {  	[hbm4b:s7+s3] =	stream.linear.scatter [tilespmem:s2], [sflag:$0x4], $0x80, $0x38;
	[tilespmem:$0x1D000] =	vst v63  }
0x264: {  	s9 =	simm.s32 $0x0;
	s31 =	simm.s32 $0x2;
	v11 =	vmov s24;
	_ =	swait.ge [sflag:s18], $0x4000  }
0x265: {  	v10 =	vmov s9;
	v12 =	vmov s31;
	s24 =	simm.s32 $0x7;
	v11 =	vshrl.u32 v11, $0x3;
	v0 =	vld [tilespmem:$0x1FD60]  }
0x266: {  	v15 =	vmov s24;
	v12 =	vshrl.u32 v12, $0x3;
	v11 =	vshll.u32 v11, v9  }
0x267: {  	v15 =	vshrl.u32 v15, $0x3;
	v16 =	vbroadcast v11, $0x0;
	v11 =	vshll.u32 v12, v9  }
0x268: {  	s29 =	simm.s32 $0x12800;
	v10 =	vshrl.u32 v10, $0x3;
	[sflag:s18] =	ssyncset.done $0x0;
	v15 =	vshll.u32 v15, v9;
	v12 =	vld [tilespmem:$0x1FCF0];
	v45 =	vbroadcast v11, $0x0  }
0x269: {  	s9 =	simm.s32 $0x4;
	v10 =	vshll.u32 v10, v9;
	s7 =	simm.s32 $0x3;
	[sflag:s18] =	ssyncadd.s32 $0xFFFFC000;
	v17 =	vbroadcast v15, $0x0  }
0x26a: {  	v10 =	vbroadcast v10, $0x0;
	v13 =	vmov s7;
	[tilespmem:s13], [sflag:$0x2] =	stream.indirect.gather [hbm4b:s5+s11], $0x40, s19, s11, $0xb8;
	v26 =	vadd.s32 v0, v45;
	v0 =	vld [tilespmem:$0x1FDE0]  }
0x26b: {  	v14 =	vmov s9;
	v13 =	vshrl.u32 v13, $0x3;
	v15 =	vld [tilespmem:s29+$0xFFFFE1C0];
	v20 =	vadd.s32 v2, v17  }
0x26c: {  	v14 =	vshrl.u32 v14, $0x3;
	v22 =	vadd.s32 v39, v10;
	v11 =	vshll.u32 v13, v9;
	v21 =	vld [tilespmem:s29+$0xFFFFE000]  }
0x26d: {  	s31 =	simm.s32 $0x5;
	v23 =	vld [tilespmem:s29+$0xFFFFE040];
	v24 =	vadd.s32 v12, v16;
	v12 =	vbroadcast v11, $0x0;
	v11 =	vshll.u32 v14, v9  }
0x26e: {  	v18 =	vmov s31;
	v25 =	vld [tilespmem:s29+$0xFFFFE080];
	v11 =	vbroadcast v11, $0x0  }
0x26f: {  	v13 =	vshrl.u32 v18, $0x3;
	v18 =	vld [tilespmem:s29+$0xFFFFE0C0];
	v27 =	vadd.s32 v0, v12  }
0x270: {  	v28 =	vld [tilespmem:s29+$0xFFFFE100];
	v29 =	vadd.s32 v38, v11;
	[tilespmem:v20+s20+$0x0] =	vst.idx.msk $0xffff, v15  }
0x271: {  	[tilespmem:v22+s20+$0x0] =	vst.idx.msk $0xffff, v21  }
0x272: {  	s9 =	simm.s32 $0x6;
	[tilespmem:v24+s20+$0x0] =	vst.idx.msk $0xffff, v23  }
0x273: {  	v19 =	vmov s9;
	v15 =	vld [tilespmem:s29+$0xFFFFE1D0];
	[tilespmem:v26+s20+$0x0] =	vst.idx.msk $0xffff, v25  }
0x274: {  	v19 =	vshrl.u32 v19, $0x3;
	v13 =	vshll.u32 v13, v9;
	v25 =	vld [tilespmem:$0x1FD00];
	[tilespmem:v27+s20+$0x0] =	vst.idx.msk $0xffff, v18  }
0x275: {  	v14 =	vbroadcast v13, $0x0;
	v13 =	vshll.u32 v19, v9;
	v26 =	vld [tilespmem:$0x1FD70];
	[tilespmem:v29+s20+$0x0] =	vst.idx.msk $0xffff, v28  }
0x276: {  	v19 =	vadd.s32 v51, v17;
	v13 =	vbroadcast v13, $0x0;
	v28 =	vld [tilespmem:$0x1FDF0]  }
0x277: {  	v20 =	vld [tilespmem:s29+$0xFFFFE140];
	v21 =	vadd.s32 v59, v14  }
0x278: {  	v22 =	vld [tilespmem:s29+$0xFFFFE180];
	v23 =	vadd.s32 v48, v13  }
0x279: {  	v24 =	vld [tilespmem:s29+$0xFFFFE050];
	v25 =	vadd.s32 v25, v16  }
0x27a: {  	v18 =	vld [tilespmem:s29+$0xFFFFE090];
	v26 =	vadd.s32 v26, v45  }
0x27b: {  	v27 =	vld [tilespmem:s29+$0xFFFFE0D0];
	[tilespmem:v19+s20+$0x0] =	vst.idx.msk $0xffff, v15;
	v28 =	vadd.s32 v28, v12  }
0x27c: {  	[tilespmem:v21+s20+$0x0] =	vst.idx.msk $0xffff, v20;
	v19 =	vadd.s32 v41, v17;
	v15 =	vld [tilespmem:s29+$0xFFFFE1E0]  }
0x27d: {  	v20 =	vld [tilespmem:s29+$0xFFFFE110];
	v21 =	vadd.s32 v37, v11;
	[tilespmem:v23+s20+$0x0] =	vst.idx.msk $0xffff, v22  }
0x27e: {  	v23 =	vadd.s32 v57, v14;
	v22 =	vld [tilespmem:s29+$0xFFFFE150];
	[tilespmem:v25+s20+$0x0] =	vst.idx.msk $0xffff, v24  }
0x27f: {  	[tilespmem:v26+s20+$0x0] =	vst.idx.msk $0xffff, v18  }
0x280: {  	v26 =	vld [tilespmem:$0x1FC90];
	[tilespmem:v28+s20+$0x0] =	vst.idx.msk $0xffff, v27  }
0x281: {  	v28 =	vld [tilespmem:$0x1FD10];
	[tilespmem:v19+s20+$0x0] =	vst.idx.msk $0xffff, v15  }
0x282: {  	v18 =	vld [tilespmem:s29+$0xFFFFE190];
	[tilespmem:v21+s20+$0x0] =	vst.idx.msk $0xffff, v20  }
0x283: {  	v21 =	vld [tilespmem:$0x1FD80];
	[tilespmem:v23+s20+$0x0] =	vst.idx.msk $0xffff, v22  }
0x284: {  	v24 =	vadd.s32 v55, v13;
	v23 =	vld [tilespmem:$0x1FE00]  }
0x285: {  	v19 =	vadd.s32 v1, v17;
	v15 =	vld [tilespmem:s29+$0xFFFFE1F0]  }
0x286: {  	v25 =	vld [tilespmem:s29+$0xFFFFE010];
	v26 =	vadd.s32 v26, v10  }
0x287: {  	v27 =	vld [tilespmem:s29+$0xFFFFE060];
	v28 =	vadd.s32 v28, v16  }
0x288: {  	v20 =	vld [tilespmem:s29+$0xFFFFE0A0];
	v21 =	vadd.s32 v21, v45  }
0x289: {  	v22 =	vld [tilespmem:s29+$0xFFFFE0E0];
	[tilespmem:v24+s20+$0x0] =	vst.idx.msk $0xffff, v18;
	v23 =	vadd.s32 v23, v12  }
0x28a: {  	v18 =	vld [tilespmem:s29+$0xFFFFE120];
	v24 =	vadd.s32 v44, v11;
	[tilespmem:v19+s20+$0x0] =	vst.idx.msk $0xffff, v15  }
0x28b: {  	[tilespmem:v26+s20+$0x0] =	vst.idx.msk $0xffff, v25;
	v25 =	vld [tilespmem:s29+$0xFFFFE160];
	v26 =	vadd.s32 v42, v14  }
0x28c: {  	[tilespmem:v28+s20+$0x0] =	vst.idx.msk $0xffff, v27  }
0x28d: {  	v27 =	vld [tilespmem:s29+$0xFFFFE1A0];
	[tilespmem:v21+s20+$0x0] =	vst.idx.msk $0xffff, v20  }
0x28e: {  	v21 =	vld [tilespmem:$0x1FCA0];
	[tilespmem:v23+s20+$0x0] =	vst.idx.msk $0xffff, v22  }
0x28f: {  	v23 =	vld [tilespmem:$0x1FD20];
	[tilespmem:v24+s20+$0x0] =	vst.idx.msk $0xffff, v18  }
0x290: {  	v24 =	vld [tilespmem:$0x1FD90];
	[tilespmem:v26+s20+$0x0] =	vst.idx.msk $0xffff, v25  }
0x291: {  	v28 =	vadd.s32 v63, v13;
	v26 =	vld [tilespmem:$0x1FE10]  }
0x292: {  	v19 =	vadd.s32 v3, v17;
	v15 =	vld [tilespmem:s29+$0x1C0]  }
0x293: {  	v20 =	vld [tilespmem:s29+$0xFFFFE020];
	v21 =	vadd.s32 v21, v10  }
0x294: {  	v22 =	vld [tilespmem:s29+$0xFFFFE070];
	v23 =	vadd.s32 v23, v16  }
0x295: {  	v18 =	vld [tilespmem:s29+$0xFFFFE0B0];
	v24 =	vadd.s32 v24, v45  }
0x296: {  	v25 =	vld [tilespmem:s29+$0xFFFFE0F0];
	[tilespmem:v28+s20+$0x0] =	vst.idx.msk $0xffff, v27;
	v26 =	vadd.s32 v26, v12  }
0x297: {  	v27 =	vld [tilespmem:s29+$0xFFFFE130];
	v28 =	vadd.s32 v35, v11;
	[tilespmem:v19+s20+$0x0] =	vst.idx.msk $0xffff, v15  }
0x298: {  	[tilespmem:v21+s20+$0x0] =	vst.idx.msk $0xffff, v20  }
0x299: {  	[tilespmem:v23+s20+$0x0] =	vst.idx.msk $0xffff, v22  }
0x29a: {  	v15 =	vld [tilespmem:s29+$0x1D0];
	[tilespmem:v24+s20+$0x0] =	vst.idx.msk $0xffff, v18  }
0x29b: {  	v24 =	vld [tilespmem:$0x1FCB0];
	[tilespmem:v26+s20+$0x0] =	vst.idx.msk $0xffff, v25  }
0x29c: {  	v26 =	vld [tilespmem:$0x1FD30];
	[tilespmem:v28+s20+$0x0] =	vst.idx.msk $0xffff, v27  }
0x29d: {  	v19 =	vadd.s32 v4, v17;
	v28 =	vld [tilespmem:$0x1FDA0]  }
0x29e: {  	v20 =	vld [tilespmem:s29+$0xFFFFE170];
	v21 =	vadd.s32 v54, v14  }
0x29f: {  	v22 =	vadd.s32 v5, v13;
	v18 =	vld [tilespmem:s29+$0xFFFFE1B0]  }
0x2a0: {  	v23 =	vld [tilespmem:s29+$0xFFFFE030];
	v24 =	vadd.s32 v24, v10  }
0x2a1: {  	v25 =	vld [tilespmem:s29+$0x40];
	v26 =	vadd.s32 v26, v16  }
0x2a2: {  	v27 =	vld [tilespmem:s29+$0x80];
	[tilespmem:v19+s20+$0x0] =	vst.idx.msk $0xffff, v15;
	v28 =	vadd.s32 v28, v45  }
0x2a3: {  	[tilespmem:v21+s20+$0x0] =	vst.idx.msk $0xffff, v20;
	v19 =	vadd.s32 v6, v17;
	v15 =	vld [tilespmem:s29+$0x1E0]  }
0x2a4: {  	v20 =	vld [tilespmem:s29+$0xC0];
	v21 =	vadd.s32 v61, v12;
	[tilespmem:v22+s20+$0x0] =	vst.idx.msk $0xffff, v18  }
0x2a5: {  	[tilespmem:v24+s20+$0x0] =	vst.idx.msk $0xffff, v23  }
0x2a6: {  	v18 =	vld [tilespmem:s29+$0x100];
	v22 =	vadd.s32 v52, v11;
	[tilespmem:v26+s20+$0x0] =	vst.idx.msk $0xffff, v25  }
0x2a7: {  	v23 =	vld [tilespmem:s29+$0x140];
	[tilespmem:v28+s20+$0x0] =	vst.idx.msk $0xffff, v27  }
0x2a8: {  	v28 =	vld [tilespmem:$0x1FCC0];
	[tilespmem:v19+s20+$0x0] =	vst.idx.msk $0xffff, v15  }
0x2a9: {  	v25 =	vld [tilespmem:s29+$0x180];
	[tilespmem:v21+s20+$0x0] =	vst.idx.msk $0xffff, v20  }
0x2aa: {  	v50 =	vld [tilespmem:$0x1FC60]  }
0x2ab: {  	v24 =	vadd.s32 v49, v14;
	v20 =	vld [tilespmem:$0x1FD40];
	[tilespmem:v22+s20+$0x0] =	vst.idx.msk $0xffff, v18  }
0x2ac: {  	v26 =	vadd.s32 v8, v13;
	v21 =	vld [tilespmem:$0x1FDB0]  }
0x2ad: {  	v27 =	vld [tilespmem:s29+$0x0];
	v28 =	vadd.s32 v28, v10;
	_ =	sdelay $0x1  }
0x2ae: {  	v15 =	vld [tilespmem:s29+$0x1F0];
	v17 =	vadd.s32 v50, v17  }
0x2af: {  	v19 =	vld [tilespmem:s29+$0x50];
	[tilespmem:v24+s20+$0x0] =	vst.idx.msk $0xffff, v23;
	v20 =	vadd.s32 v20, v16  }
0x2b0: {  	v18 =	vld [tilespmem:s29+$0x90];
	[tilespmem:v26+s20+$0x0] =	vst.idx.msk $0xffff, v25;
	v21 =	vadd.s32 v21, v45  }
0x2b1: {  	v22 =	vld [tilespmem:s29+$0xD0];
	v23 =	vadd.s32 v36, v12;
	[tilespmem:v28+s20+$0x0] =	vst.idx.msk $0xffff, v27  }
0x2b2: {  	v0 =	vld [tilespmem:$0x1FE60]  }
0x2b3: {  	v24 =	vld [tilespmem:s29+$0x110];
	[tilespmem:v17+s20+$0x0] =	vst.idx.msk $0xffff, v15  }
0x2b4: {  	v26 =	vld [tilespmem:s29+$0x150];
	[tilespmem:v20+s20+$0x0] =	vst.idx.msk $0xffff, v19  }
0x2b5: {  	v20 =	vld [tilespmem:$0x1FCD0];
	[tilespmem:v21+s20+$0x0] =	vst.idx.msk $0xffff, v18  }
0x2b6: {  	v27 =	vadd.s32 v60, v14;
	v21 =	vld [tilespmem:$0x1FD50];
	[tilespmem:v23+s20+$0x0] =	vst.idx.msk $0xffff, v22  }
0x2b7: {  	v22 =	vld [tilespmem:$0x1FDC0];
	v25 =	vadd.s32 v0, v11  }
0x2b8: {  	v15 =	vld [tilespmem:s29+$0x190];
	v17 =	vadd.s32 v7, v13  }
0x2b9: {  	v31 =	vadd.s32 v34, v12;
	v30 =	vld [tilespmem:s29+$0xE0]  }
0x2ba: {  	v19 =	vld [tilespmem:s29+$0x10];
	v20 =	vadd.s32 v20, v10  }
0x2bb: {  	v18 =	vld [tilespmem:s29+$0x60];
	[tilespmem:v27+s20+$0x0] =	vst.idx.msk $0xffff, v26;
	v21 =	vadd.s32 v21, v16  }
0x2bc: {  	v23 =	vld [tilespmem:s29+$0xA0];
	v28 =	vadd.s32 v22, v45;
	[tilespmem:v25+s20+$0x0] =	vst.idx.msk $0xffff, v24  }
0x2bd: {  	v33 =	vadd.s32 v43, v11;
	[tilespmem:v17+s20+$0x0] =	vst.idx.msk $0xffff, v15;
	v32 =	vld [tilespmem:s29+$0x120]  }
0x2be: {  	[tilespmem:v31+s20+$0x0] =	vst.idx.msk $0xffff, v30  }
0x2bf: {  	[tilespmem:v20+s20+$0x0] =	vst.idx.msk $0xffff, v19  }
0x2c0: {  	[tilespmem:v21+s20+$0x0] =	vst.idx.msk $0xffff, v18  }
0x2c1: {  	[tilespmem:v28+s20+$0x0] =	vst.idx.msk $0xffff, v23  }
0x2c2: {  	v17 =	vld [tilespmem:s29+$0x160];
	[tilespmem:v33+s20+$0x0] =	vst.idx.msk $0xffff, v32  }
0x2c3: {  	s24 =	simm.s32 $0x8;
	v30 =	vadd.s32 v46, v16;
	v16 =	vld [tilespmem:$0x1FDD0]  }
0x2c4: {  	s31 =	simm.s32 $0x9;
	s2 =	simm.s32 $0xA;
	v15 =	vmov s24;
	v22 =	vld [tilespmem:s29+$0x1A0]  }
0x2c5: {  	v29 =	vmov s2;
	v26 =	vmov s31;
	v15 =	vshrl.u32 v15, $0x3;
	v25 =	vld [tilespmem:s29+$0x20]  }
0x2c6: {  	s7 =	simm.s32 $0xB;
	v27 =	vadd.s32 v62, v10;
	s31 =	simm.s32 $0xE;
	v15 =	vshll.u32 v15, v9;
	v24 =	vadd.s32 v53, v13;
	v28 =	vld [tilespmem:s29+$0x70]  }
0x2c7: {  	s9 =	simm.s32 $0xC;
	s24 =	simm.s32 $0xD;
	v20 =	vadd.s32 v56, v14;
	v19 =	vmov s31;
	v21 =	vmov s7;
	v31 =	vld [tilespmem:s29+$0xB0]  }
0x2c8: {  	s30 =	simm.s32 $0x10;
	s0 =	simm.s32 $0xF;
	v18 =	vmov s24;
	v23 =	vmov s9;
	v16 =	vadd.s32 v16, v45;
	v45 =	vmovc v46;
	v46 =	vmovc v62;
	v62 =	vld [tilespmem:$0x1FE50]  }
.LBB2_9:
0x2c9: {  	_ =	sdelay $0x2  }
0x2ca: {  	v33 =	vld [tilespmem:s29+$0xF0]  }
0x2cb: {  	v11 =	vadd.s32 v58, v11;
	[tilespmem:v20+s20+$0x0] =	vst.idx.msk $0xffff, v17;
	v20 =	vshrl.u32 v29, $0x3;
	v29 =	vld [tilespmem:s29+$0x130]  }
0x2cc: {  	v0 =	vld [tilespmem:$0x1FCE0]  }
0x2cd: {  	[tilespmem:v24+s20+$0x0] =	vst.idx.msk $0xffff, v22;
	v22 =	vld [tilespmem:s29+$0x170]  }
0x2ce: {  	v26 =	vshrl.u32 v26, $0x3;
	v32 =	vmov s0;
	[tilespmem:v27+s20+$0x0] =	vst.idx.msk $0xffff, v25;
	v24 =	vld [tilespmem:s29+$0x1B0]  }
0x2cf: {  	v12 =	vadd.s32 v62, v12;
	v17 =	vshrl.u32 v32, $0x3;
	v25 =	vshll.u32 v26, v9;
	v26 =	vld [tilespmem:s29+$0x30]  }
0x2d0: {  	v14 =	vadd.s32 v40, v14;
	v17 =	vshll.u32 v17, v9;
	[tilespmem:v11+s20+$0x0] =	vst.idx.msk $0xffff, v29;
	v11 =	vld [tilespmem:$0x1FCF0]  }
0x2d1: {  	v13 =	vadd.s32 v47, v13;
	v27 =	vadd.s32 v0, v10;
	s29 =	sadd.s32 $0x200, s29;
	v0 =	vld [tilespmem:$0x1FD60];
	v17 =	vbroadcast v17, $0x0  }
0x2d2: {  	v21 =	vshrl.u32 v21, $0x3;
	[tilespmem:v16+s20+$0x0] =	vst.idx.msk $0xffff, v31;
	v16 =	vshll.u32 v20, v9;
	v20 =	vld [tilespmem:s29+$0xFFFFE1C0]  }
0x2d3: {  	[tilespmem:v30+s20+$0x0] =	vst.idx.msk $0xffff, v28;
	v10 =	vbroadcast v15, $0x0;
	v15 =	vbroadcast v25, $0x0;
	v28 =	vld [tilespmem:s29+$0xFFFFE000];
	v25 =	vadd.s32 v2, v17  }
0x2d4: {  	[tilespmem:v12+s20+$0x0] =	vst.idx.msk $0xffff, v33;
	v12 =	vshll.u32 v21, v9;
	v16 =	vbroadcast v16, $0x0;
	v21 =	vld [tilespmem:s29+$0xFFFFE040]  }
0x2d5: {  	v23 =	vshrl.u32 v23, $0x3;
	[tilespmem:v14+s20+$0x0] =	vst.idx.msk $0xffff, v22;
	v22 =	vld [tilespmem:s29+$0xFFFFE080];
	v29 =	vadd.s32 v11, v15  }
0x2d6: {  	v14 =	vshrl.u32 v18, $0x3;
	[tilespmem:v13+s20+$0x0] =	vst.idx.msk $0xffff, v24;
	v18 =	vld [tilespmem:s29+$0xFFFFE0C0];
	v11 =	vshll.u32 v23, v9;
	v23 =	vadd.s32 v0, v16  }
0x2d7: {  	[tilespmem:v27+s20+$0x0] =	vst.idx.msk $0xffff, v26;
	v13 =	vshll.u32 v14, v9;
	v0 =	vld [tilespmem:$0x1FDE0]  }
0x2d8: {  	v19 =	vshrl.u32 v19, $0x3;
	v30 =	vadd.s32 v39, v10;
	v26 =	vld [tilespmem:s29+$0xFFFFE100];
	v14 =	vbroadcast v13, $0x0;
	[tilespmem:v25+s20+$0x0] =	vst.idx.msk $0xffff, v20  }
0x2d9: {  	v13 =	vshll.u32 v19, v9;
	v20 =	vadd.s32 v51, v17;
	v19 =	vld [tilespmem:s29+$0xFFFFE1D0];
	v11 =	vbroadcast v11, $0x0  }
0x2da: {  	v12 =	vbroadcast v12, $0x0;
	[tilespmem:v29+s20+$0x0] =	vst.idx.msk $0xffff, v21;
	v21 =	vld [tilespmem:s29+$0xFFFFE140]  }
0x2db: {  	v27 =	vadd.s32 v38, v11;
	[tilespmem:v23+s20+$0x0] =	vst.idx.msk $0xffff, v22;
	v22 =	vld [tilespmem:s29+$0xFFFFE180]  }
0x2dc: {  	v13 =	vbroadcast v13, $0x0;
	v24 =	vadd.s32 v0, v12;
	v29 =	vld [tilespmem:$0x1FD00]  }
0x2dd: {  	[tilespmem:v30+s20+$0x0] =	vst.idx.msk $0xffff, v28;
	v25 =	vadd.s32 v59, v14;
	v0 =	vld [tilespmem:$0x1FE60]  }
0x2de: {  	v23 =	vadd.s32 v48, v13;
	[tilespmem:v20+s20+$0x0] =	vst.idx.msk $0xffff, v19;
	v28 =	vld [tilespmem:s29+$0xFFFFE050]  }
0x2df: {  	v20 =	vadd.s32 v41, v17;
	v19 =	vld [tilespmem:s29+$0xFFFFE1E0]  }
0x2e0: {  	[tilespmem:v27+s20+$0x0] =	vst.idx.msk $0xffff, v26;
	v27 =	vld [tilespmem:$0x1FDF0]  }
0x2e1: {  	[tilespmem:v24+s20+$0x0] =	vst.idx.msk $0xffff, v18;
	v18 =	vld [tilespmem:s29+$0xFFFFE090]  }
0x2e2: {  	v29 =	vadd.s32 v29, v15;
	v24 =	vld [tilespmem:$0x1FD70];
	[tilespmem:v25+s20+$0x0] =	vst.idx.msk $0xffff, v21  }
0x2e3: {  	v21 =	vld [tilespmem:s29+$0xFFFFE110];
	v25 =	vadd.s32 v37, v11;
	[tilespmem:v23+s20+$0x0] =	vst.idx.msk $0xffff, v22  }
0x2e4: {  	v23 =	vadd.s32 v57, v14;
	v22 =	vld [tilespmem:s29+$0xFFFFE150];
	[tilespmem:v20+s20+$0x0] =	vst.idx.msk $0xffff, v19  }
0x2e5: {  	v20 =	vadd.s32 v1, v17;
	v19 =	vld [tilespmem:s29+$0xFFFFE1F0]  }
0x2e6: {  	v26 =	vld [tilespmem:s29+$0xFFFFE0D0]  }
0x2e7: {  	v27 =	vadd.s32 v27, v12;
	[tilespmem:v29+s20+$0x0] =	vst.idx.msk $0xffff, v28;
	v28 =	vld [tilespmem:s29+$0xFFFFE010]  }
0x2e8: {  	v24 =	vadd.s32 v24, v16;
	v29 =	vld [tilespmem:$0x1FC90];
	[tilespmem:v25+s20+$0x0] =	vst.idx.msk $0xffff, v21  }
0x2e9: {  	v25 =	vld [tilespmem:$0x1FD80];
	[tilespmem:v23+s20+$0x0] =	vst.idx.msk $0xffff, v22  }
0x2ea: {  	v23 =	vld [tilespmem:$0x1FE00];
	[tilespmem:v20+s20+$0x0] =	vst.idx.msk $0xffff, v19  }
0x2eb: {  	v20 =	vadd.s32 v3, v17;
	v19 =	vld [tilespmem:s29+$0x1C0]  }
0x2ec: {  	[tilespmem:v27+s20+$0x0] =	vst.idx.msk $0xffff, v26;
	v27 =	vld [tilespmem:$0x1FD10]  }
0x2ed: {  	[tilespmem:v24+s20+$0x0] =	vst.idx.msk $0xffff, v18;
	v18 =	vld [tilespmem:s29+$0xFFFFE190];
	v24 =	vadd.s32 v55, v13  }
0x2ee: {  	v26 =	vld [tilespmem:s29+$0xFFFFE060];
	v29 =	vadd.s32 v29, v10  }
0x2ef: {  	v25 =	vadd.s32 v25, v16;
	v21 =	vld [tilespmem:s29+$0xFFFFE0A0]  }
0x2f0: {  	v22 =	vld [tilespmem:s29+$0xFFFFE0E0];
	[tilespmem:v20+s20+$0x0] =	vst.idx.msk $0xffff, v19  }
0x2f1: {  	v23 =	vadd.s32 v23, v12;
	v19 =	vld [tilespmem:s29+$0x1D0]  }
0x2f2: {  	v27 =	vadd.s32 v27, v15;
	[tilespmem:v24+s20+$0x0] =	vst.idx.msk $0xffff, v18;
	v18 =	vld [tilespmem:s29+$0xFFFFE120]  }
0x2f3: {  	v20 =	vadd.s32 v4, v17;
	[tilespmem:v29+s20+$0x0] =	vst.idx.msk $0xffff, v28;
	v28 =	vld [tilespmem:s29+$0xFFFFE1A0]  }
0x2f4: {  	v24 =	vadd.s32 v44, v11;
	[tilespmem:v25+s20+$0x0] =	vst.idx.msk $0xffff, v21;
	v21 =	vld [tilespmem:s29+$0xFFFFE020]  }
0x2f5: {  	v25 =	vld [tilespmem:$0x1FCA0]  }
0x2f6: {  	v29 =	vadd.s32 v63, v13;
	[tilespmem:v23+s20+$0x0] =	vst.idx.msk $0xffff, v22;
	v23 =	vld [tilespmem:$0x1FD20]  }
0x2f7: {  	[tilespmem:v27+s20+$0x0] =	vst.idx.msk $0xffff, v26;
	v26 =	vld [tilespmem:s29+$0xFFFFE160];
	v27 =	vadd.s32 v42, v14  }
0x2f8: {  	v22 =	vld [tilespmem:s29+$0xFFFFE070];
	[tilespmem:v20+s20+$0x0] =	vst.idx.msk $0xffff, v19  }
0x2f9: {  	[tilespmem:v24+s20+$0x0] =	vst.idx.msk $0xffff, v18;
	v24 =	vld [tilespmem:$0x1FD90]  }
0x2fa: {  	v19 =	vld [tilespmem:s29+$0x1E0];
	v25 =	vadd.s32 v25, v10  }
0x2fb: {  	v20 =	vadd.s32 v6, v17;
	[tilespmem:v29+s20+$0x0] =	vst.idx.msk $0xffff, v28;
	v28 =	vld [tilespmem:s29+$0xFFFFE130]  }
0x2fc: {  	v29 =	vadd.s32 v35, v11;
	[tilespmem:v27+s20+$0x0] =	vst.idx.msk $0xffff, v26;
	v27 =	vld [tilespmem:$0x1FE10]  }
0x2fd: {  	v18 =	vld [tilespmem:s29+$0xFFFFE0B0];
	v23 =	vadd.s32 v23, v15  }
0x2fe: {  	v26 =	vld [tilespmem:s29+$0xFFFFE0F0];
	v24 =	vadd.s32 v24, v16  }
0x2ff: {  	[tilespmem:v25+s20+$0x0] =	vst.idx.msk $0xffff, v21;
	v21 =	vld [tilespmem:s29+$0xFFFFE170]  }
0x300: {  	[tilespmem:v20+s20+$0x0] =	vst.idx.msk $0xffff, v19;
	v25 =	vld [tilespmem:$0x1FCB0]  }
0x301: {  	[tilespmem:v29+s20+$0x0] =	vst.idx.msk $0xffff, v28;
	v29 =	vld [tilespmem:$0x1FDA0];
	v27 =	vadd.s32 v27, v12  }
0x302: {  	[tilespmem:v23+s20+$0x0] =	vst.idx.msk $0xffff, v22;
	v22 =	vadd.s32 v54, v14;
	v19 =	vld [tilespmem:s29+$0x1F0]  }
0x303: {  	[tilespmem:v24+s20+$0x0] =	vst.idx.msk $0xffff, v18;
	v18 =	vld [tilespmem:s29+$0xFFFFE1B0]  }
0x304: {  	v23 =	vadd.s32 v5, v13;
	v24 =	vld [tilespmem:s29+$0xFFFFE030]  }
0x305: {  	v25 =	vadd.s32 v25, v10;
	v28 =	vld [tilespmem:s29+$0x80]  }
0x306: {  	v29 =	vadd.s32 v29, v16;
	[tilespmem:v27+s20+$0x0] =	vst.idx.msk $0xffff, v26;
	v27 =	vld [tilespmem:$0x1FD30]  }
0x307: {  	[tilespmem:v22+s20+$0x0] =	vst.idx.msk $0xffff, v21;
	v22 =	vadd.s32 v61, v12;
	v21 =	vld [tilespmem:s29+$0xC0]  }
0x308: {  	v26 =	vld [tilespmem:s29+$0x40]  }
0x309: {  	[tilespmem:v23+s20+$0x0] =	vst.idx.msk $0xffff, v18;
	v18 =	vld [tilespmem:s29+$0x100];
	v23 =	vadd.s32 v52, v11  }
0x30a: {  	[tilespmem:v25+s20+$0x0] =	vst.idx.msk $0xffff, v24;
	v24 =	vld [tilespmem:s29+$0x140];
	v25 =	vadd.s32 v49, v14  }
0x30b: {  	[tilespmem:v29+s20+$0x0] =	vst.idx.msk $0xffff, v28;
	v29 =	vld [tilespmem:$0x1FCC0];
	v27 =	vadd.s32 v27, v15  }
0x30c: {  	[tilespmem:v22+s20+$0x0] =	vst.idx.msk $0xffff, v21;
	v21 =	vld [tilespmem:$0x1FD40]  }
0x30d: {  	v22 =	vld [tilespmem:$0x1FDB0]  }
0x30e: {  	v28 =	vld [tilespmem:s29+$0x0];
	[tilespmem:v23+s20+$0x0] =	vst.idx.msk $0xffff, v18  }
0x30f: {  	v23 =	vld [tilespmem:s29+$0xD0];
	[tilespmem:v25+s20+$0x0] =	vst.idx.msk $0xffff, v24;
	v24 =	vadd.s32 v36, v12  }
0x310: {  	[tilespmem:v27+s20+$0x0] =	vst.idx.msk $0xffff, v26;
	v26 =	vld [tilespmem:s29+$0x180];
	v27 =	vadd.s32 v8, v13  }
0x311: {  	v20 =	vld [tilespmem:s29+$0x50];
	v21 =	vadd.s32 v21, v15  }
0x312: {  	v18 =	vld [tilespmem:s29+$0x90];
	v22 =	vadd.s32 v22, v16  }
0x313: {  	v29 =	vadd.s32 v29, v10;
	v25 =	vld [tilespmem:s29+$0x110]  }
0x314: {  	v17 =	vadd.s32 v50, v17;
	[tilespmem:v24+s20+$0x0] =	vst.idx.msk $0xffff, v23;
	v24 =	vld [tilespmem:$0x1FDC0]  }
0x315: {  	v31 =	vld [tilespmem:s29+$0xE0];
	[tilespmem:v27+s20+$0x0] =	vst.idx.msk $0xffff, v26  }
0x316: {  	v32 =	vadd.s32 v34, v12;
	[tilespmem:v21+s20+$0x0] =	vst.idx.msk $0xffff, v20;
	v21 =	vld [tilespmem:$0x1FCD0]  }
0x317: {  	v26 =	vadd.s32 v0, v11;
	[tilespmem:v22+s20+$0x0] =	vst.idx.msk $0xffff, v18;
	v22 =	vld [tilespmem:$0x1FD50]  }
0x318: {  	[tilespmem:v29+s20+$0x0] =	vst.idx.msk $0xffff, v28;
	v28 =	vadd.s32 v60, v14;
	v27 =	vld [tilespmem:s29+$0x150]  }
0x319: {  	[tilespmem:v17+s20+$0x0] =	vst.idx.msk $0xffff, v19;
	v19 =	vadd.s32 v7, v13;
	v17 =	vld [tilespmem:s29+$0x190]  }
0x31a: {  	v23 =	vld [tilespmem:s29+$0xA0];
	v30 =	vadd.s32 v24, v16  }
0x31b: {  	v20 =	vld [tilespmem:s29+$0x10];
	[tilespmem:v32+s20+$0x0] =	vst.idx.msk $0xffff, v31;
	v21 =	vadd.s32 v21, v10  }
0x31c: {  	v18 =	vld [tilespmem:s29+$0x60];
	[tilespmem:v26+s20+$0x0] =	vst.idx.msk $0xffff, v25;
	v22 =	vadd.s32 v22, v15  }
0x31d: {  	v34 =	vadd.s32 v43, v11;
	[tilespmem:v28+s20+$0x0] =	vst.idx.msk $0xffff, v27;
	v33 =	vld [tilespmem:s29+$0x120]  }
0x31e: {  	v32 =	vld [tilespmem:$0x1FDD0];
	[tilespmem:v19+s20+$0x0] =	vst.idx.msk $0xffff, v17  }
0x31f: {  	p0 =	slt.u32 s30, $0x78;
	s7 =	sadd.s32 $0x2, s30;
	v17 =	vld [tilespmem:s29+$0x160];
	[tilespmem:v30+s20+$0x0] =	vst.idx.msk $0xffff, v23  }
.Ltmp3:
0x320: {  	s2 =	sadd.s32 $0x1, s30;
	v29 =	vmov s7;
	v24 =	vadd.s32 v53, v13;
	v31 =	vld [tilespmem:s29+$0xB0];
	[tilespmem:v21+s20+$0x0] =	vst.idx.msk $0xffff, v20;
	(pc) =	sbr.rel @p0 .LBB2_9-.Ltmp3, $4  }
0x321: {  	s9 =	sadd.s32 $0x4, s30;
	v26 =	vmov s2;
	v27 =	vadd.s32 v46, v10;
	v19 =	vmov s30;
	[tilespmem:v22+s20+$0x0] =	vst.idx.msk $0xffff, v18;
	v22 =	vld [tilespmem:s29+$0x1A0]  }
0x322: {  	s31 =	sadd.s32 $0x6, s30;
	v19 =	vshrl.u32 v19, $0x3;
	v23 =	vmov s9;
	v30 =	vadd.s32 v45, v15;
	[tilespmem:v34+s20+$0x0] =	vst.idx.msk $0xffff, v33;
	v34 =	vld [tilespmem:$0x1FE40]  }
0x323: {  	s24 =	sadd.s32 $0x5, s30;
	s2 =	sadd.s32 $0x3, s30;
	v15 =	vshll.u32 v19, v9;
	v19 =	vmov s31;
	v16 =	vadd.s32 v32, v16;
	v25 =	vld [tilespmem:s29+$0x20]  }
0x324: {  	s0 =	sadd.s32 $0x7, s30;
	s30 =	sadd.s32 $0x8, s30;
	v20 =	vadd.s32 v56, v14;
	v21 =	vmov s2;
	v18 =	vmov s24;
	v28 =	vld [tilespmem:s29+$0x70]  }
0x325: {  	_ =	sdelay $0x3  }
0x326: {  	[tilespmem:v20+s20+$0x0] =	vst.idx.msk $0xffff, v17  }
0x327: {  	v20 =	vld [tilespmem:s29+$0xF0];
	[tilespmem:v16+s20+$0x0] =	vst.idx.msk $0xffff, v31  }
0x328: {  	v12 =	vadd.s32 v62, v12;
	[tilespmem:v24+s20+$0x0] =	vst.idx.msk $0xffff, v22;
	v24 =	vld [tilespmem:s29+$0x130]  }
0x329: {  	v22 =	vshrl.u32 v29, $0x3;
	v29 =	vadd.s32 v58, v11;
	[tilespmem:v27+s20+$0x0] =	vst.idx.msk $0xffff, v25;
	v25 =	vld [tilespmem:s29+$0x170]  }
0x32a: {  	v14 =	vadd.s32 v40, v14;
	v27 =	vld [tilespmem:s29+$0x1B0];
	[tilespmem:v30+s20+$0x0] =	vst.idx.msk $0xffff, v28  }
0x32b: {  	v28 =	vadd.s32 v47, v13;
	v30 =	vld [tilespmem:$0x1FCE0]  }
0x32c: {  	v32 =	vmov s0  }
0x32d: {  	v17 =	vshrl.u32 v32, $0x3;
	[tilespmem:v12+s20+$0x0] =	vst.idx.msk $0xffff, v20  }
0x32e: {  	v11 =	vshll.u32 v17, v9;
	[tilespmem:v29+s20+$0x0] =	vst.idx.msk $0xffff, v24  }
0x32f: {  	v17 =	vbroadcast v11, $0x0;
	v11 =	vbroadcast v15, $0x0;
	v15 =	vld [tilespmem:s29+$0x30];
	[tilespmem:v14+s20+$0x0] =	vst.idx.msk $0xffff, v25  }
0x330: {  	v14 =	vld [tilespmem:$0x1FCF0];
	[tilespmem:v28+s20+$0x0] =	vst.idx.msk $0xffff, v27;
	v16 =	vadd.s32 v30, v10  }
0x331: {  	v26 =	vshrl.u32 v26, $0x3;
	v0 =	vld [tilespmem:$0x1FD60]  }
0x332: {  	v33 =	vshll.u32 v26, v9  }
0x333: {  	v10 =	vbroadcast v33, $0x0;
	v33 =	vshll.u32 v22, v9  }
0x334: {  	v12 =	vbroadcast v33, $0x0  }
0x335: {  	[tilespmem:v16+s20+$0x0] =	vst.idx.msk $0xffff, v15  }
0x336: {  	s24 =	sadd.s32 $0x200, s29;
	v27 =	vadd.s32 v0, v12;
	v0 =	vld [tilespmem:$0x1FDE0]  }
0x337: {  	v21 =	vshrl.u32 v21, $0x3;
	v20 =	vld [tilespmem:s24+$0xFFFFE1C0];
	v22 =	vadd.s32 v2, v17  }
0x338: {  	v23 =	vshrl.u32 v23, $0x3;
	v31 =	vshll.u32 v21, v9;
	v26 =	vadd.s32 v39, v11;
	v24 =	vld [tilespmem:s24+$0xFFFFE000]  }
0x339: {  	v21 =	vld [tilespmem:s24+$0xFFFFE040];
	v32 =	vshll.u32 v23, v9;
	v13 =	vbroadcast v31, $0x0;
	v25 =	vadd.s32 v14, v10  }
0x33a: {  	v23 =	vld [tilespmem:s24+$0xFFFFE080];
	v14 =	vbroadcast v32, $0x0  }
0x33b: {  	v18 =	vshrl.u32 v18, $0x3;
	v28 =	vld [tilespmem:s24+$0xFFFFE0C0];
	v29 =	vadd.s32 v0, v13  }
0x33c: {  	v33 =	vshll.u32 v18, v9;
	v18 =	vld [tilespmem:s24+$0xFFFFE100];
	[tilespmem:v22+s20+$0x0] =	vst.idx.msk $0xffff, v20;
	v32 =	vadd.s32 v38, v14  }
0x33d: {  	v15 =	vbroadcast v33, $0x0;
	v33 =	vadd.s32 v51, v17;
	[tilespmem:v26+s20+$0x0] =	vst.idx.msk $0xffff, v24;
	v20 =	vld [tilespmem:s24+$0xFFFFE1D0]  }
0x33e: {  	[tilespmem:v25+s20+$0x0] =	vst.idx.msk $0xffff, v21  }
0x33f: {  	[tilespmem:v27+s20+$0x0] =	vst.idx.msk $0xffff, v23  }
0x340: {  	[tilespmem:v29+s20+$0x0] =	vst.idx.msk $0xffff, v28  }
0x341: {  	v31 =	vshrl.u32 v19, $0x3;
	v27 =	vld [tilespmem:$0x1FD00];
	[tilespmem:v32+s20+$0x0] =	vst.idx.msk $0xffff, v18  }
0x342: {  	v16 =	vshll.u32 v31, v9;
	v19 =	vld [tilespmem:$0x1FD70];
	[tilespmem:v33+s20+$0x0] =	vst.idx.msk $0xffff, v20  }
0x343: {  	v16 =	vbroadcast v16, $0x0;
	v22 =	vld [tilespmem:$0x1FDF0]  }
0x344: {  	v24 =	vadd.s32 v59, v15;
	v21 =	vld [tilespmem:s24+$0xFFFFE140]  }
0x345: {  	v31 =	vld [tilespmem:s24+$0xFFFFE180];
	v25 =	vadd.s32 v48, v16  }
0x346: {  	v26 =	vld [tilespmem:s24+$0xFFFFE050];
	v27 =	vadd.s32 v27, v10  }
0x347: {  	v32 =	vld [tilespmem:s24+$0xFFFFE090];
	v19 =	vadd.s32 v19, v12  }
0x348: {  	v33 =	vld [tilespmem:s24+$0xFFFFE0D0];
	v22 =	vadd.s32 v22, v13  }
0x349: {  	[tilespmem:v24+s20+$0x0] =	vst.idx.msk $0xffff, v21;
	v21 =	vld [tilespmem:s24+$0xFFFFE1E0];
	v24 =	vadd.s32 v41, v17  }
0x34a: {  	[tilespmem:v25+s20+$0x0] =	vst.idx.msk $0xffff, v31;
	v31 =	vld [tilespmem:s24+$0xFFFFE110];
	v25 =	vadd.s32 v37, v14  }
0x34b: {  	[tilespmem:v27+s20+$0x0] =	vst.idx.msk $0xffff, v26;
	v26 =	vld [tilespmem:s24+$0xFFFFE150];
	v27 =	vadd.s32 v57, v15  }
0x34c: {  	v18 =	vld [tilespmem:s24+$0xFFFFE190];
	[tilespmem:v19+s20+$0x0] =	vst.idx.msk $0xffff, v32;
	v32 =	vadd.s32 v55, v16  }
0x34d: {  	[tilespmem:v22+s20+$0x0] =	vst.idx.msk $0xffff, v33  }
0x34e: {  	v22 =	vld [tilespmem:$0x1FC90];
	[tilespmem:v24+s20+$0x0] =	vst.idx.msk $0xffff, v21  }
0x34f: {  	v24 =	vld [tilespmem:$0x1FD10];
	[tilespmem:v25+s20+$0x0] =	vst.idx.msk $0xffff, v31  }
0x350: {  	[tilespmem:v27+s20+$0x0] =	vst.idx.msk $0xffff, v26  }
0x351: {  	v27 =	vld [tilespmem:$0x1FD80];
	[tilespmem:v32+s20+$0x0] =	vst.idx.msk $0xffff, v18  }
0x352: {  	v19 =	vld [tilespmem:$0x1FE00]  }
0x353: {  	v33 =	vld [tilespmem:s24+$0xFFFFE010];
	v22 =	vadd.s32 v22, v11  }
0x354: {  	v21 =	vld [tilespmem:s24+$0xFFFFE060];
	v24 =	vadd.s32 v24, v10  }
0x355: {  	v31 =	vld [tilespmem:s24+$0xFFFFE1F0];
	v25 =	vadd.s32 v1, v17  }
0x356: {  	v26 =	vld [tilespmem:s24+$0xFFFFE0A0];
	v27 =	vadd.s32 v27, v12  }
0x357: {  	v32 =	vld [tilespmem:s24+$0xFFFFE0E0];
	v19 =	vadd.s32 v19, v13  }
0x358: {  	v20 =	vld [tilespmem:s24+$0xFFFFE120];
	[tilespmem:v22+s20+$0x0] =	vst.idx.msk $0xffff, v33;
	v33 =	vadd.s32 v44, v14  }
0x359: {  	[tilespmem:v24+s20+$0x0] =	vst.idx.msk $0xffff, v21;
	v21 =	vld [tilespmem:s24+$0xFFFFE160];
	v24 =	vadd.s32 v42, v15  }
0x35a: {  	[tilespmem:v25+s20+$0x0] =	vst.idx.msk $0xffff, v31;
	v31 =	vld [tilespmem:s24+$0xFFFFE1A0];
	v25 =	vadd.s32 v63, v16  }
0x35b: {  	[tilespmem:v27+s20+$0x0] =	vst.idx.msk $0xffff, v26  }
0x35c: {  	[tilespmem:v19+s20+$0x0] =	vst.idx.msk $0xffff, v32  }
0x35d: {  	v19 =	vld [tilespmem:$0x1FCA0];
	[tilespmem:v33+s20+$0x0] =	vst.idx.msk $0xffff, v20  }
0x35e: {  	v22 =	vld [tilespmem:$0x1FD20];
	[tilespmem:v24+s20+$0x0] =	vst.idx.msk $0xffff, v21  }
0x35f: {  	v24 =	vld [tilespmem:$0x1FD90];
	[tilespmem:v25+s20+$0x0] =	vst.idx.msk $0xffff, v31  }
0x360: {  	v25 =	vld [tilespmem:$0x1FE10]  }
0x361: {  	v26 =	vld [tilespmem:s24+$0x1C0];
	v27 =	vadd.s32 v3, v17  }
0x362: {  	v32 =	vld [tilespmem:s24+$0xFFFFE020];
	v19 =	vadd.s32 v19, v11  }
0x363: {  	v33 =	vld [tilespmem:s24+$0xFFFFE070];
	v22 =	vadd.s32 v22, v10  }
0x364: {  	v21 =	vld [tilespmem:s24+$0xFFFFE0B0];
	v24 =	vadd.s32 v24, v12  }
0x365: {  	v31 =	vld [tilespmem:s24+$0xFFFFE0F0];
	v25 =	vadd.s32 v25, v13  }
0x366: {  	[tilespmem:v27+s20+$0x0] =	vst.idx.msk $0xffff, v26;
	v26 =	vld [tilespmem:s24+$0xFFFFE130];
	v27 =	vadd.s32 v35, v14  }
0x367: {  	v18 =	vld [tilespmem:s24+$0x1D0];
	[tilespmem:v19+s20+$0x0] =	vst.idx.msk $0xffff, v32;
	v32 =	vadd.s32 v4, v17  }
0x368: {  	[tilespmem:v22+s20+$0x0] =	vst.idx.msk $0xffff, v33  }
0x369: {  	[tilespmem:v24+s20+$0x0] =	vst.idx.msk $0xffff, v21  }
0x36a: {  	v20 =	vld [tilespmem:s24+$0xFFFFE170];
	v33 =	vadd.s32 v54, v15;
	[tilespmem:v25+s20+$0x0] =	vst.idx.msk $0xffff, v31  }
0x36b: {  	v25 =	vld [tilespmem:$0x1FCB0];
	[tilespmem:v27+s20+$0x0] =	vst.idx.msk $0xffff, v26  }
0x36c: {  	v27 =	vld [tilespmem:$0x1FD30];
	[tilespmem:v32+s20+$0x0] =	vst.idx.msk $0xffff, v18  }
0x36d: {  	v19 =	vld [tilespmem:$0x1FDA0]  }
0x36e: {  	v21 =	vld [tilespmem:s24+$0xFFFFE1B0];
	v24 =	vadd.s32 v5, v16  }
0x36f: {  	[tilespmem:v33+s20+$0x0] =	vst.idx.msk $0xffff, v20;
	v20 =	vld [tilespmem:s24+$0x1E0];
	v33 =	vadd.s32 v6, v17  }
0x370: {  	v31 =	vld [tilespmem:s24+$0xFFFFE030];
	v25 =	vadd.s32 v25, v11  }
0x371: {  	v26 =	vld [tilespmem:s24+$0x40];
	v27 =	vadd.s32 v27, v10  }
0x372: {  	v32 =	vld [tilespmem:s24+$0x80];
	v19 =	vadd.s32 v19, v12  }
0x373: {  	[tilespmem:v24+s20+$0x0] =	vst.idx.msk $0xffff, v21  }
0x374: {  	[tilespmem:v33+s20+$0x0] =	vst.idx.msk $0xffff, v20  }
0x375: {  	v21 =	vld [tilespmem:s24+$0xC0];
	[tilespmem:v25+s20+$0x0] =	vst.idx.msk $0xffff, v31  }
0x376: {  	v24 =	vadd.s32 v61, v13;
	v31 =	vld [tilespmem:s24+$0x100];
	[tilespmem:v27+s20+$0x0] =	vst.idx.msk $0xffff, v26  }
0x377: {  	v25 =	vadd.s32 v52, v14;
	v26 =	vld [tilespmem:s24+$0x140];
	[tilespmem:v19+s20+$0x0] =	vst.idx.msk $0xffff, v32  }
0x378: {  	v27 =	vadd.s32 v49, v15;
	v22 =	vld [tilespmem:$0x1FCC0];
	_ =	sdelay $0x2  }
0x379: {  	v18 =	vld [tilespmem:s24+$0x180];
	[tilespmem:v24+s20+$0x0] =	vst.idx.msk $0xffff, v21  }
0x37a: {  	v33 =	vld [tilespmem:s24+$0x0];
	v32 =	vadd.s32 v8, v16;
	[tilespmem:v25+s20+$0x0] =	vst.idx.msk $0xffff, v31  }
0x37b: {  	v24 =	vld [tilespmem:$0x1FD40];
	[tilespmem:v27+s20+$0x0] =	vst.idx.msk $0xffff, v26;
	v22 =	vadd.s32 v22, v11  }
0x37c: {  	v26 =	vld [tilespmem:$0x1FDB0];
	_ =	sdelay $0x1  }
0x37d: {  	v21 =	vld [tilespmem:s24+$0x1F0]  }
0x37e: {  	v17 =	vadd.s32 v50, v17;
	v31 =	vld [tilespmem:s24+$0x50];
	[tilespmem:v32+s20+$0x0] =	vst.idx.msk $0xffff, v18  }
0x37f: {  	v25 =	vld [tilespmem:s24+$0x90];
	v24 =	vadd.s32 v24, v10;
	[tilespmem:v22+s20+$0x0] =	vst.idx.msk $0xffff, v33  }
0x380: {  	v26 =	vadd.s32 v26, v12;
	v0 =	vld [tilespmem:$0x1FE60]  }
0x381: {  	v18 =	vld [tilespmem:s24+$0xD0];
	v32 =	vadd.s32 v36, v13;
	_ =	sdelay $0x1  }
0x382: {  	[tilespmem:v17+s20+$0x0] =	vst.idx.msk $0xffff, v21  }
0x383: {  	[tilespmem:v24+s20+$0x0] =	vst.idx.msk $0xffff, v31  }
0x384: {  	v20 =	vld [tilespmem:s24+$0x110];
	[tilespmem:v26+s20+$0x0] =	vst.idx.msk $0xffff, v25;
	v33 =	vadd.s32 v0, v14  }
0x385: {  	v26 =	vld [tilespmem:$0x1FCD0];
	[tilespmem:v32+s20+$0x0] =	vst.idx.msk $0xffff, v18  }
0x386: {  	v19 =	vld [tilespmem:$0x1FD50]  }
0x387: {  	v36 =	vld [tilespmem:s24+$0x150]  }
0x388: {  	v50 =	vadd.s32 v60, v15;
	v31 =	vld [tilespmem:s24+$0x190]  }
0x389: {  	v24 =	vadd.s32 v7, v16;
	v25 =	vld [tilespmem:s24+$0x10];
	[tilespmem:v33+s20+$0x0] =	vst.idx.msk $0xffff, v20  }
0x38a: {  	v26 =	vadd.s32 v26, v11;
	v22 =	vld [tilespmem:$0x1FDC0]  }
0x38b: {  	v32 =	vld [tilespmem:s24+$0x60];
	v19 =	vadd.s32 v19, v10;
	_ =	sdelay $0x1  }
0x38c: {  	v17 =	vld [tilespmem:s24+$0xE0];
	[tilespmem:v50+s20+$0x0] =	vst.idx.msk $0xffff, v36;
	v36 =	vadd.s32 v34, v13  }
0x38d: {  	[tilespmem:v24+s20+$0x0] =	vst.idx.msk $0xffff, v31;
	v50 =	vld [tilespmem:s24+$0x120];
	v24 =	vadd.s32 v43, v14  }
0x38e: {  	v33 =	vld [tilespmem:s24+$0xA0];
	[tilespmem:v26+s20+$0x0] =	vst.idx.msk $0xffff, v25;
	v22 =	vadd.s32 v22, v12  }
0x38f: {  	v18 =	vld [tilespmem:s24+$0x1A0];
	[tilespmem:v19+s20+$0x0] =	vst.idx.msk $0xffff, v32  }
0x390: {  	v25 =	vld [tilespmem:s24+$0x160];
	[tilespmem:$0x1FC50] =	vst v53  }
0x391: {  	v26 =	vadd.s32 v56, v15;
	[tilespmem:v36+s20+$0x0] =	vst.idx.msk $0xffff, v17  }
0x392: {  	v31 =	vadd.s32 v53, v16;
	v32 =	vld [tilespmem:s24+$0x20];
	[tilespmem:v24+s20+$0x0] =	vst.idx.msk $0xffff, v50  }
0x393: {  	v10 =	vadd.s32 v45, v10;
	v36 =	vld [tilespmem:s24+$0x70];
	[tilespmem:v22+s20+$0x0] =	vst.idx.msk $0xffff, v33  }
0x394: {  	v33 =	vadd.s32 v46, v11;
	v23 =	vld [tilespmem:$0x1FDD0]  }
0x395: {  	v13 =	vadd.s32 v62, v13;
	v50 =	vld [tilespmem:s24+$0xF0]  }
0x396: {  	v14 =	vadd.s32 v58, v14;
	v53 =	vld [tilespmem:s24+$0x130];
	[tilespmem:v26+s20+$0x0] =	vst.idx.msk $0xffff, v25  }
0x397: {  	v15 =	vadd.s32 v40, v15;
	[tilespmem:v31+s20+$0x0] =	vst.idx.msk $0xffff, v18;
	v58 =	vld [tilespmem:s24+$0x170]  }
0x398: {  	v16 =	vadd.s32 v47, v16;
	[tilespmem:v10+s20+$0x0] =	vst.idx.msk $0xffff, v36;
	v10 =	vld [tilespmem:s24+$0x1B0]  }
0x399: {  	v27 =	vmov v46;
	v46 =	vld [tilespmem:s24+$0xB0];
	[tilespmem:v33+s20+$0x0] =	vst.idx.msk $0xffff, v32;
	v12 =	vadd.s32 v23, v12  }
0x39a: {  	v11 =	vadd.s32 v30, v11;
	[tilespmem:v13+s20+$0x0] =	vst.idx.msk $0xffff, v50;
	v62 =	vld [tilespmem:s24+$0x30]  }
0x39b: {  	[tilespmem:v14+s20+$0x0] =	vst.idx.msk $0xffff, v53  }
0x39c: {  	[tilespmem:v15+s20+$0x0] =	vst.idx.msk $0xffff, v58  }
0x39d: {  	[tilespmem:v16+s20+$0x0] =	vst.idx.msk $0xffff, v10  }
0x39e: {  	s31 =	sor.u32 $0x40000, s26;
	[tilespmem:v12+s20+$0x0] =	vst.idx.msk $0xffff, v46  }
0x39f: {  	s2 =	simm.s32 $0x18C00;
	s9 =	sadd.s32 s1, s31;
	[tilespmem:v11+s20+$0x0] =	vst.idx.msk $0xffff, v62  }
0x3a0: {  	[hbm4b:s9+s3] =	stream.linear.scatter [tilespmem:s2], [sflag:$0x5], $0x80, $0x38;
	[tilespmem:$0x1D000] =	vst v63  }
0x3a1: {  	s7 =	simm.s32 $0x18C88;
	s2 =	sadd.s32 $0x10, s9  }
0x3a2: {  	[hbm4b:s2+s3] =	stream.linear.scatter [tilespmem:s7], [sflag:$0x5], $0x80, $0x38;
	[tilespmem:$0x1D000] =	vst v63  }
0x3a3: {  	s0 =	simm.s32 $0x440;
	s31 =	sadd.s32 $0x20, s9;
	s24 =	simm.s32 $0x18D10  }
0x3a4: {  	[hbm4b:s31+s3] =	stream.linear.scatter [tilespmem:s24], [sflag:$0x5], $0x80, $0x38;
	[tilespmem:$0x1D000] =	vst v63  }
0x3a5: {  	s30 =	simm.s32 $0x2200;
	s2 =	simm.s32 $0x18D98;
	s7 =	sadd.s32 $0x30, s9  }
0x3a6: {  	[hbm4b:s7+s3] =	stream.linear.scatter [tilespmem:s2], [sflag:$0x5], $0x80, $0x38;
	[tilespmem:$0x1D000] =	vst v63  }
0x3a7: {  	s29 =	sadd.s32 $0x4000, s9;
	s24 =	simm.s32 $0x18E20;
	s31 =	sadd.s32 $0x40, s9  }
0x3a8: {  	[hbm4b:s31+s3] =	stream.linear.scatter [tilespmem:s24], [sflag:$0x5], $0x80, $0x38;
	[tilespmem:$0x1D000] =	vst v63  }
0x3a9: {  	s2 =	simm.s32 $0x18EA8;
	s7 =	sadd.s32 $0x50, s9;
	s24 =	simm.s32 $0x18F30  }
0x3aa: {  	[hbm4b:s7+s3] =	stream.linear.scatter [tilespmem:s2], [sflag:$0x5], $0x80, $0x38;
	[tilespmem:$0x1D000] =	vst v63  }
0x3ab: {  	s31 =	sadd.s32 $0x60, s9;
	s2 =	simm.s32 $0x18FB8;
	s7 =	sadd.s32 $0x70, s9  }
0x3ac: {  	v46 =	vmov v45;
	[hbm4b:s31+s3] =	stream.linear.scatter [tilespmem:s24], [sflag:$0x5], $0x80, $0x38;
	[tilespmem:$0x1D000] =	vst v63  }
.LBB2_11:
0x3ad: {  	[hbm4b:s7+s3] =	stream.linear.scatter [tilespmem:s2], [sflag:$0x5], $0x80, $0x38;
	[tilespmem:$0x1D000] =	vst v63  }
0x3ae: {  	s2 =	smov.u32 s0;
	s0 =	smov.u32 s30  }
0x3af: {  	s9 =	sadd.s32 $0x1100, s30;
	s0 =	sshra.s32 s0, $0x2;
	s7 =	sadd.s32 $0x18C00, s2  }
0x3b0: {  	[hbm4b:s29+s3] =	stream.linear.scatter [tilespmem:s7], [sflag:$0x5], $0x80, $0x38;
	[tilespmem:$0x1D000] =	vst v63  }
0x3b1: {  	p0 =	sne.s32 s30, $0xFF00;
	s30 =	sadd.s32 $0x10, s29;
	s7 =	sadd.s32 $0x18C88, s2  }
0x3b2: {  	[hbm4b:s30+s3] =	stream.linear.scatter [tilespmem:s7], [sflag:$0x5], $0x80, $0x38;
	[tilespmem:$0x1D000] =	vst v63  }
0x3b3: {  	s7 =	sadd.s32 $0x18D10, s2;
	s30 =	sadd.s32 $0x20, s29  }
0x3b4: {  	[hbm4b:s30+s3] =	stream.linear.scatter [tilespmem:s7], [sflag:$0x5], $0x80, $0x38;
	[tilespmem:$0x1D000] =	vst v63  }
0x3b5: {  	s7 =	sadd.s32 $0x18D98, s2;
	s30 =	sadd.s32 $0x30, s29  }
0x3b6: {  	[hbm4b:s30+s3] =	stream.linear.scatter [tilespmem:s7], [sflag:$0x5], $0x80, $0x38;
	[tilespmem:$0x1D000] =	vst v63  }
0x3b7: {  	s7 =	sadd.s32 $0x18E20, s2;
	s30 =	sadd.s32 $0x40, s29  }
0x3b8: {  	[hbm4b:s30+s3] =	stream.linear.scatter [tilespmem:s7], [sflag:$0x5], $0x80, $0x38;
	[tilespmem:$0x1D000] =	vst v63  }
.Ltmp4:
0x3b9: {  	s7 =	sadd.s32 $0x18EA8, s2;
	s30 =	sadd.s32 $0x50, s29;
	(pc) =	sbr.rel @p0 .LBB2_11-.Ltmp4, $4  }
0x3ba: {  	[hbm4b:s30+s3] =	stream.linear.scatter [tilespmem:s7], [sflag:$0x5], $0x80, $0x38;
	[tilespmem:$0x1D000] =	vst v63  }
0x3bb: {  	s7 =	sadd.s32 $0x18F30, s2;
	s30 =	sadd.s32 $0x60, s29;
	s2 =	sadd.s32 $0x18FB8, s2  }
0x3bc: {  	[hbm4b:s30+s3] =	stream.linear.scatter [tilespmem:s7], [sflag:$0x5], $0x80, $0x38;
	[tilespmem:$0x1D000] =	vst v63  }
0x3bd: {  	s7 =	sadd.s32 $0x70, s29;
	s29 =	sadd.s32 $0x4000, s29;
	s30 =	smov.u32 s9  }
0x3be: {  	[hbm4b:s7+s3] =	stream.linear.scatter [tilespmem:s2], [sflag:$0x5], $0x80, $0x38;
	[tilespmem:$0x1D000] =	vst v63  }
0x3bf: {  	[tilespmem:$0x1FBA0] =	vst v47  }
0x3c0: {  	[tilespmem:$0x1FBB0] =	vst v51  }
0x3c1: {  	[tilespmem:$0x1FBC0] =	vst v41  }
0x3c2: {  	s24 =	sadd.s32 $0x18C00, s0;
	[tilespmem:$0x1FBD0] =	vst v1  }
0x3c3: {  	[hbm4b:s29+s3] =	stream.linear.scatter [tilespmem:s24], [sflag:$0x5], $0x80, $0x38;
	[tilespmem:$0x1D000] =	vst v63  }
0x3c4: {  	s30 =	sadd.s32 $0x18C88, s0;
	s31 =	sadd.s32 $0x10, s29;
	[tilespmem:$0x1FBE0] =	vst v2  }
0x3c5: {  	[hbm4b:s31+s3] =	stream.linear.scatter [tilespmem:s30], [sflag:$0x5], $0x80, $0x38;
	[tilespmem:$0x1D000] =	vst v63  }
0x3c6: {  	s9 =	sadd.s32 $0x18D10, s0;
	[tilespmem:$0x1FBF0] =	vst v3;
	s24 =	sadd.s32 $0x20, s29  }
0x3c7: {  	[hbm4b:s24+s3] =	stream.linear.scatter [tilespmem:s9], [sflag:$0x5], $0x80, $0x38;
	[tilespmem:$0x1D000] =	vst v63  }
0x3c8: {  	[tilespmem:$0x1FC00] =	vst v4;
	s30 =	sadd.s32 $0x18D98, s0;
	s31 =	sadd.s32 $0x30, s29  }
0x3c9: {  	[hbm4b:s31+s3] =	stream.linear.scatter [tilespmem:s30], [sflag:$0x5], $0x80, $0x38;
	[tilespmem:$0x1D000] =	vst v63  }
0x3ca: {  	[tilespmem:$0x1FC10] =	vst v5;
	s9 =	sadd.s32 $0x18E20, s0;
	s24 =	sadd.s32 $0x40, s29  }
0x3cb: {  	[hbm4b:s24+s3] =	stream.linear.scatter [tilespmem:s9], [sflag:$0x5], $0x80, $0x38;
	[tilespmem:$0x1D000] =	vst v63  }
0x3cc: {  	[tilespmem:$0x1FC20] =	vst v6;
	s30 =	sadd.s32 $0x18EA8, s0;
	s31 =	sadd.s32 $0x50, s29  }
0x3cd: {  	[hbm4b:s31+s3] =	stream.linear.scatter [tilespmem:s30], [sflag:$0x5], $0x80, $0x38;
	[tilespmem:$0x1D000] =	vst v63  }
0x3ce: {  	s28 =	sshll.u32 s28, $0xA;
	[tilespmem:$0x1FC30] =	vst v8;
	s9 =	sadd.s32 $0x18F30, s0;
	s24 =	sadd.s32 $0x60, s29  }
0x3cf: {  	[hbm4b:s24+s3] =	stream.linear.scatter [tilespmem:s9], [sflag:$0x5], $0x80, $0x38;
	[tilespmem:$0x1D000] =	vst v63  }
0x3d0: {  	[tilespmem:$0x1FC40] =	vst v7;
	s30 =	sadd.s32 $0x18FB8, s0;
	s31 =	sadd.s32 $0x70, s29;
	s29 =	simm.s32 $0x1  }
0x3d1: {  	v62 =	vmov v27;
	[hbm4b:s31+s3] =	stream.linear.scatter [tilespmem:s30], [sflag:$0x5], $0x80, $0x38;
	[tilespmem:$0x1D000] =	vst v63  }
.LBB2_13:
0x3d2: {  	s30 =	sshllo.u32 s29, $0x1  }
0x3d3: {  	_ =	swait.ge [sflag:s14], $0x4000;
	s0 =	sshll.u32 s30, $0x8  }
0x3d4: {  	s2 =	simm.s32 $0x0;
	[sflag:s14] =	ssyncset.done $0x0;
	s0 =	sand.u32 $0x3FFFFF00, s0  }
0x3d5: {  	s7 =	simm.s32 $0x1;
	[sflag:s14] =	ssyncadd.s32 $0xFFFFC000;
	s0 =	sadd.s32 $0x6400, s0  }
0x3d6: {  	[tilespmem:s16], [sflag:$0x3] =	stream.indirect.gather [hbm4b:s5+s11], $0x40, s0, s11, $0xb8;
	[tilespmem:$0x1D000] =	vst v63  }
0x3d7: {  	v10 =	vmov s2;
	s2 =	simm.s32 $0x2;
	v11 =	vmov s7;
	_ =	swait.ge [sflag:s21], $0x4000  }
0x3d8: {  	s7 =	simm.s32 $0x7;
	v12 =	vmov s2;
	v11 =	vshrl.u32 v11, $0x3;
	v0 =	vld [tilespmem:$0x1FD60]  }
0x3d9: {  	v15 =	vmov s7;
	v12 =	vshrl.u32 v12, $0x3;
	v11 =	vshll.u32 v11, v9  }
0x3da: {  	v15 =	vshrl.u32 v15, $0x3;
	v16 =	vbroadcast v11, $0x0;
	v11 =	vshll.u32 v12, v9  }
0x3db: {  	v10 =	vshrl.u32 v10, $0x3;
	v15 =	vshll.u32 v15, v9;
	v40 =	vbroadcast v11, $0x0;
	v12 =	vld [tilespmem:$0x1FCF0]  }
0x3dc: {  	s9 =	simm.s32 $0x3;
	v10 =	vshll.u32 v10, v9;
	v17 =	vbroadcast v15, $0x0;
	[sflag:s21] =	ssyncset.done $0x0  }
0x3dd: {  	s24 =	simm.s32 $0x4;
	s31 =	simm.s32 $0xE800;
	v13 =	vmov s9;
	v10 =	vbroadcast v10, $0x0;
	[sflag:s21] =	ssyncadd.s32 $0xFFFFC000;
	v26 =	vadd.s32 v0, v40;
	v0 =	vld [tilespmem:$0x1FDE0]  }
0x3de: {  	v14 =	vmov s24;
	v13 =	vshrl.u32 v13, $0x3;
	v20 =	vadd.s32 v2, v17;
	v15 =	vld [tilespmem:s31+$0xFFFFE1C0]  }
0x3df: {  	v14 =	vshrl.u32 v14, $0x3;
	v11 =	vshll.u32 v13, v9;
	v22 =	vadd.s32 v39, v10;
	v21 =	vld [tilespmem:s31+$0xFFFFE000]  }
0x3e0: {  	s9 =	simm.s32 $0x5;
	v23 =	vld [tilespmem:s31+$0xFFFFE040];
	v24 =	vadd.s32 v12, v16;
	v12 =	vbroadcast v11, $0x0;
	v11 =	vshll.u32 v14, v9  }
0x3e1: {  	v18 =	vmov s9;
	v25 =	vld [tilespmem:s31+$0xFFFFE080];
	v11 =	vbroadcast v11, $0x0  }
0x3e2: {  	v13 =	vshrl.u32 v18, $0x3;
	v18 =	vld [tilespmem:s31+$0xFFFFE0C0];
	v27 =	vadd.s32 v0, v12  }
0x3e3: {  	v28 =	vld [tilespmem:s31+$0xFFFFE100];
	[tilespmem:v20+s17+$0x0] =	vst.idx.msk $0xffff, v15;
	v29 =	vadd.s32 v38, v11  }
0x3e4: {  	[tilespmem:v22+s17+$0x0] =	vst.idx.msk $0xffff, v21  }
0x3e5: {  	s24 =	simm.s32 $0x6;
	[tilespmem:v24+s17+$0x0] =	vst.idx.msk $0xffff, v23  }
0x3e6: {  	v19 =	vmov s24;
	v15 =	vld [tilespmem:s31+$0xFFFFE1D0];
	[tilespmem:v26+s17+$0x0] =	vst.idx.msk $0xffff, v25  }
0x3e7: {  	v19 =	vshrl.u32 v19, $0x3;
	v13 =	vshll.u32 v13, v9;
	v25 =	vld [tilespmem:$0x1FD00];
	[tilespmem:v27+s17+$0x0] =	vst.idx.msk $0xffff, v18  }
0x3e8: {  	v14 =	vbroadcast v13, $0x0;
	v13 =	vshll.u32 v19, v9;
	v26 =	vld [tilespmem:$0x1FD70];
	[tilespmem:v29+s17+$0x0] =	vst.idx.msk $0xffff, v28  }
0x3e9: {  	v19 =	vadd.s32 v51, v17;
	v13 =	vbroadcast v13, $0x0;
	v28 =	vld [tilespmem:$0x1FDF0]  }
0x3ea: {  	v20 =	vld [tilespmem:s31+$0xFFFFE140];
	v21 =	vadd.s32 v59, v14  }
0x3eb: {  	v22 =	vld [tilespmem:s31+$0xFFFFE180];
	v23 =	vadd.s32 v48, v13  }
0x3ec: {  	v24 =	vld [tilespmem:s31+$0xFFFFE050];
	v25 =	vadd.s32 v25, v16  }
0x3ed: {  	v18 =	vld [tilespmem:s31+$0xFFFFE090];
	v26 =	vadd.s32 v26, v40  }
0x3ee: {  	v27 =	vld [tilespmem:s31+$0xFFFFE0D0];
	[tilespmem:v19+s17+$0x0] =	vst.idx.msk $0xffff, v15;
	v28 =	vadd.s32 v28, v12  }
0x3ef: {  	[tilespmem:v21+s17+$0x0] =	vst.idx.msk $0xffff, v20;
	v19 =	vadd.s32 v41, v17;
	v15 =	vld [tilespmem:s31+$0xFFFFE1E0]  }
0x3f0: {  	v20 =	vld [tilespmem:s31+$0xFFFFE110];
	v21 =	vadd.s32 v37, v11;
	[tilespmem:v23+s17+$0x0] =	vst.idx.msk $0xffff, v22  }
0x3f1: {  	v23 =	vadd.s32 v57, v14;
	v22 =	vld [tilespmem:s31+$0xFFFFE150];
	[tilespmem:v25+s17+$0x0] =	vst.idx.msk $0xffff, v24  }
0x3f2: {  	[tilespmem:v26+s17+$0x0] =	vst.idx.msk $0xffff, v18  }
0x3f3: {  	v26 =	vld [tilespmem:$0x1FC90];
	[tilespmem:v28+s17+$0x0] =	vst.idx.msk $0xffff, v27  }
0x3f4: {  	v28 =	vld [tilespmem:$0x1FD10];
	[tilespmem:v19+s17+$0x0] =	vst.idx.msk $0xffff, v15  }
0x3f5: {  	v18 =	vld [tilespmem:s31+$0xFFFFE190];
	[tilespmem:v21+s17+$0x0] =	vst.idx.msk $0xffff, v20  }
0x3f6: {  	v21 =	vld [tilespmem:$0x1FD80];
	[tilespmem:v23+s17+$0x0] =	vst.idx.msk $0xffff, v22  }
0x3f7: {  	v24 =	vadd.s32 v55, v13;
	v23 =	vld [tilespmem:$0x1FE00]  }
0x3f8: {  	v19 =	vadd.s32 v1, v17;
	v15 =	vld [tilespmem:s31+$0xFFFFE1F0]  }
0x3f9: {  	v25 =	vld [tilespmem:s31+$0xFFFFE010];
	v26 =	vadd.s32 v26, v10  }
0x3fa: {  	v27 =	vld [tilespmem:s31+$0xFFFFE060];
	v28 =	vadd.s32 v28, v16  }
0x3fb: {  	v20 =	vld [tilespmem:s31+$0xFFFFE0A0];
	v21 =	vadd.s32 v21, v40  }
0x3fc: {  	v22 =	vld [tilespmem:s31+$0xFFFFE0E0];
	[tilespmem:v24+s17+$0x0] =	vst.idx.msk $0xffff, v18;
	v23 =	vadd.s32 v23, v12  }
0x3fd: {  	v18 =	vld [tilespmem:s31+$0xFFFFE120];
	v24 =	vadd.s32 v44, v11;
	[tilespmem:v19+s17+$0x0] =	vst.idx.msk $0xffff, v15  }
0x3fe: {  	[tilespmem:v26+s17+$0x0] =	vst.idx.msk $0xffff, v25;
	v25 =	vld [tilespmem:s31+$0xFFFFE160];
	v26 =	vadd.s32 v42, v14  }
0x3ff: {  	[tilespmem:v28+s17+$0x0] =	vst.idx.msk $0xffff, v27  }
0x400: {  	v27 =	vld [tilespmem:s31+$0xFFFFE1A0];
	[tilespmem:v21+s17+$0x0] =	vst.idx.msk $0xffff, v20  }
0x401: {  	v21 =	vld [tilespmem:$0x1FCA0];
	[tilespmem:v23+s17+$0x0] =	vst.idx.msk $0xffff, v22  }
0x402: {  	v23 =	vld [tilespmem:$0x1FD20];
	[tilespmem:v24+s17+$0x0] =	vst.idx.msk $0xffff, v18  }
0x403: {  	v24 =	vld [tilespmem:$0x1FD90];
	[tilespmem:v26+s17+$0x0] =	vst.idx.msk $0xffff, v25  }
0x404: {  	v28 =	vadd.s32 v63, v13;
	v26 =	vld [tilespmem:$0x1FE10]  }
0x405: {  	v19 =	vadd.s32 v3, v17;
	v15 =	vld [tilespmem:s31+$0x1C0]  }
0x406: {  	v20 =	vld [tilespmem:s31+$0xFFFFE020];
	v21 =	vadd.s32 v21, v10  }
0x407: {  	v22 =	vld [tilespmem:s31+$0xFFFFE070];
	v23 =	vadd.s32 v23, v16  }
0x408: {  	v18 =	vld [tilespmem:s31+$0xFFFFE0B0];
	v24 =	vadd.s32 v24, v40  }
0x409: {  	v25 =	vld [tilespmem:s31+$0xFFFFE0F0];
	[tilespmem:v28+s17+$0x0] =	vst.idx.msk $0xffff, v27;
	v26 =	vadd.s32 v26, v12  }
0x40a: {  	v27 =	vld [tilespmem:s31+$0xFFFFE130];
	v28 =	vadd.s32 v35, v11;
	[tilespmem:v19+s17+$0x0] =	vst.idx.msk $0xffff, v15  }
0x40b: {  	[tilespmem:v21+s17+$0x0] =	vst.idx.msk $0xffff, v20  }
0x40c: {  	[tilespmem:v23+s17+$0x0] =	vst.idx.msk $0xffff, v22  }
0x40d: {  	v15 =	vld [tilespmem:s31+$0x1D0];
	[tilespmem:v24+s17+$0x0] =	vst.idx.msk $0xffff, v18  }
0x40e: {  	v24 =	vld [tilespmem:$0x1FCB0];
	[tilespmem:v26+s17+$0x0] =	vst.idx.msk $0xffff, v25  }
0x40f: {  	v26 =	vld [tilespmem:$0x1FD30];
	[tilespmem:v28+s17+$0x0] =	vst.idx.msk $0xffff, v27  }
0x410: {  	v19 =	vadd.s32 v4, v17;
	v28 =	vld [tilespmem:$0x1FDA0]  }
0x411: {  	v20 =	vld [tilespmem:s31+$0xFFFFE170];
	v21 =	vadd.s32 v54, v14  }
0x412: {  	v22 =	vadd.s32 v5, v13;
	v18 =	vld [tilespmem:s31+$0xFFFFE1B0]  }
0x413: {  	v23 =	vld [tilespmem:s31+$0xFFFFE030];
	v24 =	vadd.s32 v24, v10  }
0x414: {  	v25 =	vld [tilespmem:s31+$0x40];
	v26 =	vadd.s32 v26, v16  }
0x415: {  	v27 =	vld [tilespmem:s31+$0x80];
	[tilespmem:v19+s17+$0x0] =	vst.idx.msk $0xffff, v15;
	v28 =	vadd.s32 v28, v40  }
0x416: {  	[tilespmem:v21+s17+$0x0] =	vst.idx.msk $0xffff, v20;
	v19 =	vadd.s32 v6, v17;
	v15 =	vld [tilespmem:s31+$0x1E0]  }
0x417: {  	v20 =	vld [tilespmem:s31+$0xC0];
	v21 =	vadd.s32 v61, v12;
	[tilespmem:v22+s17+$0x0] =	vst.idx.msk $0xffff, v18  }
0x418: {  	[tilespmem:v24+s17+$0x0] =	vst.idx.msk $0xffff, v23  }
0x419: {  	v18 =	vld [tilespmem:s31+$0x100];
	v22 =	vadd.s32 v52, v11;
	[tilespmem:v26+s17+$0x0] =	vst.idx.msk $0xffff, v25  }
0x41a: {  	v23 =	vld [tilespmem:s31+$0x140];
	v24 =	vadd.s32 v49, v14;
	[tilespmem:v28+s17+$0x0] =	vst.idx.msk $0xffff, v27  }
0x41b: {  	v28 =	vld [tilespmem:$0x1FCC0];
	[tilespmem:v19+s17+$0x0] =	vst.idx.msk $0xffff, v15  }
0x41c: {  	v25 =	vld [tilespmem:s31+$0x180];
	[tilespmem:v21+s17+$0x0] =	vst.idx.msk $0xffff, v20  }
0x41d: {  	v53 =	vld [tilespmem:$0x1FC60]  }
0x41e: {  	v20 =	vld [tilespmem:$0x1FD40];
	[tilespmem:v22+s17+$0x0] =	vst.idx.msk $0xffff, v18  }
0x41f: {  	v21 =	vld [tilespmem:$0x1FDB0];
	[tilespmem:v24+s17+$0x0] =	vst.idx.msk $0xffff, v23  }
0x420: {  	v26 =	vadd.s32 v8, v13;
	v36 =	vld [tilespmem:$0x1FE30]  }
0x421: {  	v27 =	vld [tilespmem:s31+$0x0];
	v28 =	vadd.s32 v28, v10  }
0x422: {  	v15 =	vld [tilespmem:s31+$0x1F0];
	v17 =	vadd.s32 v53, v17  }
0x423: {  	v19 =	vld [tilespmem:s31+$0x50];
	v20 =	vadd.s32 v20, v16  }
0x424: {  	v18 =	vld [tilespmem:s31+$0x90];
	v21 =	vadd.s32 v21, v40  }
0x425: {  	v22 =	vld [tilespmem:s31+$0xD0];
	[tilespmem:v26+s17+$0x0] =	vst.idx.msk $0xffff, v25;
	v23 =	vadd.s32 v36, v12  }
0x426: {  	[tilespmem:v28+s17+$0x0] =	vst.idx.msk $0xffff, v27  }
0x427: {  	v0 =	vld [tilespmem:$0x1FE60];
	[tilespmem:v17+s17+$0x0] =	vst.idx.msk $0xffff, v15  }
0x428: {  	v26 =	vld [tilespmem:s31+$0x150];
	[tilespmem:v20+s17+$0x0] =	vst.idx.msk $0xffff, v19  }
0x429: {  	v20 =	vld [tilespmem:$0x1FCD0];
	[tilespmem:v21+s17+$0x0] =	vst.idx.msk $0xffff, v18  }
0x42a: {  	v21 =	vld [tilespmem:$0x1FD50];
	[tilespmem:v23+s17+$0x0] =	vst.idx.msk $0xffff, v22  }
0x42b: {  	v27 =	vadd.s32 v60, v14;
	v22 =	vld [tilespmem:$0x1FDC0]  }
0x42c: {  	v24 =	vld [tilespmem:s31+$0x110];
	v25 =	vadd.s32 v0, v11  }
0x42d: {  	v15 =	vld [tilespmem:s31+$0x190];
	v17 =	vadd.s32 v7, v13  }
0x42e: {  	v19 =	vld [tilespmem:s31+$0x10];
	v20 =	vadd.s32 v20, v10  }
0x42f: {  	v18 =	vld [tilespmem:s31+$0x60];
	v21 =	vadd.s32 v21, v16  }
0x430: {  	v23 =	vld [tilespmem:s31+$0xA0];
	[tilespmem:v27+s17+$0x0] =	vst.idx.msk $0xffff, v26;
	v28 =	vadd.s32 v22, v40  }
0x431: {  	v31 =	vadd.s32 v34, v12;
	v30 =	vld [tilespmem:s31+$0xE0];
	[tilespmem:v25+s17+$0x0] =	vst.idx.msk $0xffff, v24  }
0x432: {  	v33 =	vadd.s32 v43, v11;
	[tilespmem:v17+s17+$0x0] =	vst.idx.msk $0xffff, v15;
	v32 =	vld [tilespmem:s31+$0x120]  }
0x433: {  	[tilespmem:v20+s17+$0x0] =	vst.idx.msk $0xffff, v19  }
0x434: {  	s9 =	simm.s32 $0xA;
	v17 =	vld [tilespmem:s31+$0x160];
	[tilespmem:v21+s17+$0x0] =	vst.idx.msk $0xffff, v18  }
0x435: {  	v58 =	vmov v43;
	v50 =	vmov v52;
	s7 =	simm.s32 $0x9;
	v29 =	vmov s9;
	v45 =	vld [tilespmem:$0x1FC50];
	[tilespmem:v28+s17+$0x0] =	vst.idx.msk $0xffff, v23  }
0x436: {  	s2 =	simm.s32 $0x8;
	v52 =	vmovc v35;
	v35 =	vmovc v44;
	v44 =	vmov v37;
	v37 =	vmov v38;
	v26 =	vmov s7;
	v22 =	vld [tilespmem:s31+$0x1A0];
	[tilespmem:v31+s17+$0x0] =	vst.idx.msk $0xffff, v30  }
0x437: {  	v27 =	vadd.s32 v62, v10;
	v15 =	vmov s2;
	v43 =	vmovc v0;
	v0 =	vmovc v7;
	v7 =	vmov v8;
	v25 =	vld [tilespmem:s31+$0x20];
	[tilespmem:v33+s17+$0x0] =	vst.idx.msk $0xffff, v32  }
0x438: {  	v8 =	vmovc v6;
	v6 =	vmovc v5;
	v5 =	vmov v4;
	v4 =	vmov v3;
	v30 =	vadd.s32 v46, v16;
	v16 =	vld [tilespmem:$0x1FDD0]  }
0x439: {  	s24 =	simm.s32 $0xB;
	v3 =	vmovc v2;
	v15 =	vshrl.u32 v15, $0x3;
	v28 =	vld [tilespmem:s31+$0x70];
	v32 =	vmovc v41;
	v41 =	vmov v54;
	v54 =	vmov v51  }
0x43a: {  	s9 =	simm.s32 $0xD;
	s7 =	simm.s32 $0xC;
	v2 =	vmovc v1;
	v1 =	vmovc v46;
	v15 =	vshll.u32 v15, v9;
	v20 =	vadd.s32 v56, v14;
	v21 =	vmov s24;
	s24 =	simm.s32 $0xE;
	v31 =	vld [tilespmem:s31+$0xB0]  }
0x43b: {  	v18 =	vmov s9;
	v23 =	vmov s7;
	v19 =	vmov s24;
	v51 =	vmovc v62;
	v38 =	vld [tilespmem:$0x1FE50];
	v46 =	vmovc v32  }
0x43c: {  	v62 =	vmovc v54;
	v54 =	vmovc v47;
	v47 =	vmov v63;
	v63 =	vmov v55;
	v55 =	vmov v48;
	v48 =	vld [tilespmem:$0x1FFA0]  }
0x43d: {  	s0 =	simm.s32 $0x10;
	s2 =	simm.s32 $0xF;
	v24 =	vadd.s32 v45, v13;
	v16 =	vadd.s32 v16, v40;
	v40 =	vmovc v56;
	v56 =	vmovc v60;
	v60 =	vmov v59;
	v59 =	vld [tilespmem:$0x1FF50]  }
.LBB2_14:
0x43e: {  	_ =	sdelay $0x2  }
0x43f: {  	v33 =	vld [tilespmem:s31+$0xF0]  }
0x440: {  	v11 =	vadd.s32 v59, v11;
	[tilespmem:v20+s17+$0x0] =	vst.idx.msk $0xffff, v17;
	v20 =	vshrl.u32 v29, $0x3;
	v29 =	vld [tilespmem:s31+$0x130]  }
0x441: {  	[tilespmem:v27+s17+$0x0] =	vst.idx.msk $0xffff, v25;
	v27 =	vld [tilespmem:$0x1FCE0]  }
0x442: {  	v14 =	vadd.s32 v48, v14;
	[tilespmem:v24+s17+$0x0] =	vst.idx.msk $0xffff, v22;
	v22 =	vld [tilespmem:s31+$0x170]  }
0x443: {  	v26 =	vshrl.u32 v26, $0x3;
	v32 =	vmov s2;
	v13 =	vadd.s32 v54, v13;
	v24 =	vld [tilespmem:s31+$0x1B0]  }
0x444: {  	v17 =	vshrl.u32 v32, $0x3;
	v25 =	vshll.u32 v26, v9;
	v26 =	vld [tilespmem:s31+$0x30]  }
0x445: {  	v12 =	vadd.s32 v38, v12;
	v17 =	vshll.u32 v17, v9;
	s31 =	sadd.s32 $0x200, s31;
	[tilespmem:v11+s17+$0x0] =	vst.idx.msk $0xffff, v29;
	v11 =	vld [tilespmem:$0x1FCF0]  }
0x446: {  	[tilespmem:v16+s17+$0x0] =	vst.idx.msk $0xffff, v31;
	v16 =	vshll.u32 v20, v9;
	v17 =	vbroadcast v17, $0x0;
	v20 =	vld [tilespmem:s31+$0xFFFFE1C0]  }
0x447: {  	v27 =	vadd.s32 v27, v10;
	[tilespmem:v14+s17+$0x0] =	vst.idx.msk $0xffff, v22;
	v14 =	vld [tilespmem:$0x1FD60]  }
0x448: {  	v10 =	vbroadcast v15, $0x0;
	v15 =	vbroadcast v25, $0x0;
	v25 =	vadd.s32 v3, v17;
	[tilespmem:v13+s17+$0x0] =	vst.idx.msk $0xffff, v24;
	v13 =	vld [tilespmem:$0x1FDE0]  }
0x449: {  	v21 =	vshrl.u32 v21, $0x3;
	v23 =	vshrl.u32 v23, $0x3;
	[tilespmem:v30+s17+$0x0] =	vst.idx.msk $0xffff, v28;
	v28 =	vld [tilespmem:s31+$0xFFFFE000]  }
0x44a: {  	[tilespmem:v12+s17+$0x0] =	vst.idx.msk $0xffff, v33;
	v12 =	vshll.u32 v21, v9;
	v16 =	vbroadcast v16, $0x0;
	v21 =	vld [tilespmem:s31+$0xFFFFE040];
	v29 =	vadd.s32 v11, v15  }
0x44b: {  	v19 =	vshrl.u32 v19, $0x3;
	v12 =	vbroadcast v12, $0x0;
	v22 =	vld [tilespmem:s31+$0xFFFFE080];
	v30 =	vadd.s32 v39, v10  }
0x44c: {  	v11 =	vshll.u32 v23, v9;
	[tilespmem:v27+s17+$0x0] =	vst.idx.msk $0xffff, v26;
	v26 =	vld [tilespmem:s31+$0xFFFFE100];
	v23 =	vadd.s32 v14, v16;
	v14 =	vshrl.u32 v18, $0x3  }
0x44d: {  	[tilespmem:v25+s17+$0x0] =	vst.idx.msk $0xffff, v20;
	v11 =	vbroadcast v11, $0x0;
	v18 =	vld [tilespmem:s31+$0xFFFFE0C0];
	v24 =	vadd.s32 v13, v12;
	v13 =	vshll.u32 v14, v9  }
0x44e: {  	v14 =	vbroadcast v13, $0x0;
	v13 =	vshll.u32 v19, v9;
	v19 =	vld [tilespmem:s31+$0xFFFFE1D0]  }
0x44f: {  	v27 =	vadd.s32 v37, v11;
	[tilespmem:v29+s17+$0x0] =	vst.idx.msk $0xffff, v21;
	v21 =	vld [tilespmem:s31+$0xFFFFE140]  }
0x450: {  	v20 =	vadd.s32 v62, v17;
	v29 =	vld [tilespmem:$0x1FD00]  }
0x451: {  	[tilespmem:v23+s17+$0x0] =	vst.idx.msk $0xffff, v22;
	v22 =	vld [tilespmem:s31+$0xFFFFE180]  }
0x452: {  	[tilespmem:v30+s17+$0x0] =	vst.idx.msk $0xffff, v28;
	v13 =	vbroadcast v13, $0x0;
	v28 =	vld [tilespmem:s31+$0xFFFFE050]  }
0x453: {  	v25 =	vadd.s32 v60, v14;
	[tilespmem:v24+s17+$0x0] =	vst.idx.msk $0xffff, v18;
	v24 =	vld [tilespmem:$0x1FD70]  }
0x454: {  	v23 =	vadd.s32 v55, v13;
	v18 =	vld [tilespmem:s31+$0xFFFFE090];
	[tilespmem:v27+s17+$0x0] =	vst.idx.msk $0xffff, v26  }
0x455: {  	v26 =	vld [tilespmem:s31+$0xFFFFE0D0];
	[tilespmem:v20+s17+$0x0] =	vst.idx.msk $0xffff, v19;
	v29 =	vadd.s32 v29, v15  }
0x456: {  	v20 =	vadd.s32 v46, v17;
	v19 =	vld [tilespmem:s31+$0xFFFFE1E0]  }
0x457: {  	v27 =	vld [tilespmem:$0x1FDF0]  }
0x458: {  	[tilespmem:v25+s17+$0x0] =	vst.idx.msk $0xffff, v21;
	v21 =	vld [tilespmem:s31+$0xFFFFE110];
	v25 =	vadd.s32 v44, v11  }
0x459: {  	[tilespmem:v23+s17+$0x0] =	vst.idx.msk $0xffff, v22;
	v22 =	vld [tilespmem:s31+$0xFFFFE150];
	v23 =	vadd.s32 v57, v14  }
0x45a: {  	v24 =	vadd.s32 v24, v16;
	[tilespmem:v29+s17+$0x0] =	vst.idx.msk $0xffff, v28;
	v28 =	vld [tilespmem:s31+$0xFFFFE010]  }
0x45b: {  	[tilespmem:v20+s17+$0x0] =	vst.idx.msk $0xffff, v19;
	v29 =	vld [tilespmem:$0x1FC90]  }
0x45c: {  	v27 =	vadd.s32 v27, v12;
	v19 =	vld [tilespmem:s31+$0xFFFFE1F0]  }
0x45d: {  	[tilespmem:v25+s17+$0x0] =	vst.idx.msk $0xffff, v21;
	v25 =	vld [tilespmem:$0x1FD80]  }
0x45e: {  	v20 =	vadd.s32 v2, v17;
	[tilespmem:v23+s17+$0x0] =	vst.idx.msk $0xffff, v22;
	v23 =	vld [tilespmem:$0x1FE00]  }
0x45f: {  	[tilespmem:v24+s17+$0x0] =	vst.idx.msk $0xffff, v18;
	v18 =	vld [tilespmem:s31+$0xFFFFE190];
	v24 =	vadd.s32 v63, v13  }
0x460: {  	v21 =	vld [tilespmem:s31+$0xFFFFE0A0]  }
0x461: {  	[tilespmem:v27+s17+$0x0] =	vst.idx.msk $0xffff, v26;
	v27 =	vld [tilespmem:$0x1FD10];
	v29 =	vadd.s32 v29, v10  }
0x462: {  	v26 =	vld [tilespmem:s31+$0xFFFFE060];
	v25 =	vadd.s32 v25, v16  }
0x463: {  	v22 =	vld [tilespmem:s31+$0xFFFFE0E0];
	[tilespmem:v20+s17+$0x0] =	vst.idx.msk $0xffff, v19;
	v23 =	vadd.s32 v23, v12  }
0x464: {  	[tilespmem:v24+s17+$0x0] =	vst.idx.msk $0xffff, v18;
	v18 =	vld [tilespmem:s31+$0xFFFFE120];
	v24 =	vadd.s32 v35, v11  }
0x465: {  	v20 =	vadd.s32 v4, v17;
	v19 =	vld [tilespmem:s31+$0x1C0]  }
0x466: {  	v27 =	vadd.s32 v27, v15;
	[tilespmem:v29+s17+$0x0] =	vst.idx.msk $0xffff, v28;
	v28 =	vld [tilespmem:s31+$0xFFFFE1A0]  }
0x467: {  	[tilespmem:v25+s17+$0x0] =	vst.idx.msk $0xffff, v21;
	v25 =	vld [tilespmem:$0x1FCA0]  }
0x468: {  	v21 =	vld [tilespmem:s31+$0xFFFFE020];
	[tilespmem:v23+s17+$0x0] =	vst.idx.msk $0xffff, v22  }
0x469: {  	v23 =	vld [tilespmem:$0x1FD20];
	[tilespmem:v24+s17+$0x0] =	vst.idx.msk $0xffff, v18  }
0x46a: {  	v29 =	vadd.s32 v47, v13;
	v24 =	vld [tilespmem:$0x1FD90];
	[tilespmem:v20+s17+$0x0] =	vst.idx.msk $0xffff, v19  }
0x46b: {  	[tilespmem:v27+s17+$0x0] =	vst.idx.msk $0xffff, v26;
	v26 =	vld [tilespmem:s31+$0xFFFFE160];
	v27 =	vadd.s32 v42, v14  }
0x46c: {  	v20 =	vadd.s32 v5, v17;
	v19 =	vld [tilespmem:s31+$0x1D0]  }
0x46d: {  	v18 =	vld [tilespmem:s31+$0xFFFFE0B0]  }
0x46e: {  	v22 =	vld [tilespmem:s31+$0xFFFFE070];
	v25 =	vadd.s32 v25, v10  }
0x46f: {  	[tilespmem:v29+s17+$0x0] =	vst.idx.msk $0xffff, v28;
	v28 =	vld [tilespmem:s31+$0xFFFFE130];
	v29 =	vadd.s32 v52, v11  }
0x470: {  	v23 =	vadd.s32 v23, v15;
	[tilespmem:v27+s17+$0x0] =	vst.idx.msk $0xffff, v26;
	v27 =	vld [tilespmem:$0x1FE10]  }
0x471: {  	v24 =	vadd.s32 v24, v16;
	[tilespmem:v20+s17+$0x0] =	vst.idx.msk $0xffff, v19;
	v26 =	vld [tilespmem:s31+$0xFFFFE0F0]  }
0x472: {  	v19 =	vld [tilespmem:s31+$0x1E0]  }
0x473: {  	v20 =	vadd.s32 v8, v17;
	[tilespmem:v25+s17+$0x0] =	vst.idx.msk $0xffff, v21;
	v21 =	vld [tilespmem:s31+$0xFFFFE170]  }
0x474: {  	v25 =	vld [tilespmem:$0x1FCB0];
	[tilespmem:v29+s17+$0x0] =	vst.idx.msk $0xffff, v28  }
0x475: {  	v29 =	vld [tilespmem:$0x1FDA0];
	[tilespmem:v23+s17+$0x0] =	vst.idx.msk $0xffff, v22;
	v27 =	vadd.s32 v27, v12  }
0x476: {  	v22 =	vadd.s32 v41, v14;
	[tilespmem:v24+s17+$0x0] =	vst.idx.msk $0xffff, v18;
	v18 =	vld [tilespmem:s31+$0xFFFFE1B0]  }
0x477: {  	v23 =	vadd.s32 v6, v13;
	v24 =	vld [tilespmem:s31+$0xFFFFE030]  }
0x478: {  	v28 =	vld [tilespmem:s31+$0x80];
	[tilespmem:v20+s17+$0x0] =	vst.idx.msk $0xffff, v19  }
0x479: {  	v19 =	vld [tilespmem:s31+$0x1F0];
	v25 =	vadd.s32 v25, v10  }
0x47a: {  	v29 =	vadd.s32 v29, v16;
	[tilespmem:v27+s17+$0x0] =	vst.idx.msk $0xffff, v26;
	v27 =	vld [tilespmem:$0x1FD30]  }
0x47b: {  	[tilespmem:v22+s17+$0x0] =	vst.idx.msk $0xffff, v21;
	v22 =	vadd.s32 v61, v12;
	v21 =	vld [tilespmem:s31+$0xC0]  }
0x47c: {  	[tilespmem:v23+s17+$0x0] =	vst.idx.msk $0xffff, v18;
	v18 =	vld [tilespmem:s31+$0x100]  }
0x47d: {  	v23 =	vadd.s32 v50, v11;
	v26 =	vld [tilespmem:s31+$0x40]  }
0x47e: {  	[tilespmem:v25+s17+$0x0] =	vst.idx.msk $0xffff, v24;
	v24 =	vld [tilespmem:s31+$0x140];
	v25 =	vadd.s32 v49, v14  }
0x47f: {  	[tilespmem:v29+s17+$0x0] =	vst.idx.msk $0xffff, v28;
	v29 =	vld [tilespmem:$0x1FCC0];
	v27 =	vadd.s32 v27, v15  }
0x480: {  	[tilespmem:v22+s17+$0x0] =	vst.idx.msk $0xffff, v21;
	v21 =	vld [tilespmem:$0x1FD40]  }
0x481: {  	v22 =	vld [tilespmem:$0x1FDB0]  }
0x482: {  	v28 =	vld [tilespmem:s31+$0x0];
	[tilespmem:v23+s17+$0x0] =	vst.idx.msk $0xffff, v18  }
0x483: {  	[tilespmem:v25+s17+$0x0] =	vst.idx.msk $0xffff, v24;
	v23 =	vld [tilespmem:s31+$0xD0];
	v24 =	vadd.s32 v36, v12  }
0x484: {  	[tilespmem:v27+s17+$0x0] =	vst.idx.msk $0xffff, v26;
	v26 =	vld [tilespmem:s31+$0x180];
	v27 =	vadd.s32 v7, v13  }
0x485: {  	v20 =	vld [tilespmem:s31+$0x50];
	v21 =	vadd.s32 v21, v15  }
0x486: {  	v18 =	vld [tilespmem:s31+$0x90];
	v22 =	vadd.s32 v22, v16  }
0x487: {  	v29 =	vadd.s32 v29, v10;
	v25 =	vld [tilespmem:s31+$0x110]  }
0x488: {  	v17 =	vadd.s32 v53, v17;
	[tilespmem:v24+s17+$0x0] =	vst.idx.msk $0xffff, v23;
	v24 =	vld [tilespmem:$0x1FDC0]  }
0x489: {  	v31 =	vld [tilespmem:s31+$0xE0];
	[tilespmem:v27+s17+$0x0] =	vst.idx.msk $0xffff, v26  }
0x48a: {  	v32 =	vadd.s32 v34, v12;
	[tilespmem:v21+s17+$0x0] =	vst.idx.msk $0xffff, v20;
	v21 =	vld [tilespmem:$0x1FCD0]  }
0x48b: {  	v26 =	vadd.s32 v43, v11;
	[tilespmem:v22+s17+$0x0] =	vst.idx.msk $0xffff, v18;
	v22 =	vld [tilespmem:$0x1FD50]  }
0x48c: {  	[tilespmem:v29+s17+$0x0] =	vst.idx.msk $0xffff, v28;
	v28 =	vadd.s32 v56, v14;
	v27 =	vld [tilespmem:s31+$0x150]  }
0x48d: {  	[tilespmem:v17+s17+$0x0] =	vst.idx.msk $0xffff, v19;
	v19 =	vadd.s32 v0, v13;
	v17 =	vld [tilespmem:s31+$0x190]  }
0x48e: {  	v23 =	vld [tilespmem:s31+$0xA0];
	v30 =	vadd.s32 v24, v16  }
0x48f: {  	v20 =	vld [tilespmem:s31+$0x10];
	[tilespmem:v32+s17+$0x0] =	vst.idx.msk $0xffff, v31;
	v21 =	vadd.s32 v21, v10  }
0x490: {  	v18 =	vld [tilespmem:s31+$0x60];
	[tilespmem:v26+s17+$0x0] =	vst.idx.msk $0xffff, v25;
	v22 =	vadd.s32 v22, v15  }
0x491: {  	v34 =	vadd.s32 v58, v11;
	[tilespmem:v28+s17+$0x0] =	vst.idx.msk $0xffff, v27;
	v33 =	vld [tilespmem:s31+$0x120]  }
0x492: {  	v32 =	vld [tilespmem:$0x1FDD0];
	[tilespmem:v19+s17+$0x0] =	vst.idx.msk $0xffff, v17  }
0x493: {  	p0 =	slt.u32 s0, $0x78;
	s24 =	sadd.s32 $0x2, s0;
	v17 =	vld [tilespmem:s31+$0x160];
	[tilespmem:v30+s17+$0x0] =	vst.idx.msk $0xffff, v23  }
.Ltmp5:
0x494: {  	v29 =	vmov s24;
	v19 =	vmov s0;
	v31 =	vld [tilespmem:s31+$0xB0];
	[tilespmem:v21+s17+$0x0] =	vst.idx.msk $0xffff, v20;
	(pc) =	sbr.rel @p0 .LBB2_14-.Ltmp5, $4  }
0x495: {  	s9 =	sadd.s32 $0x1, s0;
	v24 =	vadd.s32 v45, v13;
	v27 =	vadd.s32 v51, v10;
	v19 =	vshrl.u32 v19, $0x3;
	[tilespmem:v22+s17+$0x0] =	vst.idx.msk $0xffff, v18;
	v22 =	vld [tilespmem:s31+$0x1A0]  }
0x496: {  	s7 =	sadd.s32 $0x3, s0;
	s24 =	sadd.s32 $0x6, s0;
	v26 =	vmov s9;
	v30 =	vadd.s32 v1, v15;
	v15 =	vshll.u32 v19, v9;
	[tilespmem:v34+s17+$0x0] =	vst.idx.msk $0xffff, v33;
	v34 =	vld [tilespmem:$0x1FE40]  }
0x497: {  	s9 =	sadd.s32 $0x5, s0;
	v19 =	vmov s24;
	v16 =	vadd.s32 v32, v16;
	v21 =	vmov s7;
	s7 =	sadd.s32 $0x4, s0;
	v25 =	vld [tilespmem:s31+$0x20]  }
0x498: {  	s2 =	sadd.s32 $0x7, s0;
	v20 =	vadd.s32 v40, v14;
	v18 =	vmov s9;
	s0 =	sadd.s32 $0x8, s0;
	v23 =	vmov s7;
	v28 =	vld [tilespmem:s31+$0x70]  }
0x499: {  	_ =	sdelay $0x3  }
0x49a: {  	[tilespmem:v20+s17+$0x0] =	vst.idx.msk $0xffff, v17  }
0x49b: {  	[tilespmem:v16+s17+$0x0] =	vst.idx.msk $0xffff, v31  }
0x49c: {  	v20 =	vld [tilespmem:s31+$0xF0];
	[tilespmem:v24+s17+$0x0] =	vst.idx.msk $0xffff, v22  }
0x49d: {  	v12 =	vadd.s32 v38, v12;
	v24 =	vld [tilespmem:s31+$0x130];
	[tilespmem:v27+s17+$0x0] =	vst.idx.msk $0xffff, v25  }
0x49e: {  	v33 =	vshrl.u32 v29, $0x3;
	v29 =	vadd.s32 v59, v11;
	v25 =	vld [tilespmem:s31+$0x170];
	[tilespmem:v30+s17+$0x0] =	vst.idx.msk $0xffff, v28  }
0x49f: {  	v14 =	vadd.s32 v48, v14;
	v30 =	vld [tilespmem:$0x1FCE0];
	_ =	sdelay $0x1  }
0x4a0: {  	v32 =	vmov s2  }
0x4a1: {  	v17 =	vshrl.u32 v32, $0x3;
	[tilespmem:v12+s17+$0x0] =	vst.idx.msk $0xffff, v20  }
0x4a2: {  	v11 =	vshll.u32 v17, v9;
	v27 =	vld [tilespmem:s31+$0x1B0];
	v28 =	vadd.s32 v54, v13;
	[tilespmem:v29+s17+$0x0] =	vst.idx.msk $0xffff, v24  }
0x4a3: {  	v17 =	vbroadcast v11, $0x0;
	v11 =	vbroadcast v15, $0x0;
	v15 =	vld [tilespmem:s31+$0x30];
	[tilespmem:v14+s17+$0x0] =	vst.idx.msk $0xffff, v25;
	v16 =	vadd.s32 v30, v10  }
0x4a4: {  	v14 =	vld [tilespmem:$0x1FCF0]  }
0x4a5: {  	v26 =	vshrl.u32 v26, $0x3  }
0x4a6: {  	v21 =	vshrl.u32 v21, $0x3;
	v23 =	vshrl.u32 v23, $0x3;
	v26 =	vshll.u32 v26, v9  }
0x4a7: {  	v33 =	vshll.u32 v33, v9;
	v32 =	vshll.u32 v21, v9;
	[tilespmem:v28+s17+$0x0] =	vst.idx.msk $0xffff, v27;
	v10 =	vbroadcast v26, $0x0  }
0x4a8: {  	v13 =	vbroadcast v32, $0x0;
	v12 =	vbroadcast v33, $0x0;
	v33 =	vshll.u32 v23, v9;
	v32 =	vld [tilespmem:$0x1FD60];
	[tilespmem:v16+s17+$0x0] =	vst.idx.msk $0xffff, v15  }
0x4a9: {  	s0 =	sadd.s32 $0x200, s31;
	v25 =	vadd.s32 v14, v10;
	v14 =	vbroadcast v33, $0x0;
	v33 =	vld [tilespmem:$0x1FDE0]  }
0x4aa: {  	v20 =	vld [tilespmem:s0+$0xFFFFE1C0];
	v22 =	vadd.s32 v3, v17  }
0x4ab: {  	v24 =	vld [tilespmem:s0+$0xFFFFE000];
	v26 =	vadd.s32 v39, v11  }
0x4ac: {  	v21 =	vld [tilespmem:s0+$0xFFFFE040]  }
0x4ad: {  	v23 =	vld [tilespmem:s0+$0xFFFFE080];
	v27 =	vadd.s32 v32, v12  }
0x4ae: {  	v18 =	vshrl.u32 v18, $0x3;
	v28 =	vld [tilespmem:s0+$0xFFFFE0C0];
	v29 =	vadd.s32 v33, v13  }
0x4af: {  	v3 =	vshll.u32 v18, v9;
	v18 =	vld [tilespmem:s0+$0xFFFFE100];
	[tilespmem:v22+s17+$0x0] =	vst.idx.msk $0xffff, v20;
	v33 =	vadd.s32 v37, v14  }
0x4b0: {  	[tilespmem:v26+s17+$0x0] =	vst.idx.msk $0xffff, v24;
	v20 =	vld [tilespmem:s0+$0xFFFFE1D0];
	v37 =	vadd.s32 v62, v17  }
0x4b1: {  	[tilespmem:v25+s17+$0x0] =	vst.idx.msk $0xffff, v21  }
0x4b2: {  	[tilespmem:v27+s17+$0x0] =	vst.idx.msk $0xffff, v23  }
0x4b3: {  	[tilespmem:v29+s17+$0x0] =	vst.idx.msk $0xffff, v28  }
0x4b4: {  	v32 =	vshrl.u32 v19, $0x3;
	v27 =	vld [tilespmem:$0x1FD00];
	[tilespmem:v33+s17+$0x0] =	vst.idx.msk $0xffff, v18  }
0x4b5: {  	v15 =	vbroadcast v3, $0x0;
	v16 =	vshll.u32 v32, v9;
	v19 =	vld [tilespmem:$0x1FD70];
	[tilespmem:v37+s17+$0x0] =	vst.idx.msk $0xffff, v20  }
0x4b6: {  	v16 =	vbroadcast v16, $0x0;
	v22 =	vld [tilespmem:$0x1FDF0]  }
0x4b7: {  	v60 =	vadd.s32 v60, v15;
	v21 =	vld [tilespmem:s0+$0xFFFFE140]  }
0x4b8: {  	v3 =	vadd.s32 v55, v16;
	v62 =	vld [tilespmem:s0+$0xFFFFE180]  }
0x4b9: {  	v32 =	vld [tilespmem:s0+$0xFFFFE050];
	v27 =	vadd.s32 v27, v10  }
0x4ba: {  	v33 =	vld [tilespmem:s0+$0xFFFFE090];
	v19 =	vadd.s32 v19, v12  }
0x4bb: {  	v37 =	vld [tilespmem:s0+$0xFFFFE0D0];
	v22 =	vadd.s32 v22, v13  }
0x4bc: {  	v46 =	vadd.s32 v46, v17;
	[tilespmem:v60+s17+$0x0] =	vst.idx.msk $0xffff, v21;
	v21 =	vld [tilespmem:s0+$0xFFFFE1E0]  }
0x4bd: {  	v55 =	vld [tilespmem:s0+$0xFFFFE110];
	[tilespmem:v3+s17+$0x0] =	vst.idx.msk $0xffff, v62;
	v60 =	vadd.s32 v44, v14  }
0x4be: {  	v3 =	vadd.s32 v57, v15;
	v62 =	vld [tilespmem:s0+$0xFFFFE150];
	[tilespmem:v27+s17+$0x0] =	vst.idx.msk $0xffff, v32  }
0x4bf: {  	v32 =	vld [tilespmem:s0+$0xFFFFE190];
	[tilespmem:v19+s17+$0x0] =	vst.idx.msk $0xffff, v33;
	v33 =	vadd.s32 v63, v16  }
0x4c0: {  	[tilespmem:v22+s17+$0x0] =	vst.idx.msk $0xffff, v37  }
0x4c1: {  	v22 =	vld [tilespmem:$0x1FC90];
	[tilespmem:v46+s17+$0x0] =	vst.idx.msk $0xffff, v21  }
0x4c2: {  	v24 =	vld [tilespmem:$0x1FD10];
	[tilespmem:v60+s17+$0x0] =	vst.idx.msk $0xffff, v55  }
0x4c3: {  	[tilespmem:v3+s17+$0x0] =	vst.idx.msk $0xffff, v62  }
0x4c4: {  	v27 =	vld [tilespmem:$0x1FD80];
	[tilespmem:v33+s17+$0x0] =	vst.idx.msk $0xffff, v32  }
0x4c5: {  	v19 =	vld [tilespmem:$0x1FE00]  }
0x4c6: {  	v46 =	vld [tilespmem:s0+$0xFFFFE1F0];
	v55 =	vadd.s32 v2, v17  }
0x4c7: {  	v37 =	vld [tilespmem:s0+$0xFFFFE010];
	v22 =	vadd.s32 v22, v11  }
0x4c8: {  	v44 =	vld [tilespmem:s0+$0xFFFFE060];
	v24 =	vadd.s32 v24, v10  }
0x4c9: {  	v31 =	vmov v57;
	v57 =	vld [tilespmem:s0+$0xFFFFE0A0];
	v27 =	vadd.s32 v27, v12  }
0x4ca: {  	v60 =	vld [tilespmem:s0+$0xFFFFE0E0];
	v19 =	vadd.s32 v19, v13  }
0x4cb: {  	v63 =	vadd.s32 v35, v14;
	v62 =	vld [tilespmem:s0+$0xFFFFE120];
	[tilespmem:v55+s17+$0x0] =	vst.idx.msk $0xffff, v46  }
0x4cc: {  	v3 =	vadd.s32 v42, v15;
	v2 =	vld [tilespmem:s0+$0xFFFFE160];
	[tilespmem:v22+s17+$0x0] =	vst.idx.msk $0xffff, v37  }
0x4cd: {  	v33 =	vadd.s32 v47, v16;
	v32 =	vld [tilespmem:s0+$0xFFFFE1A0];
	[tilespmem:v24+s17+$0x0] =	vst.idx.msk $0xffff, v44  }
0x4ce: {  	[tilespmem:v27+s17+$0x0] =	vst.idx.msk $0xffff, v57  }
0x4cf: {  	[tilespmem:v19+s17+$0x0] =	vst.idx.msk $0xffff, v60  }
0x4d0: {  	v19 =	vld [tilespmem:$0x1FCA0];
	[tilespmem:v63+s17+$0x0] =	vst.idx.msk $0xffff, v62  }
0x4d1: {  	v22 =	vld [tilespmem:$0x1FD20];
	[tilespmem:v3+s17+$0x0] =	vst.idx.msk $0xffff, v2  }
0x4d2: {  	v24 =	vld [tilespmem:$0x1FD90];
	[tilespmem:v33+s17+$0x0] =	vst.idx.msk $0xffff, v32  }
0x4d3: {  	v25 =	vld [tilespmem:$0x1FE10]  }
0x4d4: {  	v35 =	vld [tilespmem:s0+$0x1C0];
	v37 =	vadd.s32 v4, v17  }
0x4d5: {  	v42 =	vld [tilespmem:s0+$0xFFFFE020];
	v19 =	vadd.s32 v19, v11  }
0x4d6: {  	v44 =	vld [tilespmem:s0+$0xFFFFE070];
	v22 =	vadd.s32 v22, v10  }
0x4d7: {  	v46 =	vld [tilespmem:s0+$0xFFFFE0B0];
	v24 =	vadd.s32 v24, v12  }
0x4d8: {  	v47 =	vld [tilespmem:s0+$0xFFFFE0F0];
	v25 =	vadd.s32 v25, v13  }
0x4d9: {  	v57 =	vadd.s32 v52, v14;
	v55 =	vld [tilespmem:s0+$0xFFFFE130];
	[tilespmem:v37+s17+$0x0] =	vst.idx.msk $0xffff, v35  }
0x4da: {  	v62 =	vadd.s32 v5, v17;
	v60 =	vld [tilespmem:s0+$0x1D0];
	[tilespmem:v19+s17+$0x0] =	vst.idx.msk $0xffff, v42  }
0x4db: {  	[tilespmem:v22+s17+$0x0] =	vst.idx.msk $0xffff, v44  }
0x4dc: {  	[tilespmem:v24+s17+$0x0] =	vst.idx.msk $0xffff, v46  }
0x4dd: {  	v63 =	vld [tilespmem:s0+$0xFFFFE170];
	[tilespmem:v25+s17+$0x0] =	vst.idx.msk $0xffff, v47  }
0x4de: {  	v25 =	vld [tilespmem:$0x1FCB0];
	[tilespmem:v57+s17+$0x0] =	vst.idx.msk $0xffff, v55  }
0x4df: {  	v27 =	vld [tilespmem:$0x1FD30];
	[tilespmem:v62+s17+$0x0] =	vst.idx.msk $0xffff, v60  }
0x4e0: {  	v2 =	vadd.s32 v41, v15;
	v19 =	vld [tilespmem:$0x1FDA0]  }
0x4e1: {  	v4 =	vadd.s32 v6, v16;
	v3 =	vld [tilespmem:s0+$0xFFFFE1B0]  }
0x4e2: {  	v37 =	vadd.s32 v8, v17;
	v35 =	vld [tilespmem:s0+$0x1E0]  }
0x4e3: {  	v5 =	vld [tilespmem:s0+$0xFFFFE030];
	v25 =	vadd.s32 v25, v11  }
0x4e4: {  	v6 =	vld [tilespmem:s0+$0x40];
	v27 =	vadd.s32 v27, v10  }
0x4e5: {  	v33 =	vld [tilespmem:s0+$0x80];
	[tilespmem:v2+s17+$0x0] =	vst.idx.msk $0xffff, v63;
	v19 =	vadd.s32 v19, v12  }
0x4e6: {  	v32 =	vmov v41;
	v42 =	vadd.s32 v61, v13;
	v41 =	vld [tilespmem:s0+$0xC0];
	[tilespmem:v4+s17+$0x0] =	vst.idx.msk $0xffff, v3  }
0x4e7: {  	v46 =	vadd.s32 v50, v14;
	v44 =	vld [tilespmem:s0+$0x100];
	[tilespmem:v37+s17+$0x0] =	vst.idx.msk $0xffff, v35  }
0x4e8: {  	v49 =	vadd.s32 v49, v15;
	v47 =	vld [tilespmem:s0+$0x140];
	[tilespmem:v25+s17+$0x0] =	vst.idx.msk $0xffff, v5  }
0x4e9: {  	[tilespmem:v27+s17+$0x0] =	vst.idx.msk $0xffff, v6  }
0x4ea: {  	[tilespmem:v19+s17+$0x0] =	vst.idx.msk $0xffff, v33  }
0x4eb: {  	v22 =	vld [tilespmem:$0x1FCC0];
	[tilespmem:v42+s17+$0x0] =	vst.idx.msk $0xffff, v41  }
0x4ec: {  	[tilespmem:v46+s17+$0x0] =	vst.idx.msk $0xffff, v44  }
0x4ed: {  	v24 =	vld [tilespmem:$0x1FD40];
	[tilespmem:v49+s17+$0x0] =	vst.idx.msk $0xffff, v47  }
0x4ee: {  	v26 =	vld [tilespmem:$0x1FDB0]  }
0x4ef: {  	v52 =	vadd.s32 v7, v16;
	v50 =	vld [tilespmem:s0+$0x180]  }
0x4f0: {  	v17 =	vadd.s32 v53, v17;
	v57 =	vld [tilespmem:s0+$0x1F0]  }
0x4f1: {  	v55 =	vld [tilespmem:s0+$0x0];
	v22 =	vadd.s32 v22, v11  }
0x4f2: {  	v60 =	vld [tilespmem:s0+$0x50];
	v24 =	vadd.s32 v24, v10  }
0x4f3: {  	v62 =	vld [tilespmem:s0+$0x90];
	v26 =	vadd.s32 v26, v12  }
0x4f4: {  	v2 =	vadd.s32 v36, v13;
	v63 =	vld [tilespmem:s0+$0xD0];
	[tilespmem:v52+s17+$0x0] =	vst.idx.msk $0xffff, v50  }
0x4f5: {  	[tilespmem:v17+s17+$0x0] =	vst.idx.msk $0xffff, v57  }
0x4f6: {  	v4 =	vadd.s32 v43, v14;
	v3 =	vld [tilespmem:s0+$0x110];
	[tilespmem:v22+s17+$0x0] =	vst.idx.msk $0xffff, v55  }
0x4f7: {  	[tilespmem:v24+s17+$0x0] =	vst.idx.msk $0xffff, v60  }
0x4f8: {  	v5 =	vld [tilespmem:s0+$0x150];
	[tilespmem:v26+s17+$0x0] =	vst.idx.msk $0xffff, v62  }
0x4f9: {  	v26 =	vld [tilespmem:$0x1FCD0];
	[tilespmem:v2+s17+$0x0] =	vst.idx.msk $0xffff, v63  }
0x4fa: {  	v19 =	vld [tilespmem:$0x1FD50]  }
0x4fb: {  	v6 =	vadd.s32 v56, v15;
	v7 =	vld [tilespmem:s0+$0x190];
	[tilespmem:v4+s17+$0x0] =	vst.idx.msk $0xffff, v3  }
0x4fc: {  	v35 =	vadd.s32 v0, v16;
	v22 =	vld [tilespmem:$0x1FDC0]  }
0x4fd: {  	v43 =	vadd.s32 v34, v13;
	v42 =	vld [tilespmem:s0+$0xE0]  }
0x4fe: {  	v36 =	vld [tilespmem:s0+$0x10];
	v26 =	vadd.s32 v26, v11  }
0x4ff: {  	v37 =	vld [tilespmem:s0+$0x60];
	v19 =	vadd.s32 v19, v10  }
0x500: {  	v46 =	vadd.s32 v58, v14;
	[tilespmem:v6+s17+$0x0] =	vst.idx.msk $0xffff, v5;
	v44 =	vld [tilespmem:s0+$0x120]  }
0x501: {  	v41 =	vld [tilespmem:s0+$0xA0];
	[tilespmem:v35+s17+$0x0] =	vst.idx.msk $0xffff, v7;
	v22 =	vadd.s32 v22, v12  }
0x502: {  	v49 =	vadd.s32 v40, v15;
	v47 =	vld [tilespmem:s0+$0x160];
	[tilespmem:v43+s17+$0x0] =	vst.idx.msk $0xffff, v42  }
0x503: {  	v52 =	vadd.s32 v45, v16;
	v50 =	vld [tilespmem:s0+$0x1A0];
	[tilespmem:v26+s17+$0x0] =	vst.idx.msk $0xffff, v36  }
0x504: {  	v55 =	vadd.s32 v51, v11;
	[tilespmem:v19+s17+$0x0] =	vst.idx.msk $0xffff, v37;
	v53 =	vld [tilespmem:s0+$0x20]  }
0x505: {  	v33 =	vmov v56;
	v10 =	vadd.s32 v1, v10;
	[tilespmem:v46+s17+$0x0] =	vst.idx.msk $0xffff, v44;
	v56 =	vld [tilespmem:s0+$0x70]  }
0x506: {  	v58 =	vld [tilespmem:s0+$0xF0];
	[tilespmem:v22+s17+$0x0] =	vst.idx.msk $0xffff, v41  }
0x507: {  	v13 =	vadd.s32 v38, v13;
	v23 =	vld [tilespmem:$0x1FDD0];
	[tilespmem:v49+s17+$0x0] =	vst.idx.msk $0xffff, v47  }
0x508: {  	v14 =	vadd.s32 v59, v14;
	v60 =	vld [tilespmem:s0+$0x130];
	[tilespmem:v52+s17+$0x0] =	vst.idx.msk $0xffff, v50  }
0x509: {  	v15 =	vadd.s32 v48, v15;
	v62 =	vld [tilespmem:s0+$0x170];
	[tilespmem:v55+s17+$0x0] =	vst.idx.msk $0xffff, v53  }
0x50a: {  	v16 =	vadd.s32 v54, v16;
	[tilespmem:v10+s17+$0x0] =	vst.idx.msk $0xffff, v56;
	v10 =	vld [tilespmem:s0+$0x1B0]  }
0x50b: {  	v11 =	vadd.s32 v30, v11;
	v63 =	vld [tilespmem:s0+$0x30]  }
0x50c: {  	v57 =	vld [tilespmem:s0+$0xB0];
	[tilespmem:v13+s17+$0x0] =	vst.idx.msk $0xffff, v58;
	v12 =	vadd.s32 v23, v12  }
0x50d: {  	[tilespmem:v14+s17+$0x0] =	vst.idx.msk $0xffff, v60  }
0x50e: {  	s9 =	sshll.u32 s29, $0x16;
	[tilespmem:v15+s17+$0x0] =	vst.idx.msk $0xffff, v62  }
0x50f: {  	s0 =	sadd.s32 s28, s9;
	[tilespmem:v16+s17+$0x0] =	vst.idx.msk $0xffff, v10  }
0x510: {  	s0 =	sshrl.u32 s0, $0x3;
	[tilespmem:v11+s17+$0x0] =	vst.idx.msk $0xffff, v63  }
0x511: {  	s24 =	simm.s32 $0x14800;
	s31 =	sadd.s32 s1, s0;
	[tilespmem:v12+s17+$0x0] =	vst.idx.msk $0xffff, v57  }
0x512: {  	[hbm4b:s31+s3] =	stream.linear.scatter [tilespmem:s24], [sflag:$0x4], $0x80, $0x38;
	[tilespmem:$0x1D000] =	vst v63  }
0x513: {  	s2 =	simm.s32 $0x14888;
	s7 =	sadd.s32 $0x10, s31  }
0x514: {  	[hbm4b:s7+s3] =	stream.linear.scatter [tilespmem:s2], [sflag:$0x4], $0x80, $0x38;
	[tilespmem:$0x1D000] =	vst v63  }
0x515: {  	s9 =	simm.s32 $0x14910;
	s24 =	sadd.s32 $0x20, s31  }
0x516: {  	[hbm4b:s24+s3] =	stream.linear.scatter [tilespmem:s9], [sflag:$0x4], $0x80, $0x38;
	[tilespmem:$0x1D000] =	vst v63  }
0x517: {  	s2 =	simm.s32 $0x14998;
	s7 =	sadd.s32 $0x30, s31  }
0x518: {  	[hbm4b:s7+s3] =	stream.linear.scatter [tilespmem:s2], [sflag:$0x4], $0x80, $0x38;
	[tilespmem:$0x1D000] =	vst v63  }
0x519: {  	s9 =	simm.s32 $0x14A20;
	s24 =	sadd.s32 $0x40, s31  }
0x51a: {  	[hbm4b:s24+s3] =	stream.linear.scatter [tilespmem:s9], [sflag:$0x4], $0x80, $0x38;
	[tilespmem:$0x1D000] =	vst v63  }
0x51b: {  	s0 =	simm.s32 $0x440;
	s2 =	simm.s32 $0x14AA8;
	s7 =	sadd.s32 $0x50, s31  }
0x51c: {  	[hbm4b:s7+s3] =	stream.linear.scatter [tilespmem:s2], [sflag:$0x4], $0x80, $0x38;
	[tilespmem:$0x1D000] =	vst v63  }
0x51d: {  	s9 =	simm.s32 $0x14B30;
	s24 =	sadd.s32 $0x60, s31;
	s2 =	simm.s32 $0x2200  }
0x51e: {  	[hbm4b:s24+s3] =	stream.linear.scatter [tilespmem:s9], [sflag:$0x4], $0x80, $0x38;
	[tilespmem:$0x1D000] =	vst v63  }
0x51f: {  	s7 =	simm.s32 $0x14BB8;
	s9 =	sadd.s32 $0x70, s31;
	s31 =	sadd.s32 $0x4000, s31  }
.LBB2_16:
0x520: {  	[hbm4b:s9+s3] =	stream.linear.scatter [tilespmem:s7], [sflag:$0x4], $0x80, $0x38;
	[tilespmem:$0x1D000] =	vst v63  }
0x521: {  	s7 =	smov.u32 s0;
	s0 =	smov.u32 s2  }
0x522: {  	s24 =	sadd.s32 $0x1100, s2;
	s0 =	sshra.s32 s0, $0x2;
	s9 =	sadd.s32 $0x14800, s7  }
0x523: {  	[hbm4b:s31+s3] =	stream.linear.scatter [tilespmem:s9], [sflag:$0x4], $0x80, $0x38;
	[tilespmem:$0x1D000] =	vst v63  }
0x524: {  	p0 =	sne.s32 s2, $0xFF00;
	s2 =	sadd.s32 $0x14888, s7;
	s9 =	sadd.s32 $0x10, s31  }
0x525: {  	[hbm4b:s9+s3] =	stream.linear.scatter [tilespmem:s2], [sflag:$0x4], $0x80, $0x38;
	[tilespmem:$0x1D000] =	vst v63  }
0x526: {  	s2 =	sadd.s32 $0x14910, s7;
	s9 =	sadd.s32 $0x20, s31  }
0x527: {  	[hbm4b:s9+s3] =	stream.linear.scatter [tilespmem:s2], [sflag:$0x4], $0x80, $0x38;
	[tilespmem:$0x1D000] =	vst v63  }
0x528: {  	s2 =	sadd.s32 $0x14998, s7;
	s9 =	sadd.s32 $0x30, s31  }
0x529: {  	[hbm4b:s9+s3] =	stream.linear.scatter [tilespmem:s2], [sflag:$0x4], $0x80, $0x38;
	[tilespmem:$0x1D000] =	vst v63  }
0x52a: {  	s2 =	sadd.s32 $0x14A20, s7;
	s9 =	sadd.s32 $0x40, s31  }
0x52b: {  	[hbm4b:s9+s3] =	stream.linear.scatter [tilespmem:s2], [sflag:$0x4], $0x80, $0x38;
	[tilespmem:$0x1D000] =	vst v63  }
.Ltmp6:
0x52c: {  	s2 =	sadd.s32 $0x14AA8, s7;
	s9 =	sadd.s32 $0x50, s31;
	(pc) =	sbr.rel @p0 .LBB2_16-.Ltmp6, $4  }
0x52d: {  	[hbm4b:s9+s3] =	stream.linear.scatter [tilespmem:s2], [sflag:$0x4], $0x80, $0x38;
	[tilespmem:$0x1D000] =	vst v63  }
0x52e: {  	s2 =	sadd.s32 $0x14B30, s7;
	s9 =	sadd.s32 $0x60, s31;
	s7 =	sadd.s32 $0x14BB8, s7  }
0x52f: {  	[hbm4b:s9+s3] =	stream.linear.scatter [tilespmem:s2], [sflag:$0x4], $0x80, $0x38;
	[tilespmem:$0x1D000] =	vst v63  }
0x530: {  	s9 =	sadd.s32 $0x70, s31;
	s31 =	sadd.s32 $0x4000, s31;
	s2 =	smov.u32 s24  }
0x531: {  	[hbm4b:s9+s3] =	stream.linear.scatter [tilespmem:s7], [sflag:$0x4], $0x80, $0x38;
	[tilespmem:$0x1D000] =	vst v63  }
0x532: {  	s2 =	sadd.s32 $0x14800, s0  }
0x533: {  	[hbm4b:s31+s3] =	stream.linear.scatter [tilespmem:s2], [sflag:$0x4], $0x80, $0x38;
	[tilespmem:$0x1D000] =	vst v63  }
0x534: {  	s9 =	sadd.s32 $0x14888, s0;
	s24 =	sadd.s32 $0x10, s31  }
0x535: {  	[hbm4b:s24+s3] =	stream.linear.scatter [tilespmem:s9], [sflag:$0x4], $0x80, $0x38;
	[tilespmem:$0x1D000] =	vst v63  }
0x536: {  	s9 =	sadd.s32 $0x14910, s0;
	s24 =	sadd.s32 $0x20, s31  }
0x537: {  	[hbm4b:s24+s3] =	stream.linear.scatter [tilespmem:s9], [sflag:$0x4], $0x80, $0x38;
	[tilespmem:$0x1D000] =	vst v63  }
0x538: {  	s9 =	sadd.s32 $0x14998, s0;
	s24 =	sadd.s32 $0x30, s31  }
0x539: {  	[hbm4b:s24+s3] =	stream.linear.scatter [tilespmem:s9], [sflag:$0x4], $0x80, $0x38;
	[tilespmem:$0x1D000] =	vst v63  }
0x53a: {  	s9 =	sadd.s32 $0x14A20, s0;
	s24 =	sadd.s32 $0x40, s31  }
0x53b: {  	[hbm4b:s24+s3] =	stream.linear.scatter [tilespmem:s9], [sflag:$0x4], $0x80, $0x38;
	[tilespmem:$0x1D000] =	vst v63  }
0x53c: {  	s9 =	sadd.s32 $0x14AA8, s0;
	s24 =	sadd.s32 $0x50, s31  }
0x53d: {  	[hbm4b:s24+s3] =	stream.linear.scatter [tilespmem:s9], [sflag:$0x4], $0x80, $0x38;
	[tilespmem:$0x1D000] =	vst v63  }
0x53e: {  	s9 =	sadd.s32 $0x14B30, s0;
	s24 =	sadd.s32 $0x60, s31  }
0x53f: {  	[hbm4b:s24+s3] =	stream.linear.scatter [tilespmem:s9], [sflag:$0x4], $0x80, $0x38;
	[tilespmem:$0x1D000] =	vst v63  }
0x540: {  	s7 =	sadd.s32 $0x70, s31;
	s2 =	sadd.s32 $0x14BB8, s0  }
0x541: {  	[hbm4b:s7+s3] =	stream.linear.scatter [tilespmem:s2], [sflag:$0x4], $0x80, $0x38;
	[tilespmem:$0x1D000] =	vst v63  }
0x542: {  	s9 =	sshll.u32 s29, $0x9;
	_ =	swait.ge [sflag:s18], $0x4000  }
0x543: {  	s24 =	simm.s32 $0x0;
	s0 =	sand.u32 $0x3FFFFE00, s9;
	[sflag:s18] =	ssyncset.done $0x0  }
0x544: {  	s0 =	sadd.s32 $0x6600, s0;
	s2 =	simm.s32 $0x1;
	[sflag:s18] =	ssyncadd.s32 $0xFFFFC000  }
0x545: {  	v10 =	vmov s24;
	[tilespmem:s13], [sflag:$0x2] =	stream.indirect.gather [hbm4b:s5+s11], $0x40, s0, s11, $0xb8;
	[tilespmem:$0x1D000] =	vst v63  }
0x546: {  	s24 =	simm.s32 $0x7;
	s7 =	simm.s32 $0x2;
	v10 =	vshrl.u32 v10, $0x3;
	v11 =	vmov s2;
	_ =	swait.ge [sflag:s22], $0x4000  }
0x547: {  	v15 =	vmov s24;
	v12 =	vmov s7;
	v11 =	vshrl.u32 v11, $0x3;
	v3 =	vld [tilespmem:$0x1FBE0]  }
0x548: {  	v10 =	vshll.u32 v10, v9;
	v12 =	vshrl.u32 v12, $0x3;
	v11 =	vshll.u32 v11, v9;
	v0 =	vld [tilespmem:$0x1FD60]  }
0x549: {  	v15 =	vshrl.u32 v15, $0x3;
	v16 =	vbroadcast v11, $0x0;
	v11 =	vshll.u32 v12, v9;
	[sflag:s22] =	ssyncset.done $0x0;
	v12 =	vld [tilespmem:$0x1FCF0]  }
0x54a: {  	s31 =	simm.s32 $0x12800;
	v15 =	vshll.u32 v15, v9;
	v10 =	vbroadcast v10, $0x0;
	[sflag:s22] =	ssyncadd.s32 $0xFFFFC000  }
0x54b: {  	v17 =	vbroadcast v15, $0x0;
	v38 =	vbroadcast v11, $0x0;
	v15 =	vld [tilespmem:s31+$0xFFFFE1C0]  }
0x54c: {  	s9 =	simm.s32 $0x3;
	v22 =	vadd.s32 v39, v10;
	v21 =	vld [tilespmem:s31+$0xFFFFE000]  }
0x54d: {  	v13 =	vmov s9;
	v20 =	vadd.s32 v3, v17;
	v26 =	vadd.s32 v0, v38;
	v0 =	vld [tilespmem:$0x1FDE0]  }
0x54e: {  	v13 =	vshrl.u32 v13, $0x3;
	v23 =	vld [tilespmem:s31+$0xFFFFE040];
	v24 =	vadd.s32 v12, v16  }
0x54f: {  	s9 =	simm.s32 $0x5;
	s7 =	simm.s32 $0x4;
	v11 =	vshll.u32 v13, v9;
	v37 =	vld [tilespmem:$0x1FEF0]  }
0x550: {  	v18 =	vmov s9;
	v14 =	vmov s7;
	v25 =	vld [tilespmem:s31+$0xFFFFE080];
	v12 =	vbroadcast v11, $0x0  }
0x551: {  	v14 =	vshrl.u32 v14, $0x3;
	v13 =	vshrl.u32 v18, $0x3;
	v18 =	vld [tilespmem:s31+$0xFFFFE0C0];
	[tilespmem:v22+s20+$0x0] =	vst.idx.msk $0xffff, v21  }
0x552: {  	v28 =	vld [tilespmem:s31+$0xFFFFE100];
	v11 =	vshll.u32 v14, v9;
	v27 =	vadd.s32 v0, v12;
	[tilespmem:v20+s20+$0x0] =	vst.idx.msk $0xffff, v15  }
0x553: {  	v11 =	vbroadcast v11, $0x0;
	v62 =	vld [tilespmem:$0x1FBB0];
	[tilespmem:v24+s20+$0x0] =	vst.idx.msk $0xffff, v23  }
0x554: {  	v60 =	vld [tilespmem:$0x1FF60]  }
0x555: {  	s24 =	simm.s32 $0x6;
	v29 =	vadd.s32 v37, v11;
	v15 =	vld [tilespmem:s31+$0xFFFFE1D0];
	[tilespmem:v26+s20+$0x0] =	vst.idx.msk $0xffff, v25  }
0x556: {  	v19 =	vmov s24;
	v13 =	vshll.u32 v13, v9;
	v55 =	vld [tilespmem:$0x1FFB0]  }
0x557: {  	v19 =	vshrl.u32 v19, $0x3;
	v14 =	vbroadcast v13, $0x0;
	v25 =	vld [tilespmem:$0x1FD00];
	[tilespmem:v27+s20+$0x0] =	vst.idx.msk $0xffff, v18  }
0x558: {  	v13 =	vshll.u32 v19, v9;
	v19 =	vadd.s32 v62, v17;
	v26 =	vld [tilespmem:$0x1FD70]  }
0x559: {  	v13 =	vbroadcast v13, $0x0;
	v20 =	vld [tilespmem:s31+$0xFFFFE140];
	v21 =	vadd.s32 v60, v14  }
0x55a: {  	v22 =	vld [tilespmem:s31+$0xFFFFE180];
	[tilespmem:v29+s20+$0x0] =	vst.idx.msk $0xffff, v28  }
0x55b: {  	v28 =	vld [tilespmem:$0x1FDF0];
	v23 =	vadd.s32 v55, v13  }
0x55c: {  	v24 =	vld [tilespmem:s31+$0xFFFFE050];
	v25 =	vadd.s32 v25, v16  }
0x55d: {  	v18 =	vld [tilespmem:s31+$0xFFFFE090];
	v26 =	vadd.s32 v26, v38;
	[tilespmem:v19+s20+$0x0] =	vst.idx.msk $0xffff, v15  }
0x55e: {  	v27 =	vld [tilespmem:s31+$0xFFFFE0D0];
	[tilespmem:v21+s20+$0x0] =	vst.idx.msk $0xffff, v20  }
0x55f: {  	v46 =	vld [tilespmem:$0x1FBC0]  }
0x560: {  	v28 =	vadd.s32 v28, v12;
	v44 =	vld [tilespmem:$0x1FF00];
	[tilespmem:v23+s20+$0x0] =	vst.idx.msk $0xffff, v22  }
0x561: {  	[tilespmem:v25+s20+$0x0] =	vst.idx.msk $0xffff, v24  }
0x562: {  	v15 =	vld [tilespmem:s31+$0xFFFFE1E0];
	[tilespmem:v26+s20+$0x0] =	vst.idx.msk $0xffff, v18  }
0x563: {  	v63 =	vld [tilespmem:$0x1FFC0]  }
0x564: {  	v26 =	vld [tilespmem:$0x1FC90];
	v19 =	vadd.s32 v46, v17  }
0x565: {  	v20 =	vld [tilespmem:s31+$0xFFFFE110];
	[tilespmem:v28+s20+$0x0] =	vst.idx.msk $0xffff, v27;
	v21 =	vadd.s32 v44, v11  }
0x566: {  	v28 =	vld [tilespmem:$0x1FD10]  }
0x567: {  	v22 =	vld [tilespmem:s31+$0xFFFFE150];
	v23 =	vadd.s32 v31, v14  }
0x568: {  	v18 =	vld [tilespmem:s31+$0xFFFFE190];
	v24 =	vadd.s32 v63, v13  }
0x569: {  	v25 =	vld [tilespmem:s31+$0xFFFFE010];
	v26 =	vadd.s32 v26, v10;
	[tilespmem:v19+s20+$0x0] =	vst.idx.msk $0xffff, v15  }
0x56a: {  	v27 =	vld [tilespmem:s31+$0xFFFFE060];
	[tilespmem:v21+s20+$0x0] =	vst.idx.msk $0xffff, v20  }
0x56b: {  	v28 =	vadd.s32 v28, v16;
	v2 =	vld [tilespmem:$0x1FBD0]  }
0x56c: {  	v21 =	vld [tilespmem:$0x1FD80];
	[tilespmem:v23+s20+$0x0] =	vst.idx.msk $0xffff, v22  }
0x56d: {  	v23 =	vld [tilespmem:$0x1FE00];
	[tilespmem:v24+s20+$0x0] =	vst.idx.msk $0xffff, v18  }
0x56e: {  	v20 =	vld [tilespmem:s31+$0xFFFFE0A0];
	[tilespmem:v26+s20+$0x0] =	vst.idx.msk $0xffff, v25  }
0x56f: {  	v35 =	vld [tilespmem:$0x1FF10]  }
0x570: {  	v15 =	vld [tilespmem:s31+$0xFFFFE1F0];
	[tilespmem:v28+s20+$0x0] =	vst.idx.msk $0xffff, v27;
	v19 =	vadd.s32 v2, v17  }
0x571: {  	v21 =	vadd.s32 v21, v38;
	v42 =	vld [tilespmem:$0x1FF70]  }
0x572: {  	v22 =	vld [tilespmem:s31+$0xFFFFE0E0]  }
0x573: {  	v18 =	vld [tilespmem:s31+$0xFFFFE120];
	v23 =	vadd.s32 v23, v12  }
0x574: {  	v25 =	vld [tilespmem:s31+$0xFFFFE160];
	v24 =	vadd.s32 v35, v11  }
0x575: {  	v47 =	vld [tilespmem:$0x1FFD0];
	[tilespmem:v19+s20+$0x0] =	vst.idx.msk $0xffff, v15  }
0x576: {  	v27 =	vld [tilespmem:s31+$0xFFFFE1A0];
	v26 =	vadd.s32 v42, v14;
	[tilespmem:v21+s20+$0x0] =	vst.idx.msk $0xffff, v20  }
0x577: {  	v4 =	vld [tilespmem:$0x1FBF0]  }
0x578: {  	v21 =	vld [tilespmem:$0x1FCA0];
	[tilespmem:v23+s20+$0x0] =	vst.idx.msk $0xffff, v22  }
0x579: {  	v23 =	vld [tilespmem:$0x1FD20];
	[tilespmem:v24+s20+$0x0] =	vst.idx.msk $0xffff, v18  }
0x57a: {  	v28 =	vadd.s32 v47, v13;
	v24 =	vld [tilespmem:$0x1FD90]  }
0x57b: {  	v15 =	vld [tilespmem:s31+$0x1C0];
	[tilespmem:v26+s20+$0x0] =	vst.idx.msk $0xffff, v25  }
0x57c: {  	v19 =	vadd.s32 v4, v17;
	v26 =	vld [tilespmem:$0x1FE10]  }
0x57d: {  	v20 =	vld [tilespmem:s31+$0xFFFFE020];
	v21 =	vadd.s32 v21, v10  }
0x57e: {  	v22 =	vld [tilespmem:s31+$0xFFFFE070];
	v23 =	vadd.s32 v23, v16  }
0x57f: {  	v18 =	vld [tilespmem:s31+$0xFFFFE0B0];
	[tilespmem:v28+s20+$0x0] =	vst.idx.msk $0xffff, v27;
	v24 =	vadd.s32 v24, v38  }
0x580: {  	v52 =	vld [tilespmem:$0x1FF20]  }
0x581: {  	v25 =	vld [tilespmem:s31+$0xFFFFE0F0];
	v26 =	vadd.s32 v26, v12;
	[tilespmem:v19+s20+$0x0] =	vst.idx.msk $0xffff, v15  }
0x582: {  	v27 =	vld [tilespmem:s31+$0xFFFFE130];
	[tilespmem:v21+s20+$0x0] =	vst.idx.msk $0xffff, v20  }
0x583: {  	v5 =	vld [tilespmem:$0x1FC00];
	[tilespmem:v23+s20+$0x0] =	vst.idx.msk $0xffff, v22  }
0x584: {  	v20 =	vld [tilespmem:s31+$0xFFFFE170];
	[tilespmem:v24+s20+$0x0] =	vst.idx.msk $0xffff, v18  }
0x585: {  	v28 =	vadd.s32 v52, v11;
	v6 =	vld [tilespmem:$0x1FC10]  }
0x586: {  	v24 =	vld [tilespmem:$0x1FCB0];
	[tilespmem:v26+s20+$0x0] =	vst.idx.msk $0xffff, v25  }
0x587: {  	v21 =	vadd.s32 v32, v14;
	v26 =	vld [tilespmem:$0x1FD30]  }
0x588: {  	v15 =	vld [tilespmem:s31+$0x1D0];
	v19 =	vadd.s32 v5, v17  }
0x589: {  	v23 =	vld [tilespmem:s31+$0xFFFFE030]  }
0x58a: {  	v18 =	vld [tilespmem:s31+$0xFFFFE1B0];
	[tilespmem:v28+s20+$0x0] =	vst.idx.msk $0xffff, v27;
	v22 =	vadd.s32 v6, v13  }
0x58b: {  	v28 =	vld [tilespmem:$0x1FDA0];
	v24 =	vadd.s32 v24, v10  }
0x58c: {  	v25 =	vld [tilespmem:s31+$0x40];
	[tilespmem:v21+s20+$0x0] =	vst.idx.msk $0xffff, v20;
	v26 =	vadd.s32 v26, v16  }
0x58d: {  	[tilespmem:v19+s20+$0x0] =	vst.idx.msk $0xffff, v15  }
0x58e: {  	v8 =	vld [tilespmem:$0x1FC20]  }
0x58f: {  	v27 =	vld [tilespmem:s31+$0x80];
	[tilespmem:v22+s20+$0x0] =	vst.idx.msk $0xffff, v18  }
0x590: {  	v20 =	vld [tilespmem:s31+$0xC0];
	v28 =	vadd.s32 v28, v38;
	[tilespmem:v24+s20+$0x0] =	vst.idx.msk $0xffff, v23  }
0x591: {  	v50 =	vld [tilespmem:$0x1FF30];
	[tilespmem:v26+s20+$0x0] =	vst.idx.msk $0xffff, v25  }
0x592: {  	v21 =	vadd.s32 v61, v12;
	v49 =	vld [tilespmem:$0x1FF80]  }
0x593: {  	v15 =	vld [tilespmem:s31+$0x1E0];
	v19 =	vadd.s32 v8, v17  }
0x594: {  	v18 =	vld [tilespmem:s31+$0x100]  }
0x595: {  	v23 =	vld [tilespmem:s31+$0x140];
	[tilespmem:v28+s20+$0x0] =	vst.idx.msk $0xffff, v27  }
0x596: {  	v7 =	vld [tilespmem:$0x1FC30];
	v22 =	vadd.s32 v50, v11  }
0x597: {  	v28 =	vld [tilespmem:$0x1FCC0];
	[tilespmem:v21+s20+$0x0] =	vst.idx.msk $0xffff, v20;
	v24 =	vadd.s32 v49, v14  }
0x598: {  	v25 =	vld [tilespmem:s31+$0x180];
	[tilespmem:v19+s20+$0x0] =	vst.idx.msk $0xffff, v15  }
0x599: {  	v53 =	vld [tilespmem:$0x1FC60]  }
0x59a: {  	v20 =	vld [tilespmem:$0x1FD40]  }
0x59b: {  	v27 =	vld [tilespmem:s31+$0x0];
	v26 =	vadd.s32 v7, v13;
	[tilespmem:v22+s20+$0x0] =	vst.idx.msk $0xffff, v18  }
0x59c: {  	v28 =	vadd.s32 v28, v10;
	v21 =	vld [tilespmem:$0x1FDB0];
	[tilespmem:v24+s20+$0x0] =	vst.idx.msk $0xffff, v23  }
0x59d: {  	v36 =	vld [tilespmem:$0x1FE30]  }
0x59e: {  	v15 =	vld [tilespmem:s31+$0x1F0];
	v17 =	vadd.s32 v53, v17  }
0x59f: {  	v19 =	vld [tilespmem:s31+$0x50];
	v20 =	vadd.s32 v20, v16  }
0x5a0: {  	v18 =	vld [tilespmem:s31+$0x90];
	[tilespmem:v26+s20+$0x0] =	vst.idx.msk $0xffff, v25  }
0x5a1: {  	v22 =	vld [tilespmem:s31+$0xD0];
	[tilespmem:v28+s20+$0x0] =	vst.idx.msk $0xffff, v27;
	v21 =	vadd.s32 v21, v38  }
0x5a2: {  	v43 =	vld [tilespmem:$0x1FE60];
	v23 =	vadd.s32 v36, v12  }
0x5a3: {  	v24 =	vld [tilespmem:s31+$0x110];
	[tilespmem:v17+s20+$0x0] =	vst.idx.msk $0xffff, v15  }
0x5a4: {  	v26 =	vld [tilespmem:s31+$0x150];
	[tilespmem:v20+s20+$0x0] =	vst.idx.msk $0xffff, v19  }
0x5a5: {  	v0 =	vld [tilespmem:$0x1FC40]  }
0x5a6: {  	v20 =	vld [tilespmem:$0x1FCD0];
	[tilespmem:v21+s20+$0x0] =	vst.idx.msk $0xffff, v18  }
0x5a7: {  	v25 =	vadd.s32 v43, v11;
	v21 =	vld [tilespmem:$0x1FD50];
	[tilespmem:v23+s20+$0x0] =	vst.idx.msk $0xffff, v22  }
0x5a8: {  	v27 =	vadd.s32 v33, v14;
	v22 =	vld [tilespmem:$0x1FDC0]  }
0x5a9: {  	v15 =	vld [tilespmem:s31+$0x190]  }
0x5aa: {  	v19 =	vld [tilespmem:s31+$0x10];
	v17 =	vadd.s32 v0, v13  }
0x5ab: {  	v18 =	vld [tilespmem:s31+$0x60];
	v20 =	vadd.s32 v20, v10  }
0x5ac: {  	v23 =	vld [tilespmem:s31+$0xA0];
	[tilespmem:v25+s20+$0x0] =	vst.idx.msk $0xffff, v24;
	v21 =	vadd.s32 v21, v16  }
0x5ad: {  	v30 =	vld [tilespmem:s31+$0xE0];
	[tilespmem:v27+s20+$0x0] =	vst.idx.msk $0xffff, v26;
	v28 =	vadd.s32 v22, v38  }
0x5ae: {  	v57 =	vmov v31;
	v31 =	vadd.s32 v34, v12;
	v58 =	vld [tilespmem:$0x1FF40]  }
0x5af: {  	[tilespmem:v17+s20+$0x0] =	vst.idx.msk $0xffff, v15  }
0x5b0: {  	v54 =	vld [tilespmem:s31+$0x120];
	[tilespmem:v20+s20+$0x0] =	vst.idx.msk $0xffff, v19  }
0x5b1: {  	v40 =	vld [tilespmem:$0x1FF90];
	[tilespmem:v21+s20+$0x0] =	vst.idx.msk $0xffff, v18  }
0x5b2: {  	v45 =	vld [tilespmem:$0x1FC50];
	[tilespmem:v28+s20+$0x0] =	vst.idx.msk $0xffff, v23  }
0x5b3: {  	v59 =	vadd.s32 v58, v11;
	v51 =	vld [tilespmem:$0x1FFE0];
	[tilespmem:v31+s20+$0x0] =	vst.idx.msk $0xffff, v30  }
0x5b4: {  	v1 =	vld [tilespmem:$0x1FFF0]  }
0x5b5: {  	v17 =	vld [tilespmem:s31+$0x160]  }
0x5b6: {  	v22 =	vld [tilespmem:s31+$0x1A0]  }
0x5b7: {  	v25 =	vld [tilespmem:s31+$0x20]  }
0x5b8: {  	v28 =	vld [tilespmem:s31+$0x70];
	[tilespmem:v59+s20+$0x0] =	vst.idx.msk $0xffff, v54  }
0x5b9: {  	s2 =	simm.s32 $0x8;
	v30 =	vadd.s32 v1, v16;
	v16 =	vld [tilespmem:$0x1FDD0]  }
0x5ba: {  	s9 =	simm.s32 $0xA;
	s7 =	simm.s32 $0x9;
	v15 =	vmov s2;
	v31 =	vld [tilespmem:s31+$0xB0]  }
0x5bb: {  	s24 =	simm.s32 $0xB;
	v29 =	vmov s9;
	s9 =	simm.s32 $0xD;
	v26 =	vmov s7;
	v15 =	vshrl.u32 v15, $0x3;
	v59 =	vld [tilespmem:$0x1FF50]  }
0x5bc: {  	s7 =	simm.s32 $0xC;
	v15 =	vshll.u32 v15, v9;
	v21 =	vmov s24;
	v18 =	vmov s9;
	s24 =	simm.s32 $0xE;
	v48 =	vld [tilespmem:$0x1FFA0]  }
0x5bd: {  	v41 =	vmovc v32;
	v23 =	vmov s7;
	v19 =	vmov s24;
	v20 =	vadd.s32 v40, v14;
	v54 =	vld [tilespmem:$0x1FBA0]  }
0x5be: {  	v56 =	vmovc v33;
	s0 =	simm.s32 $0x10;
	s2 =	simm.s32 $0xF;
	v24 =	vadd.s32 v45, v13;
	v27 =	vadd.s32 v51, v10;
	v16 =	vadd.s32 v16, v38;
	v38 =	vld [tilespmem:$0x1FE50]  }
.LBB2_18:
0x5bf: {  	_ =	sdelay $0x2  }
0x5c0: {  	v33 =	vld [tilespmem:s31+$0xF0]  }
0x5c1: {  	v11 =	vadd.s32 v59, v11;
	[tilespmem:v20+s20+$0x0] =	vst.idx.msk $0xffff, v17;
	v20 =	vshrl.u32 v29, $0x3;
	v29 =	vld [tilespmem:s31+$0x130]  }
0x5c2: {  	[tilespmem:v27+s20+$0x0] =	vst.idx.msk $0xffff, v25;
	v27 =	vld [tilespmem:$0x1FCE0]  }
0x5c3: {  	v14 =	vadd.s32 v48, v14;
	[tilespmem:v24+s20+$0x0] =	vst.idx.msk $0xffff, v22;
	v22 =	vld [tilespmem:s31+$0x170]  }
0x5c4: {  	v26 =	vshrl.u32 v26, $0x3;
	v32 =	vmov s2;
	v13 =	vadd.s32 v54, v13;
	v24 =	vld [tilespmem:s31+$0x1B0]  }
0x5c5: {  	v17 =	vshrl.u32 v32, $0x3;
	v25 =	vshll.u32 v26, v9;
	v26 =	vld [tilespmem:s31+$0x30]  }
0x5c6: {  	v12 =	vadd.s32 v38, v12;
	v17 =	vshll.u32 v17, v9;
	s31 =	sadd.s32 $0x200, s31;
	[tilespmem:v11+s20+$0x0] =	vst.idx.msk $0xffff, v29;
	v11 =	vld [tilespmem:$0x1FCF0]  }
0x5c7: {  	[tilespmem:v16+s20+$0x0] =	vst.idx.msk $0xffff, v31;
	v16 =	vshll.u32 v20, v9;
	v17 =	vbroadcast v17, $0x0;
	v20 =	vld [tilespmem:s31+$0xFFFFE1C0]  }
0x5c8: {  	v27 =	vadd.s32 v27, v10;
	[tilespmem:v14+s20+$0x0] =	vst.idx.msk $0xffff, v22;
	v14 =	vld [tilespmem:$0x1FD60]  }
0x5c9: {  	v10 =	vbroadcast v15, $0x0;
	v15 =	vbroadcast v25, $0x0;
	v25 =	vadd.s32 v3, v17;
	[tilespmem:v13+s20+$0x0] =	vst.idx.msk $0xffff, v24;
	v13 =	vld [tilespmem:$0x1FDE0]  }
0x5ca: {  	v21 =	vshrl.u32 v21, $0x3;
	v23 =	vshrl.u32 v23, $0x3;
	[tilespmem:v30+s20+$0x0] =	vst.idx.msk $0xffff, v28;
	v28 =	vld [tilespmem:s31+$0xFFFFE000]  }
0x5cb: {  	[tilespmem:v12+s20+$0x0] =	vst.idx.msk $0xffff, v33;
	v12 =	vshll.u32 v21, v9;
	v16 =	vbroadcast v16, $0x0;
	v21 =	vld [tilespmem:s31+$0xFFFFE040];
	v29 =	vadd.s32 v11, v15  }
0x5cc: {  	v19 =	vshrl.u32 v19, $0x3;
	v12 =	vbroadcast v12, $0x0;
	v22 =	vld [tilespmem:s31+$0xFFFFE080];
	v30 =	vadd.s32 v39, v10  }
0x5cd: {  	v11 =	vshll.u32 v23, v9;
	[tilespmem:v27+s20+$0x0] =	vst.idx.msk $0xffff, v26;
	v26 =	vld [tilespmem:s31+$0xFFFFE100];
	v23 =	vadd.s32 v14, v16;
	v14 =	vshrl.u32 v18, $0x3  }
0x5ce: {  	[tilespmem:v25+s20+$0x0] =	vst.idx.msk $0xffff, v20;
	v11 =	vbroadcast v11, $0x0;
	v18 =	vld [tilespmem:s31+$0xFFFFE0C0];
	v24 =	vadd.s32 v13, v12;
	v13 =	vshll.u32 v14, v9  }
0x5cf: {  	v14 =	vbroadcast v13, $0x0;
	v13 =	vshll.u32 v19, v9;
	v19 =	vld [tilespmem:s31+$0xFFFFE1D0]  }
0x5d0: {  	v27 =	vadd.s32 v37, v11;
	[tilespmem:v29+s20+$0x0] =	vst.idx.msk $0xffff, v21;
	v21 =	vld [tilespmem:s31+$0xFFFFE140]  }
0x5d1: {  	v20 =	vadd.s32 v62, v17;
	v29 =	vld [tilespmem:$0x1FD00]  }
0x5d2: {  	[tilespmem:v23+s20+$0x0] =	vst.idx.msk $0xffff, v22;
	v22 =	vld [tilespmem:s31+$0xFFFFE180]  }
0x5d3: {  	[tilespmem:v30+s20+$0x0] =	vst.idx.msk $0xffff, v28;
	v13 =	vbroadcast v13, $0x0;
	v28 =	vld [tilespmem:s31+$0xFFFFE050]  }
0x5d4: {  	v25 =	vadd.s32 v60, v14;
	[tilespmem:v24+s20+$0x0] =	vst.idx.msk $0xffff, v18;
	v24 =	vld [tilespmem:$0x1FD70]  }
0x5d5: {  	v23 =	vadd.s32 v55, v13;
	v18 =	vld [tilespmem:s31+$0xFFFFE090];
	[tilespmem:v27+s20+$0x0] =	vst.idx.msk $0xffff, v26  }
0x5d6: {  	v26 =	vld [tilespmem:s31+$0xFFFFE0D0];
	[tilespmem:v20+s20+$0x0] =	vst.idx.msk $0xffff, v19;
	v29 =	vadd.s32 v29, v15  }
0x5d7: {  	v20 =	vadd.s32 v46, v17;
	v19 =	vld [tilespmem:s31+$0xFFFFE1E0]  }
0x5d8: {  	v27 =	vld [tilespmem:$0x1FDF0]  }
0x5d9: {  	[tilespmem:v25+s20+$0x0] =	vst.idx.msk $0xffff, v21;
	v21 =	vld [tilespmem:s31+$0xFFFFE110];
	v25 =	vadd.s32 v44, v11  }
0x5da: {  	[tilespmem:v23+s20+$0x0] =	vst.idx.msk $0xffff, v22;
	v22 =	vld [tilespmem:s31+$0xFFFFE150];
	v23 =	vadd.s32 v57, v14  }
0x5db: {  	v24 =	vadd.s32 v24, v16;
	[tilespmem:v29+s20+$0x0] =	vst.idx.msk $0xffff, v28;
	v28 =	vld [tilespmem:s31+$0xFFFFE010]  }
0x5dc: {  	[tilespmem:v20+s20+$0x0] =	vst.idx.msk $0xffff, v19;
	v29 =	vld [tilespmem:$0x1FC90]  }
0x5dd: {  	v27 =	vadd.s32 v27, v12;
	v19 =	vld [tilespmem:s31+$0xFFFFE1F0]  }
0x5de: {  	[tilespmem:v25+s20+$0x0] =	vst.idx.msk $0xffff, v21;
	v25 =	vld [tilespmem:$0x1FD80]  }
0x5df: {  	v20 =	vadd.s32 v2, v17;
	[tilespmem:v23+s20+$0x0] =	vst.idx.msk $0xffff, v22;
	v23 =	vld [tilespmem:$0x1FE00]  }
0x5e0: {  	[tilespmem:v24+s20+$0x0] =	vst.idx.msk $0xffff, v18;
	v18 =	vld [tilespmem:s31+$0xFFFFE190];
	v24 =	vadd.s32 v63, v13  }
0x5e1: {  	v21 =	vld [tilespmem:s31+$0xFFFFE0A0]  }
0x5e2: {  	[tilespmem:v27+s20+$0x0] =	vst.idx.msk $0xffff, v26;
	v27 =	vld [tilespmem:$0x1FD10];
	v29 =	vadd.s32 v29, v10  }
0x5e3: {  	v26 =	vld [tilespmem:s31+$0xFFFFE060];
	v25 =	vadd.s32 v25, v16  }
0x5e4: {  	v22 =	vld [tilespmem:s31+$0xFFFFE0E0];
	[tilespmem:v20+s20+$0x0] =	vst.idx.msk $0xffff, v19;
	v23 =	vadd.s32 v23, v12  }
0x5e5: {  	[tilespmem:v24+s20+$0x0] =	vst.idx.msk $0xffff, v18;
	v18 =	vld [tilespmem:s31+$0xFFFFE120];
	v24 =	vadd.s32 v35, v11  }
0x5e6: {  	v20 =	vadd.s32 v4, v17;
	v19 =	vld [tilespmem:s31+$0x1C0]  }
0x5e7: {  	v27 =	vadd.s32 v27, v15;
	[tilespmem:v29+s20+$0x0] =	vst.idx.msk $0xffff, v28;
	v28 =	vld [tilespmem:s31+$0xFFFFE1A0]  }
0x5e8: {  	[tilespmem:v25+s20+$0x0] =	vst.idx.msk $0xffff, v21;
	v25 =	vld [tilespmem:$0x1FCA0]  }
0x5e9: {  	v21 =	vld [tilespmem:s31+$0xFFFFE020];
	[tilespmem:v23+s20+$0x0] =	vst.idx.msk $0xffff, v22  }
0x5ea: {  	v23 =	vld [tilespmem:$0x1FD20];
	[tilespmem:v24+s20+$0x0] =	vst.idx.msk $0xffff, v18  }
0x5eb: {  	v29 =	vadd.s32 v47, v13;
	v24 =	vld [tilespmem:$0x1FD90];
	[tilespmem:v20+s20+$0x0] =	vst.idx.msk $0xffff, v19  }
0x5ec: {  	[tilespmem:v27+s20+$0x0] =	vst.idx.msk $0xffff, v26;
	v26 =	vld [tilespmem:s31+$0xFFFFE160];
	v27 =	vadd.s32 v42, v14  }
0x5ed: {  	v20 =	vadd.s32 v5, v17;
	v19 =	vld [tilespmem:s31+$0x1D0]  }
0x5ee: {  	v18 =	vld [tilespmem:s31+$0xFFFFE0B0]  }
0x5ef: {  	v22 =	vld [tilespmem:s31+$0xFFFFE070];
	v25 =	vadd.s32 v25, v10  }
0x5f0: {  	[tilespmem:v29+s20+$0x0] =	vst.idx.msk $0xffff, v28;
	v28 =	vld [tilespmem:s31+$0xFFFFE130];
	v29 =	vadd.s32 v52, v11  }
0x5f1: {  	v23 =	vadd.s32 v23, v15;
	[tilespmem:v27+s20+$0x0] =	vst.idx.msk $0xffff, v26;
	v27 =	vld [tilespmem:$0x1FE10]  }
0x5f2: {  	v24 =	vadd.s32 v24, v16;
	[tilespmem:v20+s20+$0x0] =	vst.idx.msk $0xffff, v19;
	v26 =	vld [tilespmem:s31+$0xFFFFE0F0]  }
0x5f3: {  	v19 =	vld [tilespmem:s31+$0x1E0]  }
0x5f4: {  	v20 =	vadd.s32 v8, v17;
	[tilespmem:v25+s20+$0x0] =	vst.idx.msk $0xffff, v21;
	v21 =	vld [tilespmem:s31+$0xFFFFE170]  }
0x5f5: {  	v25 =	vld [tilespmem:$0x1FCB0];
	[tilespmem:v29+s20+$0x0] =	vst.idx.msk $0xffff, v28  }
0x5f6: {  	v29 =	vld [tilespmem:$0x1FDA0];
	[tilespmem:v23+s20+$0x0] =	vst.idx.msk $0xffff, v22;
	v27 =	vadd.s32 v27, v12  }
0x5f7: {  	v22 =	vadd.s32 v41, v14;
	[tilespmem:v24+s20+$0x0] =	vst.idx.msk $0xffff, v18;
	v18 =	vld [tilespmem:s31+$0xFFFFE1B0]  }
0x5f8: {  	v23 =	vadd.s32 v6, v13;
	v24 =	vld [tilespmem:s31+$0xFFFFE030]  }
0x5f9: {  	v28 =	vld [tilespmem:s31+$0x80];
	[tilespmem:v20+s20+$0x0] =	vst.idx.msk $0xffff, v19  }
0x5fa: {  	v19 =	vld [tilespmem:s31+$0x1F0];
	v25 =	vadd.s32 v25, v10  }
0x5fb: {  	v29 =	vadd.s32 v29, v16;
	[tilespmem:v27+s20+$0x0] =	vst.idx.msk $0xffff, v26;
	v27 =	vld [tilespmem:$0x1FD30]  }
0x5fc: {  	[tilespmem:v22+s20+$0x0] =	vst.idx.msk $0xffff, v21;
	v22 =	vadd.s32 v61, v12;
	v21 =	vld [tilespmem:s31+$0xC0]  }
0x5fd: {  	[tilespmem:v23+s20+$0x0] =	vst.idx.msk $0xffff, v18;
	v18 =	vld [tilespmem:s31+$0x100]  }
0x5fe: {  	v23 =	vadd.s32 v50, v11;
	v26 =	vld [tilespmem:s31+$0x40]  }
0x5ff: {  	[tilespmem:v25+s20+$0x0] =	vst.idx.msk $0xffff, v24;
	v24 =	vld [tilespmem:s31+$0x140];
	v25 =	vadd.s32 v49, v14  }
0x600: {  	[tilespmem:v29+s20+$0x0] =	vst.idx.msk $0xffff, v28;
	v29 =	vld [tilespmem:$0x1FCC0];
	v27 =	vadd.s32 v27, v15  }
0x601: {  	[tilespmem:v22+s20+$0x0] =	vst.idx.msk $0xffff, v21;
	v21 =	vld [tilespmem:$0x1FD40]  }
0x602: {  	v22 =	vld [tilespmem:$0x1FDB0]  }
0x603: {  	v28 =	vld [tilespmem:s31+$0x0];
	[tilespmem:v23+s20+$0x0] =	vst.idx.msk $0xffff, v18  }
0x604: {  	[tilespmem:v25+s20+$0x0] =	vst.idx.msk $0xffff, v24;
	v23 =	vld [tilespmem:s31+$0xD0];
	v24 =	vadd.s32 v36, v12  }
0x605: {  	[tilespmem:v27+s20+$0x0] =	vst.idx.msk $0xffff, v26;
	v26 =	vld [tilespmem:s31+$0x180];
	v27 =	vadd.s32 v7, v13  }
0x606: {  	v20 =	vld [tilespmem:s31+$0x50];
	v21 =	vadd.s32 v21, v15  }
0x607: {  	v18 =	vld [tilespmem:s31+$0x90];
	v22 =	vadd.s32 v22, v16  }
0x608: {  	v29 =	vadd.s32 v29, v10;
	v25 =	vld [tilespmem:s31+$0x110]  }
0x609: {  	v17 =	vadd.s32 v53, v17;
	[tilespmem:v24+s20+$0x0] =	vst.idx.msk $0xffff, v23;
	v24 =	vld [tilespmem:$0x1FDC0]  }
0x60a: {  	v31 =	vld [tilespmem:s31+$0xE0];
	[tilespmem:v27+s20+$0x0] =	vst.idx.msk $0xffff, v26  }
0x60b: {  	v32 =	vadd.s32 v34, v12;
	[tilespmem:v21+s20+$0x0] =	vst.idx.msk $0xffff, v20;
	v21 =	vld [tilespmem:$0x1FCD0]  }
0x60c: {  	v26 =	vadd.s32 v43, v11;
	[tilespmem:v22+s20+$0x0] =	vst.idx.msk $0xffff, v18;
	v22 =	vld [tilespmem:$0x1FD50]  }
0x60d: {  	[tilespmem:v29+s20+$0x0] =	vst.idx.msk $0xffff, v28;
	v28 =	vadd.s32 v56, v14;
	v27 =	vld [tilespmem:s31+$0x150]  }
0x60e: {  	[tilespmem:v17+s20+$0x0] =	vst.idx.msk $0xffff, v19;
	v19 =	vadd.s32 v0, v13;
	v17 =	vld [tilespmem:s31+$0x190]  }
0x60f: {  	v23 =	vld [tilespmem:s31+$0xA0];
	v30 =	vadd.s32 v24, v16  }
0x610: {  	v20 =	vld [tilespmem:s31+$0x10];
	[tilespmem:v32+s20+$0x0] =	vst.idx.msk $0xffff, v31;
	v21 =	vadd.s32 v21, v10  }
0x611: {  	v18 =	vld [tilespmem:s31+$0x60];
	[tilespmem:v26+s20+$0x0] =	vst.idx.msk $0xffff, v25;
	v22 =	vadd.s32 v22, v15  }
0x612: {  	v34 =	vadd.s32 v58, v11;
	[tilespmem:v28+s20+$0x0] =	vst.idx.msk $0xffff, v27;
	v33 =	vld [tilespmem:s31+$0x120]  }
0x613: {  	v32 =	vld [tilespmem:$0x1FDD0];
	[tilespmem:v19+s20+$0x0] =	vst.idx.msk $0xffff, v17  }
0x614: {  	p0 =	slt.u32 s0, $0x78;
	s24 =	sadd.s32 $0x2, s0;
	v17 =	vld [tilespmem:s31+$0x160];
	[tilespmem:v30+s20+$0x0] =	vst.idx.msk $0xffff, v23  }
.Ltmp7:
0x615: {  	v29 =	vmov s24;
	v19 =	vmov s0;
	v31 =	vld [tilespmem:s31+$0xB0];
	[tilespmem:v21+s20+$0x0] =	vst.idx.msk $0xffff, v20;
	(pc) =	sbr.rel @p0 .LBB2_18-.Ltmp7, $4  }
0x616: {  	s9 =	sadd.s32 $0x1, s0;
	v24 =	vadd.s32 v45, v13;
	v27 =	vadd.s32 v51, v10;
	v19 =	vshrl.u32 v19, $0x3;
	[tilespmem:v22+s20+$0x0] =	vst.idx.msk $0xffff, v18;
	v22 =	vld [tilespmem:s31+$0x1A0]  }
0x617: {  	s7 =	sadd.s32 $0x3, s0;
	s24 =	sadd.s32 $0x6, s0;
	v26 =	vmov s9;
	v30 =	vadd.s32 v1, v15;
	v15 =	vshll.u32 v19, v9;
	[tilespmem:v34+s20+$0x0] =	vst.idx.msk $0xffff, v33;
	v34 =	vld [tilespmem:$0x1FE40]  }
0x618: {  	s9 =	sadd.s32 $0x5, s0;
	v19 =	vmov s24;
	v16 =	vadd.s32 v32, v16;
	v21 =	vmov s7;
	s7 =	sadd.s32 $0x4, s0;
	v25 =	vld [tilespmem:s31+$0x20]  }
0x619: {  	s2 =	sadd.s32 $0x7, s0;
	v20 =	vadd.s32 v40, v14;
	v18 =	vmov s9;
	s0 =	sadd.s32 $0x8, s0;
	v23 =	vmov s7;
	v28 =	vld [tilespmem:s31+$0x70]  }
0x61a: {  	_ =	sdelay $0x3  }
0x61b: {  	[tilespmem:v20+s20+$0x0] =	vst.idx.msk $0xffff, v17  }
0x61c: {  	v20 =	vld [tilespmem:s31+$0xF0];
	[tilespmem:v16+s20+$0x0] =	vst.idx.msk $0xffff, v31  }
0x61d: {  	v12 =	vadd.s32 v38, v12;
	[tilespmem:v24+s20+$0x0] =	vst.idx.msk $0xffff, v22;
	v24 =	vld [tilespmem:s31+$0x130]  }
0x61e: {  	v33 =	vshrl.u32 v29, $0x3;
	v29 =	vadd.s32 v59, v11;
	[tilespmem:v27+s20+$0x0] =	vst.idx.msk $0xffff, v25;
	v25 =	vld [tilespmem:s31+$0x170]  }
0x61f: {  	v14 =	vadd.s32 v48, v14;
	v27 =	vld [tilespmem:s31+$0x1B0];
	[tilespmem:v30+s20+$0x0] =	vst.idx.msk $0xffff, v28  }
0x620: {  	v28 =	vadd.s32 v54, v13;
	v30 =	vld [tilespmem:$0x1FCE0]  }
0x621: {  	v32 =	vmov s2  }
0x622: {  	v17 =	vshrl.u32 v32, $0x3;
	[tilespmem:v12+s20+$0x0] =	vst.idx.msk $0xffff, v20  }
0x623: {  	v11 =	vshll.u32 v17, v9;
	[tilespmem:v29+s20+$0x0] =	vst.idx.msk $0xffff, v24  }
0x624: {  	v17 =	vbroadcast v11, $0x0;
	v11 =	vbroadcast v15, $0x0;
	v15 =	vld [tilespmem:s31+$0x30];
	[tilespmem:v14+s20+$0x0] =	vst.idx.msk $0xffff, v25  }
0x625: {  	v14 =	vld [tilespmem:$0x1FCF0];
	[tilespmem:v28+s20+$0x0] =	vst.idx.msk $0xffff, v27;
	v32 =	vadd.s32 v30, v10  }
0x626: {  	v22 =	vadd.s32 v3, v17;
	v3 =	vld [tilespmem:$0x1FD60];
	_ =	sdelay $0x1  }
0x627: {  	v33 =	vshll.u32 v33, v9  }
0x628: {  	v12 =	vbroadcast v33, $0x0  }
0x629: {  	v26 =	vshrl.u32 v26, $0x3;
	[tilespmem:v32+s20+$0x0] =	vst.idx.msk $0xffff, v15  }
0x62a: {  	s0 =	sadd.s32 $0x200, s31;
	v26 =	vshll.u32 v26, v9;
	v27 =	vadd.s32 v3, v12;
	v3 =	vld [tilespmem:$0x1FDE0]  }
0x62b: {  	v21 =	vshrl.u32 v21, $0x3;
	v20 =	vld [tilespmem:s0+$0xFFFFE1C0];
	v10 =	vbroadcast v26, $0x0  }
0x62c: {  	v23 =	vshrl.u32 v23, $0x3;
	v24 =	vld [tilespmem:s0+$0xFFFFE000];
	v29 =	vshll.u32 v21, v9;
	v26 =	vadd.s32 v39, v11  }
0x62d: {  	v31 =	vshll.u32 v23, v9;
	v21 =	vld [tilespmem:s0+$0xFFFFE040];
	v13 =	vbroadcast v29, $0x0;
	v25 =	vadd.s32 v14, v10  }
0x62e: {  	v23 =	vld [tilespmem:s0+$0xFFFFE080];
	v14 =	vbroadcast v31, $0x0  }
0x62f: {  	v18 =	vshrl.u32 v18, $0x3;
	v28 =	vld [tilespmem:s0+$0xFFFFE0C0];
	v29 =	vadd.s32 v3, v13  }
0x630: {  	v32 =	vshll.u32 v18, v9;
	v18 =	vld [tilespmem:s0+$0xFFFFE100];
	[tilespmem:v22+s20+$0x0] =	vst.idx.msk $0xffff, v20;
	v37 =	vadd.s32 v37, v14  }
0x631: {  	[tilespmem:v26+s20+$0x0] =	vst.idx.msk $0xffff, v24;
	v22 =	vadd.s32 v62, v17;
	v20 =	vld [tilespmem:s0+$0xFFFFE1D0]  }
0x632: {  	[tilespmem:v25+s20+$0x0] =	vst.idx.msk $0xffff, v21  }
0x633: {  	[tilespmem:v27+s20+$0x0] =	vst.idx.msk $0xffff, v23  }
0x634: {  	[tilespmem:v29+s20+$0x0] =	vst.idx.msk $0xffff, v28  }
0x635: {  	v33 =	vshrl.u32 v19, $0x3;
	v27 =	vld [tilespmem:$0x1FD00];
	[tilespmem:v37+s20+$0x0] =	vst.idx.msk $0xffff, v18  }
0x636: {  	v16 =	vshll.u32 v33, v9;
	v15 =	vbroadcast v32, $0x0;
	v19 =	vld [tilespmem:$0x1FD70];
	[tilespmem:v22+s20+$0x0] =	vst.idx.msk $0xffff, v20  }
0x637: {  	v16 =	vbroadcast v16, $0x0;
	v22 =	vld [tilespmem:$0x1FDF0]  }
0x638: {  	v62 =	vadd.s32 v60, v15;
	v21 =	vld [tilespmem:s0+$0xFFFFE140]  }
0x639: {  	v31 =	vld [tilespmem:s0+$0xFFFFE180];
	v32 =	vadd.s32 v55, v16  }
0x63a: {  	v33 =	vld [tilespmem:s0+$0xFFFFE050];
	v27 =	vadd.s32 v27, v10  }
0x63b: {  	v37 =	vld [tilespmem:s0+$0xFFFFE090];
	v19 =	vadd.s32 v19, v12  }
0x63c: {  	v20 =	vld [tilespmem:s0+$0xFFFFE0D0];
	v22 =	vadd.s32 v22, v13  }
0x63d: {  	v55 =	vadd.s32 v46, v17;
	[tilespmem:v62+s20+$0x0] =	vst.idx.msk $0xffff, v21;
	v21 =	vld [tilespmem:s0+$0xFFFFE1E0]  }
0x63e: {  	v60 =	vld [tilespmem:s0+$0xFFFFE110];
	[tilespmem:v32+s20+$0x0] =	vst.idx.msk $0xffff, v31;
	v62 =	vadd.s32 v44, v14  }
0x63f: {  	v32 =	vadd.s32 v57, v15;
	v31 =	vld [tilespmem:s0+$0xFFFFE150];
	[tilespmem:v27+s20+$0x0] =	vst.idx.msk $0xffff, v33  }
0x640: {  	v33 =	vld [tilespmem:s0+$0xFFFFE190];
	[tilespmem:v19+s20+$0x0] =	vst.idx.msk $0xffff, v37;
	v37 =	vadd.s32 v63, v16  }
0x641: {  	[tilespmem:v22+s20+$0x0] =	vst.idx.msk $0xffff, v20  }
0x642: {  	v22 =	vld [tilespmem:$0x1FC90];
	[tilespmem:v55+s20+$0x0] =	vst.idx.msk $0xffff, v21  }
0x643: {  	v24 =	vld [tilespmem:$0x1FD10];
	[tilespmem:v62+s20+$0x0] =	vst.idx.msk $0xffff, v60  }
0x644: {  	[tilespmem:v32+s20+$0x0] =	vst.idx.msk $0xffff, v31  }
0x645: {  	v27 =	vld [tilespmem:$0x1FD80];
	[tilespmem:v37+s20+$0x0] =	vst.idx.msk $0xffff, v33  }
0x646: {  	v19 =	vld [tilespmem:$0x1FE00]  }
0x647: {  	v60 =	vld [tilespmem:s0+$0xFFFFE1F0];
	v62 =	vadd.s32 v2, v17  }
0x648: {  	v46 =	vld [tilespmem:s0+$0xFFFFE010];
	v22 =	vadd.s32 v22, v11  }
0x649: {  	v55 =	vld [tilespmem:s0+$0xFFFFE060];
	v24 =	vadd.s32 v24, v10  }
0x64a: {  	v31 =	vld [tilespmem:s0+$0xFFFFE0A0];
	v27 =	vadd.s32 v27, v12  }
0x64b: {  	v32 =	vld [tilespmem:s0+$0xFFFFE0E0];
	v19 =	vadd.s32 v19, v13  }
0x64c: {  	v35 =	vadd.s32 v35, v14;
	v33 =	vld [tilespmem:s0+$0xFFFFE120];
	[tilespmem:v62+s20+$0x0] =	vst.idx.msk $0xffff, v60  }
0x64d: {  	v42 =	vadd.s32 v42, v15;
	v37 =	vld [tilespmem:s0+$0xFFFFE160];
	[tilespmem:v22+s20+$0x0] =	vst.idx.msk $0xffff, v46  }
0x64e: {  	v47 =	vadd.s32 v47, v16;
	v46 =	vld [tilespmem:s0+$0xFFFFE1A0];
	[tilespmem:v24+s20+$0x0] =	vst.idx.msk $0xffff, v55  }
0x64f: {  	[tilespmem:v27+s20+$0x0] =	vst.idx.msk $0xffff, v31  }
0x650: {  	[tilespmem:v19+s20+$0x0] =	vst.idx.msk $0xffff, v32  }
0x651: {  	v19 =	vld [tilespmem:$0x1FCA0];
	[tilespmem:v35+s20+$0x0] =	vst.idx.msk $0xffff, v33  }
0x652: {  	v22 =	vld [tilespmem:$0x1FD20];
	[tilespmem:v42+s20+$0x0] =	vst.idx.msk $0xffff, v37  }
0x653: {  	v24 =	vld [tilespmem:$0x1FD90];
	[tilespmem:v47+s20+$0x0] =	vst.idx.msk $0xffff, v46  }
0x654: {  	v25 =	vld [tilespmem:$0x1FE10]  }
0x655: {  	v60 =	vadd.s32 v4, v17;
	v55 =	vld [tilespmem:s0+$0x1C0]  }
0x656: {  	v62 =	vld [tilespmem:s0+$0xFFFFE020];
	v19 =	vadd.s32 v19, v11  }
0x657: {  	v31 =	vld [tilespmem:s0+$0xFFFFE070];
	v22 =	vadd.s32 v22, v10  }
0x658: {  	v32 =	vld [tilespmem:s0+$0xFFFFE0B0];
	v24 =	vadd.s32 v24, v12  }
0x659: {  	v33 =	vld [tilespmem:s0+$0xFFFFE0F0];
	v25 =	vadd.s32 v25, v13  }
0x65a: {  	v35 =	vld [tilespmem:s0+$0xFFFFE130];
	v37 =	vadd.s32 v52, v14;
	[tilespmem:v60+s20+$0x0] =	vst.idx.msk $0xffff, v55  }
0x65b: {  	v46 =	vadd.s32 v5, v17;
	v42 =	vld [tilespmem:s0+$0x1D0];
	[tilespmem:v19+s20+$0x0] =	vst.idx.msk $0xffff, v62  }
0x65c: {  	[tilespmem:v22+s20+$0x0] =	vst.idx.msk $0xffff, v31  }
0x65d: {  	[tilespmem:v24+s20+$0x0] =	vst.idx.msk $0xffff, v32  }
0x65e: {  	v47 =	vld [tilespmem:s0+$0xFFFFE170];
	[tilespmem:v25+s20+$0x0] =	vst.idx.msk $0xffff, v33  }
0x65f: {  	v25 =	vld [tilespmem:$0x1FCB0];
	[tilespmem:v37+s20+$0x0] =	vst.idx.msk $0xffff, v35  }
0x660: {  	v27 =	vld [tilespmem:$0x1FD30];
	[tilespmem:v46+s20+$0x0] =	vst.idx.msk $0xffff, v42  }
0x661: {  	v55 =	vadd.s32 v41, v15;
	v19 =	vld [tilespmem:$0x1FDA0]  }
0x662: {  	v60 =	vld [tilespmem:s0+$0xFFFFE1B0];
	v62 =	vadd.s32 v6, v16  }
0x663: {  	v37 =	vadd.s32 v8, v17;
	v35 =	vld [tilespmem:s0+$0x1E0]  }
0x664: {  	v31 =	vld [tilespmem:s0+$0xFFFFE030];
	v25 =	vadd.s32 v25, v11  }
0x665: {  	v32 =	vld [tilespmem:s0+$0x40];
	v27 =	vadd.s32 v27, v10  }
0x666: {  	v33 =	vld [tilespmem:s0+$0x80];
	[tilespmem:v55+s20+$0x0] =	vst.idx.msk $0xffff, v47;
	v19 =	vadd.s32 v19, v12  }
0x667: {  	v42 =	vld [tilespmem:s0+$0xC0];
	v46 =	vadd.s32 v61, v13;
	[tilespmem:v62+s20+$0x0] =	vst.idx.msk $0xffff, v60  }
0x668: {  	v47 =	vld [tilespmem:s0+$0x100];
	v55 =	vadd.s32 v50, v14;
	[tilespmem:v37+s20+$0x0] =	vst.idx.msk $0xffff, v35  }
0x669: {  	v62 =	vadd.s32 v49, v15;
	v60 =	vld [tilespmem:s0+$0x140];
	[tilespmem:v25+s20+$0x0] =	vst.idx.msk $0xffff, v31  }
0x66a: {  	[tilespmem:v27+s20+$0x0] =	vst.idx.msk $0xffff, v32  }
0x66b: {  	[tilespmem:v19+s20+$0x0] =	vst.idx.msk $0xffff, v33  }
0x66c: {  	v22 =	vld [tilespmem:$0x1FCC0];
	[tilespmem:v46+s20+$0x0] =	vst.idx.msk $0xffff, v42  }
0x66d: {  	[tilespmem:v55+s20+$0x0] =	vst.idx.msk $0xffff, v47  }
0x66e: {  	v24 =	vld [tilespmem:$0x1FD40];
	[tilespmem:v62+s20+$0x0] =	vst.idx.msk $0xffff, v60  }
0x66f: {  	v26 =	vld [tilespmem:$0x1FDB0]  }
0x670: {  	v17 =	vadd.s32 v53, v17;
	v35 =	vld [tilespmem:s0+$0x1F0]  }
0x671: {  	v31 =	vld [tilespmem:s0+$0x180];
	v32 =	vadd.s32 v7, v16  }
0x672: {  	v33 =	vld [tilespmem:s0+$0x0];
	v22 =	vadd.s32 v22, v11  }
0x673: {  	v37 =	vld [tilespmem:s0+$0x50];
	v24 =	vadd.s32 v24, v10  }
0x674: {  	v42 =	vld [tilespmem:s0+$0x90];
	v26 =	vadd.s32 v26, v12  }
0x675: {  	v47 =	vadd.s32 v36, v13;
	v46 =	vld [tilespmem:s0+$0xD0];
	[tilespmem:v17+s20+$0x0] =	vst.idx.msk $0xffff, v35  }
0x676: {  	[tilespmem:v32+s20+$0x0] =	vst.idx.msk $0xffff, v31  }
0x677: {  	v50 =	vadd.s32 v43, v14;
	v49 =	vld [tilespmem:s0+$0x110];
	[tilespmem:v22+s20+$0x0] =	vst.idx.msk $0xffff, v33  }
0x678: {  	[tilespmem:v24+s20+$0x0] =	vst.idx.msk $0xffff, v37  }
0x679: {  	v53 =	vld [tilespmem:s0+$0x150];
	[tilespmem:v26+s20+$0x0] =	vst.idx.msk $0xffff, v42  }
0x67a: {  	v26 =	vld [tilespmem:$0x1FCD0];
	[tilespmem:v47+s20+$0x0] =	vst.idx.msk $0xffff, v46  }
0x67b: {  	v19 =	vld [tilespmem:$0x1FD50]  }
0x67c: {  	v55 =	vadd.s32 v56, v15;
	v60 =	vld [tilespmem:s0+$0x190];
	[tilespmem:v50+s20+$0x0] =	vst.idx.msk $0xffff, v49  }
0x67d: {  	v62 =	vadd.s32 v0, v16;
	v22 =	vld [tilespmem:$0x1FDC0]  }
0x67e: {  	v33 =	vadd.s32 v34, v13;
	v32 =	vld [tilespmem:s0+$0xE0]  }
0x67f: {  	v28 =	vld [tilespmem:s0+$0x10];
	v26 =	vadd.s32 v26, v11  }
0x680: {  	v29 =	vld [tilespmem:s0+$0x60];
	v19 =	vadd.s32 v19, v10  }
0x681: {  	v36 =	vadd.s32 v58, v14;
	[tilespmem:v55+s20+$0x0] =	vst.idx.msk $0xffff, v53;
	v35 =	vld [tilespmem:s0+$0x120]  }
0x682: {  	v31 =	vld [tilespmem:s0+$0xA0];
	[tilespmem:v62+s20+$0x0] =	vst.idx.msk $0xffff, v60;
	v22 =	vadd.s32 v22, v12  }
0x683: {  	v42 =	vadd.s32 v40, v15;
	v37 =	vld [tilespmem:s0+$0x160];
	[tilespmem:v33+s20+$0x0] =	vst.idx.msk $0xffff, v32  }
0x684: {  	v46 =	vadd.s32 v45, v16;
	v43 =	vld [tilespmem:s0+$0x1A0];
	[tilespmem:v26+s20+$0x0] =	vst.idx.msk $0xffff, v28  }
0x685: {  	v49 =	vadd.s32 v51, v11;
	[tilespmem:v19+s20+$0x0] =	vst.idx.msk $0xffff, v29;
	v47 =	vld [tilespmem:s0+$0x20]  }
0x686: {  	v10 =	vadd.s32 v1, v10;
	[tilespmem:v36+s20+$0x0] =	vst.idx.msk $0xffff, v35;
	v50 =	vld [tilespmem:s0+$0x70]  }
0x687: {  	v55 =	vld [tilespmem:s0+$0xF0];
	[tilespmem:v22+s20+$0x0] =	vst.idx.msk $0xffff, v31  }
0x688: {  	v13 =	vadd.s32 v38, v13;
	v23 =	vld [tilespmem:$0x1FDD0];
	[tilespmem:v42+s20+$0x0] =	vst.idx.msk $0xffff, v37  }
0x689: {  	v14 =	vadd.s32 v59, v14;
	v58 =	vld [tilespmem:s0+$0x130];
	[tilespmem:v46+s20+$0x0] =	vst.idx.msk $0xffff, v43  }
0x68a: {  	v15 =	vadd.s32 v48, v15;
	v60 =	vld [tilespmem:s0+$0x170];
	[tilespmem:v49+s20+$0x0] =	vst.idx.msk $0xffff, v47  }
0x68b: {  	v16 =	vadd.s32 v54, v16;
	[tilespmem:v10+s20+$0x0] =	vst.idx.msk $0xffff, v50;
	v10 =	vld [tilespmem:s0+$0x1B0]  }
0x68c: {  	v11 =	vadd.s32 v30, v11;
	v62 =	vld [tilespmem:s0+$0x30]  }
0x68d: {  	v53 =	vld [tilespmem:s0+$0xB0];
	[tilespmem:v13+s20+$0x0] =	vst.idx.msk $0xffff, v55;
	v12 =	vadd.s32 v23, v12  }
0x68e: {  	[tilespmem:v14+s20+$0x0] =	vst.idx.msk $0xffff, v58  }
0x68f: {  	s24 =	sshll.u32 s30, $0x15;
	[tilespmem:v15+s20+$0x0] =	vst.idx.msk $0xffff, v60  }
0x690: {  	s0 =	sadd.s32 s28, s24;
	[tilespmem:v16+s20+$0x0] =	vst.idx.msk $0xffff, v10  }
0x691: {  	s0 =	sshrl.u32 s0, $0x3;
	[tilespmem:v11+s20+$0x0] =	vst.idx.msk $0xffff, v62  }
0x692: {  	s31 =	simm.s32 $0x18C00;
	s24 =	sadd.s32 s1, s0;
	[tilespmem:v12+s20+$0x0] =	vst.idx.msk $0xffff, v53  }
0x693: {  	[hbm4b:s24+s3] =	stream.linear.scatter [tilespmem:s31], [sflag:$0x5], $0x80, $0x38;
	[tilespmem:$0x1D000] =	vst v63  }
0x694: {  	s2 =	simm.s32 $0x18C88;
	s7 =	sadd.s32 $0x10, s24  }
0x695: {  	[hbm4b:s7+s3] =	stream.linear.scatter [tilespmem:s2], [sflag:$0x5], $0x80, $0x38;
	[tilespmem:$0x1D000] =	vst v63  }
0x696: {  	s9 =	simm.s32 $0x18D10;
	s31 =	sadd.s32 $0x20, s24  }
0x697: {  	[hbm4b:s31+s3] =	stream.linear.scatter [tilespmem:s9], [sflag:$0x5], $0x80, $0x38;
	[tilespmem:$0x1D000] =	vst v63  }
0x698: {  	s2 =	simm.s32 $0x18D98;
	s7 =	sadd.s32 $0x30, s24  }
0x699: {  	[hbm4b:s7+s3] =	stream.linear.scatter [tilespmem:s2], [sflag:$0x5], $0x80, $0x38;
	[tilespmem:$0x1D000] =	vst v63  }
0x69a: {  	s9 =	simm.s32 $0x18E20;
	s31 =	sadd.s32 $0x40, s24  }
0x69b: {  	[hbm4b:s31+s3] =	stream.linear.scatter [tilespmem:s9], [sflag:$0x5], $0x80, $0x38;
	[tilespmem:$0x1D000] =	vst v63  }
0x69c: {  	s0 =	simm.s32 $0x440;
	s2 =	simm.s32 $0x18EA8;
	s7 =	sadd.s32 $0x50, s24  }
0x69d: {  	[hbm4b:s7+s3] =	stream.linear.scatter [tilespmem:s2], [sflag:$0x5], $0x80, $0x38;
	[tilespmem:$0x1D000] =	vst v63  }
0x69e: {  	v3 =	vmov v4;
	s30 =	sadd.s32 $0x4000, s24;
	s9 =	simm.s32 $0x18F30;
	s31 =	sadd.s32 $0x60, s24  }
0x69f: {  	v5 =	vmovc v6;
	v8 =	vmovc v7;
	v35 =	vmov v52;
	v37 =	vmov v44;
	v55 =	vmov v63;
	[hbm4b:s31+s3] =	stream.linear.scatter [tilespmem:s9], [sflag:$0x5], $0x80, $0x38;
	[tilespmem:$0x1D000] =	vst v63  }
0x6a0: {  	v46 =	vmovc v1;
	v47 =	vmovc v54;
	v60 =	vmov v56;
	v10 =	vmov v41;
	v62 =	vmov v51;
	s2 =	simm.s32 $0x2200;
	s7 =	simm.s32 $0x18FB8;
	s9 =	sadd.s32 $0x70, s24  }
.LBB2_20:
0x6a1: {  	[hbm4b:s9+s3] =	stream.linear.scatter [tilespmem:s7], [sflag:$0x5], $0x80, $0x38;
	[tilespmem:$0x1D000] =	vst v63  }
0x6a2: {  	s7 =	smov.u32 s0;
	s0 =	smov.u32 s2  }
0x6a3: {  	s24 =	sadd.s32 $0x1100, s2;
	s0 =	sshra.s32 s0, $0x2;
	s9 =	sadd.s32 $0x18C00, s7  }
0x6a4: {  	[hbm4b:s30+s3] =	stream.linear.scatter [tilespmem:s9], [sflag:$0x5], $0x80, $0x38;
	[tilespmem:$0x1D000] =	vst v63  }
0x6a5: {  	p0 =	sne.s32 s2, $0xFF00;
	s2 =	sadd.s32 $0x18C88, s7;
	s9 =	sadd.s32 $0x10, s30  }
0x6a6: {  	[hbm4b:s9+s3] =	stream.linear.scatter [tilespmem:s2], [sflag:$0x5], $0x80, $0x38;
	[tilespmem:$0x1D000] =	vst v63  }
0x6a7: {  	s2 =	sadd.s32 $0x18D10, s7;
	s9 =	sadd.s32 $0x20, s30  }
0x6a8: {  	[hbm4b:s9+s3] =	stream.linear.scatter [tilespmem:s2], [sflag:$0x5], $0x80, $0x38;
	[tilespmem:$0x1D000] =	vst v63  }
0x6a9: {  	s2 =	sadd.s32 $0x18D98, s7;
	s9 =	sadd.s32 $0x30, s30  }
0x6aa: {  	[hbm4b:s9+s3] =	stream.linear.scatter [tilespmem:s2], [sflag:$0x5], $0x80, $0x38;
	[tilespmem:$0x1D000] =	vst v63  }
0x6ab: {  	s2 =	sadd.s32 $0x18E20, s7;
	s9 =	sadd.s32 $0x40, s30  }
0x6ac: {  	[hbm4b:s9+s3] =	stream.linear.scatter [tilespmem:s2], [sflag:$0x5], $0x80, $0x38;
	[tilespmem:$0x1D000] =	vst v63  }
.Ltmp8:
0x6ad: {  	s2 =	sadd.s32 $0x18EA8, s7;
	s9 =	sadd.s32 $0x50, s30;
	(pc) =	sbr.rel @p0 .LBB2_20-.Ltmp8, $4  }
0x6ae: {  	[hbm4b:s9+s3] =	stream.linear.scatter [tilespmem:s2], [sflag:$0x5], $0x80, $0x38;
	[tilespmem:$0x1D000] =	vst v63  }
0x6af: {  	s2 =	sadd.s32 $0x18F30, s7;
	s9 =	sadd.s32 $0x60, s30;
	s7 =	sadd.s32 $0x18FB8, s7  }
0x6b0: {  	[hbm4b:s9+s3] =	stream.linear.scatter [tilespmem:s2], [sflag:$0x5], $0x80, $0x38;
	[tilespmem:$0x1D000] =	vst v63  }
0x6b1: {  	s9 =	sadd.s32 $0x70, s30;
	s30 =	sadd.s32 $0x4000, s30;
	s2 =	smov.u32 s24  }
0x6b2: {  	[hbm4b:s9+s3] =	stream.linear.scatter [tilespmem:s7], [sflag:$0x5], $0x80, $0x38;
	[tilespmem:$0x1D000] =	vst v63  }
0x6b3: {  	s2 =	sadd.s32 $0x18C00, s0;
	v38 =	vld [tilespmem:$0x1FEF0]  }
0x6b4: {  	v44 =	vld [tilespmem:$0x1FF10];
	[hbm4b:s30+s3] =	stream.linear.scatter [tilespmem:s2], [sflag:$0x5], $0x80, $0x38  }
0x6b5: {  	s24 =	sadd.s32 $0x18C88, s0;
	s31 =	sadd.s32 $0x10, s30;
	v52 =	vld [tilespmem:$0x1FF30]  }
0x6b6: {  	v43 =	vld [tilespmem:$0x1FF40];
	[hbm4b:s31+s3] =	stream.linear.scatter [tilespmem:s24], [sflag:$0x5], $0x80, $0x38  }
0x6b7: {  	s7 =	sadd.s32 $0x18D10, s0;
	s9 =	sadd.s32 $0x20, s30;
	v59 =	vld [tilespmem:$0x1FF60]  }
0x6b8: {  	v42 =	vld [tilespmem:$0x1FF70];
	[hbm4b:s9+s3] =	stream.linear.scatter [tilespmem:s7], [sflag:$0x5], $0x80, $0x38  }
0x6b9: {  	v49 =	vld [tilespmem:$0x1FF80];
	s24 =	sadd.s32 $0x18D98, s0;
	s31 =	sadd.s32 $0x30, s30  }
0x6ba: {  	v56 =	vld [tilespmem:$0x1FF90];
	[hbm4b:s31+s3] =	stream.linear.scatter [tilespmem:s24], [sflag:$0x5], $0x80, $0x38  }
0x6bb: {  	s29 =	sadd.s32 $0x1, s29;
	v48 =	vld [tilespmem:$0x1FFB0];
	s7 =	sadd.s32 $0x18E20, s0;
	s9 =	sadd.s32 $0x40, s30  }
0x6bc: {  	v63 =	vld [tilespmem:$0x1FFD0];
	[hbm4b:s9+s3] =	stream.linear.scatter [tilespmem:s7], [sflag:$0x5], $0x80, $0x38  }
0x6bd: {  	v51 =	vld [tilespmem:$0x1FBB0];
	p0 =	sne.s32 s29, $0x31;
	s24 =	sadd.s32 $0x18EA8, s0;
	s31 =	sadd.s32 $0x50, s30  }
0x6be: {  	v41 =	vld [tilespmem:$0x1FBC0];
	[hbm4b:s31+s3] =	stream.linear.scatter [tilespmem:s24], [sflag:$0x5], $0x80, $0x38  }
.Ltmp9:
0x6bf: {  	v1 =	vld [tilespmem:$0x1FBD0];
	(pc) =	sbr.rel @p0 .LBB2_13-.Ltmp9, $4  }
0x6c0: {  	v2 =	vld [tilespmem:$0x1FBE0];
	s7 =	sadd.s32 $0x18F30, s0;
	s9 =	sadd.s32 $0x60, s30  }
0x6c1: {  	v4 =	vld [tilespmem:$0x1FC00];
	[hbm4b:s9+s3] =	stream.linear.scatter [tilespmem:s7], [sflag:$0x5], $0x80, $0x38  }
0x6c2: {  	v6 =	vld [tilespmem:$0x1FC20];
	s24 =	sadd.s32 $0x18FB8, s0;
	s31 =	sadd.s32 $0x70, s30  }
0x6c3: {  	v7 =	vld [tilespmem:$0x1FC40];
	v54 =	vmov v10;
	[hbm4b:s31+s3] =	stream.linear.scatter [tilespmem:s24], [sflag:$0x5], $0x80, $0x38  }
0x6c4: {  	_ =	swait.ge [sflag:s14], $0x4000  }
0x6c5: {  	[sflag:s14] =	ssyncset.done $0x0  }
0x6c6: {  	s9 =	simm.s32 $0x1;
	[sflag:s14] =	ssyncadd.s32 $0xFFFFC000  }
0x6c7: {  	[tilespmem:s16], [sflag:$0x3] =	stream.indirect.gather [hbm4b:s5+s11], $0x40, s23, s11, $0xb8;
	[tilespmem:$0x1D000] =	vst v63  }
0x6c8: {  	s0 =	simm.s32 $0x0;
	s2 =	simm.s32 $0x2;
	v11 =	vmov s9;
	_ =	swait.ge [sflag:s21], $0x4000  }
0x6c9: {  	s7 =	simm.s32 $0x7;
	v10 =	vmov s0;
	v12 =	vmov s2;
	v11 =	vshrl.u32 v11, $0x3;
	v0 =	vld [tilespmem:$0x1FD60]  }
0x6ca: {  	v15 =	vmov s7;
	v12 =	vshrl.u32 v12, $0x3;
	v11 =	vshll.u32 v11, v9  }
0x6cb: {  	v15 =	vshrl.u32 v15, $0x3;
	v16 =	vbroadcast v11, $0x0;
	v11 =	vshll.u32 v12, v9  }
0x6cc: {  	v10 =	vshrl.u32 v10, $0x3;
	v15 =	vshll.u32 v15, v9;
	v36 =	vbroadcast v11, $0x0;
	v12 =	vld [tilespmem:$0x1FCF0]  }
0x6cd: {  	s24 =	simm.s32 $0x3;
	v10 =	vshll.u32 v10, v9;
	v17 =	vbroadcast v15, $0x0;
	[sflag:s21] =	ssyncset.done $0x0  }
0x6ce: {  	s29 =	simm.s32 $0x4;
	s28 =	simm.s32 $0xE800;
	v13 =	vmov s24;
	v10 =	vbroadcast v10, $0x0;
	[sflag:s21] =	ssyncadd.s32 $0xFFFFC000;
	v26 =	vadd.s32 v0, v36;
	v0 =	vld [tilespmem:$0x1FDE0]  }
0x6cf: {  	v14 =	vmov s29;
	v13 =	vshrl.u32 v13, $0x3;
	v20 =	vadd.s32 v2, v17;
	v15 =	vld [tilespmem:s28+$0xFFFFE1C0]  }
0x6d0: {  	v14 =	vshrl.u32 v14, $0x3;
	v11 =	vshll.u32 v13, v9;
	v22 =	vadd.s32 v39, v10;
	v21 =	vld [tilespmem:s28+$0xFFFFE000]  }
0x6d1: {  	s30 =	simm.s32 $0x5;
	v23 =	vld [tilespmem:s28+$0xFFFFE040];
	v24 =	vadd.s32 v12, v16;
	v12 =	vbroadcast v11, $0x0;
	v11 =	vshll.u32 v14, v9  }
0x6d2: {  	v18 =	vmov s30;
	v25 =	vld [tilespmem:s28+$0xFFFFE080];
	v11 =	vbroadcast v11, $0x0  }
0x6d3: {  	v13 =	vshrl.u32 v18, $0x3;
	v18 =	vld [tilespmem:s28+$0xFFFFE0C0];
	v27 =	vadd.s32 v0, v12  }
0x6d4: {  	v28 =	vld [tilespmem:s28+$0xFFFFE100];
	[tilespmem:v20+s17+$0x0] =	vst.idx.msk $0xffff, v15;
	v29 =	vadd.s32 v38, v11  }
0x6d5: {  	[tilespmem:v22+s17+$0x0] =	vst.idx.msk $0xffff, v21  }
0x6d6: {  	s31 =	simm.s32 $0x6;
	[tilespmem:v24+s17+$0x0] =	vst.idx.msk $0xffff, v23  }
0x6d7: {  	v19 =	vmov s31;
	v15 =	vld [tilespmem:s28+$0xFFFFE1D0];
	[tilespmem:v26+s17+$0x0] =	vst.idx.msk $0xffff, v25  }
0x6d8: {  	v19 =	vshrl.u32 v19, $0x3;
	v13 =	vshll.u32 v13, v9;
	v25 =	vld [tilespmem:$0x1FD00];
	[tilespmem:v27+s17+$0x0] =	vst.idx.msk $0xffff, v18  }
0x6d9: {  	v14 =	vbroadcast v13, $0x0;
	v13 =	vshll.u32 v19, v9;
	v26 =	vld [tilespmem:$0x1FD70];
	[tilespmem:v29+s17+$0x0] =	vst.idx.msk $0xffff, v28  }
0x6da: {  	v19 =	vadd.s32 v51, v17;
	v13 =	vbroadcast v13, $0x0;
	v28 =	vld [tilespmem:$0x1FDF0]  }
0x6db: {  	v20 =	vld [tilespmem:s28+$0xFFFFE140];
	v21 =	vadd.s32 v59, v14  }
0x6dc: {  	v22 =	vld [tilespmem:s28+$0xFFFFE180];
	v23 =	vadd.s32 v48, v13  }
0x6dd: {  	v24 =	vld [tilespmem:s28+$0xFFFFE050];
	v25 =	vadd.s32 v25, v16  }
0x6de: {  	v18 =	vld [tilespmem:s28+$0xFFFFE090];
	v26 =	vadd.s32 v26, v36  }
0x6df: {  	v27 =	vld [tilespmem:s28+$0xFFFFE0D0];
	[tilespmem:v19+s17+$0x0] =	vst.idx.msk $0xffff, v15;
	v28 =	vadd.s32 v28, v12  }
0x6e0: {  	[tilespmem:v21+s17+$0x0] =	vst.idx.msk $0xffff, v20;
	v19 =	vadd.s32 v41, v17;
	v15 =	vld [tilespmem:s28+$0xFFFFE1E0]  }
0x6e1: {  	v20 =	vld [tilespmem:s28+$0xFFFFE110];
	v21 =	vadd.s32 v37, v11;
	[tilespmem:v23+s17+$0x0] =	vst.idx.msk $0xffff, v22  }
0x6e2: {  	v23 =	vadd.s32 v57, v14;
	v22 =	vld [tilespmem:s28+$0xFFFFE150];
	[tilespmem:v25+s17+$0x0] =	vst.idx.msk $0xffff, v24  }
0x6e3: {  	[tilespmem:v26+s17+$0x0] =	vst.idx.msk $0xffff, v18  }
0x6e4: {  	v26 =	vld [tilespmem:$0x1FC90];
	[tilespmem:v28+s17+$0x0] =	vst.idx.msk $0xffff, v27  }
0x6e5: {  	v28 =	vld [tilespmem:$0x1FD10];
	[tilespmem:v19+s17+$0x0] =	vst.idx.msk $0xffff, v15  }
0x6e6: {  	v18 =	vld [tilespmem:s28+$0xFFFFE190];
	[tilespmem:v21+s17+$0x0] =	vst.idx.msk $0xffff, v20  }
0x6e7: {  	v21 =	vld [tilespmem:$0x1FD80];
	[tilespmem:v23+s17+$0x0] =	vst.idx.msk $0xffff, v22  }
0x6e8: {  	v24 =	vadd.s32 v55, v13;
	v23 =	vld [tilespmem:$0x1FE00]  }
0x6e9: {  	v19 =	vadd.s32 v1, v17;
	v15 =	vld [tilespmem:s28+$0xFFFFE1F0]  }
0x6ea: {  	v25 =	vld [tilespmem:s28+$0xFFFFE010];
	v26 =	vadd.s32 v26, v10  }
0x6eb: {  	v27 =	vld [tilespmem:s28+$0xFFFFE060];
	v28 =	vadd.s32 v28, v16  }
0x6ec: {  	v20 =	vld [tilespmem:s28+$0xFFFFE0A0];
	v21 =	vadd.s32 v21, v36  }
0x6ed: {  	v22 =	vld [tilespmem:s28+$0xFFFFE0E0];
	[tilespmem:v24+s17+$0x0] =	vst.idx.msk $0xffff, v18;
	v23 =	vadd.s32 v23, v12  }
0x6ee: {  	v18 =	vld [tilespmem:s28+$0xFFFFE120];
	v24 =	vadd.s32 v44, v11;
	[tilespmem:v19+s17+$0x0] =	vst.idx.msk $0xffff, v15  }
0x6ef: {  	[tilespmem:v26+s17+$0x0] =	vst.idx.msk $0xffff, v25;
	v25 =	vld [tilespmem:s28+$0xFFFFE160];
	v26 =	vadd.s32 v42, v14  }
0x6f0: {  	[tilespmem:v28+s17+$0x0] =	vst.idx.msk $0xffff, v27  }
0x6f1: {  	v27 =	vld [tilespmem:s28+$0xFFFFE1A0];
	[tilespmem:v21+s17+$0x0] =	vst.idx.msk $0xffff, v20  }
0x6f2: {  	v21 =	vld [tilespmem:$0x1FCA0];
	[tilespmem:v23+s17+$0x0] =	vst.idx.msk $0xffff, v22  }
0x6f3: {  	v23 =	vld [tilespmem:$0x1FD20];
	[tilespmem:v24+s17+$0x0] =	vst.idx.msk $0xffff, v18  }
0x6f4: {  	v24 =	vld [tilespmem:$0x1FD90];
	[tilespmem:v26+s17+$0x0] =	vst.idx.msk $0xffff, v25  }
0x6f5: {  	v28 =	vadd.s32 v63, v13;
	v26 =	vld [tilespmem:$0x1FE10]  }
0x6f6: {  	v19 =	vadd.s32 v3, v17;
	v15 =	vld [tilespmem:s28+$0x1C0]  }
0x6f7: {  	v20 =	vld [tilespmem:s28+$0xFFFFE020];
	v21 =	vadd.s32 v21, v10  }
0x6f8: {  	v22 =	vld [tilespmem:s28+$0xFFFFE070];
	v23 =	vadd.s32 v23, v16  }
0x6f9: {  	v18 =	vld [tilespmem:s28+$0xFFFFE0B0];
	v24 =	vadd.s32 v24, v36  }
0x6fa: {  	v25 =	vld [tilespmem:s28+$0xFFFFE0F0];
	[tilespmem:v28+s17+$0x0] =	vst.idx.msk $0xffff, v27;
	v26 =	vadd.s32 v26, v12  }
0x6fb: {  	v27 =	vld [tilespmem:s28+$0xFFFFE130];
	v28 =	vadd.s32 v35, v11;
	[tilespmem:v19+s17+$0x0] =	vst.idx.msk $0xffff, v15  }
0x6fc: {  	[tilespmem:v21+s17+$0x0] =	vst.idx.msk $0xffff, v20  }
0x6fd: {  	[tilespmem:v23+s17+$0x0] =	vst.idx.msk $0xffff, v22  }
0x6fe: {  	v15 =	vld [tilespmem:s28+$0x1D0];
	[tilespmem:v24+s17+$0x0] =	vst.idx.msk $0xffff, v18  }
0x6ff: {  	v24 =	vld [tilespmem:$0x1FCB0];
	[tilespmem:v26+s17+$0x0] =	vst.idx.msk $0xffff, v25  }
0x700: {  	v26 =	vld [tilespmem:$0x1FD30];
	[tilespmem:v28+s17+$0x0] =	vst.idx.msk $0xffff, v27  }
0x701: {  	v19 =	vadd.s32 v4, v17;
	v28 =	vld [tilespmem:$0x1FDA0]  }
0x702: {  	v20 =	vld [tilespmem:s28+$0xFFFFE170];
	v21 =	vadd.s32 v54, v14  }
0x703: {  	v22 =	vadd.s32 v5, v13;
	v18 =	vld [tilespmem:s28+$0xFFFFE1B0]  }
0x704: {  	v23 =	vld [tilespmem:s28+$0xFFFFE030];
	v24 =	vadd.s32 v24, v10  }
0x705: {  	v25 =	vld [tilespmem:s28+$0x40];
	v26 =	vadd.s32 v26, v16  }
0x706: {  	v27 =	vld [tilespmem:s28+$0x80];
	[tilespmem:v19+s17+$0x0] =	vst.idx.msk $0xffff, v15;
	v28 =	vadd.s32 v28, v36  }
0x707: {  	[tilespmem:v21+s17+$0x0] =	vst.idx.msk $0xffff, v20;
	v19 =	vadd.s32 v6, v17;
	v15 =	vld [tilespmem:s28+$0x1E0]  }
0x708: {  	v20 =	vld [tilespmem:s28+$0xC0];
	v21 =	vadd.s32 v61, v12;
	[tilespmem:v22+s17+$0x0] =	vst.idx.msk $0xffff, v18  }
0x709: {  	[tilespmem:v24+s17+$0x0] =	vst.idx.msk $0xffff, v23  }
0x70a: {  	v18 =	vld [tilespmem:s28+$0x100];
	v22 =	vadd.s32 v52, v11;
	[tilespmem:v26+s17+$0x0] =	vst.idx.msk $0xffff, v25  }
0x70b: {  	v23 =	vld [tilespmem:s28+$0x140];
	v24 =	vadd.s32 v49, v14;
	[tilespmem:v28+s17+$0x0] =	vst.idx.msk $0xffff, v27  }
0x70c: {  	v28 =	vld [tilespmem:$0x1FCC0];
	[tilespmem:v19+s17+$0x0] =	vst.idx.msk $0xffff, v15  }
0x70d: {  	v25 =	vld [tilespmem:s28+$0x180];
	[tilespmem:v21+s17+$0x0] =	vst.idx.msk $0xffff, v20  }
0x70e: {  	v53 =	vld [tilespmem:$0x1FC60]  }
0x70f: {  	v20 =	vld [tilespmem:$0x1FD40];
	[tilespmem:v22+s17+$0x0] =	vst.idx.msk $0xffff, v18  }
0x710: {  	v21 =	vld [tilespmem:$0x1FDB0];
	[tilespmem:v24+s17+$0x0] =	vst.idx.msk $0xffff, v23  }
0x711: {  	v26 =	vadd.s32 v8, v13;
	v0 =	vld [tilespmem:$0x1FE30]  }
0x712: {  	v27 =	vld [tilespmem:s28+$0x0];
	v28 =	vadd.s32 v28, v10  }
0x713: {  	v15 =	vld [tilespmem:s28+$0x1F0];
	v17 =	vadd.s32 v53, v17  }
0x714: {  	v19 =	vld [tilespmem:s28+$0x50];
	v20 =	vadd.s32 v20, v16  }
0x715: {  	v18 =	vld [tilespmem:s28+$0x90];
	v21 =	vadd.s32 v21, v36  }
0x716: {  	v22 =	vld [tilespmem:s28+$0xD0];
	[tilespmem:v26+s17+$0x0] =	vst.idx.msk $0xffff, v25;
	v23 =	vadd.s32 v0, v12  }
0x717: {  	[tilespmem:v28+s17+$0x0] =	vst.idx.msk $0xffff, v27  }
0x718: {  	v0 =	vld [tilespmem:$0x1FE60];
	[tilespmem:v17+s17+$0x0] =	vst.idx.msk $0xffff, v15  }
0x719: {  	v26 =	vld [tilespmem:s28+$0x150];
	[tilespmem:v20+s17+$0x0] =	vst.idx.msk $0xffff, v19  }
0x71a: {  	v20 =	vld [tilespmem:$0x1FCD0];
	[tilespmem:v21+s17+$0x0] =	vst.idx.msk $0xffff, v18  }
0x71b: {  	v21 =	vld [tilespmem:$0x1FD50];
	[tilespmem:v23+s17+$0x0] =	vst.idx.msk $0xffff, v22  }
0x71c: {  	v27 =	vadd.s32 v60, v14;
	v22 =	vld [tilespmem:$0x1FDC0]  }
0x71d: {  	v24 =	vld [tilespmem:s28+$0x110];
	v25 =	vadd.s32 v0, v11  }
0x71e: {  	v15 =	vld [tilespmem:s28+$0x190];
	v17 =	vadd.s32 v7, v13  }
0x71f: {  	v19 =	vld [tilespmem:s28+$0x10];
	v20 =	vadd.s32 v20, v10  }
0x720: {  	v18 =	vld [tilespmem:s28+$0x60];
	v21 =	vadd.s32 v21, v16  }
0x721: {  	v23 =	vld [tilespmem:s28+$0xA0];
	[tilespmem:v27+s17+$0x0] =	vst.idx.msk $0xffff, v26;
	v28 =	vadd.s32 v22, v36  }
0x722: {  	v31 =	vadd.s32 v34, v12;
	v30 =	vld [tilespmem:s28+$0xE0];
	[tilespmem:v25+s17+$0x0] =	vst.idx.msk $0xffff, v24  }
0x723: {  	v33 =	vadd.s32 v43, v11;
	[tilespmem:v17+s17+$0x0] =	vst.idx.msk $0xffff, v15;
	v32 =	vld [tilespmem:s28+$0x120]  }
0x724: {  	[tilespmem:v20+s17+$0x0] =	vst.idx.msk $0xffff, v19  }
0x725: {  	v17 =	vld [tilespmem:s28+$0x160];
	[tilespmem:v21+s17+$0x0] =	vst.idx.msk $0xffff, v18  }
0x726: {  	v45 =	vld [tilespmem:$0x1FC50];
	[tilespmem:v28+s17+$0x0] =	vst.idx.msk $0xffff, v23  }
0x727: {  	v22 =	vld [tilespmem:s28+$0x1A0];
	[tilespmem:v31+s17+$0x0] =	vst.idx.msk $0xffff, v30  }
0x728: {  	v58 =	vmov v43;
	v50 =	vmov v52;
	s2 =	simm.s32 $0x8;
	s9 =	simm.s32 $0xA;
	v25 =	vld [tilespmem:s28+$0x20];
	[tilespmem:v33+s17+$0x0] =	vst.idx.msk $0xffff, v32  }
0x729: {  	v40 =	vmovc v56;
	v29 =	vmov s9;
	v52 =	vmovc v35;
	v15 =	vmov s2;
	v30 =	vadd.s32 v46, v16;
	v16 =	vld [tilespmem:$0x1FDD0]  }
0x72a: {  	s7 =	simm.s32 $0x9;
	v35 =	vmovc v44;
	v44 =	vmovc v37;
	v37 =	vmov v51;
	v51 =	vmov v47;
	v15 =	vshrl.u32 v15, $0x3;
	v28 =	vld [tilespmem:s28+$0x70]  }
0x72b: {  	s31 =	simm.s32 $0xE;
	v47 =	vmovc v46;
	v26 =	vmov s7;
	v27 =	vadd.s32 v62, v10;
	v43 =	vmovc v0;
	v15 =	vshll.u32 v15, v9;
	v31 =	vld [tilespmem:s28+$0xB0]  }
0x72c: {  	s24 =	simm.s32 $0xB;
	s30 =	simm.s32 $0xD;
	v20 =	vadd.s32 v56, v14;
	v19 =	vmov s31;
	v32 =	vmovc v54;
	v54 =	vmovc v6;
	v6 =	vmov v41;
	v41 =	vld [tilespmem:$0x1FE50]  }
0x72d: {  	s29 =	simm.s32 $0xC;
	v21 =	vmov s24;
	v18 =	vmov s30;
	v46 =	vmovc v62;
	v62 =	vmovc v60;
	v60 =	vmov v59;
	v59 =	vld [tilespmem:$0x1FF50]  }
0x72e: {  	s0 =	simm.s32 $0x10;
	s2 =	simm.s32 $0xF;
	v56 =	vmovc v57;
	v23 =	vmov s29;
	v57 =	vmovc v32;
	v24 =	vadd.s32 v45, v13;
	v16 =	vadd.s32 v16, v36;
	v36 =	vld [tilespmem:$0x1FFA0]  }
.LBB2_23:
0x72f: {  	_ =	sdelay $0x2  }
0x730: {  	v33 =	vld [tilespmem:s28+$0xF0]  }
0x731: {  	v11 =	vadd.s32 v59, v11;
	[tilespmem:v20+s17+$0x0] =	vst.idx.msk $0xffff, v17;
	v20 =	vshrl.u32 v29, $0x3;
	v29 =	vld [tilespmem:s28+$0x130]  }
0x732: {  	v0 =	vld [tilespmem:$0x1FCE0]  }
0x733: {  	[tilespmem:v24+s17+$0x0] =	vst.idx.msk $0xffff, v22;
	v22 =	vld [tilespmem:s28+$0x170]  }
0x734: {  	v26 =	vshrl.u32 v26, $0x3;
	v32 =	vmov s2;
	[tilespmem:v27+s17+$0x0] =	vst.idx.msk $0xffff, v25;
	v24 =	vld [tilespmem:s28+$0x1B0]  }
0x735: {  	v12 =	vadd.s32 v41, v12;
	v17 =	vshrl.u32 v32, $0x3;
	v25 =	vshll.u32 v26, v9;
	v26 =	vld [tilespmem:s28+$0x30]  }
0x736: {  	v14 =	vadd.s32 v36, v14;
	v17 =	vshll.u32 v17, v9;
	[tilespmem:v11+s17+$0x0] =	vst.idx.msk $0xffff, v29;
	v11 =	vld [tilespmem:$0x1FCF0]  }
0x737: {  	v13 =	vadd.s32 v51, v13;
	v27 =	vadd.s32 v0, v10;
	s28 =	sadd.s32 $0x200, s28;
	v0 =	vld [tilespmem:$0x1FD60];
	v17 =	vbroadcast v17, $0x0  }
0x738: {  	v21 =	vshrl.u32 v21, $0x3;
	[tilespmem:v16+s17+$0x0] =	vst.idx.msk $0xffff, v31;
	v16 =	vshll.u32 v20, v9;
	v20 =	vld [tilespmem:s28+$0xFFFFE1C0]  }
0x739: {  	[tilespmem:v30+s17+$0x0] =	vst.idx.msk $0xffff, v28;
	v10 =	vbroadcast v15, $0x0;
	v15 =	vbroadcast v25, $0x0;
	v28 =	vld [tilespmem:s28+$0xFFFFE000];
	v25 =	vadd.s32 v2, v17  }
0x73a: {  	[tilespmem:v12+s17+$0x0] =	vst.idx.msk $0xffff, v33;
	v12 =	vshll.u32 v21, v9;
	v16 =	vbroadcast v16, $0x0;
	v21 =	vld [tilespmem:s28+$0xFFFFE040]  }
0x73b: {  	v23 =	vshrl.u32 v23, $0x3;
	[tilespmem:v14+s17+$0x0] =	vst.idx.msk $0xffff, v22;
	v22 =	vld [tilespmem:s28+$0xFFFFE080];
	v29 =	vadd.s32 v11, v15  }
0x73c: {  	v14 =	vshrl.u32 v18, $0x3;
	[tilespmem:v13+s17+$0x0] =	vst.idx.msk $0xffff, v24;
	v18 =	vld [tilespmem:s28+$0xFFFFE0C0];
	v11 =	vshll.u32 v23, v9;
	v23 =	vadd.s32 v0, v16  }
0x73d: {  	[tilespmem:v27+s17+$0x0] =	vst.idx.msk $0xffff, v26;
	v13 =	vshll.u32 v14, v9;
	v0 =	vld [tilespmem:$0x1FDE0]  }
0x73e: {  	v19 =	vshrl.u32 v19, $0x3;
	v30 =	vadd.s32 v39, v10;
	v26 =	vld [tilespmem:s28+$0xFFFFE100];
	v14 =	vbroadcast v13, $0x0;
	[tilespmem:v25+s17+$0x0] =	vst.idx.msk $0xffff, v20  }
0x73f: {  	v13 =	vshll.u32 v19, v9;
	v20 =	vadd.s32 v37, v17;
	v19 =	vld [tilespmem:s28+$0xFFFFE1D0];
	v11 =	vbroadcast v11, $0x0  }
0x740: {  	v12 =	vbroadcast v12, $0x0;
	[tilespmem:v29+s17+$0x0] =	vst.idx.msk $0xffff, v21;
	v21 =	vld [tilespmem:s28+$0xFFFFE140]  }
0x741: {  	v27 =	vadd.s32 v38, v11;
	[tilespmem:v23+s17+$0x0] =	vst.idx.msk $0xffff, v22;
	v22 =	vld [tilespmem:s28+$0xFFFFE180]  }
0x742: {  	v13 =	vbroadcast v13, $0x0;
	v24 =	vadd.s32 v0, v12;
	v29 =	vld [tilespmem:$0x1FD00]  }
0x743: {  	[tilespmem:v30+s17+$0x0] =	vst.idx.msk $0xffff, v28;
	v25 =	vadd.s32 v60, v14;
	v0 =	vld [tilespmem:$0x1FE30]  }
0x744: {  	v23 =	vadd.s32 v48, v13;
	[tilespmem:v20+s17+$0x0] =	vst.idx.msk $0xffff, v19;
	v28 =	vld [tilespmem:s28+$0xFFFFE050]  }
0x745: {  	v20 =	vadd.s32 v6, v17;
	v19 =	vld [tilespmem:s28+$0xFFFFE1E0]  }
0x746: {  	[tilespmem:v27+s17+$0x0] =	vst.idx.msk $0xffff, v26;
	v27 =	vld [tilespmem:$0x1FDF0]  }
0x747: {  	[tilespmem:v24+s17+$0x0] =	vst.idx.msk $0xffff, v18;
	v18 =	vld [tilespmem:s28+$0xFFFFE090]  }
0x748: {  	v29 =	vadd.s32 v29, v15;
	v24 =	vld [tilespmem:$0x1FD70];
	[tilespmem:v25+s17+$0x0] =	vst.idx.msk $0xffff, v21  }
0x749: {  	v21 =	vld [tilespmem:s28+$0xFFFFE110];
	v25 =	vadd.s32 v44, v11;
	[tilespmem:v23+s17+$0x0] =	vst.idx.msk $0xffff, v22  }
0x74a: {  	v23 =	vadd.s32 v56, v14;
	v22 =	vld [tilespmem:s28+$0xFFFFE150];
	[tilespmem:v20+s17+$0x0] =	vst.idx.msk $0xffff, v19  }
0x74b: {  	v20 =	vadd.s32 v1, v17;
	v19 =	vld [tilespmem:s28+$0xFFFFE1F0]  }
0x74c: {  	v26 =	vld [tilespmem:s28+$0xFFFFE0D0]  }
0x74d: {  	v27 =	vadd.s32 v27, v12;
	[tilespmem:v29+s17+$0x0] =	vst.idx.msk $0xffff, v28;
	v28 =	vld [tilespmem:s28+$0xFFFFE010]  }
0x74e: {  	v24 =	vadd.s32 v24, v16;
	v29 =	vld [tilespmem:$0x1FC90];
	[tilespmem:v25+s17+$0x0] =	vst.idx.msk $0xffff, v21  }
0x74f: {  	v25 =	vld [tilespmem:$0x1FD80];
	[tilespmem:v23+s17+$0x0] =	vst.idx.msk $0xffff, v22  }
0x750: {  	v23 =	vld [tilespmem:$0x1FE00];
	[tilespmem:v20+s17+$0x0] =	vst.idx.msk $0xffff, v19  }
0x751: {  	v20 =	vadd.s32 v3, v17;
	v19 =	vld [tilespmem:s28+$0x1C0]  }
0x752: {  	[tilespmem:v27+s17+$0x0] =	vst.idx.msk $0xffff, v26;
	v27 =	vld [tilespmem:$0x1FD10]  }
0x753: {  	[tilespmem:v24+s17+$0x0] =	vst.idx.msk $0xffff, v18;
	v18 =	vld [tilespmem:s28+$0xFFFFE190];
	v24 =	vadd.s32 v55, v13  }
0x754: {  	v26 =	vld [tilespmem:s28+$0xFFFFE060];
	v29 =	vadd.s32 v29, v10  }
0x755: {  	v25 =	vadd.s32 v25, v16;
	v21 =	vld [tilespmem:s28+$0xFFFFE0A0]  }
0x756: {  	v22 =	vld [tilespmem:s28+$0xFFFFE0E0];
	[tilespmem:v20+s17+$0x0] =	vst.idx.msk $0xffff, v19  }
0x757: {  	v23 =	vadd.s32 v23, v12;
	v19 =	vld [tilespmem:s28+$0x1D0]  }
0x758: {  	v27 =	vadd.s32 v27, v15;
	[tilespmem:v24+s17+$0x0] =	vst.idx.msk $0xffff, v18;
	v18 =	vld [tilespmem:s28+$0xFFFFE120]  }
0x759: {  	v20 =	vadd.s32 v4, v17;
	[tilespmem:v29+s17+$0x0] =	vst.idx.msk $0xffff, v28;
	v28 =	vld [tilespmem:s28+$0xFFFFE1A0]  }
0x75a: {  	v24 =	vadd.s32 v35, v11;
	[tilespmem:v25+s17+$0x0] =	vst.idx.msk $0xffff, v21;
	v21 =	vld [tilespmem:s28+$0xFFFFE020]  }
0x75b: {  	v25 =	vld [tilespmem:$0x1FCA0]  }
0x75c: {  	v29 =	vadd.s32 v63, v13;
	[tilespmem:v23+s17+$0x0] =	vst.idx.msk $0xffff, v22;
	v23 =	vld [tilespmem:$0x1FD20]  }
0x75d: {  	[tilespmem:v27+s17+$0x0] =	vst.idx.msk $0xffff, v26;
	v26 =	vld [tilespmem:s28+$0xFFFFE160];
	v27 =	vadd.s32 v42, v14  }
0x75e: {  	v22 =	vld [tilespmem:s28+$0xFFFFE070];
	[tilespmem:v20+s17+$0x0] =	vst.idx.msk $0xffff, v19  }
0x75f: {  	[tilespmem:v24+s17+$0x0] =	vst.idx.msk $0xffff, v18;
	v24 =	vld [tilespmem:$0x1FD90]  }
0x760: {  	v19 =	vld [tilespmem:s28+$0x1E0];
	v25 =	vadd.s32 v25, v10  }
0x761: {  	v20 =	vadd.s32 v54, v17;
	[tilespmem:v29+s17+$0x0] =	vst.idx.msk $0xffff, v28;
	v28 =	vld [tilespmem:s28+$0xFFFFE130]  }
0x762: {  	v29 =	vadd.s32 v52, v11;
	[tilespmem:v27+s17+$0x0] =	vst.idx.msk $0xffff, v26;
	v27 =	vld [tilespmem:$0x1FE10]  }
0x763: {  	v18 =	vld [tilespmem:s28+$0xFFFFE0B0];
	v23 =	vadd.s32 v23, v15  }
0x764: {  	v26 =	vld [tilespmem:s28+$0xFFFFE0F0];
	v24 =	vadd.s32 v24, v16  }
0x765: {  	[tilespmem:v25+s17+$0x0] =	vst.idx.msk $0xffff, v21;
	v21 =	vld [tilespmem:s28+$0xFFFFE170]  }
0x766: {  	[tilespmem:v20+s17+$0x0] =	vst.idx.msk $0xffff, v19;
	v25 =	vld [tilespmem:$0x1FCB0]  }
0x767: {  	[tilespmem:v29+s17+$0x0] =	vst.idx.msk $0xffff, v28;
	v29 =	vld [tilespmem:$0x1FDA0];
	v27 =	vadd.s32 v27, v12  }
0x768: {  	[tilespmem:v23+s17+$0x0] =	vst.idx.msk $0xffff, v22;
	v22 =	vadd.s32 v57, v14;
	v19 =	vld [tilespmem:s28+$0x1F0]  }
0x769: {  	[tilespmem:v24+s17+$0x0] =	vst.idx.msk $0xffff, v18;
	v18 =	vld [tilespmem:s28+$0xFFFFE1B0]  }
0x76a: {  	v23 =	vadd.s32 v5, v13;
	v24 =	vld [tilespmem:s28+$0xFFFFE030]  }
0x76b: {  	v25 =	vadd.s32 v25, v10;
	v28 =	vld [tilespmem:s28+$0x80]  }
0x76c: {  	v29 =	vadd.s32 v29, v16;
	[tilespmem:v27+s17+$0x0] =	vst.idx.msk $0xffff, v26;
	v27 =	vld [tilespmem:$0x1FD30]  }
0x76d: {  	[tilespmem:v22+s17+$0x0] =	vst.idx.msk $0xffff, v21;
	v22 =	vadd.s32 v61, v12;
	v21 =	vld [tilespmem:s28+$0xC0]  }
0x76e: {  	v26 =	vld [tilespmem:s28+$0x40]  }
0x76f: {  	[tilespmem:v23+s17+$0x0] =	vst.idx.msk $0xffff, v18;
	v18 =	vld [tilespmem:s28+$0x100];
	v23 =	vadd.s32 v50, v11  }
0x770: {  	[tilespmem:v25+s17+$0x0] =	vst.idx.msk $0xffff, v24;
	v24 =	vld [tilespmem:s28+$0x140];
	v25 =	vadd.s32 v49, v14  }
0x771: {  	[tilespmem:v29+s17+$0x0] =	vst.idx.msk $0xffff, v28;
	v29 =	vld [tilespmem:$0x1FCC0];
	v27 =	vadd.s32 v27, v15  }
0x772: {  	[tilespmem:v22+s17+$0x0] =	vst.idx.msk $0xffff, v21;
	v21 =	vld [tilespmem:$0x1FD40]  }
0x773: {  	v22 =	vld [tilespmem:$0x1FDB0]  }
0x774: {  	v28 =	vld [tilespmem:s28+$0x0];
	[tilespmem:v23+s17+$0x0] =	vst.idx.msk $0xffff, v18  }
0x775: {  	v23 =	vld [tilespmem:s28+$0xD0];
	[tilespmem:v25+s17+$0x0] =	vst.idx.msk $0xffff, v24;
	v24 =	vadd.s32 v0, v12  }
0x776: {  	[tilespmem:v27+s17+$0x0] =	vst.idx.msk $0xffff, v26;
	v26 =	vld [tilespmem:s28+$0x180];
	v27 =	vadd.s32 v8, v13  }
0x777: {  	v20 =	vld [tilespmem:s28+$0x50];
	v21 =	vadd.s32 v21, v15  }
0x778: {  	v18 =	vld [tilespmem:s28+$0x90];
	v22 =	vadd.s32 v22, v16  }
0x779: {  	v29 =	vadd.s32 v29, v10;
	v25 =	vld [tilespmem:s28+$0x110]  }
0x77a: {  	v17 =	vadd.s32 v53, v17;
	[tilespmem:v24+s17+$0x0] =	vst.idx.msk $0xffff, v23;
	v24 =	vld [tilespmem:$0x1FDC0]  }
0x77b: {  	v31 =	vld [tilespmem:s28+$0xE0];
	[tilespmem:v27+s17+$0x0] =	vst.idx.msk $0xffff, v26  }
0x77c: {  	v32 =	vadd.s32 v34, v12;
	[tilespmem:v21+s17+$0x0] =	vst.idx.msk $0xffff, v20;
	v21 =	vld [tilespmem:$0x1FCD0]  }
0x77d: {  	v26 =	vadd.s32 v43, v11;
	[tilespmem:v22+s17+$0x0] =	vst.idx.msk $0xffff, v18;
	v22 =	vld [tilespmem:$0x1FD50]  }
0x77e: {  	[tilespmem:v29+s17+$0x0] =	vst.idx.msk $0xffff, v28;
	v28 =	vadd.s32 v62, v14;
	v27 =	vld [tilespmem:s28+$0x150]  }
0x77f: {  	[tilespmem:v17+s17+$0x0] =	vst.idx.msk $0xffff, v19;
	v19 =	vadd.s32 v7, v13;
	v17 =	vld [tilespmem:s28+$0x190]  }
0x780: {  	v23 =	vld [tilespmem:s28+$0xA0];
	v30 =	vadd.s32 v24, v16  }
0x781: {  	v20 =	vld [tilespmem:s28+$0x10];
	[tilespmem:v32+s17+$0x0] =	vst.idx.msk $0xffff, v31;
	v21 =	vadd.s32 v21, v10  }
0x782: {  	v18 =	vld [tilespmem:s28+$0x60];
	[tilespmem:v26+s17+$0x0] =	vst.idx.msk $0xffff, v25;
	v22 =	vadd.s32 v22, v15  }
0x783: {  	v34 =	vadd.s32 v58, v11;
	[tilespmem:v28+s17+$0x0] =	vst.idx.msk $0xffff, v27;
	v33 =	vld [tilespmem:s28+$0x120]  }
0x784: {  	v32 =	vld [tilespmem:$0x1FDD0];
	[tilespmem:v19+s17+$0x0] =	vst.idx.msk $0xffff, v17  }
0x785: {  	p0 =	slt.u32 s0, $0x78;
	s24 =	sadd.s32 $0x2, s0;
	v17 =	vld [tilespmem:s28+$0x160];
	[tilespmem:v30+s17+$0x0] =	vst.idx.msk $0xffff, v23  }
.Ltmp10:
0x786: {  	s9 =	sadd.s32 $0x1, s0;
	v29 =	vmov s24;
	v24 =	vadd.s32 v45, v13;
	v31 =	vld [tilespmem:s28+$0xB0];
	[tilespmem:v21+s17+$0x0] =	vst.idx.msk $0xffff, v20;
	(pc) =	sbr.rel @p0 .LBB2_23-.Ltmp10, $4  }
0x787: {  	s29 =	sadd.s32 $0x4, s0;
	v26 =	vmov s9;
	v27 =	vadd.s32 v46, v10;
	v19 =	vmov s0;
	[tilespmem:v22+s17+$0x0] =	vst.idx.msk $0xffff, v18;
	v22 =	vld [tilespmem:s28+$0x1A0]  }
0x788: {  	s31 =	sadd.s32 $0x6, s0;
	v19 =	vshrl.u32 v19, $0x3;
	v23 =	vmov s29;
	v30 =	vadd.s32 v47, v15;
	[tilespmem:v34+s17+$0x0] =	vst.idx.msk $0xffff, v33;
	v34 =	vld [tilespmem:$0x1FE40]  }
0x789: {  	s7 =	sadd.s32 $0x3, s0;
	s30 =	sadd.s32 $0x5, s0;
	v15 =	vshll.u32 v19, v9;
	v19 =	vmov s31;
	v16 =	vadd.s32 v32, v16;
	v25 =	vld [tilespmem:s28+$0x20]  }
0x78a: {  	s2 =	sadd.s32 $0x7, s0;
	s0 =	sadd.s32 $0x8, s0;
	v20 =	vadd.s32 v40, v14;
	v21 =	vmov s7;
	v18 =	vmov s30;
	v28 =	vld [tilespmem:s28+$0x70]  }
0x78b: {  	_ =	sdelay $0x3  }
0x78c: {  	[tilespmem:v20+s17+$0x0] =	vst.idx.msk $0xffff, v17  }
0x78d: {  	v20 =	vld [tilespmem:s28+$0xF0];
	[tilespmem:v16+s17+$0x0] =	vst.idx.msk $0xffff, v31  }
0x78e: {  	v12 =	vadd.s32 v41, v12;
	[tilespmem:v24+s17+$0x0] =	vst.idx.msk $0xffff, v22;
	v24 =	vld [tilespmem:s28+$0x130]  }
0x78f: {  	v33 =	vshrl.u32 v29, $0x3;
	v29 =	vadd.s32 v59, v11;
	[tilespmem:v27+s17+$0x0] =	vst.idx.msk $0xffff, v25;
	v25 =	vld [tilespmem:s28+$0x170]  }
0x790: {  	v14 =	vadd.s32 v36, v14;
	v27 =	vld [tilespmem:s28+$0x1B0];
	[tilespmem:v30+s17+$0x0] =	vst.idx.msk $0xffff, v28  }
0x791: {  	v28 =	vadd.s32 v51, v13;
	v30 =	vld [tilespmem:$0x1FCE0]  }
0x792: {  	v32 =	vmov s2  }
0x793: {  	v17 =	vshrl.u32 v32, $0x3;
	[tilespmem:v12+s17+$0x0] =	vst.idx.msk $0xffff, v20  }
0x794: {  	v11 =	vshll.u32 v17, v9;
	[tilespmem:v29+s17+$0x0] =	vst.idx.msk $0xffff, v24  }
0x795: {  	v17 =	vbroadcast v11, $0x0;
	v11 =	vbroadcast v15, $0x0;
	v15 =	vld [tilespmem:s28+$0x30];
	[tilespmem:v14+s17+$0x0] =	vst.idx.msk $0xffff, v25  }
0x796: {  	v14 =	vld [tilespmem:$0x1FCF0];
	[tilespmem:v28+s17+$0x0] =	vst.idx.msk $0xffff, v27;
	v16 =	vadd.s32 v30, v10  }
0x797: {  	v0 =	vld [tilespmem:$0x1FD60];
	_ =	sdelay $0x1  }
0x798: {  	v33 =	vshll.u32 v33, v9  }
0x799: {  	v12 =	vbroadcast v33, $0x0  }
0x79a: {  	v26 =	vshrl.u32 v26, $0x3;
	[tilespmem:v16+s17+$0x0] =	vst.idx.msk $0xffff, v15  }
0x79b: {  	s0 =	sadd.s32 $0x200, s28;
	v26 =	vshll.u32 v26, v9;
	v27 =	vadd.s32 v0, v12;
	v0 =	vld [tilespmem:$0x1FDE0]  }
0x79c: {  	v21 =	vshrl.u32 v21, $0x3;
	v20 =	vld [tilespmem:s0+$0xFFFFE1C0];
	v22 =	vadd.s32 v2, v17;
	v10 =	vbroadcast v26, $0x0  }
0x79d: {  	v23 =	vshrl.u32 v23, $0x3;
	v32 =	vshll.u32 v21, v9;
	v24 =	vld [tilespmem:s0+$0xFFFFE000];
	v26 =	vadd.s32 v39, v11  }
0x79e: {  	v21 =	vld [tilespmem:s0+$0xFFFFE040];
	v13 =	vbroadcast v32, $0x0;
	v33 =	vshll.u32 v23, v9;
	v25 =	vadd.s32 v14, v10  }
0x79f: {  	v23 =	vld [tilespmem:s0+$0xFFFFE080];
	v14 =	vbroadcast v33, $0x0  }
0x7a0: {  	v18 =	vshrl.u32 v18, $0x3;
	v28 =	vld [tilespmem:s0+$0xFFFFE0C0];
	v29 =	vadd.s32 v0, v13  }
0x7a1: {  	v32 =	vshll.u32 v18, v9;
	v18 =	vld [tilespmem:s0+$0xFFFFE100];
	v33 =	vshrl.u32 v19, $0x3;
	[tilespmem:v22+s17+$0x0] =	vst.idx.msk $0xffff, v20;
	v19 =	vadd.s32 v38, v14  }
0x7a2: {  	[tilespmem:v26+s17+$0x0] =	vst.idx.msk $0xffff, v24;
	v38 =	vadd.s32 v37, v17;
	v20 =	vld [tilespmem:s0+$0xFFFFE1D0]  }
0x7a3: {  	[tilespmem:v25+s17+$0x0] =	vst.idx.msk $0xffff, v21  }
0x7a4: {  	[tilespmem:v27+s17+$0x0] =	vst.idx.msk $0xffff, v23  }
0x7a5: {  	[tilespmem:v29+s17+$0x0] =	vst.idx.msk $0xffff, v28  }
0x7a6: {  	v27 =	vld [tilespmem:$0x1FD00];
	[tilespmem:v19+s17+$0x0] =	vst.idx.msk $0xffff, v18  }
0x7a7: {  	v15 =	vbroadcast v32, $0x0;
	v16 =	vshll.u32 v33, v9;
	v19 =	vld [tilespmem:$0x1FD70];
	[tilespmem:v38+s17+$0x0] =	vst.idx.msk $0xffff, v20  }
0x7a8: {  	v16 =	vbroadcast v16, $0x0;
	v22 =	vld [tilespmem:$0x1FDF0]  }
0x7a9: {  	v24 =	vadd.s32 v60, v15;
	v21 =	vld [tilespmem:s0+$0xFFFFE140]  }
0x7aa: {  	v60 =	vadd.s32 v48, v16;
	v23 =	vld [tilespmem:s0+$0xFFFFE180]  }
0x7ab: {  	v32 =	vld [tilespmem:s0+$0xFFFFE050];
	v27 =	vadd.s32 v27, v10  }
0x7ac: {  	v37 =	vld [tilespmem:s0+$0xFFFFE090];
	v19 =	vadd.s32 v19, v12  }
0x7ad: {  	v38 =	vld [tilespmem:s0+$0xFFFFE0D0];
	v22 =	vadd.s32 v22, v13  }
0x7ae: {  	[tilespmem:v24+s17+$0x0] =	vst.idx.msk $0xffff, v21;
	v21 =	vld [tilespmem:s0+$0xFFFFE1E0];
	v24 =	vadd.s32 v6, v17  }
0x7af: {  	v33 =	vmov v48;
	v48 =	vadd.s32 v44, v14;
	[tilespmem:v60+s17+$0x0] =	vst.idx.msk $0xffff, v23;
	v23 =	vld [tilespmem:s0+$0xFFFFE110]  }
0x7b0: {  	v60 =	vadd.s32 v56, v15;
	v26 =	vld [tilespmem:s0+$0xFFFFE150];
	[tilespmem:v27+s17+$0x0] =	vst.idx.msk $0xffff, v32  }
0x7b1: {  	v18 =	vld [tilespmem:s0+$0xFFFFE190];
	[tilespmem:v19+s17+$0x0] =	vst.idx.msk $0xffff, v37;
	v37 =	vadd.s32 v55, v16  }
0x7b2: {  	[tilespmem:v22+s17+$0x0] =	vst.idx.msk $0xffff, v38  }
0x7b3: {  	v22 =	vld [tilespmem:$0x1FC90];
	[tilespmem:v24+s17+$0x0] =	vst.idx.msk $0xffff, v21  }
0x7b4: {  	v24 =	vld [tilespmem:$0x1FD10];
	[tilespmem:v48+s17+$0x0] =	vst.idx.msk $0xffff, v23  }
0x7b5: {  	[tilespmem:v60+s17+$0x0] =	vst.idx.msk $0xffff, v26  }
0x7b6: {  	v27 =	vld [tilespmem:$0x1FD80];
	[tilespmem:v37+s17+$0x0] =	vst.idx.msk $0xffff, v18  }
0x7b7: {  	v28 =	vmov v1;
	v19 =	vld [tilespmem:$0x1FE00]  }
0x7b8: {  	v32 =	vmov v55;
	v55 =	vadd.s32 v28, v17;
	v48 =	vld [tilespmem:s0+$0xFFFFE1F0]  }
0x7b9: {  	v38 =	vld [tilespmem:s0+$0xFFFFE010];
	v22 =	vadd.s32 v22, v11  }
0x7ba: {  	v44 =	vld [tilespmem:s0+$0xFFFFE060];
	v24 =	vadd.s32 v24, v10  }
0x7bb: {  	v60 =	vld [tilespmem:s0+$0xFFFFE0A0];
	v27 =	vadd.s32 v27, v12  }
0x7bc: {  	v18 =	vld [tilespmem:s0+$0xFFFFE0E0];
	v19 =	vadd.s32 v19, v13  }
0x7bd: {  	v20 =	vld [tilespmem:s0+$0xFFFFE120];
	v37 =	vadd.s32 v35, v14;
	[tilespmem:v55+s17+$0x0] =	vst.idx.msk $0xffff, v48  }
0x7be: {  	v21 =	vld [tilespmem:s0+$0xFFFFE160];
	[tilespmem:v22+s17+$0x0] =	vst.idx.msk $0xffff, v38;
	v38 =	vadd.s32 v42, v15  }
0x7bf: {  	v48 =	vld [tilespmem:s0+$0xFFFFE1A0];
	v55 =	vadd.s32 v63, v16;
	[tilespmem:v24+s17+$0x0] =	vst.idx.msk $0xffff, v44  }
0x7c0: {  	[tilespmem:v27+s17+$0x0] =	vst.idx.msk $0xffff, v60  }
0x7c1: {  	[tilespmem:v19+s17+$0x0] =	vst.idx.msk $0xffff, v18  }
0x7c2: {  	v19 =	vld [tilespmem:$0x1FCA0];
	[tilespmem:v37+s17+$0x0] =	vst.idx.msk $0xffff, v20  }
0x7c3: {  	v22 =	vld [tilespmem:$0x1FD20];
	[tilespmem:v38+s17+$0x0] =	vst.idx.msk $0xffff, v21  }
0x7c4: {  	v24 =	vld [tilespmem:$0x1FD90];
	[tilespmem:v55+s17+$0x0] =	vst.idx.msk $0xffff, v48  }
0x7c5: {  	v25 =	vld [tilespmem:$0x1FE10]  }
0x7c6: {  	v44 =	vmov v63;
	v63 =	vadd.s32 v3, v17;
	v60 =	vld [tilespmem:s0+$0x1C0]  }
0x7c7: {  	v35 =	vld [tilespmem:s0+$0xFFFFE020];
	v19 =	vadd.s32 v19, v11  }
0x7c8: {  	v37 =	vld [tilespmem:s0+$0xFFFFE070];
	v22 =	vadd.s32 v22, v10  }
0x7c9: {  	v38 =	vld [tilespmem:s0+$0xFFFFE0B0];
	v24 =	vadd.s32 v24, v12  }
0x7ca: {  	v42 =	vld [tilespmem:s0+$0xFFFFE0F0];
	v25 =	vadd.s32 v25, v13  }
0x7cb: {  	v52 =	vadd.s32 v52, v14;
	v48 =	vld [tilespmem:s0+$0xFFFFE130];
	[tilespmem:v63+s17+$0x0] =	vst.idx.msk $0xffff, v60  }
0x7cc: {  	v60 =	vadd.s32 v4, v17;
	v55 =	vld [tilespmem:s0+$0x1D0];
	[tilespmem:v19+s17+$0x0] =	vst.idx.msk $0xffff, v35  }
0x7cd: {  	[tilespmem:v22+s17+$0x0] =	vst.idx.msk $0xffff, v37  }
0x7ce: {  	[tilespmem:v24+s17+$0x0] =	vst.idx.msk $0xffff, v38  }
0x7cf: {  	v63 =	vld [tilespmem:s0+$0xFFFFE170];
	[tilespmem:v25+s17+$0x0] =	vst.idx.msk $0xffff, v42  }
0x7d0: {  	v25 =	vld [tilespmem:$0x1FCB0];
	[tilespmem:v52+s17+$0x0] =	vst.idx.msk $0xffff, v48  }
0x7d1: {  	v27 =	vld [tilespmem:$0x1FD30];
	[tilespmem:v60+s17+$0x0] =	vst.idx.msk $0xffff, v55  }
0x7d2: {  	v0 =	vmov v5;
	v35 =	vadd.s32 v57, v15;
	v19 =	vld [tilespmem:$0x1FDA0]  }
0x7d3: {  	v37 =	vld [tilespmem:s0+$0xFFFFE1B0];
	v38 =	vadd.s32 v0, v16  }
0x7d4: {  	v31 =	vmov v54;
	v54 =	vadd.s32 v54, v17;
	v20 =	vld [tilespmem:s0+$0x1E0]  }
0x7d5: {  	v42 =	vld [tilespmem:s0+$0xFFFFE030];
	v25 =	vadd.s32 v25, v11  }
0x7d6: {  	v48 =	vld [tilespmem:s0+$0x40];
	v27 =	vadd.s32 v27, v10  }
0x7d7: {  	v52 =	vld [tilespmem:s0+$0x80];
	[tilespmem:v35+s17+$0x0] =	vst.idx.msk $0xffff, v63;
	v19 =	vadd.s32 v19, v12  }
0x7d8: {  	v55 =	vld [tilespmem:s0+$0xC0];
	v60 =	vadd.s32 v61, v13;
	[tilespmem:v38+s17+$0x0] =	vst.idx.msk $0xffff, v37  }
0x7d9: {  	v63 =	vld [tilespmem:s0+$0x100];
	v35 =	vadd.s32 v50, v14;
	[tilespmem:v54+s17+$0x0] =	vst.idx.msk $0xffff, v20  }
0x7da: {  	v37 =	vld [tilespmem:s0+$0x140];
	v38 =	vadd.s32 v49, v15;
	[tilespmem:v25+s17+$0x0] =	vst.idx.msk $0xffff, v42  }
0x7db: {  	[tilespmem:v27+s17+$0x0] =	vst.idx.msk $0xffff, v48  }
0x7dc: {  	v42 =	vld [tilespmem:s0+$0x180];
	[tilespmem:v19+s17+$0x0] =	vst.idx.msk $0xffff, v52;
	v52 =	vadd.s32 v8, v16  }
0x7dd: {  	v22 =	vld [tilespmem:$0x1FCC0];
	[tilespmem:v60+s17+$0x0] =	vst.idx.msk $0xffff, v55  }
0x7de: {  	[tilespmem:v35+s17+$0x0] =	vst.idx.msk $0xffff, v63  }
0x7df: {  	v24 =	vld [tilespmem:$0x1FD40];
	[tilespmem:v38+s17+$0x0] =	vst.idx.msk $0xffff, v37  }
0x7e0: {  	v26 =	vld [tilespmem:$0x1FDB0]  }
0x7e1: {  	v55 =	vld [tilespmem:s0+$0x1F0];
	[tilespmem:v52+s17+$0x0] =	vst.idx.msk $0xffff, v42  }
0x7e2: {  	v5 =	vmov v3;
	v3 =	vmov v0;
	v17 =	vadd.s32 v53, v17;
	v0 =	vld [tilespmem:$0x1FE30]  }
0x7e3: {  	v54 =	vld [tilespmem:s0+$0x0];
	v22 =	vadd.s32 v22, v11  }
0x7e4: {  	v60 =	vld [tilespmem:s0+$0x50];
	v24 =	vadd.s32 v24, v10  }
0x7e5: {  	v63 =	vld [tilespmem:s0+$0x90];
	v26 =	vadd.s32 v26, v12;
	_ =	sdelay $0x1  }
0x7e6: {  	v35 =	vld [tilespmem:s0+$0xD0];
	[tilespmem:v17+s17+$0x0] =	vst.idx.msk $0xffff, v55;
	v37 =	vadd.s32 v0, v13  }
0x7e7: {  	v38 =	vld [tilespmem:s0+$0x110];
	v42 =	vadd.s32 v43, v14;
	[tilespmem:v22+s17+$0x0] =	vst.idx.msk $0xffff, v54  }
0x7e8: {  	[tilespmem:v24+s17+$0x0] =	vst.idx.msk $0xffff, v60  }
0x7e9: {  	v43 =	vld [tilespmem:s0+$0x150];
	[tilespmem:v26+s17+$0x0] =	vst.idx.msk $0xffff, v63  }
0x7ea: {  	v26 =	vld [tilespmem:$0x1FCD0]  }
0x7eb: {  	v50 =	vld [tilespmem:s0+$0x190];
	[tilespmem:v37+s17+$0x0] =	vst.idx.msk $0xffff, v35  }
0x7ec: {  	v48 =	vadd.s32 v62, v15;
	v19 =	vld [tilespmem:$0x1FD50];
	[tilespmem:v42+s17+$0x0] =	vst.idx.msk $0xffff, v38  }
0x7ed: {  	v52 =	vadd.s32 v7, v16;
	v22 =	vld [tilespmem:$0x1FDC0]  }
0x7ee: {  	v63 =	vadd.s32 v34, v13;
	v60 =	vld [tilespmem:s0+$0xE0]  }
0x7ef: {  	v53 =	vld [tilespmem:s0+$0x10];
	v26 =	vadd.s32 v26, v11  }
0x7f0: {  	v37 =	vadd.s32 v58, v14;
	v35 =	vld [tilespmem:s0+$0x120]  }
0x7f1: {  	v54 =	vld [tilespmem:s0+$0x60];
	[tilespmem:v48+s17+$0x0] =	vst.idx.msk $0xffff, v43;
	v19 =	vadd.s32 v19, v10  }
0x7f2: {  	v55 =	vld [tilespmem:s0+$0xA0];
	[tilespmem:v52+s17+$0x0] =	vst.idx.msk $0xffff, v50;
	v22 =	vadd.s32 v22, v12  }
0x7f3: {  	v38 =	vld [tilespmem:s0+$0x160];
	[tilespmem:v63+s17+$0x0] =	vst.idx.msk $0xffff, v60  }
0x7f4: {  	v42 =	vadd.s32 v40, v15;
	v43 =	vld [tilespmem:s0+$0x1A0];
	[tilespmem:v26+s17+$0x0] =	vst.idx.msk $0xffff, v53  }
0x7f5: {  	v52 =	vadd.s32 v46, v11;
	[tilespmem:v37+s17+$0x0] =	vst.idx.msk $0xffff, v35;
	v50 =	vld [tilespmem:s0+$0x20]  }
0x7f6: {  	v48 =	vadd.s32 v45, v16;
	v58 =	vld [tilespmem:s0+$0x130];
	[tilespmem:v19+s17+$0x0] =	vst.idx.msk $0xffff, v54  }
0x7f7: {  	v10 =	vadd.s32 v47, v10;
	[tilespmem:v22+s17+$0x0] =	vst.idx.msk $0xffff, v55;
	v53 =	vld [tilespmem:s0+$0x70]  }
0x7f8: {  	v14 =	vadd.s32 v59, v14;
	v23 =	vld [tilespmem:$0x1FDD0]  }
0x7f9: {  	v13 =	vadd.s32 v41, v13;
	v55 =	vld [tilespmem:s0+$0xF0];
	[tilespmem:v42+s17+$0x0] =	vst.idx.msk $0xffff, v38  }
0x7fa: {  	v15 =	vadd.s32 v36, v15;
	[tilespmem:v52+s17+$0x0] =	vst.idx.msk $0xffff, v50;
	v60 =	vld [tilespmem:s0+$0x170]  }
0x7fb: {  	v11 =	vadd.s32 v30, v11;
	[tilespmem:v48+s17+$0x0] =	vst.idx.msk $0xffff, v43;
	v63 =	vld [tilespmem:s0+$0x30]  }
0x7fc: {  	v16 =	vadd.s32 v51, v16;
	[tilespmem:v10+s17+$0x0] =	vst.idx.msk $0xffff, v53;
	v10 =	vld [tilespmem:s0+$0x1B0]  }
0x7fd: {  	v54 =	vld [tilespmem:s0+$0xB0];
	[tilespmem:v14+s17+$0x0] =	vst.idx.msk $0xffff, v58;
	v12 =	vadd.s32 v23, v12  }
0x7fe: {  	[tilespmem:v13+s17+$0x0] =	vst.idx.msk $0xffff, v55  }
0x7ff: {  	[tilespmem:v15+s17+$0x0] =	vst.idx.msk $0xffff, v60  }
0x800: {  	[tilespmem:v11+s17+$0x0] =	vst.idx.msk $0xffff, v63  }
0x801: {  	s30 =	sor.u32 $0x1880000, s26;
	[tilespmem:v16+s17+$0x0] =	vst.idx.msk $0xffff, v10  }
0x802: {  	s31 =	simm.s32 $0x14800;
	s24 =	sadd.s32 s1, s30;
	[tilespmem:v12+s17+$0x0] =	vst.idx.msk $0xffff, v54  }
0x803: {  	[hbm4b:s24+s3] =	stream.linear.scatter [tilespmem:s31], [sflag:$0x4], $0x80, $0x38;
	[tilespmem:$0x1D000] =	vst v63  }
0x804: {  	s2 =	simm.s32 $0x14888;
	s7 =	sadd.s32 $0x10, s24  }
0x805: {  	[hbm4b:s7+s3] =	stream.linear.scatter [tilespmem:s2], [sflag:$0x4], $0x80, $0x38;
	[tilespmem:$0x1D000] =	vst v63  }
0x806: {  	s9 =	simm.s32 $0x14910;
	s30 =	simm.s32 $0x14998;
	s29 =	sadd.s32 $0x20, s24  }
0x807: {  	[hbm4b:s29+s3] =	stream.linear.scatter [tilespmem:s9], [sflag:$0x4], $0x80, $0x38;
	[tilespmem:$0x1D000] =	vst v63  }
0x808: {  	s28 =	sadd.s32 $0x4000, s24;
	s0 =	simm.s32 $0x440;
	s31 =	sadd.s32 $0x30, s24  }
0x809: {  	[hbm4b:s31+s3] =	stream.linear.scatter [tilespmem:s30], [sflag:$0x4], $0x80, $0x38;
	[tilespmem:$0x1D000] =	vst v63  }
0x80a: {  	s2 =	simm.s32 $0x14A20;
	s7 =	sadd.s32 $0x40, s24;
	s9 =	simm.s32 $0x14AA8  }
0x80b: {  	[hbm4b:s7+s3] =	stream.linear.scatter [tilespmem:s2], [sflag:$0x4], $0x80, $0x38;
	[tilespmem:$0x1D000] =	vst v63  }
0x80c: {  	s29 =	sadd.s32 $0x50, s24;
	s30 =	simm.s32 $0x14B30;
	s31 =	sadd.s32 $0x60, s24  }
0x80d: {  	[hbm4b:s29+s3] =	stream.linear.scatter [tilespmem:s9], [sflag:$0x4], $0x80, $0x38;
	[tilespmem:$0x1D000] =	vst v63  }
0x80e: {  	v1 =	vmov v6;
	v6 =	vmov v7;
	s2 =	simm.s32 $0x2200;
	s7 =	simm.s32 $0x14BB8;
	s9 =	sadd.s32 $0x70, s24  }
0x80f: {  	v49 =	vmovc v8;
	v8 =	vmovc v46;
	v59 =	vmov v62;
	v38 =	vmov v56;
	v42 =	vmov v57;
	[hbm4b:s31+s3] =	stream.linear.scatter [tilespmem:s30], [sflag:$0x4], $0x80, $0x38;
	[tilespmem:$0x1D000] =	vst v63  }
.LBB2_25:
0x810: {  	[hbm4b:s9+s3] =	stream.linear.scatter [tilespmem:s7], [sflag:$0x4], $0x80, $0x38;
	[tilespmem:$0x1D000] =	vst v63  }
0x811: {  	s7 =	smov.u32 s0;
	s0 =	smov.u32 s2  }
0x812: {  	s24 =	sadd.s32 $0x1100, s2;
	s0 =	sshra.s32 s0, $0x2;
	s9 =	sadd.s32 $0x14800, s7  }
0x813: {  	[hbm4b:s28+s3] =	stream.linear.scatter [tilespmem:s9], [sflag:$0x4], $0x80, $0x38;
	[tilespmem:$0x1D000] =	vst v63  }
0x814: {  	p0 =	sne.s32 s2, $0xFF00;
	s2 =	sadd.s32 $0x14888, s7;
	s9 =	sadd.s32 $0x10, s28  }
0x815: {  	[hbm4b:s9+s3] =	stream.linear.scatter [tilespmem:s2], [sflag:$0x4], $0x80, $0x38;
	[tilespmem:$0x1D000] =	vst v63  }
0x816: {  	s2 =	sadd.s32 $0x14910, s7;
	s9 =	sadd.s32 $0x20, s28  }
0x817: {  	[hbm4b:s9+s3] =	stream.linear.scatter [tilespmem:s2], [sflag:$0x4], $0x80, $0x38;
	[tilespmem:$0x1D000] =	vst v63  }
0x818: {  	s2 =	sadd.s32 $0x14998, s7;
	s9 =	sadd.s32 $0x30, s28  }
0x819: {  	[hbm4b:s9+s3] =	stream.linear.scatter [tilespmem:s2], [sflag:$0x4], $0x80, $0x38;
	[tilespmem:$0x1D000] =	vst v63  }
0x81a: {  	s2 =	sadd.s32 $0x14A20, s7;
	s9 =	sadd.s32 $0x40, s28  }
0x81b: {  	[hbm4b:s9+s3] =	stream.linear.scatter [tilespmem:s2], [sflag:$0x4], $0x80, $0x38;
	[tilespmem:$0x1D000] =	vst v63  }
.Ltmp11:
0x81c: {  	s2 =	sadd.s32 $0x14AA8, s7;
	s9 =	sadd.s32 $0x50, s28;
	(pc) =	sbr.rel @p0 .LBB2_25-.Ltmp11, $4  }
0x81d: {  	[hbm4b:s9+s3] =	stream.linear.scatter [tilespmem:s2], [sflag:$0x4], $0x80, $0x38;
	[tilespmem:$0x1D000] =	vst v63  }
0x81e: {  	s2 =	sadd.s32 $0x14B30, s7;
	s9 =	sadd.s32 $0x60, s28;
	s7 =	sadd.s32 $0x14BB8, s7  }
0x81f: {  	[hbm4b:s9+s3] =	stream.linear.scatter [tilespmem:s2], [sflag:$0x4], $0x80, $0x38;
	[tilespmem:$0x1D000] =	vst v63  }
0x820: {  	s9 =	sadd.s32 $0x70, s28;
	s28 =	sadd.s32 $0x4000, s28;
	s2 =	smov.u32 s24  }
0x821: {  	[hbm4b:s9+s3] =	stream.linear.scatter [tilespmem:s7], [sflag:$0x4], $0x80, $0x38;
	[tilespmem:$0x1D000] =	vst v63  }
0x822: {  	s2 =	sadd.s32 $0x14800, s0  }
0x823: {  	[hbm4b:s28+s3] =	stream.linear.scatter [tilespmem:s2], [sflag:$0x4], $0x80, $0x38;
	[tilespmem:$0x1D000] =	vst v63  }
0x824: {  	s24 =	sadd.s32 $0x14888, s0;
	s29 =	sadd.s32 $0x10, s28  }
0x825: {  	[hbm4b:s29+s3] =	stream.linear.scatter [tilespmem:s24], [sflag:$0x4], $0x80, $0x38;
	[tilespmem:$0x1D000] =	vst v63  }
0x826: {  	s30 =	sadd.s32 $0x14910, s0;
	s31 =	sadd.s32 $0x20, s28  }
0x827: {  	[hbm4b:s31+s3] =	stream.linear.scatter [tilespmem:s30], [sflag:$0x4], $0x80, $0x38;
	[tilespmem:$0x1D000] =	vst v63  }
0x828: {  	s7 =	sadd.s32 $0x14998, s0;
	s9 =	sadd.s32 $0x30, s28  }
0x829: {  	[hbm4b:s9+s3] =	stream.linear.scatter [tilespmem:s7], [sflag:$0x4], $0x80, $0x38;
	[tilespmem:$0x1D000] =	vst v63  }
0x82a: {  	s24 =	sadd.s32 $0x14A20, s0;
	s29 =	sadd.s32 $0x40, s28  }
0x82b: {  	[hbm4b:s29+s3] =	stream.linear.scatter [tilespmem:s24], [sflag:$0x4], $0x80, $0x38;
	[tilespmem:$0x1D000] =	vst v63  }
0x82c: {  	s30 =	sadd.s32 $0x14AA8, s0;
	s31 =	sadd.s32 $0x50, s28  }
0x82d: {  	[hbm4b:s31+s3] =	stream.linear.scatter [tilespmem:s30], [sflag:$0x4], $0x80, $0x38;
	[tilespmem:$0x1D000] =	vst v63  }
0x82e: {  	s9 =	sadd.s32 $0x14B30, s0;
	s24 =	sadd.s32 $0x60, s28  }
0x82f: {  	[hbm4b:s24+s3] =	stream.linear.scatter [tilespmem:s9], [sflag:$0x4], $0x80, $0x38;
	[tilespmem:$0x1D000] =	vst v63  }
0x830: {  	s29 =	sadd.s32 $0x14BB8, s0;
	s30 =	sadd.s32 $0x70, s28  }
0x831: {  	[hbm4b:s30+s3] =	stream.linear.scatter [tilespmem:s29], [sflag:$0x4], $0x80, $0x38;
	[tilespmem:$0x1D000] =	vst v63  }
0x832: {  	s2 =	simm.s32 $0x1;
	_ =	swait.ge [sflag:s18], $0x4000  }
0x833: {  	v11 =	vmov s2;
	[sflag:s18] =	ssyncset.done $0x0  }
0x834: {  	v11 =	vshrl.u32 v11, $0x3;
	[sflag:s18] =	ssyncadd.s32 $0xFFFFC000  }
0x835: {  	v11 =	vshll.u32 v11, v9;
	s7 =	simm.s32 $0x2;
	s31 =	simm.s32 $0x0;
	_ =	swait.ge [sflag:s22], $0x4000  }
0x836: {  	v16 =	vbroadcast v11, $0x0;
	v12 =	vmov s7;
	v10 =	vmov s31;
	s29 =	simm.s32 $0x7;
	v2 =	vld [tilespmem:$0x1FBE0]  }
0x837: {  	v12 =	vshrl.u32 v12, $0x3;
	v10 =	vshrl.u32 v10, $0x3;
	v15 =	vmov s29;
	v0 =	vld [tilespmem:$0x1FD60]  }
0x838: {  	v11 =	vshll.u32 v12, v9;
	v10 =	vshll.u32 v10, v9;
	v15 =	vshrl.u32 v15, $0x3;
	[sflag:s22] =	ssyncset.done $0x0;
	v12 =	vld [tilespmem:$0x1FCF0]  }
0x839: {  	s28 =	simm.s32 $0x12800;
	v10 =	vbroadcast v10, $0x0;
	v15 =	vshll.u32 v15, v9;
	v62 =	vld [tilespmem:$0x1FEF0];
	[sflag:s22] =	ssyncadd.s32 $0xFFFFC000  }
0x83a: {  	v36 =	vbroadcast v11, $0x0;
	v17 =	vbroadcast v15, $0x0;
	v15 =	vld [tilespmem:s28+$0xFFFFE1C0]  }
0x83b: {  	s9 =	simm.s32 $0x3;
	v22 =	vadd.s32 v39, v10;
	v21 =	vld [tilespmem:s28+$0xFFFFE000]  }
0x83c: {  	s24 =	simm.s32 $0x4;
	v13 =	vmov s9;
	v20 =	vadd.s32 v2, v17;
	v26 =	vadd.s32 v0, v36;
	v0 =	vld [tilespmem:$0x1FDE0]  }
0x83d: {  	v14 =	vmov s24;
	v13 =	vshrl.u32 v13, $0x3;
	v23 =	vld [tilespmem:s28+$0xFFFFE040];
	v24 =	vadd.s32 v12, v16  }
0x83e: {  	s30 =	simm.s32 $0x5;
	v14 =	vshrl.u32 v14, $0x3;
	v11 =	vshll.u32 v13, v9  }
0x83f: {  	v18 =	vmov s30;
	v25 =	vld [tilespmem:s28+$0xFFFFE080];
	v12 =	vbroadcast v11, $0x0;
	v11 =	vshll.u32 v14, v9  }
0x840: {  	v13 =	vshrl.u32 v18, $0x3;
	v18 =	vld [tilespmem:s28+$0xFFFFE0C0];
	v11 =	vbroadcast v11, $0x0;
	[tilespmem:v22+s20+$0x0] =	vst.idx.msk $0xffff, v21  }
0x841: {  	v28 =	vld [tilespmem:s28+$0xFFFFE100];
	v27 =	vadd.s32 v0, v12;
	[tilespmem:v20+s20+$0x0] =	vst.idx.msk $0xffff, v15  }
0x842: {  	v29 =	vadd.s32 v62, v11;
	v51 =	vld [tilespmem:$0x1FBB0];
	[tilespmem:v24+s20+$0x0] =	vst.idx.msk $0xffff, v23  }
0x843: {  	v57 =	vld [tilespmem:$0x1FF60]  }
0x844: {  	s31 =	simm.s32 $0x6;
	v20 =	vld [tilespmem:s28+$0xFFFFE140]  }
0x845: {  	v19 =	vmov s31;
	v13 =	vshll.u32 v13, v9;
	v15 =	vld [tilespmem:s28+$0xFFFFE1D0];
	[tilespmem:v26+s20+$0x0] =	vst.idx.msk $0xffff, v25  }
0x846: {  	v19 =	vshrl.u32 v19, $0x3;
	v14 =	vbroadcast v13, $0x0;
	v25 =	vld [tilespmem:$0x1FD00];
	[tilespmem:v27+s20+$0x0] =	vst.idx.msk $0xffff, v18  }
0x847: {  	v13 =	vshll.u32 v19, v9;
	v19 =	vadd.s32 v51, v17;
	v26 =	vld [tilespmem:$0x1FD70];
	[tilespmem:v29+s20+$0x0] =	vst.idx.msk $0xffff, v28  }
0x848: {  	v13 =	vbroadcast v13, $0x0;
	v21 =	vadd.s32 v57, v14;
	v28 =	vld [tilespmem:$0x1FDF0];
	_ =	sdelay $0x1  }
0x849: {  	v22 =	vld [tilespmem:s28+$0xFFFFE180];
	v23 =	vadd.s32 v33, v13  }
0x84a: {  	v24 =	vld [tilespmem:s28+$0xFFFFE050];
	v25 =	vadd.s32 v25, v16  }
0x84b: {  	v18 =	vld [tilespmem:s28+$0xFFFFE090];
	v26 =	vadd.s32 v26, v36;
	[tilespmem:v19+s20+$0x0] =	vst.idx.msk $0xffff, v15  }
0x84c: {  	v27 =	vld [tilespmem:s28+$0xFFFFE0D0];
	v28 =	vadd.s32 v28, v12;
	[tilespmem:v21+s20+$0x0] =	vst.idx.msk $0xffff, v20  }
0x84d: {  	v0 =	vld [tilespmem:$0x1FF00]  }
0x84e: {  	[tilespmem:v23+s20+$0x0] =	vst.idx.msk $0xffff, v22  }
0x84f: {  	v15 =	vld [tilespmem:s28+$0xFFFFE1E0];
	[tilespmem:v25+s20+$0x0] =	vst.idx.msk $0xffff, v24  }
0x850: {  	v20 =	vld [tilespmem:s28+$0xFFFFE110];
	[tilespmem:v26+s20+$0x0] =	vst.idx.msk $0xffff, v18  }
0x851: {  	v19 =	vadd.s32 v1, v17;
	v26 =	vld [tilespmem:$0x1FC90];
	[tilespmem:v28+s20+$0x0] =	vst.idx.msk $0xffff, v27  }
0x852: {  	v21 =	vadd.s32 v0, v11;
	v28 =	vld [tilespmem:$0x1FD10];
	_ =	sdelay $0x1  }
0x853: {  	v22 =	vld [tilespmem:s28+$0xFFFFE150];
	v23 =	vadd.s32 v38, v14  }
0x854: {  	v24 =	vadd.s32 v32, v13;
	v18 =	vld [tilespmem:s28+$0xFFFFE190]  }
0x855: {  	v25 =	vld [tilespmem:s28+$0xFFFFE010];
	[tilespmem:v19+s20+$0x0] =	vst.idx.msk $0xffff, v15;
	v26 =	vadd.s32 v26, v10  }
0x856: {  	v27 =	vld [tilespmem:s28+$0xFFFFE060];
	v28 =	vadd.s32 v28, v16;
	[tilespmem:v21+s20+$0x0] =	vst.idx.msk $0xffff, v20  }
0x857: {  	v4 =	vld [tilespmem:$0x1FBD0]  }
0x858: {  	v21 =	vld [tilespmem:$0x1FD80];
	[tilespmem:v23+s20+$0x0] =	vst.idx.msk $0xffff, v22  }
0x859: {  	v23 =	vld [tilespmem:$0x1FE00];
	[tilespmem:v24+s20+$0x0] =	vst.idx.msk $0xffff, v18  }
0x85a: {  	[tilespmem:v26+s20+$0x0] =	vst.idx.msk $0xffff, v25  }
0x85b: {  	v35 =	vld [tilespmem:$0x1FF10];
	[tilespmem:v28+s20+$0x0] =	vst.idx.msk $0xffff, v27  }
0x85c: {  	v37 =	vmov v0;
	v0 =	vld [tilespmem:$0x1FF70]  }
0x85d: {  	v15 =	vld [tilespmem:s28+$0xFFFFE1F0];
	v19 =	vadd.s32 v4, v17  }
0x85e: {  	v20 =	vld [tilespmem:s28+$0xFFFFE0A0];
	v21 =	vadd.s32 v21, v36  }
0x85f: {  	v22 =	vld [tilespmem:s28+$0xFFFFE0E0];
	v23 =	vadd.s32 v23, v12  }
0x860: {  	v18 =	vld [tilespmem:s28+$0xFFFFE120];
	v24 =	vadd.s32 v35, v11  }
0x861: {  	v25 =	vld [tilespmem:s28+$0xFFFFE160];
	v26 =	vadd.s32 v0, v14  }
0x862: {  	[tilespmem:v19+s20+$0x0] =	vst.idx.msk $0xffff, v15  }
0x863: {  	v27 =	vld [tilespmem:s28+$0xFFFFE1A0];
	[tilespmem:v21+s20+$0x0] =	vst.idx.msk $0xffff, v20  }
0x864: {  	v21 =	vld [tilespmem:$0x1FCA0];
	[tilespmem:v23+s20+$0x0] =	vst.idx.msk $0xffff, v22  }
0x865: {  	v23 =	vld [tilespmem:$0x1FD20];
	[tilespmem:v24+s20+$0x0] =	vst.idx.msk $0xffff, v18  }
0x866: {  	v24 =	vld [tilespmem:$0x1FD90];
	[tilespmem:v26+s20+$0x0] =	vst.idx.msk $0xffff, v25  }
0x867: {  	v28 =	vadd.s32 v44, v13;
	v26 =	vld [tilespmem:$0x1FE10]  }
0x868: {  	v19 =	vadd.s32 v5, v17;
	v15 =	vld [tilespmem:s28+$0x1C0]  }
0x869: {  	v20 =	vld [tilespmem:s28+$0xFFFFE020];
	v21 =	vadd.s32 v21, v10  }
0x86a: {  	v22 =	vld [tilespmem:s28+$0xFFFFE070];
	v23 =	vadd.s32 v23, v16  }
0x86b: {  	v18 =	vld [tilespmem:s28+$0xFFFFE0B0];
	v24 =	vadd.s32 v24, v36  }
0x86c: {  	v25 =	vld [tilespmem:s28+$0xFFFFE0F0];
	[tilespmem:v28+s20+$0x0] =	vst.idx.msk $0xffff, v27;
	v26 =	vadd.s32 v26, v12  }
0x86d: {  	v52 =	vmov v0;
	v0 =	vld [tilespmem:$0x1FF20];
	[tilespmem:v19+s20+$0x0] =	vst.idx.msk $0xffff, v15  }
0x86e: {  	[tilespmem:v21+s20+$0x0] =	vst.idx.msk $0xffff, v20  }
0x86f: {  	v7 =	vld [tilespmem:$0x1FC00];
	[tilespmem:v23+s20+$0x0] =	vst.idx.msk $0xffff, v22  }
0x870: {  	v27 =	vld [tilespmem:s28+$0xFFFFE130];
	[tilespmem:v24+s20+$0x0] =	vst.idx.msk $0xffff, v18  }
0x871: {  	v24 =	vld [tilespmem:$0x1FCB0];
	[tilespmem:v26+s20+$0x0] =	vst.idx.msk $0xffff, v25  }
0x872: {  	v28 =	vadd.s32 v0, v11;
	v26 =	vld [tilespmem:$0x1FD30]  }
0x873: {  	v20 =	vld [tilespmem:s28+$0xFFFFE170];
	v21 =	vadd.s32 v42, v14  }
0x874: {  	v22 =	vadd.s32 v3, v13;
	v18 =	vld [tilespmem:s28+$0xFFFFE1B0]  }
0x875: {  	v15 =	vld [tilespmem:s28+$0x1D0];
	v19 =	vadd.s32 v7, v17  }
0x876: {  	v23 =	vld [tilespmem:s28+$0xFFFFE030];
	v24 =	vadd.s32 v24, v10  }
0x877: {  	v25 =	vld [tilespmem:s28+$0x40];
	[tilespmem:v28+s20+$0x0] =	vst.idx.msk $0xffff, v27;
	v26 =	vadd.s32 v26, v16  }
0x878: {  	v28 =	vld [tilespmem:$0x1FDA0];
	[tilespmem:v21+s20+$0x0] =	vst.idx.msk $0xffff, v20  }
0x879: {  	[tilespmem:v22+s20+$0x0] =	vst.idx.msk $0xffff, v18  }
0x87a: {  	[tilespmem:v19+s20+$0x0] =	vst.idx.msk $0xffff, v15  }
0x87b: {  	v27 =	vld [tilespmem:s28+$0x80];
	[tilespmem:v24+s20+$0x0] =	vst.idx.msk $0xffff, v23  }
0x87c: {  	v50 =	vld [tilespmem:$0x1FF30];
	[tilespmem:v26+s20+$0x0] =	vst.idx.msk $0xffff, v25  }
0x87d: {  	v63 =	vmov v44;
	v28 =	vadd.s32 v28, v36;
	v44 =	vld [tilespmem:$0x1FF80]  }
0x87e: {  	v19 =	vadd.s32 v31, v17;
	v15 =	vld [tilespmem:s28+$0x1E0]  }
0x87f: {  	v20 =	vld [tilespmem:s28+$0xC0];
	v21 =	vadd.s32 v61, v12  }
0x880: {  	v18 =	vld [tilespmem:s28+$0x100]  }
0x881: {  	v23 =	vld [tilespmem:s28+$0x140];
	v22 =	vadd.s32 v50, v11  }
0x882: {  	v25 =	vld [tilespmem:s28+$0x180];
	[tilespmem:v28+s20+$0x0] =	vst.idx.msk $0xffff, v27;
	v24 =	vadd.s32 v44, v14  }
0x883: {  	v28 =	vld [tilespmem:$0x1FCC0];
	[tilespmem:v19+s20+$0x0] =	vst.idx.msk $0xffff, v15  }
0x884: {  	v27 =	vld [tilespmem:s28+$0x0];
	[tilespmem:v21+s20+$0x0] =	vst.idx.msk $0xffff, v20  }
0x885: {  	v53 =	vld [tilespmem:$0x1FC60]  }
0x886: {  	v20 =	vld [tilespmem:$0x1FD40];
	[tilespmem:v22+s20+$0x0] =	vst.idx.msk $0xffff, v18  }
0x887: {  	v26 =	vadd.s32 v49, v13;
	v21 =	vld [tilespmem:$0x1FDB0];
	[tilespmem:v24+s20+$0x0] =	vst.idx.msk $0xffff, v23  }
0x888: {  	v43 =	vmov v0;
	v28 =	vadd.s32 v28, v10;
	v0 =	vld [tilespmem:$0x1FE30];
	_ =	sdelay $0x1  }
0x889: {  	v15 =	vld [tilespmem:s28+$0x1F0];
	v17 =	vadd.s32 v53, v17  }
0x88a: {  	v19 =	vld [tilespmem:s28+$0x50];
	v20 =	vadd.s32 v20, v16  }
0x88b: {  	v18 =	vld [tilespmem:s28+$0x90];
	[tilespmem:v26+s20+$0x0] =	vst.idx.msk $0xffff, v25;
	v21 =	vadd.s32 v21, v36  }
0x88c: {  	v22 =	vld [tilespmem:s28+$0xD0];
	[tilespmem:v28+s20+$0x0] =	vst.idx.msk $0xffff, v27;
	v23 =	vadd.s32 v0, v12  }
0x88d: {  	v0 =	vld [tilespmem:$0x1FE60]  }
0x88e: {  	v24 =	vld [tilespmem:s28+$0x110];
	[tilespmem:v17+s20+$0x0] =	vst.idx.msk $0xffff, v15  }
0x88f: {  	v26 =	vld [tilespmem:s28+$0x150];
	[tilespmem:v20+s20+$0x0] =	vst.idx.msk $0xffff, v19  }
0x890: {  	v20 =	vld [tilespmem:$0x1FCD0];
	[tilespmem:v21+s20+$0x0] =	vst.idx.msk $0xffff, v18  }
0x891: {  	v27 =	vadd.s32 v59, v14;
	v21 =	vld [tilespmem:$0x1FD50];
	[tilespmem:v23+s20+$0x0] =	vst.idx.msk $0xffff, v22  }
0x892: {  	v25 =	vadd.s32 v0, v11;
	v22 =	vld [tilespmem:$0x1FDC0]  }
0x893: {  	v15 =	vld [tilespmem:s28+$0x190]  }
0x894: {  	v17 =	vadd.s32 v6, v13;
	v19 =	vld [tilespmem:s28+$0x10]  }
0x895: {  	v18 =	vld [tilespmem:s28+$0x60];
	v20 =	vadd.s32 v20, v10  }
0x896: {  	v23 =	vld [tilespmem:s28+$0xA0];
	[tilespmem:v27+s20+$0x0] =	vst.idx.msk $0xffff, v26;
	v21 =	vadd.s32 v21, v16  }
0x897: {  	v30 =	vld [tilespmem:s28+$0xE0];
	[tilespmem:v25+s20+$0x0] =	vst.idx.msk $0xffff, v24;
	v28 =	vadd.s32 v22, v36  }
0x898: {  	v41 =	vmov v31;
	v31 =	vadd.s32 v34, v12;
	v58 =	vld [tilespmem:$0x1FF40]  }
0x899: {  	[tilespmem:v17+s20+$0x0] =	vst.idx.msk $0xffff, v15  }
0x89a: {  	[tilespmem:v20+s20+$0x0] =	vst.idx.msk $0xffff, v19  }
0x89b: {  	v40 =	vmov v0;
	v0 =	vld [tilespmem:$0x1FF90];
	[tilespmem:v21+s20+$0x0] =	vst.idx.msk $0xffff, v18  }
0x89c: {  	v45 =	vld [tilespmem:$0x1FC50];
	[tilespmem:v28+s20+$0x0] =	vst.idx.msk $0xffff, v23  }
0x89d: {  	v55 =	vmovc v32;
	v54 =	vmov v3;
	v3 =	vmov v49;
	v32 =	vld [tilespmem:s28+$0x120];
	v49 =	vadd.s32 v58, v11;
	[tilespmem:v31+s20+$0x0] =	vst.idx.msk $0xffff, v30  }
0x89e: {  	v60 =	vld [tilespmem:$0x1FFF0]  }
0x89f: {  	v17 =	vld [tilespmem:s28+$0x160]  }
0x8a0: {  	v22 =	vld [tilespmem:s28+$0x1A0]  }
0x8a1: {  	v25 =	vld [tilespmem:s28+$0x20]  }
0x8a2: {  	v28 =	vld [tilespmem:s28+$0x70];
	[tilespmem:v49+s20+$0x0] =	vst.idx.msk $0xffff, v32  }
0x8a3: {  	s2 =	simm.s32 $0x8;
	v30 =	vadd.s32 v60, v16;
	v16 =	vld [tilespmem:$0x1FDD0]  }
0x8a4: {  	s7 =	simm.s32 $0x9;
	s9 =	simm.s32 $0xA;
	v15 =	vmov s2;
	v31 =	vld [tilespmem:s28+$0xB0]  }
0x8a5: {  	s31 =	simm.s32 $0xE;
	v29 =	vmov s9;
	v26 =	vmov s7;
	v15 =	vshrl.u32 v15, $0x3;
	v49 =	vld [tilespmem:$0x1FE50]  }
0x8a6: {  	v48 =	vmovc v33;
	s24 =	simm.s32 $0xB;
	s29 =	simm.s32 $0xC;
	s30 =	simm.s32 $0xD;
	v27 =	vadd.s32 v8, v10;
	v19 =	vmov s31;
	v15 =	vshll.u32 v15, v9;
	v47 =	vld [tilespmem:$0x1FFA0]  }
0x8a7: {  	v46 =	vmovc v8;
	v21 =	vmov s24;
	v18 =	vmov s30;
	v23 =	vmov s29;
	v56 =	vmovc v0;
	v8 =	vld [tilespmem:$0x1FBA0]  }
0x8a8: {  	s0 =	simm.s32 $0x10;
	s2 =	simm.s32 $0xF;
	v20 =	vadd.s32 v0, v14;
	v24 =	vadd.s32 v45, v13;
	v16 =	vadd.s32 v16, v36;
	v36 =	vmovc v2;
	v2 =	vld [tilespmem:$0x1FF50]  }
.LBB2_27:
0x8a9: {  	_ =	sdelay $0x2  }
0x8aa: {  	v33 =	vld [tilespmem:s28+$0xF0]  }
0x8ab: {  	v11 =	vadd.s32 v2, v11;
	[tilespmem:v20+s20+$0x0] =	vst.idx.msk $0xffff, v17;
	v20 =	vshrl.u32 v29, $0x3;
	v29 =	vld [tilespmem:s28+$0x130]  }
0x8ac: {  	v0 =	vld [tilespmem:$0x1FCE0]  }
0x8ad: {  	[tilespmem:v24+s20+$0x0] =	vst.idx.msk $0xffff, v22;
	v22 =	vld [tilespmem:s28+$0x170]  }
0x8ae: {  	v26 =	vshrl.u32 v26, $0x3;
	v32 =	vmov s2;
	[tilespmem:v27+s20+$0x0] =	vst.idx.msk $0xffff, v25;
	v24 =	vld [tilespmem:s28+$0x1B0]  }
0x8af: {  	v12 =	vadd.s32 v49, v12;
	v17 =	vshrl.u32 v32, $0x3;
	v25 =	vshll.u32 v26, v9;
	v26 =	vld [tilespmem:s28+$0x30]  }
0x8b0: {  	v14 =	vadd.s32 v47, v14;
	v17 =	vshll.u32 v17, v9;
	[tilespmem:v11+s20+$0x0] =	vst.idx.msk $0xffff, v29;
	v11 =	vld [tilespmem:$0x1FCF0]  }
0x8b1: {  	v13 =	vadd.s32 v8, v13;
	v27 =	vadd.s32 v0, v10;
	s28 =	sadd.s32 $0x200, s28;
	v0 =	vld [tilespmem:$0x1FD60];
	v17 =	vbroadcast v17, $0x0  }
0x8b2: {  	v21 =	vshrl.u32 v21, $0x3;
	[tilespmem:v16+s20+$0x0] =	vst.idx.msk $0xffff, v31;
	v16 =	vshll.u32 v20, v9;
	v20 =	vld [tilespmem:s28+$0xFFFFE1C0]  }
0x8b3: {  	[tilespmem:v30+s20+$0x0] =	vst.idx.msk $0xffff, v28;
	v10 =	vbroadcast v15, $0x0;
	v15 =	vbroadcast v25, $0x0;
	v28 =	vld [tilespmem:s28+$0xFFFFE000];
	v25 =	vadd.s32 v36, v17  }
0x8b4: {  	[tilespmem:v12+s20+$0x0] =	vst.idx.msk $0xffff, v33;
	v12 =	vshll.u32 v21, v9;
	v16 =	vbroadcast v16, $0x0;
	v21 =	vld [tilespmem:s28+$0xFFFFE040]  }
0x8b5: {  	v23 =	vshrl.u32 v23, $0x3;
	[tilespmem:v14+s20+$0x0] =	vst.idx.msk $0xffff, v22;
	v22 =	vld [tilespmem:s28+$0xFFFFE080];
	v29 =	vadd.s32 v11, v15  }
0x8b6: {  	v14 =	vshrl.u32 v18, $0x3;
	[tilespmem:v13+s20+$0x0] =	vst.idx.msk $0xffff, v24;
	v18 =	vld [tilespmem:s28+$0xFFFFE0C0];
	v11 =	vshll.u32 v23, v9;
	v23 =	vadd.s32 v0, v16  }
0x8b7: {  	[tilespmem:v27+s20+$0x0] =	vst.idx.msk $0xffff, v26;
	v13 =	vshll.u32 v14, v9;
	v0 =	vld [tilespmem:$0x1FDE0]  }
0x8b8: {  	v19 =	vshrl.u32 v19, $0x3;
	v30 =	vadd.s32 v39, v10;
	v26 =	vld [tilespmem:s28+$0xFFFFE100];
	v14 =	vbroadcast v13, $0x0;
	[tilespmem:v25+s20+$0x0] =	vst.idx.msk $0xffff, v20  }
0x8b9: {  	v13 =	vshll.u32 v19, v9;
	v20 =	vadd.s32 v51, v17;
	v19 =	vld [tilespmem:s28+$0xFFFFE1D0];
	v11 =	vbroadcast v11, $0x0  }
0x8ba: {  	v12 =	vbroadcast v12, $0x0;
	[tilespmem:v29+s20+$0x0] =	vst.idx.msk $0xffff, v21;
	v21 =	vld [tilespmem:s28+$0xFFFFE140]  }
0x8bb: {  	v27 =	vadd.s32 v62, v11;
	[tilespmem:v23+s20+$0x0] =	vst.idx.msk $0xffff, v22;
	v22 =	vld [tilespmem:s28+$0xFFFFE180]  }
0x8bc: {  	v13 =	vbroadcast v13, $0x0;
	v24 =	vadd.s32 v0, v12;
	v29 =	vld [tilespmem:$0x1FD00]  }
0x8bd: {  	[tilespmem:v30+s20+$0x0] =	vst.idx.msk $0xffff, v28;
	v25 =	vadd.s32 v57, v14;
	v0 =	vld [tilespmem:$0x1FE30]  }
0x8be: {  	v23 =	vadd.s32 v48, v13;
	[tilespmem:v20+s20+$0x0] =	vst.idx.msk $0xffff, v19;
	v28 =	vld [tilespmem:s28+$0xFFFFE050]  }
0x8bf: {  	v20 =	vadd.s32 v1, v17;
	v19 =	vld [tilespmem:s28+$0xFFFFE1E0]  }
0x8c0: {  	[tilespmem:v27+s20+$0x0] =	vst.idx.msk $0xffff, v26;
	v27 =	vld [tilespmem:$0x1FDF0]  }
0x8c1: {  	[tilespmem:v24+s20+$0x0] =	vst.idx.msk $0xffff, v18;
	v18 =	vld [tilespmem:s28+$0xFFFFE090]  }
0x8c2: {  	v29 =	vadd.s32 v29, v15;
	v24 =	vld [tilespmem:$0x1FD70];
	[tilespmem:v25+s20+$0x0] =	vst.idx.msk $0xffff, v21  }
0x8c3: {  	v21 =	vld [tilespmem:s28+$0xFFFFE110];
	v25 =	vadd.s32 v37, v11;
	[tilespmem:v23+s20+$0x0] =	vst.idx.msk $0xffff, v22  }
0x8c4: {  	v23 =	vadd.s32 v38, v14;
	v22 =	vld [tilespmem:s28+$0xFFFFE150];
	[tilespmem:v20+s20+$0x0] =	vst.idx.msk $0xffff, v19  }
0x8c5: {  	v20 =	vadd.s32 v4, v17;
	v19 =	vld [tilespmem:s28+$0xFFFFE1F0]  }
0x8c6: {  	v26 =	vld [tilespmem:s28+$0xFFFFE0D0]  }
0x8c7: {  	v27 =	vadd.s32 v27, v12;
	[tilespmem:v29+s20+$0x0] =	vst.idx.msk $0xffff, v28;
	v28 =	vld [tilespmem:s28+$0xFFFFE010]  }
0x8c8: {  	v24 =	vadd.s32 v24, v16;
	v29 =	vld [tilespmem:$0x1FC90];
	[tilespmem:v25+s20+$0x0] =	vst.idx.msk $0xffff, v21  }
0x8c9: {  	v25 =	vld [tilespmem:$0x1FD80];
	[tilespmem:v23+s20+$0x0] =	vst.idx.msk $0xffff, v22  }
0x8ca: {  	v23 =	vld [tilespmem:$0x1FE00];
	[tilespmem:v20+s20+$0x0] =	vst.idx.msk $0xffff, v19  }
0x8cb: {  	v20 =	vadd.s32 v5, v17;
	v19 =	vld [tilespmem:s28+$0x1C0]  }
0x8cc: {  	[tilespmem:v27+s20+$0x0] =	vst.idx.msk $0xffff, v26;
	v27 =	vld [tilespmem:$0x1FD10]  }
0x8cd: {  	[tilespmem:v24+s20+$0x0] =	vst.idx.msk $0xffff, v18;
	v18 =	vld [tilespmem:s28+$0xFFFFE190];
	v24 =	vadd.s32 v55, v13  }
0x8ce: {  	v26 =	vld [tilespmem:s28+$0xFFFFE060];
	v29 =	vadd.s32 v29, v10  }
0x8cf: {  	v25 =	vadd.s32 v25, v16;
	v21 =	vld [tilespmem:s28+$0xFFFFE0A0]  }
0x8d0: {  	v22 =	vld [tilespmem:s28+$0xFFFFE0E0];
	[tilespmem:v20+s20+$0x0] =	vst.idx.msk $0xffff, v19  }
0x8d1: {  	v23 =	vadd.s32 v23, v12;
	v19 =	vld [tilespmem:s28+$0x1D0]  }
0x8d2: {  	v27 =	vadd.s32 v27, v15;
	[tilespmem:v24+s20+$0x0] =	vst.idx.msk $0xffff, v18;
	v18 =	vld [tilespmem:s28+$0xFFFFE120]  }
0x8d3: {  	v20 =	vadd.s32 v7, v17;
	[tilespmem:v29+s20+$0x0] =	vst.idx.msk $0xffff, v28;
	v28 =	vld [tilespmem:s28+$0xFFFFE1A0]  }
0x8d4: {  	v24 =	vadd.s32 v35, v11;
	[tilespmem:v25+s20+$0x0] =	vst.idx.msk $0xffff, v21;
	v21 =	vld [tilespmem:s28+$0xFFFFE020]  }
0x8d5: {  	v25 =	vld [tilespmem:$0x1FCA0]  }
0x8d6: {  	v29 =	vadd.s32 v63, v13;
	[tilespmem:v23+s20+$0x0] =	vst.idx.msk $0xffff, v22;
	v23 =	vld [tilespmem:$0x1FD20]  }
0x8d7: {  	[tilespmem:v27+s20+$0x0] =	vst.idx.msk $0xffff, v26;
	v26 =	vld [tilespmem:s28+$0xFFFFE160];
	v27 =	vadd.s32 v52, v14  }
0x8d8: {  	v22 =	vld [tilespmem:s28+$0xFFFFE070];
	[tilespmem:v20+s20+$0x0] =	vst.idx.msk $0xffff, v19  }
0x8d9: {  	[tilespmem:v24+s20+$0x0] =	vst.idx.msk $0xffff, v18;
	v24 =	vld [tilespmem:$0x1FD90]  }
0x8da: {  	v19 =	vld [tilespmem:s28+$0x1E0];
	v25 =	vadd.s32 v25, v10  }
0x8db: {  	v20 =	vadd.s32 v41, v17;
	[tilespmem:v29+s20+$0x0] =	vst.idx.msk $0xffff, v28;
	v28 =	vld [tilespmem:s28+$0xFFFFE130]  }
0x8dc: {  	v29 =	vadd.s32 v43, v11;
	[tilespmem:v27+s20+$0x0] =	vst.idx.msk $0xffff, v26;
	v27 =	vld [tilespmem:$0x1FE10]  }
0x8dd: {  	v18 =	vld [tilespmem:s28+$0xFFFFE0B0];
	v23 =	vadd.s32 v23, v15  }
0x8de: {  	v26 =	vld [tilespmem:s28+$0xFFFFE0F0];
	v24 =	vadd.s32 v24, v16  }
0x8df: {  	[tilespmem:v25+s20+$0x0] =	vst.idx.msk $0xffff, v21;
	v21 =	vld [tilespmem:s28+$0xFFFFE170]  }
0x8e0: {  	[tilespmem:v20+s20+$0x0] =	vst.idx.msk $0xffff, v19;
	v25 =	vld [tilespmem:$0x1FCB0]  }
0x8e1: {  	[tilespmem:v29+s20+$0x0] =	vst.idx.msk $0xffff, v28;
	v29 =	vld [tilespmem:$0x1FDA0];
	v27 =	vadd.s32 v27, v12  }
0x8e2: {  	[tilespmem:v23+s20+$0x0] =	vst.idx.msk $0xffff, v22;
	v22 =	vadd.s32 v42, v14;
	v19 =	vld [tilespmem:s28+$0x1F0]  }
0x8e3: {  	[tilespmem:v24+s20+$0x0] =	vst.idx.msk $0xffff, v18;
	v18 =	vld [tilespmem:s28+$0xFFFFE1B0]  }
0x8e4: {  	v23 =	vadd.s32 v54, v13;
	v24 =	vld [tilespmem:s28+$0xFFFFE030]  }
0x8e5: {  	v25 =	vadd.s32 v25, v10;
	v28 =	vld [tilespmem:s28+$0x80]  }
0x8e6: {  	v29 =	vadd.s32 v29, v16;
	[tilespmem:v27+s20+$0x0] =	vst.idx.msk $0xffff, v26;
	v27 =	vld [tilespmem:$0x1FD30]  }
0x8e7: {  	[tilespmem:v22+s20+$0x0] =	vst.idx.msk $0xffff, v21;
	v22 =	vadd.s32 v61, v12;
	v21 =	vld [tilespmem:s28+$0xC0]  }
0x8e8: {  	v26 =	vld [tilespmem:s28+$0x40]  }
0x8e9: {  	[tilespmem:v23+s20+$0x0] =	vst.idx.msk $0xffff, v18;
	v18 =	vld [tilespmem:s28+$0x100];
	v23 =	vadd.s32 v50, v11  }
0x8ea: {  	[tilespmem:v25+s20+$0x0] =	vst.idx.msk $0xffff, v24;
	v24 =	vld [tilespmem:s28+$0x140];
	v25 =	vadd.s32 v44, v14  }
0x8eb: {  	[tilespmem:v29+s20+$0x0] =	vst.idx.msk $0xffff, v28;
	v29 =	vld [tilespmem:$0x1FCC0];
	v27 =	vadd.s32 v27, v15  }
0x8ec: {  	[tilespmem:v22+s20+$0x0] =	vst.idx.msk $0xffff, v21;
	v21 =	vld [tilespmem:$0x1FD40]  }
0x8ed: {  	v22 =	vld [tilespmem:$0x1FDB0]  }
0x8ee: {  	v28 =	vld [tilespmem:s28+$0x0];
	[tilespmem:v23+s20+$0x0] =	vst.idx.msk $0xffff, v18  }
0x8ef: {  	v23 =	vld [tilespmem:s28+$0xD0];
	[tilespmem:v25+s20+$0x0] =	vst.idx.msk $0xffff, v24;
	v24 =	vadd.s32 v0, v12  }
0x8f0: {  	[tilespmem:v27+s20+$0x0] =	vst.idx.msk $0xffff, v26;
	v26 =	vld [tilespmem:s28+$0x180];
	v27 =	vadd.s32 v3, v13  }
0x8f1: {  	v20 =	vld [tilespmem:s28+$0x50];
	v21 =	vadd.s32 v21, v15  }
0x8f2: {  	v18 =	vld [tilespmem:s28+$0x90];
	v22 =	vadd.s32 v22, v16  }
0x8f3: {  	v29 =	vadd.s32 v29, v10;
	v25 =	vld [tilespmem:s28+$0x110]  }
0x8f4: {  	v17 =	vadd.s32 v53, v17;
	[tilespmem:v24+s20+$0x0] =	vst.idx.msk $0xffff, v23;
	v24 =	vld [tilespmem:$0x1FDC0]  }
0x8f5: {  	v31 =	vld [tilespmem:s28+$0xE0];
	[tilespmem:v27+s20+$0x0] =	vst.idx.msk $0xffff, v26  }
0x8f6: {  	v32 =	vadd.s32 v34, v12;
	[tilespmem:v21+s20+$0x0] =	vst.idx.msk $0xffff, v20;
	v21 =	vld [tilespmem:$0x1FCD0]  }
0x8f7: {  	v26 =	vadd.s32 v40, v11;
	[tilespmem:v22+s20+$0x0] =	vst.idx.msk $0xffff, v18;
	v22 =	vld [tilespmem:$0x1FD50]  }
0x8f8: {  	[tilespmem:v29+s20+$0x0] =	vst.idx.msk $0xffff, v28;
	v28 =	vadd.s32 v59, v14;
	v27 =	vld [tilespmem:s28+$0x150]  }
0x8f9: {  	[tilespmem:v17+s20+$0x0] =	vst.idx.msk $0xffff, v19;
	v19 =	vadd.s32 v6, v13;
	v17 =	vld [tilespmem:s28+$0x190]  }
0x8fa: {  	v23 =	vld [tilespmem:s28+$0xA0];
	v30 =	vadd.s32 v24, v16  }
0x8fb: {  	v20 =	vld [tilespmem:s28+$0x10];
	[tilespmem:v32+s20+$0x0] =	vst.idx.msk $0xffff, v31;
	v21 =	vadd.s32 v21, v10  }
0x8fc: {  	v18 =	vld [tilespmem:s28+$0x60];
	[tilespmem:v26+s20+$0x0] =	vst.idx.msk $0xffff, v25;
	v22 =	vadd.s32 v22, v15  }
0x8fd: {  	v34 =	vadd.s32 v58, v11;
	[tilespmem:v28+s20+$0x0] =	vst.idx.msk $0xffff, v27;
	v33 =	vld [tilespmem:s28+$0x120]  }
0x8fe: {  	v32 =	vld [tilespmem:$0x1FDD0];
	[tilespmem:v19+s20+$0x0] =	vst.idx.msk $0xffff, v17  }
0x8ff: {  	p0 =	slt.u32 s0, $0x78;
	s24 =	sadd.s32 $0x2, s0;
	v17 =	vld [tilespmem:s28+$0x160];
	[tilespmem:v30+s20+$0x0] =	vst.idx.msk $0xffff, v23  }
.Ltmp12:
0x900: {  	s9 =	sadd.s32 $0x1, s0;
	v29 =	vmov s24;
	v24 =	vadd.s32 v45, v13;
	v31 =	vld [tilespmem:s28+$0xB0];
	[tilespmem:v21+s20+$0x0] =	vst.idx.msk $0xffff, v20;
	(pc) =	sbr.rel @p0 .LBB2_27-.Ltmp12, $4  }
0x901: {  	s29 =	sadd.s32 $0x4, s0;
	v26 =	vmov s9;
	v27 =	vadd.s32 v46, v10;
	v19 =	vmov s0;
	[tilespmem:v22+s20+$0x0] =	vst.idx.msk $0xffff, v18;
	v22 =	vld [tilespmem:s28+$0x1A0]  }
0x902: {  	s31 =	sadd.s32 $0x6, s0;
	v19 =	vshrl.u32 v19, $0x3;
	v23 =	vmov s29;
	v30 =	vadd.s32 v60, v15;
	[tilespmem:v34+s20+$0x0] =	vst.idx.msk $0xffff, v33;
	v34 =	vld [tilespmem:$0x1FE40]  }
0x903: {  	s7 =	sadd.s32 $0x3, s0;
	s30 =	sadd.s32 $0x5, s0;
	v15 =	vshll.u32 v19, v9;
	v19 =	vmov s31;
	v16 =	vadd.s32 v32, v16;
	v25 =	vld [tilespmem:s28+$0x20]  }
0x904: {  	s2 =	sadd.s32 $0x7, s0;
	s0 =	sadd.s32 $0x8, s0;
	v20 =	vadd.s32 v56, v14;
	v21 =	vmov s7;
	v18 =	vmov s30;
	v28 =	vld [tilespmem:s28+$0x70]  }
0x905: {  	_ =	sdelay $0x3  }
0x906: {  	[tilespmem:v20+s20+$0x0] =	vst.idx.msk $0xffff, v17  }
0x907: {  	[tilespmem:v16+s20+$0x0] =	vst.idx.msk $0xffff, v31  }
0x908: {  	[tilespmem:v24+s20+$0x0] =	vst.idx.msk $0xffff, v22  }
0x909: {  	[tilespmem:v27+s20+$0x0] =	vst.idx.msk $0xffff, v25  }
0x90a: {  	[tilespmem:v30+s20+$0x0] =	vst.idx.msk $0xffff, v28  }
0x90b: {  	v30 =	vld [tilespmem:$0x1FCE0]  }
0x90c: {  	v20 =	vld [tilespmem:s28+$0xF0];
	v12 =	vadd.s32 v49, v12  }
0x90d: {  	v0 =	vadd.s32 v2, v11;
	v24 =	vld [tilespmem:s28+$0x130]  }
0x90e: {  	v14 =	vadd.s32 v47, v14;
	v25 =	vld [tilespmem:s28+$0x170]  }
0x90f: {  	v26 =	vshrl.u32 v26, $0x3;
	v13 =	vadd.s32 v8, v13;
	v27 =	vld [tilespmem:s28+$0x1B0]  }
0x910: {  	v32 =	vmov v2;
	v2 =	vshll.u32 v26, v9;
	v16 =	vld [tilespmem:s28+$0x30];
	v26 =	vadd.s32 v30, v10  }
0x911: {  	[tilespmem:v12+s20+$0x0] =	vst.idx.msk $0xffff, v20  }
0x912: {  	v33 =	vmov s2;
	[tilespmem:v0+s20+$0x0] =	vst.idx.msk $0xffff, v24  }
0x913: {  	v17 =	vshrl.u32 v33, $0x3;
	[tilespmem:v14+s20+$0x0] =	vst.idx.msk $0xffff, v25  }
0x914: {  	v23 =	vshrl.u32 v23, $0x3;
	v11 =	vshll.u32 v17, v9;
	v14 =	vld [tilespmem:$0x1FCF0];
	[tilespmem:v13+s20+$0x0] =	vst.idx.msk $0xffff, v27  }
0x915: {  	v21 =	vshrl.u32 v21, $0x3;
	v17 =	vbroadcast v11, $0x0;
	v28 =	vmovc v61;
	v61 =	vshll.u32 v23, v9;
	v31 =	vld [tilespmem:$0x1FD60];
	[tilespmem:v26+s20+$0x0] =	vst.idx.msk $0xffff, v16  }
0x916: {  	s0 =	sadd.s32 $0x200, s28;
	v22 =	vshrl.u32 v29, $0x3;
	v11 =	vbroadcast v15, $0x0;
	v13 =	vbroadcast v61, $0x0;
	v61 =	vld [tilespmem:$0x1FDE0]  }
0x917: {  	v33 =	vshll.u32 v22, v9;
	v15 =	vld [tilespmem:s0+$0xFFFFE1C0];
	v20 =	vadd.s32 v36, v17;
	v10 =	vbroadcast v2, $0x0  }
0x918: {  	v22 =	vld [tilespmem:s0+$0xFFFFE000];
	v36 =	vshll.u32 v21, v9;
	v24 =	vadd.s32 v39, v11;
	v0 =	vbroadcast v33, $0x0  }
0x919: {  	v21 =	vld [tilespmem:s0+$0xFFFFE040];
	v12 =	vbroadcast v36, $0x0;
	v25 =	vadd.s32 v14, v10  }
0x91a: {  	v23 =	vld [tilespmem:s0+$0xFFFFE080];
	v27 =	vadd.s32 v31, v0  }
0x91b: {  	v33 =	vshrl.u32 v18, $0x3;
	v36 =	vld [tilespmem:s0+$0xFFFFE0C0];
	v18 =	vadd.s32 v61, v12  }
0x91c: {  	v19 =	vshrl.u32 v19, $0x3;
	v26 =	vadd.s32 v62, v13;
	[tilespmem:v20+s20+$0x0] =	vst.idx.msk $0xffff, v15;
	v20 =	vld [tilespmem:s0+$0xFFFFE100]  }
0x91d: {  	v62 =	vshll.u32 v19, v9;
	[tilespmem:v24+s20+$0x0] =	vst.idx.msk $0xffff, v22;
	v22 =	vadd.s32 v51, v17;
	v19 =	vld [tilespmem:s0+$0xFFFFE1D0]  }
0x91e: {  	[tilespmem:v25+s20+$0x0] =	vst.idx.msk $0xffff, v21  }
0x91f: {  	[tilespmem:v27+s20+$0x0] =	vst.idx.msk $0xffff, v23  }
0x920: {  	[tilespmem:v18+s20+$0x0] =	vst.idx.msk $0xffff, v36  }
0x921: {  	v14 =	vshll.u32 v33, v9;
	v18 =	vld [tilespmem:$0x1FD00];
	[tilespmem:v26+s20+$0x0] =	vst.idx.msk $0xffff, v20  }
0x922: {  	v14 =	vbroadcast v14, $0x0;
	v26 =	vld [tilespmem:$0x1FD70];
	[tilespmem:v22+s20+$0x0] =	vst.idx.msk $0xffff, v19  }
0x923: {  	v15 =	vbroadcast v62, $0x0;
	v22 =	vld [tilespmem:$0x1FDF0]  }
0x924: {  	v24 =	vadd.s32 v57, v14;
	v21 =	vld [tilespmem:s0+$0xFFFFE140]  }
0x925: {  	v25 =	vadd.s32 v48, v15;
	v23 =	vld [tilespmem:s0+$0xFFFFE180]  }
0x926: {  	v2 =	vld [tilespmem:s0+$0xFFFFE050];
	v18 =	vadd.s32 v18, v10  }
0x927: {  	v20 =	vld [tilespmem:s0+$0xFFFFE090];
	v26 =	vadd.s32 v26, v0  }
0x928: {  	v19 =	vld [tilespmem:s0+$0xFFFFE0D0];
	v22 =	vadd.s32 v22, v12  }
0x929: {  	[tilespmem:v24+s20+$0x0] =	vst.idx.msk $0xffff, v21;
	v21 =	vld [tilespmem:s0+$0xFFFFE1E0];
	v24 =	vadd.s32 v1, v17  }
0x92a: {  	[tilespmem:v25+s20+$0x0] =	vst.idx.msk $0xffff, v23;
	v23 =	vld [tilespmem:s0+$0xFFFFE110];
	v25 =	vadd.s32 v37, v13  }
0x92b: {  	v29 =	vld [tilespmem:s0+$0xFFFFE150];
	[tilespmem:v18+s20+$0x0] =	vst.idx.msk $0xffff, v2;
	v18 =	vadd.s32 v38, v14  }
0x92c: {  	[tilespmem:v26+s20+$0x0] =	vst.idx.msk $0xffff, v20;
	v20 =	vld [tilespmem:s0+$0xFFFFE190];
	v26 =	vadd.s32 v55, v15  }
0x92d: {  	[tilespmem:v22+s20+$0x0] =	vst.idx.msk $0xffff, v19  }
0x92e: {  	v22 =	vld [tilespmem:$0x1FC90];
	[tilespmem:v24+s20+$0x0] =	vst.idx.msk $0xffff, v21  }
0x92f: {  	v24 =	vld [tilespmem:$0x1FD10];
	[tilespmem:v25+s20+$0x0] =	vst.idx.msk $0xffff, v23  }
0x930: {  	[tilespmem:v18+s20+$0x0] =	vst.idx.msk $0xffff, v29  }
0x931: {  	v18 =	vld [tilespmem:$0x1FD80];
	[tilespmem:v26+s20+$0x0] =	vst.idx.msk $0xffff, v20  }
0x932: {  	v26 =	vld [tilespmem:$0x1FE00]  }
0x933: {  	v19 =	vld [tilespmem:s0+$0xFFFFE010];
	v22 =	vadd.s32 v22, v11  }
0x934: {  	v21 =	vld [tilespmem:s0+$0xFFFFE060];
	v24 =	vadd.s32 v24, v10  }
0x935: {  	v23 =	vld [tilespmem:s0+$0xFFFFE1F0];
	v25 =	vadd.s32 v4, v17  }
0x936: {  	v31 =	vld [tilespmem:s0+$0xFFFFE0A0];
	v18 =	vadd.s32 v18, v0  }
0x937: {  	v20 =	vld [tilespmem:s0+$0xFFFFE0E0];
	v26 =	vadd.s32 v26, v12  }
0x938: {  	[tilespmem:v22+s20+$0x0] =	vst.idx.msk $0xffff, v19;
	v19 =	vld [tilespmem:s0+$0xFFFFE120];
	v22 =	vadd.s32 v35, v13  }
0x939: {  	[tilespmem:v24+s20+$0x0] =	vst.idx.msk $0xffff, v21;
	v21 =	vld [tilespmem:s0+$0xFFFFE160];
	v24 =	vadd.s32 v52, v14  }
0x93a: {  	[tilespmem:v25+s20+$0x0] =	vst.idx.msk $0xffff, v23;
	v23 =	vld [tilespmem:s0+$0xFFFFE1A0];
	v25 =	vadd.s32 v63, v15  }
0x93b: {  	[tilespmem:v18+s20+$0x0] =	vst.idx.msk $0xffff, v31  }
0x93c: {  	[tilespmem:v26+s20+$0x0] =	vst.idx.msk $0xffff, v20  }
0x93d: {  	v20 =	vld [tilespmem:$0x1FCA0];
	[tilespmem:v22+s20+$0x0] =	vst.idx.msk $0xffff, v19  }
0x93e: {  	v22 =	vld [tilespmem:$0x1FD20];
	[tilespmem:v24+s20+$0x0] =	vst.idx.msk $0xffff, v21  }
0x93f: {  	v24 =	vld [tilespmem:$0x1FD90];
	[tilespmem:v25+s20+$0x0] =	vst.idx.msk $0xffff, v23  }
0x940: {  	v25 =	vld [tilespmem:$0x1FE10]  }
0x941: {  	v33 =	vld [tilespmem:s0+$0x1C0];
	v35 =	vadd.s32 v5, v17  }
0x942: {  	v18 =	vld [tilespmem:s0+$0xFFFFE020];
	v20 =	vadd.s32 v20, v11  }
0x943: {  	v19 =	vld [tilespmem:s0+$0xFFFFE070];
	v22 =	vadd.s32 v22, v10  }
0x944: {  	v21 =	vld [tilespmem:s0+$0xFFFFE0B0];
	v24 =	vadd.s32 v24, v0  }
0x945: {  	v23 =	vld [tilespmem:s0+$0xFFFFE0F0];
	v25 =	vadd.s32 v25, v12  }
0x946: {  	[tilespmem:v35+s20+$0x0] =	vst.idx.msk $0xffff, v33  }
0x947: {  	v57 =	vmov v38;
	v38 =	vadd.s32 v43, v13;
	v36 =	vld [tilespmem:s0+$0xFFFFE130];
	[tilespmem:v20+s20+$0x0] =	vst.idx.msk $0xffff, v18  }
0x948: {  	v61 =	vmov v48;
	v48 =	vadd.s32 v7, v17;
	v18 =	vld [tilespmem:s0+$0x1D0];
	[tilespmem:v22+s20+$0x0] =	vst.idx.msk $0xffff, v19  }
0x949: {  	[tilespmem:v24+s20+$0x0] =	vst.idx.msk $0xffff, v21  }
0x94a: {  	[tilespmem:v25+s20+$0x0] =	vst.idx.msk $0xffff, v23  }
0x94b: {  	v23 =	vld [tilespmem:$0x1FCB0]  }
0x94c: {  	v20 =	vadd.s32 v42, v14;
	v19 =	vld [tilespmem:s0+$0xFFFFE170];
	[tilespmem:v38+s20+$0x0] =	vst.idx.msk $0xffff, v36  }
0x94d: {  	v16 =	vld [tilespmem:$0x1FD30];
	[tilespmem:v48+s20+$0x0] =	vst.idx.msk $0xffff, v18  }
0x94e: {  	v18 =	vld [tilespmem:$0x1FDA0]  }
0x94f: {  	v54 =	vadd.s32 v54, v15;
	v21 =	vld [tilespmem:s0+$0xFFFFE1B0]  }
0x950: {  	v22 =	vld [tilespmem:s0+$0xFFFFE030];
	v23 =	vadd.s32 v23, v11  }
0x951: {  	v29 =	vadd.s32 v41, v17;
	[tilespmem:v20+s20+$0x0] =	vst.idx.msk $0xffff, v19;
	v19 =	vld [tilespmem:s0+$0x1E0]  }
0x952: {  	v51 =	vmov v55;
	v55 =	vld [tilespmem:s0+$0x40];
	v16 =	vadd.s32 v16, v10  }
0x953: {  	v62 =	vmov v63;
	v63 =	vld [tilespmem:s0+$0x80];
	v18 =	vadd.s32 v18, v0  }
0x954: {  	v31 =	vld [tilespmem:s0+$0xC0];
	v20 =	vadd.s32 v28, v12;
	[tilespmem:v54+s20+$0x0] =	vst.idx.msk $0xffff, v21  }
0x955: {  	v21 =	vld [tilespmem:s0+$0x100];
	[tilespmem:v23+s20+$0x0] =	vst.idx.msk $0xffff, v22;
	v22 =	vadd.s32 v50, v13  }
0x956: {  	v35 =	vadd.s32 v44, v14;
	v33 =	vld [tilespmem:s0+$0x140];
	[tilespmem:v29+s20+$0x0] =	vst.idx.msk $0xffff, v19  }
0x957: {  	v38 =	vadd.s32 v3, v15;
	v36 =	vld [tilespmem:s0+$0x180];
	[tilespmem:v16+s20+$0x0] =	vst.idx.msk $0xffff, v55  }
0x958: {  	[tilespmem:v18+s20+$0x0] =	vst.idx.msk $0xffff, v63  }
0x959: {  	v18 =	vld [tilespmem:$0x1FCC0];
	[tilespmem:v20+s20+$0x0] =	vst.idx.msk $0xffff, v31  }
0x95a: {  	[tilespmem:v22+s20+$0x0] =	vst.idx.msk $0xffff, v21  }
0x95b: {  	v19 =	vld [tilespmem:$0x1FD40];
	[tilespmem:v35+s20+$0x0] =	vst.idx.msk $0xffff, v33  }
0x95c: {  	v16 =	vld [tilespmem:$0x1FDB0];
	[tilespmem:v38+s20+$0x0] =	vst.idx.msk $0xffff, v36  }
0x95d: {  	v5 =	vld [tilespmem:$0x1FE30]  }
0x95e: {  	v41 =	vld [tilespmem:s0+$0x0];
	v18 =	vadd.s32 v18, v11  }
0x95f: {  	v26 =	vmov v42;
	v42 =	vadd.s32 v53, v17;
	v23 =	vmov v44;
	v44 =	vld [tilespmem:s0+$0x1F0]  }
0x960: {  	v48 =	vld [tilespmem:s0+$0x50];
	v19 =	vadd.s32 v19, v10  }
0x961: {  	v50 =	vld [tilespmem:s0+$0x90];
	v16 =	vadd.s32 v16, v0  }
0x962: {  	v53 =	vld [tilespmem:s0+$0xD0];
	v5 =	vadd.s32 v5, v12  }
0x963: {  	v54 =	vld [tilespmem:s0+$0x110];
	[tilespmem:v18+s20+$0x0] =	vst.idx.msk $0xffff, v41;
	v18 =	vadd.s32 v40, v13  }
0x964: {  	[tilespmem:v42+s20+$0x0] =	vst.idx.msk $0xffff, v44  }
0x965: {  	v55 =	vld [tilespmem:s0+$0x150];
	[tilespmem:v19+s20+$0x0] =	vst.idx.msk $0xffff, v48  }
0x966: {  	v63 =	vld [tilespmem:s0+$0x190];
	[tilespmem:v16+s20+$0x0] =	vst.idx.msk $0xffff, v50  }
0x967: {  	v16 =	vld [tilespmem:$0x1FCD0];
	[tilespmem:v5+s20+$0x0] =	vst.idx.msk $0xffff, v53  }
0x968: {  	v21 =	vadd.s32 v59, v14;
	v5 =	vld [tilespmem:$0x1FD50];
	[tilespmem:v18+s20+$0x0] =	vst.idx.msk $0xffff, v54  }
0x969: {  	v6 =	vadd.s32 v6, v15;
	v18 =	vld [tilespmem:$0x1FDC0]  }
0x96a: {  	v19 =	vadd.s32 v34, v12;
	v33 =	vld [tilespmem:s0+$0xE0]  }
0x96b: {  	v35 =	vadd.s32 v58, v13;
	v34 =	vld [tilespmem:s0+$0x120]  }
0x96c: {  	v28 =	vld [tilespmem:s0+$0x10];
	v16 =	vadd.s32 v16, v11  }
0x96d: {  	v29 =	vld [tilespmem:s0+$0x60];
	[tilespmem:v21+s20+$0x0] =	vst.idx.msk $0xffff, v55;
	v5 =	vadd.s32 v5, v10  }
0x96e: {  	v31 =	vld [tilespmem:s0+$0xA0];
	[tilespmem:v6+s20+$0x0] =	vst.idx.msk $0xffff, v63;
	v18 =	vadd.s32 v18, v0  }
0x96f: {  	[tilespmem:v19+s20+$0x0] =	vst.idx.msk $0xffff, v33  }
0x970: {  	v38 =	vadd.s32 v56, v14;
	v36 =	vld [tilespmem:s0+$0x160];
	[tilespmem:v35+s20+$0x0] =	vst.idx.msk $0xffff, v34  }
0x971: {  	v41 =	vadd.s32 v45, v15;
	v40 =	vld [tilespmem:s0+$0x1A0];
	[tilespmem:v16+s20+$0x0] =	vst.idx.msk $0xffff, v28  }
0x972: {  	v44 =	vadd.s32 v46, v11;
	[tilespmem:v5+s20+$0x0] =	vst.idx.msk $0xffff, v29;
	v42 =	vld [tilespmem:s0+$0x20]  }
0x973: {  	v53 =	vld [tilespmem:s0+$0x130];
	[tilespmem:v18+s20+$0x0] =	vst.idx.msk $0xffff, v31  }
0x974: {  	v54 =	vadd.s32 v32, v13;
	v18 =	vadd.s32 v60, v10;
	v10 =	vld [tilespmem:$0x1FDD0]  }
0x975: {  	v45 =	vld [tilespmem:s0+$0x70];
	[tilespmem:v38+s20+$0x0] =	vst.idx.msk $0xffff, v36  }
0x976: {  	v58 =	vadd.s32 v47, v14;
	[tilespmem:v41+s20+$0x0] =	vst.idx.msk $0xffff, v40;
	v55 =	vld [tilespmem:s0+$0x170]  }
0x977: {  	v20 =	vmov v59;
	v59 =	vadd.s32 v8, v15;
	v8 =	vld [tilespmem:s0+$0x1B0];
	[tilespmem:v44+s20+$0x0] =	vst.idx.msk $0xffff, v42  }
0x978: {  	v63 =	vadd.s32 v30, v11;
	v60 =	vld [tilespmem:s0+$0x30]  }
0x979: {  	v48 =	vld [tilespmem:s0+$0xB0];
	[tilespmem:v54+s20+$0x0] =	vst.idx.msk $0xffff, v53;
	v0 =	vadd.s32 v10, v0  }
0x97a: {  	v50 =	vld [tilespmem:s0+$0xF0];
	[tilespmem:v18+s20+$0x0] =	vst.idx.msk $0xffff, v45;
	v10 =	vadd.s32 v49, v12  }
0x97b: {  	[tilespmem:v58+s20+$0x0] =	vst.idx.msk $0xffff, v55  }
0x97c: {  	[tilespmem:v59+s20+$0x0] =	vst.idx.msk $0xffff, v8  }
0x97d: {  	[tilespmem:v63+s20+$0x0] =	vst.idx.msk $0xffff, v60  }
0x97e: {  	s24 =	sor.u32 $0x18C0000, s26;
	[tilespmem:v0+s20+$0x0] =	vst.idx.msk $0xffff, v48  }
0x97f: {  	s26 =	simm.s32 $0x18C00;
	s24 =	sadd.s32 s1, s24;
	[tilespmem:v10+s20+$0x0] =	vst.idx.msk $0xffff, v50  }
0x980: {  	[hbm4b:s24+s3] =	stream.linear.scatter [tilespmem:s26], [sflag:$0x5], $0x80, $0x38;
	[tilespmem:$0x1D000] =	vst v63  }
0x981: {  	s29 =	sadd.s32 $0x10, s24;
	s28 =	simm.s32 $0x18C88  }
0x982: {  	[hbm4b:s29+s3] =	stream.linear.scatter [tilespmem:s28], [sflag:$0x5], $0x80, $0x38;
	[tilespmem:$0x1D000] =	vst v63  }
0x983: {  	s30 =	simm.s32 $0x18D10;
	s2 =	simm.s32 $0x18D98;
	s31 =	sadd.s32 $0x20, s24  }
0x984: {  	[hbm4b:s31+s3] =	stream.linear.scatter [tilespmem:s30], [sflag:$0x5], $0x80, $0x38;
	[tilespmem:$0x1D000] =	vst v63  }
0x985: {  	s9 =	simm.s32 $0x18E20;
	s7 =	sadd.s32 $0x30, s24;
	s0 =	simm.s32 $0x440  }
0x986: {  	[hbm4b:s7+s3] =	stream.linear.scatter [tilespmem:s2], [sflag:$0x5], $0x80, $0x38;
	[tilespmem:$0x1D000] =	vst v63  }
0x987: {  	s26 =	sadd.s32 $0x40, s24;
	s28 =	simm.s32 $0x18EA8;
	s29 =	sadd.s32 $0x50, s24  }
0x988: {  	[hbm4b:s26+s3] =	stream.linear.scatter [tilespmem:s9], [sflag:$0x5], $0x80, $0x38;
	[tilespmem:$0x1D000] =	vst v63  }
0x989: {  	s30 =	simm.s32 $0x18F30;
	s31 =	sadd.s32 $0x60, s24;
	s2 =	simm.s32 $0x2200  }
0x98a: {  	[hbm4b:s29+s3] =	stream.linear.scatter [tilespmem:s28], [sflag:$0x5], $0x80, $0x38;
	[tilespmem:$0x1D000] =	vst v63  }
0x98b: {  	s7 =	simm.s32 $0x18FB8;
	s9 =	sadd.s32 $0x70, s24;
	s26 =	sadd.s32 $0x4000, s24  }
0x98c: {  	v35 =	vmovc v43;
	v42 =	vmov v52;
	v58 =	vmov v32;
	v50 =	vmov v46;
	[hbm4b:s31+s3] =	stream.linear.scatter [tilespmem:s30], [sflag:$0x5], $0x80, $0x38;
	[tilespmem:$0x1D000] =	vst v63  }
.LBB2_29:
0x98d: {  	[hbm4b:s9+s3] =	stream.linear.scatter [tilespmem:s7], [sflag:$0x5], $0x80, $0x38;
	[tilespmem:$0x1D000] =	vst v63  }
0x98e: {  	s7 =	smov.u32 s0;
	s0 =	smov.u32 s2  }
0x98f: {  	s24 =	sadd.s32 $0x1100, s2;
	s0 =	sshra.s32 s0, $0x2;
	s9 =	sadd.s32 $0x18C00, s7  }
0x990: {  	[hbm4b:s26+s3] =	stream.linear.scatter [tilespmem:s9], [sflag:$0x5], $0x80, $0x38;
	[tilespmem:$0x1D000] =	vst v63  }
0x991: {  	p0 =	sne.s32 s2, $0xFF00;
	s2 =	sadd.s32 $0x18C88, s7;
	s9 =	sadd.s32 $0x10, s26  }
0x992: {  	[hbm4b:s9+s3] =	stream.linear.scatter [tilespmem:s2], [sflag:$0x5], $0x80, $0x38;
	[tilespmem:$0x1D000] =	vst v63  }
0x993: {  	s2 =	sadd.s32 $0x18D10, s7;
	s9 =	sadd.s32 $0x20, s26  }
0x994: {  	[hbm4b:s9+s3] =	stream.linear.scatter [tilespmem:s2], [sflag:$0x5], $0x80, $0x38;
	[tilespmem:$0x1D000] =	vst v63  }
0x995: {  	s2 =	sadd.s32 $0x18D98, s7;
	s9 =	sadd.s32 $0x30, s26  }
0x996: {  	[hbm4b:s9+s3] =	stream.linear.scatter [tilespmem:s2], [sflag:$0x5], $0x80, $0x38;
	[tilespmem:$0x1D000] =	vst v63  }
0x997: {  	s2 =	sadd.s32 $0x18E20, s7;
	s9 =	sadd.s32 $0x40, s26  }
0x998: {  	[hbm4b:s9+s3] =	stream.linear.scatter [tilespmem:s2], [sflag:$0x5], $0x80, $0x38;
	[tilespmem:$0x1D000] =	vst v63  }
.Ltmp13:
0x999: {  	s2 =	sadd.s32 $0x18EA8, s7;
	s9 =	sadd.s32 $0x50, s26;
	(pc) =	sbr.rel @p0 .LBB2_29-.Ltmp13, $4  }
0x99a: {  	[hbm4b:s9+s3] =	stream.linear.scatter [tilespmem:s2], [sflag:$0x5], $0x80, $0x38;
	[tilespmem:$0x1D000] =	vst v63  }
0x99b: {  	s2 =	sadd.s32 $0x18F30, s7;
	s9 =	sadd.s32 $0x60, s26;
	s7 =	sadd.s32 $0x18FB8, s7  }
0x99c: {  	[hbm4b:s9+s3] =	stream.linear.scatter [tilespmem:s2], [sflag:$0x5], $0x80, $0x38;
	[tilespmem:$0x1D000] =	vst v63  }
0x99d: {  	s9 =	sadd.s32 $0x70, s26;
	s26 =	sadd.s32 $0x4000, s26;
	s2 =	smov.u32 s24  }
0x99e: {  	[hbm4b:s9+s3] =	stream.linear.scatter [tilespmem:s7], [sflag:$0x5], $0x80, $0x38;
	[tilespmem:$0x1D000] =	vst v63  }
0x99f: {  	s2 =	sadd.s32 $0x18C00, s0  }
0x9a0: {  	[hbm4b:s26+s3] =	stream.linear.scatter [tilespmem:s2], [sflag:$0x5], $0x80, $0x38;
	[tilespmem:$0x1D000] =	vst v63  }
0x9a1: {  	s30 =	sadd.s32 $0x18C88, s0;
	s31 =	sadd.s32 $0x10, s26  }
0x9a2: {  	[hbm4b:s31+s3] =	stream.linear.scatter [tilespmem:s30], [sflag:$0x5], $0x80, $0x38;
	[tilespmem:$0x1D000] =	vst v63  }
0x9a3: {  	s9 =	sadd.s32 $0x18D10, s0;
	s24 =	sadd.s32 $0x20, s26  }
0x9a4: {  	[hbm4b:s24+s3] =	stream.linear.scatter [tilespmem:s9], [sflag:$0x5], $0x80, $0x38;
	[tilespmem:$0x1D000] =	vst v63  }
0x9a5: {  	s28 =	sadd.s32 $0x18D98, s0;
	s29 =	sadd.s32 $0x30, s26  }
0x9a6: {  	[hbm4b:s29+s3] =	stream.linear.scatter [tilespmem:s28], [sflag:$0x5], $0x80, $0x38;
	[tilespmem:$0x1D000] =	vst v63  }
0x9a7: {  	s30 =	sadd.s32 $0x18E20, s0;
	s31 =	sadd.s32 $0x40, s26  }
0x9a8: {  	[hbm4b:s31+s3] =	stream.linear.scatter [tilespmem:s30], [sflag:$0x5], $0x80, $0x38;
	[tilespmem:$0x1D000] =	vst v63  }
0x9a9: {  	s9 =	sadd.s32 $0x18EA8, s0;
	s24 =	sadd.s32 $0x50, s26  }
0x9aa: {  	[hbm4b:s24+s3] =	stream.linear.scatter [tilespmem:s9], [sflag:$0x5], $0x80, $0x38;
	[tilespmem:$0x1D000] =	vst v63  }
0x9ab: {  	s28 =	sadd.s32 $0x18F30, s0;
	s29 =	sadd.s32 $0x60, s26  }
0x9ac: {  	[hbm4b:s29+s3] =	stream.linear.scatter [tilespmem:s28], [sflag:$0x5], $0x80, $0x38;
	[tilespmem:$0x1D000] =	vst v63  }
0x9ad: {  	s30 =	sadd.s32 $0x18FB8, s0;
	s31 =	sadd.s32 $0x70, s26  }
0x9ae: {  	[hbm4b:s31+s3] =	stream.linear.scatter [tilespmem:s30], [sflag:$0x5], $0x80, $0x38;
	[tilespmem:$0x1D000] =	vst v63  }
0x9af: {  	_ =	swait.ge [sflag:s21], $0x4000  }
0x9b0: {  	[sflag:s21] =	ssyncset.done $0x0  }
0x9b1: {  	[sflag:s21] =	ssyncadd.s32 $0xFFFFC000  }
0x9b2: {  	_ =	swait.ge [sflag:s22], $0x4000  }
0x9b3: {  	v28 =	vld [tilespmem:$0x1FE70]  }
0x9b4: {  	v29 =	vld [tilespmem:$0x1FE80]  }
0x9b5: {  	v30 =	vld [tilespmem:$0x1FE90]  }
0x9b6: {  	v31 =	vld [tilespmem:$0x1FEA0]  }
0x9b7: {  	v32 =	vld [tilespmem:$0x1FEB0]  }
0x9b8: {  	v33 =	vld [tilespmem:$0x1FEC0]  }
0x9b9: {  	v34 =	vld [tilespmem:$0x1FED0]  }
0x9ba: {  	v38 =	vld [tilespmem:$0x1FEF0]  }
0x9bb: {  	s25 =	sadd.s32 $0x1, s25;
	v44 =	vld [tilespmem:$0x1FF10]  }
0x9bc: {  	p0 =	sne.s32 s25, $0x4;
	v52 =	vld [tilespmem:$0x1FF30]  }
.Ltmp14:
0x9bd: {  	v43 =	vld [tilespmem:$0x1FF40];
	(pc) =	sbr.rel @p0 .LBB2_2-.Ltmp14, $4  }
0x9be: {  	v36 =	vld [tilespmem:$0x1FEE0]  }
0x9bf: {  	v46 =	vld [tilespmem:$0x1FFF0]  }
0x9c0: {  	v54 =	vmov v26;
	[sflag:s22] =	ssyncset.done $0x0;
	v59 =	vld [tilespmem:$0x1FF60]  }
0x9c1: {  	v60 =	vmovc v20;
	v49 =	vmovc v23;
	v55 =	vmov v51;
	v48 =	vmov v61;
	v63 =	vmov v62;
	v40 =	vld [tilespmem:$0x1FFA0];
	[sflag:s22] =	ssyncadd.s32 $0xFFFFC000  }
0x9c2: {  	s2 =	rddreg [dreg:$0x5]  }
0x9c3: {  	s0 =	rddreg [dreg:$0x4];
	s2 =	sadd.s32 $0x1, s2  }
0x9c4: {  	p0 =	sne.s32 s2, s0  }
.Ltmp15:
0x9c5: {  	_ = 	snop;
	(pc) =	sbr.rel @p0 .LBB2_1-.Ltmp15, $1  }
0x9c6: {  	_ =	sdelay $0x3  }
0x9c7: {  	_ =	sfence.sel $0x180000  }
0x9c8: {  	[bflag:$0x0] =	sbarrier.arrive $0xFFFF  }
0x9c9: {  	_ =	strace $0x90000047  }
0x9ca: {  	s0 =	stileid.u32;
	[bflag:$0x2] =	sbarrier.arrive $0xFFFF  }
0x9cb: {  	p0 =	sne.s32 s0, $0x0;
	s0 =	rddreg [dreg:$0x2]  }
0x9cc: {  	s0 =	sadd.s32 @!p0 $0x100000, s0  }
0x9cd: {  	[sflag:s0] =	ssyncadd.tile.s32 @!p0 $0x1;
	_ =	shalt  }
.Lfunc_end2:
_tile_overlayer_lowered:
.L_overlay_start_2:
0x9ce: {  	(tag) =	ssettag $0x2  }
0x9cf: {  	s0 =	rddreg [dreg:$0x0];
	s2 =	stileid.u32  }
0x9d0: {  	s1 =	rddreg [dreg:$0x1];
	p0 =	sne.s32 s2, $0x0  }
0x9d1: {  	s3 =	rddreg [dreg:$0x2];
	[bflag:$0x3] =	sbarrier.arrive $0xFFFF;
	s2 =	simm.s32 @!p0 $0x1C06  }
0x9d2: {  	[timem:s3], [sflag:s2] =	dma.local @!p0 [hbm:s0], s1  }
0x9d3: {  	s0 =	simm.s32 @!p0 $0x6  }
0x9d4: {  	_ =	swait.ge @!p0 [sflag:s0], s1  }
0x9d5: {  	s1 =	ssub.s32 @!p0 $0x0, s1;
	[sflag:s0] =	ssyncset.done @!p0 $0x0  }
0x9d6: {  	[sflag:s0] =	ssyncadd.s32 @!p0 s1  }
0x9d7: {  	[bflag:$0x3] =	sbarrier.arrive $0xFFFF  }
0x9d8: {  	_ =	shalt  }

</sc_bundles>
